<compile_context>
chip_gen: v7x
topology: tpu7x:2x2x1
jax: 0.10.2.dev20260603
libtpu: 0.0.44.dev20260713+nightly
codegen_flags: <defaults>
</compile_context>

<pallas_src>
import functools

import jax
import jax.numpy as jnp
from jax import lax
from jax.experimental import pallas as pl
from jax.experimental.pallas import tpu as pltpu
from jax.experimental.pallas import tpu_sc as plsc

NUM_CORES = 2
NUM_SUBCORES = 16
LANES = 16
NSLOT = 10
TILE_W = 128


def _make_sc_kernel(B, D, N):
    NW = NUM_CORES * NUM_SUBCORES
    b_per_w = B // NW
    n_blk = b_per_w // LANES

    mesh = plsc.VectorSubcoreMesh(
        core_axis_name="c", subcore_axis_name="s",
        num_cores=NUM_CORES, num_subcores=NUM_SUBCORES)

    @functools.partial(
        pl.kernel,
        mesh=mesh,
        out_type=(
            jax.ShapeDtypeStruct((D * B,), jnp.float32),
            jax.ShapeDtypeStruct((D * B,), jnp.float32),
            jax.ShapeDtypeStruct((B,), jnp.float32),
        ),
        scratch_types=[
            pltpu.SMEM((b_per_w,), jnp.int32),
            pltpu.SMEM((b_per_w,), jnp.int32),
            pltpu.VMEM((b_per_w,), jnp.int32),
            pltpu.VMEM((b_per_w,), jnp.int32),
            pltpu.VMEM((NSLOT, D, TILE_W), jnp.float32),
            pltpu.VMEM((NSLOT, D, TILE_W), jnp.float32),
            pltpu.VMEM((D * b_per_w,), jnp.float32),
            pltpu.VMEM((D * b_per_w,), jnp.float32),
            pltpu.VMEM((b_per_w,), jnp.float32),
            pltpu.SemaphoreType.DMA,
            pltpu.SemaphoreType.DMA,
            pltpu.SemaphoreType.DMA,
        ],
        compiler_params=pltpu.CompilerParams(
            needs_layout_passes=False, use_tc_tiling_on_sc=True),
    )
    def sc_kernel(user_hbm, item_hbm, ut_t_hbm, it_t_hbm,
                  eu_out, ei_out, rec_out,
                  ids_u, ids_i, idsv_u, idsv_i, ring_u, ring_i,
                  eu_v, ei_v, rec_v,
                  sem_idx, sem_u, sem_i):
        wid = lax.axis_index("s") * NUM_CORES + lax.axis_index("c")
        base = wid * b_per_w

        cp_u = pltpu.async_copy(
            user_hbm.at[pl.ds(base, b_per_w)], idsv_u, sem_idx)
        cp_i = pltpu.async_copy(
            item_hbm.at[pl.ds(base, b_per_w)], idsv_i, sem_idx)
        cp_u.wait()
        cp_i.wait()
        def smem_body(grp, _):
            o = grp * LANES
            vu = idsv_u[pl.ds(o, LANES)]
            vi = idsv_i[pl.ds(o, LANES)]
            for k in range(LANES):
                ids_u[o + k] = vu[k]
                ids_i[o + k] = vi[k]
            return 0

        lax.fori_loop(0, b_per_w // LANES, smem_body, 0)

        dlane = lax.iota(jnp.int32, LANES)
        dlo = dlane * b_per_w
        dhi = (dlane + LANES) * b_per_w

        def fire(j, slot):
            tu = pl.multiple_of((ids_u[j] >> 7) * TILE_W, TILE_W)
            pltpu.async_copy(
                ut_t_hbm.at[:, pl.ds(tu, TILE_W)], ring_u.at[slot], sem_u)
            ti = pl.multiple_of((ids_i[j] >> 7) * TILE_W, TILE_W)
            pltpu.async_copy(
                it_t_hbm.at[:, pl.ds(ti, TILE_W)], ring_i.at[slot], sem_i)

        def drain_one():
            pltpu.make_async_copy(
                ut_t_hbm.at[:, pl.ds(0, TILE_W)], ring_u.at[0], sem_u).wait()
            pltpu.make_async_copy(
                it_t_hbm.at[:, pl.ds(0, TILE_W)], ring_i.at[0], sem_i).wait()

        def extract(j, slot):
            sv = jnp.full((LANES,), slot, jnp.int32)
            jv = jnp.full((LANES,), j, jnp.int32)
            cu = jnp.full((LANES,), ids_u[j] & (TILE_W - 1), jnp.int32)
            u0 = plsc.load_gather(ring_u, [sv, dlane, cu])
            u1 = plsc.load_gather(ring_u, [sv, dlane + LANES, cu])
            plsc.store_scatter(eu_v, [dlo + jv], u0)
            plsc.store_scatter(eu_v, [dhi + jv], u1)
            ci = jnp.full((LANES,), ids_i[j] & (TILE_W - 1), jnp.int32)
            i0 = plsc.load_gather(ring_i, [sv, dlane, ci])
            i1 = plsc.load_gather(ring_i, [sv, dlane + LANES, ci])
            plsc.store_scatter(ei_v, [dlo + jv], i0)
            plsc.store_scatter(ei_v, [dhi + jv], i1)

        for s in range(NSLOT - 1):
            fire(s, s)

        def gather_body(j, _):
            @pl.when(j + NSLOT - 1 < b_per_w)
            def _():
                fire(j + NSLOT - 1, lax.rem(j + NSLOT - 1, NSLOT))

            drain_one()
            extract(j, lax.rem(j, NSLOT))
            return 0

        lax.fori_loop(0, b_per_w, gather_body, 0)

        def blk_body(b, _):
            acc = jnp.zeros((LANES,), jnp.float32)
            for d in range(D):
                o = d * b_per_w + b * LANES
                acc = acc + (eu_v[pl.ds(o, LANES)] * ei_v[pl.ds(o, LANES)])
            rec_v[pl.ds(b * LANES, LANES)] = acc
            return 0

        lax.fori_loop(0, n_blk, blk_body, 0)

        out_copies = []
        for d in range(D):
            out_copies.append(pltpu.async_copy(
                eu_v.at[pl.ds(d * b_per_w, b_per_w)],
                eu_out.at[pl.ds(d * B + base, b_per_w)], sem_idx))
            out_copies.append(pltpu.async_copy(
                ei_v.at[pl.ds(d * b_per_w, b_per_w)],
                ei_out.at[pl.ds(d * B + base, b_per_w)], sem_idx))
        pltpu.sync_copy(rec_v, rec_out.at[pl.ds(base, b_per_w)])
        for cp in out_copies:
            cp.wait()

    return sc_kernel


def kernel(user, item, user_table, item_table):
    B = user.shape[0]
    N, D = user_table.shape
    sc = _make_sc_kernel(B, D, N)
    eu_f, ei_f, rec = sc(user.astype(jnp.int32), item.astype(jnp.int32),
                         user_table.T, item_table.T)
    return (eu_f.reshape(D, B).T, ei_f.reshape(D, B).T, rec)

# --- scband reference (transcript-rebuilt; emitter-appended) ---
"""Pipeline reference for scband-base-model-28999619183235 (READ-ONLY COPY).

The authoritative reference and input builder live on the scoring server;
editing this copy changes nothing except your own understanding.
"""

import jax, jax.numpy as jnp
import numpy as np

NUM_USERS = 1000000
NUM_ITEMS = 1000000
EMBED_DIM = 32
BATCH = 16384


def setup_inputs(seed: int = 0) -> dict:
    key = jax.random.key(seed)
    k1, k2, k3, k4 = jax.random.split(key, 4)
    user = jax.random.randint(k1, (BATCH,), 0, NUM_USERS, dtype=jnp.int64 if jax.config.jax_enable_x64 else jnp.int32)
    item = jax.random.randint(k2, (BATCH,), 0, NUM_ITEMS, dtype=jnp.int64 if jax.config.jax_enable_x64 else jnp.int32)
    user_table = jax.random.normal(k3, (NUM_USERS, EMBED_DIM), dtype=jnp.float32) * 0.01
    item_table = jax.random.normal(k4, (NUM_ITEMS, EMBED_DIM), dtype=jnp.float32) * 0.01
    return {"user": user, "item": item, "user_table": user_table, "item_table": item_table}


def reference(user, item, user_table, item_table):
    # u_load / i_load are identity profile loaders (id -> id)
    pu = user
    pi = item
    # embedding lookups (SparseCore-friendly gathers)
    eu = jnp.take(user_table, pu, axis=0)
    ei = jnp.take(item_table, pi, axis=0)
    # rec_model: dot-product scorer
    rec_value = jnp.sum(eu * ei, axis=-1)
    return (eu, ei, rec_value)

if __name__ == "__main__":
    import jax
    _d = setup_inputs()
    print(jax.jit(kernel)(*tuple(_d.values())))

</pallas_src>

<mosaic_0001>
#map = affine_map<(d0, d1) -> (0)>
#map1 = affine_map<(d0, d1) -> (0, 0)>
module attributes {stable_mosaic.version = 14 : i64} {
  func.func @sc_kernel(%arg0: i32, %arg1: i32, %arg2: memref<16384xi32, #tpu.memory_space<hbm>>, %arg3: memref<16384xi32, #tpu.memory_space<hbm>>, %arg4: memref<32x1000000xf32, #tpu.memory_space<hbm>>, %arg5: memref<32x1000000xf32, #tpu.memory_space<hbm>>, %arg6: memref<524288xf32, #tpu.memory_space<hbm>>, %arg7: memref<524288xf32, #tpu.memory_space<hbm>>, %arg8: memref<16384xf32, #tpu.memory_space<hbm>>, %arg9: memref<512xi32, #tpu.memory_space<smem>>, %arg10: memref<512xi32, #tpu.memory_space<smem>>, %arg11: memref<512xi32, #tpu.memory_space<vmem>>, %arg12: memref<512xi32, #tpu.memory_space<vmem>>, %arg13: memref<10x32x128xf32, #tpu.memory_space<vmem>>, %arg14: memref<10x32x128xf32, #tpu.memory_space<vmem>>, %arg15: memref<16384xf32, #tpu.memory_space<vmem>>, %arg16: memref<16384xf32, #tpu.memory_space<vmem>>, %arg17: memref<512xf32, #tpu.memory_space<vmem>>, %arg18: memref<!tpu.dma_semaphore, #tpu.memory_space<semaphore_mem>>, %arg19: memref<!tpu.dma_semaphore, #tpu.memory_space<semaphore_mem>>, %arg20: memref<!tpu.dma_semaphore, #tpu.memory_space<semaphore_mem>>) attributes {dimension_semantics = [#tpu.dimension_semantics<core_parallel>, #tpu.dimension_semantics<subcore_parallel>], iteration_bounds = array<i64: 2, 16>, scalar_prefetch = 0 : i64, scratch_operands = 12 : i64, tpu.core_type = #tpu.core_type<sc_vector_subcore>, window_params = [{transform_indices = #map}, {transform_indices = #map}, {transform_indices = #map1}, {transform_indices = #map1}, {transform_indices = #map}, {transform_indices = #map}, {transform_indices = #map}]} {
    %mul3A = arith.constant 2 : i32
    %mul3A_0 = arith.muli %arg1, %mul3A : i32
    %add3A = arith.addi %mul3A_0, %arg0 : i32
    %mul3A_1 = arith.constant 512 : i32
    %mul3A_2 = arith.muli %add3A, %mul3A_1 : i32
    %dma_start3A = tpu.memref_slice %arg2[%mul3A_2] : memref<16384xi32, #tpu.memory_space<hbm>> -> memref<512xi32, #tpu.memory_space<hbm>>
    %dma_start3A_3 = tpu.memref_slice %arg2[%mul3A_2] : memref<16384xi32, #tpu.memory_space<hbm>> -> memref<512xi32, #tpu.memory_space<hbm>>
    tpu.enqueue_dma source(%dma_start3A_3 : memref<512xi32, #tpu.memory_space<hbm>>) target(%arg11 : memref<512xi32, #tpu.memory_space<vmem>>) target_semaphore(%arg18 : memref<!tpu.dma_semaphore, #tpu.memory_space<semaphore_mem>>)
    %dma_start3A_4 = tpu.memref_slice %arg3[%mul3A_2] : memref<16384xi32, #tpu.memory_space<hbm>> -> memref<512xi32, #tpu.memory_space<hbm>>
    %dma_start3A_5 = tpu.memref_slice %arg3[%mul3A_2] : memref<16384xi32, #tpu.memory_space<hbm>> -> memref<512xi32, #tpu.memory_space<hbm>>
    tpu.enqueue_dma source(%dma_start3A_5 : memref<512xi32, #tpu.memory_space<hbm>>) target(%arg12 : memref<512xi32, #tpu.memory_space<vmem>>) target_semaphore(%arg18 : memref<!tpu.dma_semaphore, #tpu.memory_space<semaphore_mem>>)
    %dma_wait3A = tpu.memref_slice %arg2[%mul3A_2] : memref<16384xi32, #tpu.memory_space<hbm>> -> memref<512xi32, #tpu.memory_space<hbm>>
    %dma_wait3A_6 = tpu.memref_slice %arg2[%mul3A_2] : memref<16384xi32, #tpu.memory_space<hbm>> -> memref<512xi32, #tpu.memory_space<hbm>>
    tpu.wait_dma2 semaphore(%arg18 : memref<!tpu.dma_semaphore, #tpu.memory_space<semaphore_mem>>) src(%dma_wait3A_6 : memref<512xi32, #tpu.memory_space<hbm>>) dst(%arg11 : memref<512xi32, #tpu.memory_space<vmem>>)
    %dma_wait3A_7 = tpu.memref_slice %arg3[%mul3A_2] : memref<16384xi32, #tpu.memory_space<hbm>> -> memref<512xi32, #tpu.memory_space<hbm>>
    %dma_wait3A_8 = tpu.memref_slice %arg3[%mul3A_2] : memref<16384xi32, #tpu.memory_space<hbm>> -> memref<512xi32, #tpu.memory_space<hbm>>
    tpu.wait_dma2 semaphore(%arg18 : memref<!tpu.dma_semaphore, #tpu.memory_space<semaphore_mem>>) src(%dma_wait3A_8 : memref<512xi32, #tpu.memory_space<hbm>>) dst(%arg12 : memref<512xi32, #tpu.memory_space<vmem>>)
    %scan3A = arith.constant 0 : i32
    %scan3A_9 = arith.constant 0 : i32
    %scan3A_10 = arith.constant 32 : i32
    %scan3A_11 = arith.addi %scan3A_9, %scan3A_10 : i32
    %scan3A_12 = arith.constant 1 : i32
    %scan3A_13 = scf.for %scan3A_1309 = %scan3A_9 to %scan3A_11 step %scan3A_12 iter_args(%scan3A_1310 = %scan3A) -> (i32)  : i32 {
      %mul3A_1311 = arith.constant 16 : i32
      %mul3A_1312 = arith.muli %scan3A_1309, %mul3A_1311 : i32
      %get3A_1313 = arith.index_cast %mul3A_1312 : i32 to index
      %get3A_1314 = tpu.vector_load %arg11[%get3A_1313] {strides = array<i32>} : memref<512xi32, #tpu.memory_space<vmem>>, vector<16xi32>,
      %get3A_1315 = arith.index_cast %mul3A_1312 : i32 to index
      %get3A_1316 = tpu.vector_load %arg12[%get3A_1315] {strides = array<i32>} : memref<512xi32, #tpu.memory_space<vmem>>, vector<16xi32>,
      %slice3A = vector.extract_strided_slice %get3A_1314 {offsets = [0], sizes = [1], strides = [1]} : vector<16xi32> to vector<1xi32>
      %squeeze3A = vector.extract %slice3A[0] : i32 from vector<1xi32>
      %add3A_1317 = arith.constant 0 : i32
      %add3A_1318 = arith.addi %mul3A_1312, %add3A_1317 : i32
      %swap3A = arith.index_cast %add3A_1318 : i32 to index
      %swap3A_1319 = memref.load %arg9[%swap3A] : memref<512xi32, #tpu.memory_space<smem>>
      memref.store %squeeze3A, %arg9[%swap3A] : memref<512xi32, #tpu.memory_space<smem>>
      %slice3A_1320 = vector.extract_strided_slice %get3A_1316 {offsets = [0], sizes = [1], strides = [1]} : vector<16xi32> to vector<1xi32>
      %squeeze3A_1321 = vector.extract %slice3A_1320[0] : i32 from vector<1xi32>
      %add3A_1322 = arith.constant 0 : i32
      %add3A_1323 = arith.addi %mul3A_1312, %add3A_1322 : i32
      %swap3A_1324 = arith.index_cast %add3A_1323 : i32 to index
      %swap3A_1325 = memref.load %arg10[%swap3A_1324] : memref<512xi32, #tpu.memory_space<smem>>
      memref.store %squeeze3A_1321, %arg10[%swap3A_1324] : memref<512xi32, #tpu.memory_space<smem>>
      %slice3A_1326 = vector.extract_strided_slice %get3A_1314 {offsets = [1], sizes = [1], strides = [1]} : vector<16xi32> to vector<1xi32>
      %squeeze3A_1327 = vector.extract %slice3A_1326[0] : i32 from vector<1xi32>
      %add3A_1328 = arith.constant 1 : i32
      %add3A_1329 = arith.addi %mul3A_1312, %add3A_1328 : i32
      %swap3A_1330 = arith.index_cast %add3A_1329 : i32 to index
      %swap3A_1331 = memref.load %arg9[%swap3A_1330] : memref<512xi32, #tpu.memory_space<smem>>
      memref.store %squeeze3A_1327, %arg9[%swap3A_1330] : memref<512xi32, #tpu.memory_space<smem>>
      %slice3A_1332 = vector.extract_strided_slice %get3A_1316 {offsets = [1], sizes = [1], strides = [1]} : vector<16xi32> to vector<1xi32>
      %squeeze3A_1333 = vector.extract %slice3A_1332[0] : i32 from vector<1xi32>
      %add3A_1334 = arith.constant 1 : i32
      %add3A_1335 = arith.addi %mul3A_1312, %add3A_1334 : i32
      %swap3A_1336 = arith.index_cast %add3A_1335 : i32 to index
      %swap3A_1337 = memref.load %arg10[%swap3A_1336] : memref<512xi32, #tpu.memory_space<smem>>
      memref.store %squeeze3A_1333, %arg10[%swap3A_1336] : memref<512xi32, #tpu.memory_space<smem>>
      %slice3A_1338 = vector.extract_strided_slice %get3A_1314 {offsets = [2], sizes = [1], strides = [1]} : vector<16xi32> to vector<1xi32>
      %squeeze3A_1339 = vector.extract %slice3A_1338[0] : i32 from vector<1xi32>
      %add3A_1340 = arith.constant 2 : i32
      %add3A_1341 = arith.addi %mul3A_1312, %add3A_1340 : i32
      %swap3A_1342 = arith.index_cast %add3A_1341 : i32 to index
      %swap3A_1343 = memref.load %arg9[%swap3A_1342] : memref<512xi32, #tpu.memory_space<smem>>
      memref.store %squeeze3A_1339, %arg9[%swap3A_1342] : memref<512xi32, #tpu.memory_space<smem>>
      %slice3A_1344 = vector.extract_strided_slice %get3A_1316 {offsets = [2], sizes = [1], strides = [1]} : vector<16xi32> to vector<1xi32>
      %squeeze3A_1345 = vector.extract %slice3A_1344[0] : i32 from vector<1xi32>
      %add3A_1346 = arith.constant 2 : i32
      %add3A_1347 = arith.addi %mul3A_1312, %add3A_1346 : i32
      %swap3A_1348 = arith.index_cast %add3A_1347 : i32 to index
      %swap3A_1349 = memref.load %arg10[%swap3A_1348] : memref<512xi32, #tpu.memory_space<smem>>
      memref.store %squeeze3A_1345, %arg10[%swap3A_1348] : memref<512xi32, #tpu.memory_space<smem>>
      %slice3A_1350 = vector.extract_strided_slice %get3A_1314 {offsets = [3], sizes = [1], strides = [1]} : vector<16xi32> to vector<1xi32>
      %squeeze3A_1351 = vector.extract %slice3A_1350[0] : i32 from vector<1xi32>
      %add3A_1352 = arith.constant 3 : i32
      %add3A_1353 = arith.addi %mul3A_1312, %add3A_1352 : i32
      %swap3A_1354 = arith.index_cast %add3A_1353 : i32 to index
      %swap3A_1355 = memref.load %arg9[%swap3A_1354] : memref<512xi32, #tpu.memory_space<smem>>
      memref.store %squeeze3A_1351, %arg9[%swap3A_1354] : memref<512xi32, #tpu.memory_space<smem>>
      %slice3A_1356 = vector.extract_strided_slice %get3A_1316 {offsets = [3], sizes = [1], strides = [1]} : vector<16xi32> to vector<1xi32>
      %squeeze3A_1357 = vector.extract %slice3A_1356[0] : i32 from vector<1xi32>
      %add3A_1358 = arith.constant 3 : i32
      %add3A_1359 = arith.addi %mul3A_1312, %add3A_1358 : i32
      %swap3A_1360 = arith.index_cast %add3A_1359 : i32 to index
      %swap3A_1361 = memref.load %arg10[%swap3A_1360] : memref<512xi32, #tpu.memory_space<smem>>
      memref.store %squeeze3A_1357, %arg10[%swap3A_1360] : memref<512xi32, #tpu.memory_space<smem>>
      %slice3A_1362 = vector.extract_strided_slice %get3A_1314 {offsets = [4], sizes = [1], strides = [1]} : vector<16xi32> to vector<1xi32>
      %squeeze3A_1363 = vector.extract %slice3A_1362[0] : i32 from vector<1xi32>
      %add3A_1364 = arith.constant 4 : i32
      %add3A_1365 = arith.addi %mul3A_1312, %add3A_1364 : i32
      %swap3A_1366 = arith.index_cast %add3A_1365 : i32 to index
      %swap3A_1367 = memref.load %arg9[%swap3A_1366] : memref<512xi32, #tpu.memory_space<smem>>
      memref.store %squeeze3A_1363, %arg9[%swap3A_1366] : memref<512xi32, #tpu.memory_space<smem>>
      %slice3A_1368 = vector.extract_strided_slice %get3A_1316 {offsets = [4], sizes = [1], strides = [1]} : vector<16xi32> to vector<1xi32>
      %squeeze3A_1369 = vector.extract %slice3A_1368[0] : i32 from vector<1xi32>
      %add3A_1370 = arith.constant 4 : i32
      %add3A_1371 = arith.addi %mul3A_1312, %add3A_1370 : i32
      %swap3A_1372 = arith.index_cast %add3A_1371 : i32 to index
      %swap3A_1373 = memref.load %arg10[%swap3A_1372] : memref<512xi32, #tpu.memory_space<smem>>
      memref.store %squeeze3A_1369, %arg10[%swap3A_1372] : memref<512xi32, #tpu.memory_space<smem>>
      %slice3A_1374 = vector.extract_strided_slice %get3A_1314 {offsets = [5], sizes = [1], strides = [1]} : vector<16xi32> to vector<1xi32>
      %squeeze3A_1375 = vector.extract %slice3A_1374[0] : i32 from vector<1xi32>
      %add3A_1376 = arith.constant 5 : i32
      %add3A_1377 = arith.addi %mul3A_1312, %add3A_1376 : i32
      %swap3A_1378 = arith.index_cast %add3A_1377 : i32 to index
      %swap3A_1379 = memref.load %arg9[%swap3A_1378] : memref<512xi32, #tpu.memory_space<smem>>
      memref.store %squeeze3A_1375, %arg9[%swap3A_1378] : memref<512xi32, #tpu.memory_space<smem>>
      %slice3A_1380 = vector.extract_strided_slice %get3A_1316 {offsets = [5], sizes = [1], strides = [1]} : vector<16xi32> to vector<1xi32>
      %squeeze3A_1381 = vector.extract %slice3A_1380[0] : i32 from vector<1xi32>
      %add3A_1382 = arith.constant 5 : i32
      %add3A_1383 = arith.addi %mul3A_1312, %add3A_1382 : i32
      %swap3A_1384 = arith.index_cast %add3A_1383 : i32 to index
      %swap3A_1385 = memref.load %arg10[%swap3A_1384] : memref<512xi32, #tpu.memory_space<smem>>
      memref.store %squeeze3A_1381, %arg10[%swap3A_1384] : memref<512xi32, #tpu.memory_space<smem>>
      %slice3A_1386 = vector.extract_strided_slice %get3A_1314 {offsets = [6], sizes = [1], strides = [1]} : vector<16xi32> to vector<1xi32>
      %squeeze3A_1387 = vector.extract %slice3A_1386[0] : i32 from vector<1xi32>
      %add3A_1388 = arith.constant 6 : i32
      %add3A_1389 = arith.addi %mul3A_1312, %add3A_1388 : i32
      %swap3A_1390 = arith.index_cast %add3A_1389 : i32 to index
      %swap3A_1391 = memref.load %arg9[%swap3A_1390] : memref<512xi32, #tpu.memory_space<smem>>
      memref.store %squeeze3A_1387, %arg9[%swap3A_1390] : memref<512xi32, #tpu.memory_space<smem>>
      %slice3A_1392 = vector.extract_strided_slice %get3A_1316 {offsets = [6], sizes = [1], strides = [1]} : vector<16xi32> to vector<1xi32>
      %squeeze3A_1393 = vector.extract %slice3A_1392[0] : i32 from vector<1xi32>
      %add3A_1394 = arith.constant 6 : i32
      %add3A_1395 = arith.addi %mul3A_1312, %add3A_1394 : i32
      %swap3A_1396 = arith.index_cast %add3A_1395 : i32 to index
      %swap3A_1397 = memref.load %arg10[%swap3A_1396] : memref<512xi32, #tpu.memory_space<smem>>
      memref.store %squeeze3A_1393, %arg10[%swap3A_1396] : memref<512xi32, #tpu.memory_space<smem>>
      %slice3A_1398 = vector.extract_strided_slice %get3A_1314 {offsets = [7], sizes = [1], strides = [1]} : vector<16xi32> to vector<1xi32>
      %squeeze3A_1399 = vector.extract %slice3A_1398[0] : i32 from vector<1xi32>
      %add3A_1400 = arith.constant 7 : i32
      %add3A_1401 = arith.addi %mul3A_1312, %add3A_1400 : i32
      %swap3A_1402 = arith.index_cast %add3A_1401 : i32 to index
      %swap3A_1403 = memref.load %arg9[%swap3A_1402] : memref<512xi32, #tpu.memory_space<smem>>
      memref.store %squeeze3A_1399, %arg9[%swap3A_1402] : memref<512xi32, #tpu.memory_space<smem>>
      %slice3A_1404 = vector.extract_strided_slice %get3A_1316 {offsets = [7], sizes = [1], strides = [1]} : vector<16xi32> to vector<1xi32>
      %squeeze3A_1405 = vector.extract %slice3A_1404[0] : i32 from vector<1xi32>
      %add3A_1406 = arith.constant 7 : i32
      %add3A_1407 = arith.addi %mul3A_1312, %add3A_1406 : i32
      %swap3A_1408 = arith.index_cast %add3A_1407 : i32 to index
      %swap3A_1409 = memref.load %arg10[%swap3A_1408] : memref<512xi32, #tpu.memory_space<smem>>
      memref.store %squeeze3A_1405, %arg10[%swap3A_1408] : memref<512xi32, #tpu.memory_space<smem>>
      %slice3A_1410 = vector.extract_strided_slice %get3A_1314 {offsets = [8], sizes = [1], strides = [1]} : vector<16xi32> to vector<1xi32>
      %squeeze3A_1411 = vector.extract %slice3A_1410[0] : i32 from vector<1xi32>
      %add3A_1412 = arith.constant 8 : i32
      %add3A_1413 = arith.addi %mul3A_1312, %add3A_1412 : i32
      %swap3A_1414 = arith.index_cast %add3A_1413 : i32 to index
      %swap3A_1415 = memref.load %arg9[%swap3A_1414] : memref<512xi32, #tpu.memory_space<smem>>
      memref.store %squeeze3A_1411, %arg9[%swap3A_1414] : memref<512xi32, #tpu.memory_space<smem>>
      %slice3A_1416 = vector.extract_strided_slice %get3A_1316 {offsets = [8], sizes = [1], strides = [1]} : vector<16xi32> to vector<1xi32>
      %squeeze3A_1417 = vector.extract %slice3A_1416[0] : i32 from vector<1xi32>
      %add3A_1418 = arith.constant 8 : i32
      %add3A_1419 = arith.addi %mul3A_1312, %add3A_1418 : i32
      %swap3A_1420 = arith.index_cast %add3A_1419 : i32 to index
      %swap3A_1421 = memref.load %arg10[%swap3A_1420] : memref<512xi32, #tpu.memory_space<smem>>
      memref.store %squeeze3A_1417, %arg10[%swap3A_1420] : memref<512xi32, #tpu.memory_space<smem>>
      %slice3A_1422 = vector.extract_strided_slice %get3A_1314 {offsets = [9], sizes = [1], strides = [1]} : vector<16xi32> to vector<1xi32>
      %squeeze3A_1423 = vector.extract %slice3A_1422[0] : i32 from vector<1xi32>
      %add3A_1424 = arith.constant 9 : i32
      %add3A_1425 = arith.addi %mul3A_1312, %add3A_1424 : i32
      %swap3A_1426 = arith.index_cast %add3A_1425 : i32 to index
      %swap3A_1427 = memref.load %arg9[%swap3A_1426] : memref<512xi32, #tpu.memory_space<smem>>
      memref.store %squeeze3A_1423, %arg9[%swap3A_1426] : memref<512xi32, #tpu.memory_space<smem>>
      %slice3A_1428 = vector.extract_strided_slice %get3A_1316 {offsets = [9], sizes = [1], strides = [1]} : vector<16xi32> to vector<1xi32>
      %squeeze3A_1429 = vector.extract %slice3A_1428[0] : i32 from vector<1xi32>
      %add3A_1430 = arith.constant 9 : i32
      %add3A_1431 = arith.addi %mul3A_1312, %add3A_1430 : i32
      %swap3A_1432 = arith.index_cast %add3A_1431 : i32 to index
      %swap3A_1433 = memref.load %arg10[%swap3A_1432] : memref<512xi32, #tpu.memory_space<smem>>
      memref.store %squeeze3A_1429, %arg10[%swap3A_1432] : memref<512xi32, #tpu.memory_space<smem>>
      %slice3A_1434 = vector.extract_strided_slice %get3A_1314 {offsets = [10], sizes = [1], strides = [1]} : vector<16xi32> to vector<1xi32>
      %squeeze3A_1435 = vector.extract %slice3A_1434[0] : i32 from vector<1xi32>
      %add3A_1436 = arith.constant 10 : i32
      %add3A_1437 = arith.addi %mul3A_1312, %add3A_1436 : i32
      %swap3A_1438 = arith.index_cast %add3A_1437 : i32 to index
      %swap3A_1439 = memref.load %arg9[%swap3A_1438] : memref<512xi32, #tpu.memory_space<smem>>
      memref.store %squeeze3A_1435, %arg9[%swap3A_1438] : memref<512xi32, #tpu.memory_space<smem>>
      %slice3A_1440 = vector.extract_strided_slice %get3A_1316 {offsets = [10], sizes = [1], strides = [1]} : vector<16xi32> to vector<1xi32>
      %squeeze3A_1441 = vector.extract %slice3A_1440[0] : i32 from vector<1xi32>
      %add3A_1442 = arith.constant 10 : i32
      %add3A_1443 = arith.addi %mul3A_1312, %add3A_1442 : i32
      %swap3A_1444 = arith.index_cast %add3A_1443 : i32 to index
      %swap3A_1445 = memref.load %arg10[%swap3A_1444] : memref<512xi32, #tpu.memory_space<smem>>
      memref.store %squeeze3A_1441, %arg10[%swap3A_1444] : memref<512xi32, #tpu.memory_space<smem>>
      %slice3A_1446 = vector.extract_strided_slice %get3A_1314 {offsets = [11], sizes = [1], strides = [1]} : vector<16xi32> to vector<1xi32>
      %squeeze3A_1447 = vector.extract %slice3A_1446[0] : i32 from vector<1xi32>
      %add3A_1448 = arith.constant 11 : i32
      %add3A_1449 = arith.addi %mul3A_1312, %add3A_1448 : i32
      %swap3A_1450 = arith.index_cast %add3A_1449 : i32 to index
      %swap3A_1451 = memref.load %arg9[%swap3A_1450] : memref<512xi32, #tpu.memory_space<smem>>
      memref.store %squeeze3A_1447, %arg9[%swap3A_1450] : memref<512xi32, #tpu.memory_space<smem>>
      %slice3A_1452 = vector.extract_strided_slice %get3A_1316 {offsets = [11], sizes = [1], strides = [1]} : vector<16xi32> to vector<1xi32>
      %squeeze3A_1453 = vector.extract %slice3A_1452[0] : i32 from vector<1xi32>
      %add3A_1454 = arith.constant 11 : i32
      %add3A_1455 = arith.addi %mul3A_1312, %add3A_1454 : i32
      %swap3A_1456 = arith.index_cast %add3A_1455 : i32 to index
      %swap3A_1457 = memref.load %arg10[%swap3A_1456] : memref<512xi32, #tpu.memory_space<smem>>
      memref.store %squeeze3A_1453, %arg10[%swap3A_1456] : memref<512xi32, #tpu.memory_space<smem>>
      %slice3A_1458 = vector.extract_strided_slice %get3A_1314 {offsets = [12], sizes = [1], strides = [1]} : vector<16xi32> to vector<1xi32>
      %squeeze3A_1459 = vector.extract %slice3A_1458[0] : i32 from vector<1xi32>
      %add3A_1460 = arith.constant 12 : i32
      %add3A_1461 = arith.addi %mul3A_1312, %add3A_1460 : i32
      %swap3A_1462 = arith.index_cast %add3A_1461 : i32 to index
      %swap3A_1463 = memref.load %arg9[%swap3A_1462] : memref<512xi32, #tpu.memory_space<smem>>
      memref.store %squeeze3A_1459, %arg9[%swap3A_1462] : memref<512xi32, #tpu.memory_space<smem>>
      %slice3A_1464 = vector.extract_strided_slice %get3A_1316 {offsets = [12], sizes = [1], strides = [1]} : vector<16xi32> to vector<1xi32>
      %squeeze3A_1465 = vector.extract %slice3A_1464[0] : i32 from vector<1xi32>
      %add3A_1466 = arith.constant 12 : i32
      %add3A_1467 = arith.addi %mul3A_1312, %add3A_1466 : i32
      %swap3A_1468 = arith.index_cast %add3A_1467 : i32 to index
      %swap3A_1469 = memref.load %arg10[%swap3A_1468] : memref<512xi32, #tpu.memory_space<smem>>
      memref.store %squeeze3A_1465, %arg10[%swap3A_1468] : memref<512xi32, #tpu.memory_space<smem>>
      %slice3A_1470 = vector.extract_strided_slice %get3A_1314 {offsets = [13], sizes = [1], strides = [1]} : vector<16xi32> to vector<1xi32>
      %squeeze3A_1471 = vector.extract %slice3A_1470[0] : i32 from vector<1xi32>
      %add3A_1472 = arith.constant 13 : i32
      %add3A_1473 = arith.addi %mul3A_1312, %add3A_1472 : i32
      %swap3A_1474 = arith.index_cast %add3A_1473 : i32 to index
      %swap3A_1475 = memref.load %arg9[%swap3A_1474] : memref<512xi32, #tpu.memory_space<smem>>
      memref.store %squeeze3A_1471, %arg9[%swap3A_1474] : memref<512xi32, #tpu.memory_space<smem>>
      %slice3A_1476 = vector.extract_strided_slice %get3A_1316 {offsets = [13], sizes = [1], strides = [1]} : vector<16xi32> to vector<1xi32>
      %squeeze3A_1477 = vector.extract %slice3A_1476[0] : i32 from vector<1xi32>
      %add3A_1478 = arith.constant 13 : i32
      %add3A_1479 = arith.addi %mul3A_1312, %add3A_1478 : i32
      %swap3A_1480 = arith.index_cast %add3A_1479 : i32 to index
      %swap3A_1481 = memref.load %arg10[%swap3A_1480] : memref<512xi32, #tpu.memory_space<smem>>
      memref.store %squeeze3A_1477, %arg10[%swap3A_1480] : memref<512xi32, #tpu.memory_space<smem>>
      %slice3A_1482 = vector.extract_strided_slice %get3A_1314 {offsets = [14], sizes = [1], strides = [1]} : vector<16xi32> to vector<1xi32>
      %squeeze3A_1483 = vector.extract %slice3A_1482[0] : i32 from vector<1xi32>
      %add3A_1484 = arith.constant 14 : i32
      %add3A_1485 = arith.addi %mul3A_1312, %add3A_1484 : i32
      %swap3A_1486 = arith.index_cast %add3A_1485 : i32 to index
      %swap3A_1487 = memref.load %arg9[%swap3A_1486] : memref<512xi32, #tpu.memory_space<smem>>
      memref.store %squeeze3A_1483, %arg9[%swap3A_1486] : memref<512xi32, #tpu.memory_space<smem>>
      %slice3A_1488 = vector.extract_strided_slice %get3A_1316 {offsets = [14], sizes = [1], strides = [1]} : vector<16xi32> to vector<1xi32>
      %squeeze3A_1489 = vector.extract %slice3A_1488[0] : i32 from vector<1xi32>
      %add3A_1490 = arith.constant 14 : i32
      %add3A_1491 = arith.addi %mul3A_1312, %add3A_1490 : i32
      %swap3A_1492 = arith.index_cast %add3A_1491 : i32 to index
      %swap3A_1493 = memref.load %arg10[%swap3A_1492] : memref<512xi32, #tpu.memory_space<smem>>
      memref.store %squeeze3A_1489, %arg10[%swap3A_1492] : memref<512xi32, #tpu.memory_space<smem>>
      %slice3A_1494 = vector.extract_strided_slice %get3A_1314 {offsets = [15], sizes = [1], strides = [1]} : vector<16xi32> to vector<1xi32>
      %squeeze3A_1495 = vector.extract %slice3A_1494[0] : i32 from vector<1xi32>
      %add3A_1496 = arith.constant 15 : i32
      %add3A_1497 = arith.addi %mul3A_1312, %add3A_1496 : i32
      %swap3A_1498 = arith.index_cast %add3A_1497 : i32 to index
      %swap3A_1499 = memref.load %arg9[%swap3A_1498] : memref<512xi32, #tpu.memory_space<smem>>
      memref.store %squeeze3A_1495, %arg9[%swap3A_1498] : memref<512xi32, #tpu.memory_space<smem>>
      %slice3A_1500 = vector.extract_strided_slice %get3A_1316 {offsets = [15], sizes = [1], strides = [1]} : vector<16xi32> to vector<1xi32>
      %squeeze3A_1501 = vector.extract %slice3A_1500[0] : i32 from vector<1xi32>
      %add3A_1502 = arith.constant 15 : i32
      %add3A_1503 = arith.addi %mul3A_1312, %add3A_1502 : i32
      %swap3A_1504 = arith.index_cast %add3A_1503 : i32 to index
      %swap3A_1505 = memref.load %arg10[%swap3A_1504] : memref<512xi32, #tpu.memory_space<smem>>
      memref.store %squeeze3A_1501, %arg10[%swap3A_1504] : memref<512xi32, #tpu.memory_space<smem>>
      %scan3A_1506 = arith.constant 0 : i32
      scf.yield %scan3A_1506 : i32
    }
    %scan3A_14 = arith.constant 32 : i32
    %iota3A = tpu.iota {dimensions = array<i32: 0>} : vector<16xi32>
    %mul3A_15 = arith.constant 512 : i32
    %mul3A_16 = vector.broadcast %mul3A_15 : i32 to vector<16xi32>
    %mul3A_17 = arith.muli %iota3A, %mul3A_16 : vector<16xi32>
    %add3A_18 = arith.constant 16 : i32
    %add3A_19 = vector.broadcast %add3A_18 : i32 to vector<16xi32>
    %add3A_20 = arith.addi %iota3A, %add3A_19 : vector<16xi32>
    %mul3A_21 = arith.constant 512 : i32
    %mul3A_22 = vector.broadcast %mul3A_21 : i32 to vector<16xi32>
    %mul3A_23 = arith.muli %add3A_20, %mul3A_22 : vector<16xi32>
    %get3A = arith.constant 0 : i32
    %get3A_24 = arith.index_cast %get3A : i32 to index
    %get3A_25 = memref.load %arg9[%get3A_24] : memref<512xi32, #tpu.memory_space<smem>>
    %shift_right_arithmetic3A = arith.constant 7 : i32
    %shift_right_arithmetic3A_26 = arith.shrsi %get3A_25, %shift_right_arithmetic3A : i32
    %mul3A_27 = arith.constant 128 : i32
    %mul3A_28 = arith.muli %shift_right_arithmetic3A_26, %mul3A_27 : i32
    %multiple_of3A = tpu.assume_multiple %mul3A_28, 128 : i32
    %dma_start3A_29 = arith.constant 0 : i32
    %dma_start3A_30 = arith.constant 0 : i32
    %dma_start3A_31 = arith.constant 0 : i32
    %dma_start3A_32 = tpu.memref_slice %arg13[%dma_start3A_29, %dma_start3A_30, %dma_start3A_31] : memref<10x32x128xf32, #tpu.memory_space<vmem>> -> memref<1x32x128xf32, #tpu.memory_space<vmem>>
    %dma_start3A_33 = tpu.memref_squeeze %dma_start3A_32 : memref<1x32x128xf32, #tpu.memory_space<vmem>> -> memref<32x128xf32, #tpu.memory_space<vmem>>
    %dma_start3A_34 = arith.constant 0 : i32
    %dma_start3A_35 = tpu.memref_slice %arg4[%dma_start3A_34, %multiple_of3A] : memref<32x1000000xf32, #tpu.memory_space<hbm>> -> memref<32x128xf32, #tpu.memory_space<hbm>>
    %dma_start3A_36 = arith.constant 0 : i32
    %dma_start3A_37 = arith.constant 0 : i32
    %dma_start3A_38 = tpu.memref_slice %arg13[%dma_start3A_29, %dma_start3A_36, %dma_start3A_37] : memref<10x32x128xf32, #tpu.memory_space<vmem>> -> memref<1x32x128xf32, #tpu.memory_space<vmem>>
    %dma_start3A_39 = tpu.memref_squeeze %dma_start3A_38 : memref<1x32x128xf32, #tpu.memory_space<vmem>> -> memref<32x128xf32, #tpu.memory_space<vmem>>
    %dma_start3A_40 = arith.constant 0 : i32
    %dma_start3A_41 = tpu.memref_slice %arg4[%dma_start3A_40, %multiple_of3A] : memref<32x1000000xf32, #tpu.memory_space<hbm>> -> memref<32x128xf32, #tpu.memory_space<hbm>>
    tpu.enqueue_dma source(%dma_start3A_41 : memref<32x128xf32, #tpu.memory_space<hbm>>) target(%dma_start3A_39 : memref<32x128xf32, #tpu.memory_space<vmem>>) target_semaphore(%arg19 : memref<!tpu.dma_semaphore, #tpu.memory_space<semaphore_mem>>)
    %get3A_42 = arith.constant 0 : i32
    %get3A_43 = arith.index_cast %get3A_42 : i32 to index
    %get3A_44 = memref.load %arg10[%get3A_43] : memref<512xi32, #tpu.memory_space<smem>>
    %shift_right_arithmetic3A_45 = arith.constant 7 : i32
    %shift_right_arithmetic3A_46 = arith.shrsi %get3A_44, %shift_right_arithmetic3A_45 : i32
    %mul3A_47 = arith.constant 128 : i32
    %mul3A_48 = arith.muli %shift_right_arithmetic3A_46, %mul3A_47 : i32
    %multiple_of3A_49 = tpu.assume_multiple %mul3A_48, 128 : i32
    %dma_start3A_50 = arith.constant 0 : i32
    %dma_start3A_51 = arith.constant 0 : i32
    %dma_start3A_52 = arith.constant 0 : i32
    %dma_start3A_53 = tpu.memref_slice %arg14[%dma_start3A_50, %dma_start3A_51, %dma_start3A_52] : memref<10x32x128xf32, #tpu.memory_space<vmem>> -> memref<1x32x128xf32, #tpu.memory_space<vmem>>
    %dma_start3A_54 = tpu.memref_squeeze %dma_start3A_53 : memref<1x32x128xf32, #tpu.memory_space<vmem>> -> memref<32x128xf32, #tpu.memory_space<vmem>>
    %dma_start3A_55 = arith.constant 0 : i32
    %dma_start3A_56 = tpu.memref_slice %arg5[%dma_start3A_55, %multiple_of3A_49] : memref<32x1000000xf32, #tpu.memory_space<hbm>> -> memref<32x128xf32, #tpu.memory_space<hbm>>
    %dma_start3A_57 = arith.constant 0 : i32
    %dma_start3A_58 = arith.constant 0 : i32
    %dma_start3A_59 = tpu.memref_slice %arg14[%dma_start3A_50, %dma_start3A_57, %dma_start3A_58] : memref<10x32x128xf32, #tpu.memory_space<vmem>> -> memref<1x32x128xf32, #tpu.memory_space<vmem>>
    %dma_start3A_60 = tpu.memref_squeeze %dma_start3A_59 : memref<1x32x128xf32, #tpu.memory_space<vmem>> -> memref<32x128xf32, #tpu.memory_space<vmem>>
    %dma_start3A_61 = arith.constant 0 : i32
    %dma_start3A_62 = tpu.memref_slice %arg5[%dma_start3A_61, %multiple_of3A_49] : memref<32x1000000xf32, #tpu.memory_space<hbm>> -> memref<32x128xf32, #tpu.memory_space<hbm>>
    tpu.enqueue_dma source(%dma_start3A_62 : memref<32x128xf32, #tpu.memory_space<hbm>>) target(%dma_start3A_60 : memref<32x128xf32, #tpu.memory_space<vmem>>) target_semaphore(%arg20 : memref<!tpu.dma_semaphore, #tpu.memory_space<semaphore_mem>>)
    %get3A_63 = arith.constant 1 : i32
    %get3A_64 = arith.index_cast %get3A_63 : i32 to index
    %get3A_65 = memref.load %arg9[%get3A_64] : memref<512xi32, #tpu.memory_space<smem>>
    %shift_right_arithmetic3A_66 = arith.constant 7 : i32
    %shift_right_arithmetic3A_67 = arith.shrsi %get3A_65, %shift_right_arithmetic3A_66 : i32
    %mul3A_68 = arith.constant 128 : i32
    %mul3A_69 = arith.muli %shift_right_arithmetic3A_67, %mul3A_68 : i32
    %multiple_of3A_70 = tpu.assume_multiple %mul3A_69, 128 : i32
    %dma_start3A_71 = arith.constant 1 : i32
    %dma_start3A_72 = arith.constant 0 : i32
    %dma_start3A_73 = arith.constant 0 : i32
    %dma_start3A_74 = tpu.memref_slice %arg13[%dma_start3A_71, %dma_start3A_72, %dma_start3A_73] : memref<10x32x128xf32, #tpu.memory_space<vmem>> -> memref<1x32x128xf32, #tpu.memory_space<vmem>>
    %dma_start3A_75 = tpu.memref_squeeze %dma_start3A_74 : memref<1x32x128xf32, #tpu.memory_space<vmem>> -> memref<32x128xf32, #tpu.memory_space<vmem>>
    %dma_start3A_76 = arith.constant 0 : i32
    %dma_start3A_77 = tpu.memref_slice %arg4[%dma_start3A_76, %multiple_of3A_70] : memref<32x1000000xf32, #tpu.memory_space<hbm>> -> memref<32x128xf32, #tpu.memory_space<hbm>>
    %dma_start3A_78 = arith.constant 0 : i32
    %dma_start3A_79 = arith.constant 0 : i32
    %dma_start3A_80 = tpu.memref_slice %arg13[%dma_start3A_71, %dma_start3A_78, %dma_start3A_79] : memref<10x32x128xf32, #tpu.memory_space<vmem>> -> memref<1x32x128xf32, #tpu.memory_space<vmem>>
    %dma_start3A_81 = tpu.memref_squeeze %dma_start3A_80 : memref<1x32x128xf32, #tpu.memory_space<vmem>> -> memref<32x128xf32, #tpu.memory_space<vmem>>
    %dma_start3A_82 = arith.constant 0 : i32
    %dma_start3A_83 = tpu.memref_slice %arg4[%dma_start3A_82, %multiple_of3A_70] : memref<32x1000000xf32, #tpu.memory_space<hbm>> -> memref<32x128xf32, #tpu.memory_space<hbm>>
    tpu.enqueue_dma source(%dma_start3A_83 : memref<32x128xf32, #tpu.memory_space<hbm>>) target(%dma_start3A_81 : memref<32x128xf32, #tpu.memory_space<vmem>>) target_semaphore(%arg19 : memref<!tpu.dma_semaphore, #tpu.memory_space<semaphore_mem>>)
    %get3A_84 = arith.constant 1 : i32
    %get3A_85 = arith.index_cast %get3A_84 : i32 to index
    %get3A_86 = memref.load %arg10[%get3A_85] : memref<512xi32, #tpu.memory_space<smem>>
    %shift_right_arithmetic3A_87 = arith.constant 7 : i32
    %shift_right_arithmetic3A_88 = arith.shrsi %get3A_86, %shift_right_arithmetic3A_87 : i32
    %mul3A_89 = arith.constant 128 : i32
    %mul3A_90 = arith.muli %shift_right_arithmetic3A_88, %mul3A_89 : i32
    %multiple_of3A_91 = tpu.assume_multiple %mul3A_90, 128 : i32
    %dma_start3A_92 = arith.constant 1 : i32
    %dma_start3A_93 = arith.constant 0 : i32
    %dma_start3A_94 = arith.constant 0 : i32
    %dma_start3A_95 = tpu.memref_slice %arg14[%dma_start3A_92, %dma_start3A_93, %dma_start3A_94] : memref<10x32x128xf32, #tpu.memory_space<vmem>> -> memref<1x32x128xf32, #tpu.memory_space<vmem>>
    %dma_start3A_96 = tpu.memref_squeeze %dma_start3A_95 : memref<1x32x128xf32, #tpu.memory_space<vmem>> -> memref<32x128xf32, #tpu.memory_space<vmem>>
    %dma_start3A_97 = arith.constant 0 : i32
    %dma_start3A_98 = tpu.memref_slice %arg5[%dma_start3A_97, %multiple_of3A_91] : memref<32x1000000xf32, #tpu.memory_space<hbm>> -> memref<32x128xf32, #tpu.memory_space<hbm>>
    %dma_start3A_99 = arith.constant 0 : i32
    %dma_start3A_100 = arith.constant 0 : i32
    %dma_start3A_101 = tpu.memref_slice %arg14[%dma_start3A_92, %dma_start3A_99, %dma_start3A_100] : memref<10x32x128xf32, #tpu.memory_space<vmem>> -> memref<1x32x128xf32, #tpu.memory_space<vmem>>
    %dma_start3A_102 = tpu.memref_squeeze %dma_start3A_101 : memref<1x32x128xf32, #tpu.memory_space<vmem>> -> memref<32x128xf32, #tpu.memory_space<vmem>>
    %dma_start3A_103 = arith.constant 0 : i32
    %dma_start3A_104 = tpu.memref_slice %arg5[%dma_start3A_103, %multiple_of3A_91] : memref<32x1000000xf32, #tpu.memory_space<hbm>> -> memref<32x128xf32, #tpu.memory_space<hbm>>
    tpu.enqueue_dma source(%dma_start3A_104 : memref<32x128xf32, #tpu.memory_space<hbm>>) target(%dma_start3A_102 : memref<32x128xf32, #tpu.memory_space<vmem>>) target_semaphore(%arg20 : memref<!tpu.dma_semaphore, #tpu.memory_space<semaphore_mem>>)
    %get3A_105 = arith.constant 2 : i32
    %get3A_106 = arith.index_cast %get3A_105 : i32 to index
    %get3A_107 = memref.load %arg9[%get3A_106] : memref<512xi32, #tpu.memory_space<smem>>
    %shift_right_arithmetic3A_108 = arith.constant 7 : i32
    %shift_right_arithmetic3A_109 = arith.shrsi %get3A_107, %shift_right_arithmetic3A_108 : i32
    %mul3A_110 = arith.constant 128 : i32
    %mul3A_111 = arith.muli %shift_right_arithmetic3A_109, %mul3A_110 : i32
    %multiple_of3A_112 = tpu.assume_multiple %mul3A_111, 128 : i32
    %dma_start3A_113 = arith.constant 2 : i32
    %dma_start3A_114 = arith.constant 0 : i32
    %dma_start3A_115 = arith.constant 0 : i32
    %dma_start3A_116 = tpu.memref_slice %arg13[%dma_start3A_113, %dma_start3A_114, %dma_start3A_115] : memref<10x32x128xf32, #tpu.memory_space<vmem>> -> memref<1x32x128xf32, #tpu.memory_space<vmem>>
    %dma_start3A_117 = tpu.memref_squeeze %dma_start3A_116 : memref<1x32x128xf32, #tpu.memory_space<vmem>> -> memref<32x128xf32, #tpu.memory_space<vmem>>
    %dma_start3A_118 = arith.constant 0 : i32
    %dma_start3A_119 = tpu.memref_slice %arg4[%dma_start3A_118, %multiple_of3A_112] : memref<32x1000000xf32, #tpu.memory_space<hbm>> -> memref<32x128xf32, #tpu.memory_space<hbm>>
    %dma_start3A_120 = arith.constant 0 : i32
    %dma_start3A_121 = arith.constant 0 : i32
    %dma_start3A_122 = tpu.memref_slice %arg13[%dma_start3A_113, %dma_start3A_120, %dma_start3A_121] : memref<10x32x128xf32, #tpu.memory_space<vmem>> -> memref<1x32x128xf32, #tpu.memory_space<vmem>>
    %dma_start3A_123 = tpu.memref_squeeze %dma_start3A_122 : memref<1x32x128xf32, #tpu.memory_space<vmem>> -> memref<32x128xf32, #tpu.memory_space<vmem>>
    %dma_start3A_124 = arith.constant 0 : i32
    %dma_start3A_125 = tpu.memref_slice %arg4[%dma_start3A_124, %multiple_of3A_112] : memref<32x1000000xf32, #tpu.memory_space<hbm>> -> memref<32x128xf32, #tpu.memory_space<hbm>>
    tpu.enqueue_dma source(%dma_start3A_125 : memref<32x128xf32, #tpu.memory_space<hbm>>) target(%dma_start3A_123 : memref<32x128xf32, #tpu.memory_space<vmem>>) target_semaphore(%arg19 : memref<!tpu.dma_semaphore, #tpu.memory_space<semaphore_mem>>)
    %get3A_126 = arith.constant 2 : i32
    %get3A_127 = arith.index_cast %get3A_126 : i32 to index
    %get3A_128 = memref.load %arg10[%get3A_127] : memref<512xi32, #tpu.memory_space<smem>>
    %shift_right_arithmetic3A_129 = arith.constant 7 : i32
    %shift_right_arithmetic3A_130 = arith.shrsi %get3A_128, %shift_right_arithmetic3A_129 : i32
    %mul3A_131 = arith.constant 128 : i32
    %mul3A_132 = arith.muli %shift_right_arithmetic3A_130, %mul3A_131 : i32
    %multiple_of3A_133 = tpu.assume_multiple %mul3A_132, 128 : i32
    %dma_start3A_134 = arith.constant 2 : i32
    %dma_start3A_135 = arith.constant 0 : i32
    %dma_start3A_136 = arith.constant 0 : i32
    %dma_start3A_137 = tpu.memref_slice %arg14[%dma_start3A_134, %dma_start3A_135, %dma_start3A_136] : memref<10x32x128xf32, #tpu.memory_space<vmem>> -> memref<1x32x128xf32, #tpu.memory_space<vmem>>
    %dma_start3A_138 = tpu.memref_squeeze %dma_start3A_137 : memref<1x32x128xf32, #tpu.memory_space<vmem>> -> memref<32x128xf32, #tpu.memory_space<vmem>>
    %dma_start3A_139 = arith.constant 0 : i32
    %dma_start3A_140 = tpu.memref_slice %arg5[%dma_start3A_139, %multiple_of3A_133] : memref<32x1000000xf32, #tpu.memory_space<hbm>> -> memref<32x128xf32, #tpu.memory_space<hbm>>
    %dma_start3A_141 = arith.constant 0 : i32
    %dma_start3A_142 = arith.constant 0 : i32
    %dma_start3A_143 = tpu.memref_slice %arg14[%dma_start3A_134, %dma_start3A_141, %dma_start3A_142] : memref<10x32x128xf32, #tpu.memory_space<vmem>> -> memref<1x32x128xf32, #tpu.memory_space<vmem>>
    %dma_start3A_144 = tpu.memref_squeeze %dma_start3A_143 : memref<1x32x128xf32, #tpu.memory_space<vmem>> -> memref<32x128xf32, #tpu.memory_space<vmem>>
    %dma_start3A_145 = arith.constant 0 : i32
    %dma_start3A_146 = tpu.memref_slice %arg5[%dma_start3A_145, %multiple_of3A_133] : memref<32x1000000xf32, #tpu.memory_space<hbm>> -> memref<32x128xf32, #tpu.memory_space<hbm>>
    tpu.enqueue_dma source(%dma_start3A_146 : memref<32x128xf32, #tpu.memory_space<hbm>>) target(%dma_start3A_144 : memref<32x128xf32, #tpu.memory_space<vmem>>) target_semaphore(%arg20 : memref<!tpu.dma_semaphore, #tpu.memory_space<semaphore_mem>>)
    %get3A_147 = arith.constant 3 : i32
    %get3A_148 = arith.index_cast %get3A_147 : i32 to index
    %get3A_149 = memref.load %arg9[%get3A_148] : memref<512xi32, #tpu.memory_space<smem>>
    %shift_right_arithmetic3A_150 = arith.constant 7 : i32
    %shift_right_arithmetic3A_151 = arith.shrsi %get3A_149, %shift_right_arithmetic3A_150 : i32
    %mul3A_152 = arith.constant 128 : i32
    %mul3A_153 = arith.muli %shift_right_arithmetic3A_151, %mul3A_152 : i32
    %multiple_of3A_154 = tpu.assume_multiple %mul3A_153, 128 : i32
    %dma_start3A_155 = arith.constant 3 : i32
    %dma_start3A_156 = arith.constant 0 : i32
    %dma_start3A_157 = arith.constant 0 : i32
    %dma_start3A_158 = tpu.memref_slice %arg13[%dma_start3A_155, %dma_start3A_156, %dma_start3A_157] : memref<10x32x128xf32, #tpu.memory_space<vmem>> -> memref<1x32x128xf32, #tpu.memory_space<vmem>>
    %dma_start3A_159 = tpu.memref_squeeze %dma_start3A_158 : memref<1x32x128xf32, #tpu.memory_space<vmem>> -> memref<32x128xf32, #tpu.memory_space<vmem>>
    %dma_start3A_160 = arith.constant 0 : i32
    %dma_start3A_161 = tpu.memref_slice %arg4[%dma_start3A_160, %multiple_of3A_154] : memref<32x1000000xf32, #tpu.memory_space<hbm>> -> memref<32x128xf32, #tpu.memory_space<hbm>>
    %dma_start3A_162 = arith.constant 0 : i32
    %dma_start3A_163 = arith.constant 0 : i32
    %dma_start3A_164 = tpu.memref_slice %arg13[%dma_start3A_155, %dma_start3A_162, %dma_start3A_163] : memref<10x32x128xf32, #tpu.memory_space<vmem>> -> memref<1x32x128xf32, #tpu.memory_space<vmem>>
    %dma_start3A_165 = tpu.memref_squeeze %dma_start3A_164 : memref<1x32x128xf32, #tpu.memory_space<vmem>> -> memref<32x128xf32, #tpu.memory_space<vmem>>
    %dma_start3A_166 = arith.constant 0 : i32
    %dma_start3A_167 = tpu.memref_slice %arg4[%dma_start3A_166, %multiple_of3A_154] : memref<32x1000000xf32, #tpu.memory_space<hbm>> -> memref<32x128xf32, #tpu.memory_space<hbm>>
    tpu.enqueue_dma source(%dma_start3A_167 : memref<32x128xf32, #tpu.memory_space<hbm>>) target(%dma_start3A_165 : memref<32x128xf32, #tpu.memory_space<vmem>>) target_semaphore(%arg19 : memref<!tpu.dma_semaphore, #tpu.memory_space<semaphore_mem>>)
    %get3A_168 = arith.constant 3 : i32
    %get3A_169 = arith.index_cast %get3A_168 : i32 to index
    %get3A_170 = memref.load %arg10[%get3A_169] : memref<512xi32, #tpu.memory_space<smem>>
    %shift_right_arithmetic3A_171 = arith.constant 7 : i32
    %shift_right_arithmetic3A_172 = arith.shrsi %get3A_170, %shift_right_arithmetic3A_171 : i32
    %mul3A_173 = arith.constant 128 : i32
    %mul3A_174 = arith.muli %shift_right_arithmetic3A_172, %mul3A_173 : i32
    %multiple_of3A_175 = tpu.assume_multiple %mul3A_174, 128 : i32
    %dma_start3A_176 = arith.constant 3 : i32
    %dma_start3A_177 = arith.constant 0 : i32
    %dma_start3A_178 = arith.constant 0 : i32
    %dma_start3A_179 = tpu.memref_slice %arg14[%dma_start3A_176, %dma_start3A_177, %dma_start3A_178] : memref<10x32x128xf32, #tpu.memory_space<vmem>> -> memref<1x32x128xf32, #tpu.memory_space<vmem>>
    %dma_start3A_180 = tpu.memref_squeeze %dma_start3A_179 : memref<1x32x128xf32, #tpu.memory_space<vmem>> -> memref<32x128xf32, #tpu.memory_space<vmem>>
    %dma_start3A_181 = arith.constant 0 : i32
    %dma_start3A_182 = tpu.memref_slice %arg5[%dma_start3A_181, %multiple_of3A_175] : memref<32x1000000xf32, #tpu.memory_space<hbm>> -> memref<32x128xf32, #tpu.memory_space<hbm>>
    %dma_start3A_183 = arith.constant 0 : i32
    %dma_start3A_184 = arith.constant 0 : i32
    %dma_start3A_185 = tpu.memref_slice %arg14[%dma_start3A_176, %dma_start3A_183, %dma_start3A_184] : memref<10x32x128xf32, #tpu.memory_space<vmem>> -> memref<1x32x128xf32, #tpu.memory_space<vmem>>
    %dma_start3A_186 = tpu.memref_squeeze %dma_start3A_185 : memref<1x32x128xf32, #tpu.memory_space<vmem>> -> memref<32x128xf32, #tpu.memory_space<vmem>>
    %dma_start3A_187 = arith.constant 0 : i32
    %dma_start3A_188 = tpu.memref_slice %arg5[%dma_start3A_187, %multiple_of3A_175] : memref<32x1000000xf32, #tpu.memory_space<hbm>> -> memref<32x128xf32, #tpu.memory_space<hbm>>
    tpu.enqueue_dma source(%dma_start3A_188 : memref<32x128xf32, #tpu.memory_space<hbm>>) target(%dma_start3A_186 : memref<32x128xf32, #tpu.memory_space<vmem>>) target_semaphore(%arg20 : memref<!tpu.dma_semaphore, #tpu.memory_space<semaphore_mem>>)
    %get3A_189 = arith.constant 4 : i32
    %get3A_190 = arith.index_cast %get3A_189 : i32 to index
    %get3A_191 = memref.load %arg9[%get3A_190] : memref<512xi32, #tpu.memory_space<smem>>
    %shift_right_arithmetic3A_192 = arith.constant 7 : i32
    %shift_right_arithmetic3A_193 = arith.shrsi %get3A_191, %shift_right_arithmetic3A_192 : i32
    %mul3A_194 = arith.constant 128 : i32
    %mul3A_195 = arith.muli %shift_right_arithmetic3A_193, %mul3A_194 : i32
    %multiple_of3A_196 = tpu.assume_multiple %mul3A_195, 128 : i32
    %dma_start3A_197 = arith.constant 4 : i32
    %dma_start3A_198 = arith.constant 0 : i32
    %dma_start3A_199 = arith.constant 0 : i32
    %dma_start3A_200 = tpu.memref_slice %arg13[%dma_start3A_197, %dma_start3A_198, %dma_start3A_199] : memref<10x32x128xf32, #tpu.memory_space<vmem>> -> memref<1x32x128xf32, #tpu.memory_space<vmem>>
    %dma_start3A_201 = tpu.memref_squeeze %dma_start3A_200 : memref<1x32x128xf32, #tpu.memory_space<vmem>> -> memref<32x128xf32, #tpu.memory_space<vmem>>
    %dma_start3A_202 = arith.constant 0 : i32
    %dma_start3A_203 = tpu.memref_slice %arg4[%dma_start3A_202, %multiple_of3A_196] : memref<32x1000000xf32, #tpu.memory_space<hbm>> -> memref<32x128xf32, #tpu.memory_space<hbm>>
    %dma_start3A_204 = arith.constant 0 : i32
    %dma_start3A_205 = arith.constant 0 : i32
    %dma_start3A_206 = tpu.memref_slice %arg13[%dma_start3A_197, %dma_start3A_204, %dma_start3A_205] : memref<10x32x128xf32, #tpu.memory_space<vmem>> -> memref<1x32x128xf32, #tpu.memory_space<vmem>>
    %dma_start3A_207 = tpu.memref_squeeze %dma_start3A_206 : memref<1x32x128xf32, #tpu.memory_space<vmem>> -> memref<32x128xf32, #tpu.memory_space<vmem>>
    %dma_start3A_208 = arith.constant 0 : i32
    %dma_start3A_209 = tpu.memref_slice %arg4[%dma_start3A_208, %multiple_of3A_196] : memref<32x1000000xf32, #tpu.memory_space<hbm>> -> memref<32x128xf32, #tpu.memory_space<hbm>>
    tpu.enqueue_dma source(%dma_start3A_209 : memref<32x128xf32, #tpu.memory_space<hbm>>) target(%dma_start3A_207 : memref<32x128xf32, #tpu.memory_space<vmem>>) target_semaphore(%arg19 : memref<!tpu.dma_semaphore, #tpu.memory_space<semaphore_mem>>)
    %get3A_210 = arith.constant 4 : i32
    %get3A_211 = arith.index_cast %get3A_210 : i32 to index
    %get3A_212 = memref.load %arg10[%get3A_211] : memref<512xi32, #tpu.memory_space<smem>>
    %shift_right_arithmetic3A_213 = arith.constant 7 : i32
    %shift_right_arithmetic3A_214 = arith.shrsi %get3A_212, %shift_right_arithmetic3A_213 : i32
    %mul3A_215 = arith.constant 128 : i32
    %mul3A_216 = arith.muli %shift_right_arithmetic3A_214, %mul3A_215 : i32
    %multiple_of3A_217 = tpu.assume_multiple %mul3A_216, 128 : i32
    %dma_start3A_218 = arith.constant 4 : i32
    %dma_start3A_219 = arith.constant 0 : i32
    %dma_start3A_220 = arith.constant 0 : i32
    %dma_start3A_221 = tpu.memref_slice %arg14[%dma_start3A_218, %dma_start3A_219, %dma_start3A_220] : memref<10x32x128xf32, #tpu.memory_space<vmem>> -> memref<1x32x128xf32, #tpu.memory_space<vmem>>
    %dma_start3A_222 = tpu.memref_squeeze %dma_start3A_221 : memref<1x32x128xf32, #tpu.memory_space<vmem>> -> memref<32x128xf32, #tpu.memory_space<vmem>>
    %dma_start3A_223 = arith.constant 0 : i32
    %dma_start3A_224 = tpu.memref_slice %arg5[%dma_start3A_223, %multiple_of3A_217] : memref<32x1000000xf32, #tpu.memory_space<hbm>> -> memref<32x128xf32, #tpu.memory_space<hbm>>
    %dma_start3A_225 = arith.constant 0 : i32
    %dma_start3A_226 = arith.constant 0 : i32
    %dma_start3A_227 = tpu.memref_slice %arg14[%dma_start3A_218, %dma_start3A_225, %dma_start3A_226] : memref<10x32x128xf32, #tpu.memory_space<vmem>> -> memref<1x32x128xf32, #tpu.memory_space<vmem>>
    %dma_start3A_228 = tpu.memref_squeeze %dma_start3A_227 : memref<1x32x128xf32, #tpu.memory_space<vmem>> -> memref<32x128xf32, #tpu.memory_space<vmem>>
    %dma_start3A_229 = arith.constant 0 : i32
    %dma_start3A_230 = tpu.memref_slice %arg5[%dma_start3A_229, %multiple_of3A_217] : memref<32x1000000xf32, #tpu.memory_space<hbm>> -> memref<32x128xf32, #tpu.memory_space<hbm>>
    tpu.enqueue_dma source(%dma_start3A_230 : memref<32x128xf32, #tpu.memory_space<hbm>>) target(%dma_start3A_228 : memref<32x128xf32, #tpu.memory_space<vmem>>) target_semaphore(%arg20 : memref<!tpu.dma_semaphore, #tpu.memory_space<semaphore_mem>>)
    %get3A_231 = arith.constant 5 : i32
    %get3A_232 = arith.index_cast %get3A_231 : i32 to index
    %get3A_233 = memref.load %arg9[%get3A_232] : memref<512xi32, #tpu.memory_space<smem>>
    %shift_right_arithmetic3A_234 = arith.constant 7 : i32
    %shift_right_arithmetic3A_235 = arith.shrsi %get3A_233, %shift_right_arithmetic3A_234 : i32
    %mul3A_236 = arith.constant 128 : i32
    %mul3A_237 = arith.muli %shift_right_arithmetic3A_235, %mul3A_236 : i32
    %multiple_of3A_238 = tpu.assume_multiple %mul3A_237, 128 : i32
    %dma_start3A_239 = arith.constant 5 : i32
    %dma_start3A_240 = arith.constant 0 : i32
    %dma_start3A_241 = arith.constant 0 : i32
    %dma_start3A_242 = tpu.memref_slice %arg13[%dma_start3A_239, %dma_start3A_240, %dma_start3A_241] : memref<10x32x128xf32, #tpu.memory_space<vmem>> -> memref<1x32x128xf32, #tpu.memory_space<vmem>>
    %dma_start3A_243 = tpu.memref_squeeze %dma_start3A_242 : memref<1x32x128xf32, #tpu.memory_space<vmem>> -> memref<32x128xf32, #tpu.memory_space<vmem>>
    %dma_start3A_244 = arith.constant 0 : i32
    %dma_start3A_245 = tpu.memref_slice %arg4[%dma_start3A_244, %multiple_of3A_238] : memref<32x1000000xf32, #tpu.memory_space<hbm>> -> memref<32x128xf32, #tpu.memory_space<hbm>>
    %dma_start3A_246 = arith.constant 0 : i32
    %dma_start3A_247 = arith.constant 0 : i32
    %dma_start3A_248 = tpu.memref_slice %arg13[%dma_start3A_239, %dma_start3A_246, %dma_start3A_247] : memref<10x32x128xf32, #tpu.memory_space<vmem>> -> memref<1x32x128xf32, #tpu.memory_space<vmem>>
    %dma_start3A_249 = tpu.memref_squeeze %dma_start3A_248 : memref<1x32x128xf32, #tpu.memory_space<vmem>> -> memref<32x128xf32, #tpu.memory_space<vmem>>
    %dma_start3A_250 = arith.constant 0 : i32
    %dma_start3A_251 = tpu.memref_slice %arg4[%dma_start3A_250, %multiple_of3A_238] : memref<32x1000000xf32, #tpu.memory_space<hbm>> -> memref<32x128xf32, #tpu.memory_space<hbm>>
    tpu.enqueue_dma source(%dma_start3A_251 : memref<32x128xf32, #tpu.memory_space<hbm>>) target(%dma_start3A_249 : memref<32x128xf32, #tpu.memory_space<vmem>>) target_semaphore(%arg19 : memref<!tpu.dma_semaphore, #tpu.memory_space<semaphore_mem>>)
    %get3A_252 = arith.constant 5 : i32
    %get3A_253 = arith.index_cast %get3A_252 : i32 to index
    %get3A_254 = memref.load %arg10[%get3A_253] : memref<512xi32, #tpu.memory_space<smem>>
    %shift_right_arithmetic3A_255 = arith.constant 7 : i32
    %shift_right_arithmetic3A_256 = arith.shrsi %get3A_254, %shift_right_arithmetic3A_255 : i32
    %mul3A_257 = arith.constant 128 : i32
    %mul3A_258 = arith.muli %shift_right_arithmetic3A_256, %mul3A_257 : i32
    %multiple_of3A_259 = tpu.assume_multiple %mul3A_258, 128 : i32
    %dma_start3A_260 = arith.constant 5 : i32
    %dma_start3A_261 = arith.constant 0 : i32
    %dma_start3A_262 = arith.constant 0 : i32
    %dma_start3A_263 = tpu.memref_slice %arg14[%dma_start3A_260, %dma_start3A_261, %dma_start3A_262] : memref<10x32x128xf32, #tpu.memory_space<vmem>> -> memref<1x32x128xf32, #tpu.memory_space<vmem>>
    %dma_start3A_264 = tpu.memref_squeeze %dma_start3A_263 : memref<1x32x128xf32, #tpu.memory_space<vmem>> -> memref<32x128xf32, #tpu.memory_space<vmem>>
    %dma_start3A_265 = arith.constant 0 : i32
    %dma_start3A_266 = tpu.memref_slice %arg5[%dma_start3A_265, %multiple_of3A_259] : memref<32x1000000xf32, #tpu.memory_space<hbm>> -> memref<32x128xf32, #tpu.memory_space<hbm>>
    %dma_start3A_267 = arith.constant 0 : i32
    %dma_start3A_268 = arith.constant 0 : i32
    %dma_start3A_269 = tpu.memref_slice %arg14[%dma_start3A_260, %dma_start3A_267, %dma_start3A_268] : memref<10x32x128xf32, #tpu.memory_space<vmem>> -> memref<1x32x128xf32, #tpu.memory_space<vmem>>
    %dma_start3A_270 = tpu.memref_squeeze %dma_start3A_269 : memref<1x32x128xf32, #tpu.memory_space<vmem>> -> memref<32x128xf32, #tpu.memory_space<vmem>>
    %dma_start3A_271 = arith.constant 0 : i32
    %dma_start3A_272 = tpu.memref_slice %arg5[%dma_start3A_271, %multiple_of3A_259] : memref<32x1000000xf32, #tpu.memory_space<hbm>> -> memref<32x128xf32, #tpu.memory_space<hbm>>
    tpu.enqueue_dma source(%dma_start3A_272 : memref<32x128xf32, #tpu.memory_space<hbm>>) target(%dma_start3A_270 : memref<32x128xf32, #tpu.memory_space<vmem>>) target_semaphore(%arg20 : memref<!tpu.dma_semaphore, #tpu.memory_space<semaphore_mem>>)
    %get3A_273 = arith.constant 6 : i32
    %get3A_274 = arith.index_cast %get3A_273 : i32 to index
    %get3A_275 = memref.load %arg9[%get3A_274] : memref<512xi32, #tpu.memory_space<smem>>
    %shift_right_arithmetic3A_276 = arith.constant 7 : i32
    %shift_right_arithmetic3A_277 = arith.shrsi %get3A_275, %shift_right_arithmetic3A_276 : i32
    %mul3A_278 = arith.constant 128 : i32
    %mul3A_279 = arith.muli %shift_right_arithmetic3A_277, %mul3A_278 : i32
    %multiple_of3A_280 = tpu.assume_multiple %mul3A_279, 128 : i32
    %dma_start3A_281 = arith.constant 6 : i32
    %dma_start3A_282 = arith.constant 0 : i32
    %dma_start3A_283 = arith.constant 0 : i32
    %dma_start3A_284 = tpu.memref_slice %arg13[%dma_start3A_281, %dma_start3A_282, %dma_start3A_283] : memref<10x32x128xf32, #tpu.memory_space<vmem>> -> memref<1x32x128xf32, #tpu.memory_space<vmem>>
    %dma_start3A_285 = tpu.memref_squeeze %dma_start3A_284 : memref<1x32x128xf32, #tpu.memory_space<vmem>> -> memref<32x128xf32, #tpu.memory_space<vmem>>
    %dma_start3A_286 = arith.constant 0 : i32
    %dma_start3A_287 = tpu.memref_slice %arg4[%dma_start3A_286, %multiple_of3A_280] : memref<32x1000000xf32, #tpu.memory_space<hbm>> -> memref<32x128xf32, #tpu.memory_space<hbm>>
    %dma_start3A_288 = arith.constant 0 : i32
    %dma_start3A_289 = arith.constant 0 : i32
    %dma_start3A_290 = tpu.memref_slice %arg13[%dma_start3A_281, %dma_start3A_288, %dma_start3A_289] : memref<10x32x128xf32, #tpu.memory_space<vmem>> -> memref<1x32x128xf32, #tpu.memory_space<vmem>>
    %dma_start3A_291 = tpu.memref_squeeze %dma_start3A_290 : memref<1x32x128xf32, #tpu.memory_space<vmem>> -> memref<32x128xf32, #tpu.memory_space<vmem>>
    %dma_start3A_292 = arith.constant 0 : i32
    %dma_start3A_293 = tpu.memref_slice %arg4[%dma_start3A_292, %multiple_of3A_280] : memref<32x1000000xf32, #tpu.memory_space<hbm>> -> memref<32x128xf32, #tpu.memory_space<hbm>>
    tpu.enqueue_dma source(%dma_start3A_293 : memref<32x128xf32, #tpu.memory_space<hbm>>) target(%dma_start3A_291 : memref<32x128xf32, #tpu.memory_space<vmem>>) target_semaphore(%arg19 : memref<!tpu.dma_semaphore, #tpu.memory_space<semaphore_mem>>)
    %get3A_294 = arith.constant 6 : i32
    %get3A_295 = arith.index_cast %get3A_294 : i32 to index
    %get3A_296 = memref.load %arg10[%get3A_295] : memref<512xi32, #tpu.memory_space<smem>>
    %shift_right_arithmetic3A_297 = arith.constant 7 : i32
    %shift_right_arithmetic3A_298 = arith.shrsi %get3A_296, %shift_right_arithmetic3A_297 : i32
    %mul3A_299 = arith.constant 128 : i32
    %mul3A_300 = arith.muli %shift_right_arithmetic3A_298, %mul3A_299 : i32
    %multiple_of3A_301 = tpu.assume_multiple %mul3A_300, 128 : i32
    %dma_start3A_302 = arith.constant 6 : i32
    %dma_start3A_303 = arith.constant 0 : i32
    %dma_start3A_304 = arith.constant 0 : i32
    %dma_start3A_305 = tpu.memref_slice %arg14[%dma_start3A_302, %dma_start3A_303, %dma_start3A_304] : memref<10x32x128xf32, #tpu.memory_space<vmem>> -> memref<1x32x128xf32, #tpu.memory_space<vmem>>
    %dma_start3A_306 = tpu.memref_squeeze %dma_start3A_305 : memref<1x32x128xf32, #tpu.memory_space<vmem>> -> memref<32x128xf32, #tpu.memory_space<vmem>>
    %dma_start3A_307 = arith.constant 0 : i32
    %dma_start3A_308 = tpu.memref_slice %arg5[%dma_start3A_307, %multiple_of3A_301] : memref<32x1000000xf32, #tpu.memory_space<hbm>> -> memref<32x128xf32, #tpu.memory_space<hbm>>
    %dma_start3A_309 = arith.constant 0 : i32
    %dma_start3A_310 = arith.constant 0 : i32
    %dma_start3A_311 = tpu.memref_slice %arg14[%dma_start3A_302, %dma_start3A_309, %dma_start3A_310] : memref<10x32x128xf32, #tpu.memory_space<vmem>> -> memref<1x32x128xf32, #tpu.memory_space<vmem>>
    %dma_start3A_312 = tpu.memref_squeeze %dma_start3A_311 : memref<1x32x128xf32, #tpu.memory_space<vmem>> -> memref<32x128xf32, #tpu.memory_space<vmem>>
    %dma_start3A_313 = arith.constant 0 : i32
    %dma_start3A_314 = tpu.memref_slice %arg5[%dma_start3A_313, %multiple_of3A_301] : memref<32x1000000xf32, #tpu.memory_space<hbm>> -> memref<32x128xf32, #tpu.memory_space<hbm>>
    tpu.enqueue_dma source(%dma_start3A_314 : memref<32x128xf32, #tpu.memory_space<hbm>>) target(%dma_start3A_312 : memref<32x128xf32, #tpu.memory_space<vmem>>) target_semaphore(%arg20 : memref<!tpu.dma_semaphore, #tpu.memory_space<semaphore_mem>>)
    %get3A_315 = arith.constant 7 : i32
    %get3A_316 = arith.index_cast %get3A_315 : i32 to index
    %get3A_317 = memref.load %arg9[%get3A_316] : memref<512xi32, #tpu.memory_space<smem>>
    %shift_right_arithmetic3A_318 = arith.constant 7 : i32
    %shift_right_arithmetic3A_319 = arith.shrsi %get3A_317, %shift_right_arithmetic3A_318 : i32
    %mul3A_320 = arith.constant 128 : i32
    %mul3A_321 = arith.muli %shift_right_arithmetic3A_319, %mul3A_320 : i32
    %multiple_of3A_322 = tpu.assume_multiple %mul3A_321, 128 : i32
    %dma_start3A_323 = arith.constant 7 : i32
    %dma_start3A_324 = arith.constant 0 : i32
    %dma_start3A_325 = arith.constant 0 : i32
    %dma_start3A_326 = tpu.memref_slice %arg13[%dma_start3A_323, %dma_start3A_324, %dma_start3A_325] : memref<10x32x128xf32, #tpu.memory_space<vmem>> -> memref<1x32x128xf32, #tpu.memory_space<vmem>>
    %dma_start3A_327 = tpu.memref_squeeze %dma_start3A_326 : memref<1x32x128xf32, #tpu.memory_space<vmem>> -> memref<32x128xf32, #tpu.memory_space<vmem>>
    %dma_start3A_328 = arith.constant 0 : i32
    %dma_start3A_329 = tpu.memref_slice %arg4[%dma_start3A_328, %multiple_of3A_322] : memref<32x1000000xf32, #tpu.memory_space<hbm>> -> memref<32x128xf32, #tpu.memory_space<hbm>>
    %dma_start3A_330 = arith.constant 0 : i32
    %dma_start3A_331 = arith.constant 0 : i32
    %dma_start3A_332 = tpu.memref_slice %arg13[%dma_start3A_323, %dma_start3A_330, %dma_start3A_331] : memref<10x32x128xf32, #tpu.memory_space<vmem>> -> memref<1x32x128xf32, #tpu.memory_space<vmem>>
    %dma_start3A_333 = tpu.memref_squeeze %dma_start3A_332 : memref<1x32x128xf32, #tpu.memory_space<vmem>> -> memref<32x128xf32, #tpu.memory_space<vmem>>
    %dma_start3A_334 = arith.constant 0 : i32
    %dma_start3A_335 = tpu.memref_slice %arg4[%dma_start3A_334, %multiple_of3A_322] : memref<32x1000000xf32, #tpu.memory_space<hbm>> -> memref<32x128xf32, #tpu.memory_space<hbm>>
    tpu.enqueue_dma source(%dma_start3A_335 : memref<32x128xf32, #tpu.memory_space<hbm>>) target(%dma_start3A_333 : memref<32x128xf32, #tpu.memory_space<vmem>>) target_semaphore(%arg19 : memref<!tpu.dma_semaphore, #tpu.memory_space<semaphore_mem>>)
    %get3A_336 = arith.constant 7 : i32
    %get3A_337 = arith.index_cast %get3A_336 : i32 to index
    %get3A_338 = memref.load %arg10[%get3A_337] : memref<512xi32, #tpu.memory_space<smem>>
    %shift_right_arithmetic3A_339 = arith.constant 7 : i32
    %shift_right_arithmetic3A_340 = arith.shrsi %get3A_338, %shift_right_arithmetic3A_339 : i32
    %mul3A_341 = arith.constant 128 : i32
    %mul3A_342 = arith.muli %shift_right_arithmetic3A_340, %mul3A_341 : i32
    %multiple_of3A_343 = tpu.assume_multiple %mul3A_342, 128 : i32
    %dma_start3A_344 = arith.constant 7 : i32
    %dma_start3A_345 = arith.constant 0 : i32
    %dma_start3A_346 = arith.constant 0 : i32
    %dma_start3A_347 = tpu.memref_slice %arg14[%dma_start3A_344, %dma_start3A_345, %dma_start3A_346] : memref<10x32x128xf32, #tpu.memory_space<vmem>> -> memref<1x32x128xf32, #tpu.memory_space<vmem>>
    %dma_start3A_348 = tpu.memref_squeeze %dma_start3A_347 : memref<1x32x128xf32, #tpu.memory_space<vmem>> -> memref<32x128xf32, #tpu.memory_space<vmem>>
    %dma_start3A_349 = arith.constant 0 : i32
    %dma_start3A_350 = tpu.memref_slice %arg5[%dma_start3A_349, %multiple_of3A_343] : memref<32x1000000xf32, #tpu.memory_space<hbm>> -> memref<32x128xf32, #tpu.memory_space<hbm>>
    %dma_start3A_351 = arith.constant 0 : i32
    %dma_start3A_352 = arith.constant 0 : i32
    %dma_start3A_353 = tpu.memref_slice %arg14[%dma_start3A_344, %dma_start3A_351, %dma_start3A_352] : memref<10x32x128xf32, #tpu.memory_space<vmem>> -> memref<1x32x128xf32, #tpu.memory_space<vmem>>
    %dma_start3A_354 = tpu.memref_squeeze %dma_start3A_353 : memref<1x32x128xf32, #tpu.memory_space<vmem>> -> memref<32x128xf32, #tpu.memory_space<vmem>>
    %dma_start3A_355 = arith.constant 0 : i32
    %dma_start3A_356 = tpu.memref_slice %arg5[%dma_start3A_355, %multiple_of3A_343] : memref<32x1000000xf32, #tpu.memory_space<hbm>> -> memref<32x128xf32, #tpu.memory_space<hbm>>
    tpu.enqueue_dma source(%dma_start3A_356 : memref<32x128xf32, #tpu.memory_space<hbm>>) target(%dma_start3A_354 : memref<32x128xf32, #tpu.memory_space<vmem>>) target_semaphore(%arg20 : memref<!tpu.dma_semaphore, #tpu.memory_space<semaphore_mem>>)
    %get3A_357 = arith.constant 8 : i32
    %get3A_358 = arith.index_cast %get3A_357 : i32 to index
    %get3A_359 = memref.load %arg9[%get3A_358] : memref<512xi32, #tpu.memory_space<smem>>
    %shift_right_arithmetic3A_360 = arith.constant 7 : i32
    %shift_right_arithmetic3A_361 = arith.shrsi %get3A_359, %shift_right_arithmetic3A_360 : i32
    %mul3A_362 = arith.constant 128 : i32
    %mul3A_363 = arith.muli %shift_right_arithmetic3A_361, %mul3A_362 : i32
    %multiple_of3A_364 = tpu.assume_multiple %mul3A_363, 128 : i32
    %dma_start3A_365 = arith.constant 8 : i32
    %dma_start3A_366 = arith.constant 0 : i32
    %dma_start3A_367 = arith.constant 0 : i32
    %dma_start3A_368 = tpu.memref_slice %arg13[%dma_start3A_365, %dma_start3A_366, %dma_start3A_367] : memref<10x32x128xf32, #tpu.memory_space<vmem>> -> memref<1x32x128xf32, #tpu.memory_space<vmem>>
    %dma_start3A_369 = tpu.memref_squeeze %dma_start3A_368 : memref<1x32x128xf32, #tpu.memory_space<vmem>> -> memref<32x128xf32, #tpu.memory_space<vmem>>
    %dma_start3A_370 = arith.constant 0 : i32
    %dma_start3A_371 = tpu.memref_slice %arg4[%dma_start3A_370, %multiple_of3A_364] : memref<32x1000000xf32, #tpu.memory_space<hbm>> -> memref<32x128xf32, #tpu.memory_space<hbm>>
    %dma_start3A_372 = arith.constant 0 : i32
    %dma_start3A_373 = arith.constant 0 : i32
    %dma_start3A_374 = tpu.memref_slice %arg13[%dma_start3A_365, %dma_start3A_372, %dma_start3A_373] : memref<10x32x128xf32, #tpu.memory_space<vmem>> -> memref<1x32x128xf32, #tpu.memory_space<vmem>>
    %dma_start3A_375 = tpu.memref_squeeze %dma_start3A_374 : memref<1x32x128xf32, #tpu.memory_space<vmem>> -> memref<32x128xf32, #tpu.memory_space<vmem>>
    %dma_start3A_376 = arith.constant 0 : i32
    %dma_start3A_377 = tpu.memref_slice %arg4[%dma_start3A_376, %multiple_of3A_364] : memref<32x1000000xf32, #tpu.memory_space<hbm>> -> memref<32x128xf32, #tpu.memory_space<hbm>>
    tpu.enqueue_dma source(%dma_start3A_377 : memref<32x128xf32, #tpu.memory_space<hbm>>) target(%dma_start3A_375 : memref<32x128xf32, #tpu.memory_space<vmem>>) target_semaphore(%arg19 : memref<!tpu.dma_semaphore, #tpu.memory_space<semaphore_mem>>)
    %get3A_378 = arith.constant 8 : i32
    %get3A_379 = arith.index_cast %get3A_378 : i32 to index
    %get3A_380 = memref.load %arg10[%get3A_379] : memref<512xi32, #tpu.memory_space<smem>>
    %shift_right_arithmetic3A_381 = arith.constant 7 : i32
    %shift_right_arithmetic3A_382 = arith.shrsi %get3A_380, %shift_right_arithmetic3A_381 : i32
    %mul3A_383 = arith.constant 128 : i32
    %mul3A_384 = arith.muli %shift_right_arithmetic3A_382, %mul3A_383 : i32
    %multiple_of3A_385 = tpu.assume_multiple %mul3A_384, 128 : i32
    %dma_start3A_386 = arith.constant 8 : i32
    %dma_start3A_387 = arith.constant 0 : i32
    %dma_start3A_388 = arith.constant 0 : i32
    %dma_start3A_389 = tpu.memref_slice %arg14[%dma_start3A_386, %dma_start3A_387, %dma_start3A_388] : memref<10x32x128xf32, #tpu.memory_space<vmem>> -> memref<1x32x128xf32, #tpu.memory_space<vmem>>
    %dma_start3A_390 = tpu.memref_squeeze %dma_start3A_389 : memref<1x32x128xf32, #tpu.memory_space<vmem>> -> memref<32x128xf32, #tpu.memory_space<vmem>>
    %dma_start3A_391 = arith.constant 0 : i32
    %dma_start3A_392 = tpu.memref_slice %arg5[%dma_start3A_391, %multiple_of3A_385] : memref<32x1000000xf32, #tpu.memory_space<hbm>> -> memref<32x128xf32, #tpu.memory_space<hbm>>
    %dma_start3A_393 = arith.constant 0 : i32
    %dma_start3A_394 = arith.constant 0 : i32
    %dma_start3A_395 = tpu.memref_slice %arg14[%dma_start3A_386, %dma_start3A_393, %dma_start3A_394] : memref<10x32x128xf32, #tpu.memory_space<vmem>> -> memref<1x32x128xf32, #tpu.memory_space<vmem>>
    %dma_start3A_396 = tpu.memref_squeeze %dma_start3A_395 : memref<1x32x128xf32, #tpu.memory_space<vmem>> -> memref<32x128xf32, #tpu.memory_space<vmem>>
    %dma_start3A_397 = arith.constant 0 : i32
    %dma_start3A_398 = tpu.memref_slice %arg5[%dma_start3A_397, %multiple_of3A_385] : memref<32x1000000xf32, #tpu.memory_space<hbm>> -> memref<32x128xf32, #tpu.memory_space<hbm>>
    tpu.enqueue_dma source(%dma_start3A_398 : memref<32x128xf32, #tpu.memory_space<hbm>>) target(%dma_start3A_396 : memref<32x128xf32, #tpu.memory_space<vmem>>) target_semaphore(%arg20 : memref<!tpu.dma_semaphore, #tpu.memory_space<semaphore_mem>>)
    %scan3A_399 = arith.constant 0 : i32
    %scan3A_400 = arith.constant 0 : i32
    %scan3A_401 = arith.constant 512 : i32
    %scan3A_402 = arith.addi %scan3A_400, %scan3A_401 : i32
    %scan3A_403 = arith.constant 1 : i32
    %scan3A_404 = scf.for %scan3A_1309 = %scan3A_400 to %scan3A_402 step %scan3A_403 iter_args(%scan3A_1310 = %scan3A_399) -> (i32)  : i32 {
      %add3A_1311 = arith.constant 10 : i32
      %add3A_1312 = arith.addi %scan3A_1309, %add3A_1311 : i32
      %sub3A = arith.constant 1 : i32
      %sub3A_1313 = arith.subi %add3A_1312, %sub3A : i32
      %lt3A = arith.constant 512 : i32
      %lt3A_1314 = arith.cmpi slt, %sub3A_1313, %lt3A : i32
      %convert_element_type3A = arith.extui %lt3A_1314 : i1 to i32
      %cond3A = arith.constant 0 : i32
      %cond3A_1315 = arith.cmpi ne, %convert_element_type3A, %cond3A : i32
      scf.if %cond3A_1315 {
        %add3A_1371 = arith.constant 10 : i32
        %add3A_1372 = arith.addi %scan3A_1309, %add3A_1371 : i32
        %sub3A_1373 = arith.constant 1 : i32
        %sub3A_1374 = arith.subi %add3A_1372, %sub3A_1373 : i32
        %add3A_1375 = arith.constant 10 : i32
        %add3A_1376 = arith.addi %scan3A_1309, %add3A_1375 : i32
        %sub3A_1377 = arith.constant 1 : i32
        %sub3A_1378 = arith.subi %add3A_1376, %sub3A_1377 : i32
        %rem3A_1379 = arith.constant 10 : i32
        %rem3A_1380 = arith.remsi %sub3A_1378, %rem3A_1379 : i32
        %get3A_1381 = arith.index_cast %sub3A_1374 : i32 to index
        %get3A_1382 = memref.load %arg9[%get3A_1381] : memref<512xi32, #tpu.memory_space<smem>>
        %shift_right_arithmetic3A_1383 = arith.constant 7 : i32
        %shift_right_arithmetic3A_1384 = arith.shrsi %get3A_1382, %shift_right_arithmetic3A_1383 : i32
        %mul3A_1385 = arith.constant 128 : i32
        %mul3A_1386 = arith.muli %shift_right_arithmetic3A_1384, %mul3A_1385 : i32
        %multiple_of3A_1387 = tpu.assume_multiple %mul3A_1386, 128 : i32
        %dma_start3A_1388 = arith.constant 0 : i32
        %dma_start3A_1389 = arith.constant 0 : i32
        %dma_start3A_1390 = tpu.memref_slice %arg13[%rem3A_1380, %dma_start3A_1388, %dma_start3A_1389] : memref<10x32x128xf32, #tpu.memory_space<vmem>> -> memref<1x32x128xf32, #tpu.memory_space<vmem>>
        %dma_start3A_1391 = tpu.memref_squeeze %dma_start3A_1390 : memref<1x32x128xf32, #tpu.memory_space<vmem>> -> memref<32x128xf32, #tpu.memory_space<vmem>>
        %dma_start3A_1392 = arith.constant 0 : i32
        %dma_start3A_1393 = tpu.memref_slice %arg4[%dma_start3A_1392, %multiple_of3A_1387] : memref<32x1000000xf32, #tpu.memory_space<hbm>> -> memref<32x128xf32, #tpu.memory_space<hbm>>
        %dma_start3A_1394 = arith.constant 0 : i32
        %dma_start3A_1395 = arith.constant 0 : i32
        %dma_start3A_1396 = tpu.memref_slice %arg13[%rem3A_1380, %dma_start3A_1394, %dma_start3A_1395] : memref<10x32x128xf32, #tpu.memory_space<vmem>> -> memref<1x32x128xf32, #tpu.memory_space<vmem>>
        %dma_start3A_1397 = tpu.memref_squeeze %dma_start3A_1396 : memref<1x32x128xf32, #tpu.memory_space<vmem>> -> memref<32x128xf32, #tpu.memory_space<vmem>>
        %dma_start3A_1398 = arith.constant 0 : i32
        %dma_start3A_1399 = tpu.memref_slice %arg4[%dma_start3A_1398, %multiple_of3A_1387] : memref<32x1000000xf32, #tpu.memory_space<hbm>> -> memref<32x128xf32, #tpu.memory_space<hbm>>
        tpu.enqueue_dma source(%dma_start3A_1399 : memref<32x128xf32, #tpu.memory_space<hbm>>) target(%dma_start3A_1397 : memref<32x128xf32, #tpu.memory_space<vmem>>) target_semaphore(%arg19 : memref<!tpu.dma_semaphore, #tpu.memory_space<semaphore_mem>>)
        %get3A_1400 = arith.index_cast %sub3A_1374 : i32 to index
        %get3A_1401 = memref.load %arg10[%get3A_1400] : memref<512xi32, #tpu.memory_space<smem>>
        %shift_right_arithmetic3A_1402 = arith.constant 7 : i32
        %shift_right_arithmetic3A_1403 = arith.shrsi %get3A_1401, %shift_right_arithmetic3A_1402 : i32
        %mul3A_1404 = arith.constant 128 : i32
        %mul3A_1405 = arith.muli %shift_right_arithmetic3A_1403, %mul3A_1404 : i32
        %multiple_of3A_1406 = tpu.assume_multiple %mul3A_1405, 128 : i32
        %dma_start3A_1407 = arith.constant 0 : i32
        %dma_start3A_1408 = arith.constant 0 : i32
        %dma_start3A_1409 = tpu.memref_slice %arg14[%rem3A_1380, %dma_start3A_1407, %dma_start3A_1408] : memref<10x32x128xf32, #tpu.memory_space<vmem>> -> memref<1x32x128xf32, #tpu.memory_space<vmem>>
        %dma_start3A_1410 = tpu.memref_squeeze %dma_start3A_1409 : memref<1x32x128xf32, #tpu.memory_space<vmem>> -> memref<32x128xf32, #tpu.memory_space<vmem>>
        %dma_start3A_1411 = arith.constant 0 : i32
        %dma_start3A_1412 = tpu.memref_slice %arg5[%dma_start3A_1411, %multiple_of3A_1406] : memref<32x1000000xf32, #tpu.memory_space<hbm>> -> memref<32x128xf32, #tpu.memory_space<hbm>>
        %dma_start3A_1413 = arith.constant 0 : i32
        %dma_start3A_1414 = arith.constant 0 : i32
        %dma_start3A_1415 = tpu.memref_slice %arg14[%rem3A_1380, %dma_start3A_1413, %dma_start3A_1414] : memref<10x32x128xf32, #tpu.memory_space<vmem>> -> memref<1x32x128xf32, #tpu.memory_space<vmem>>
        %dma_start3A_1416 = tpu.memref_squeeze %dma_start3A_1415 : memref<1x32x128xf32, #tpu.memory_space<vmem>> -> memref<32x128xf32, #tpu.memory_space<vmem>>
        %dma_start3A_1417 = arith.constant 0 : i32
        %dma_start3A_1418 = tpu.memref_slice %arg5[%dma_start3A_1417, %multiple_of3A_1406] : memref<32x1000000xf32, #tpu.memory_space<hbm>> -> memref<32x128xf32, #tpu.memory_space<hbm>>
        tpu.enqueue_dma source(%dma_start3A_1418 : memref<32x128xf32, #tpu.memory_space<hbm>>) target(%dma_start3A_1416 : memref<32x128xf32, #tpu.memory_space<vmem>>) target_semaphore(%arg20 : memref<!tpu.dma_semaphore, #tpu.memory_space<semaphore_mem>>)
      } else {
      }
      %dma_wait3A_1316 = arith.constant 0 : i32
      %dma_wait3A_1317 = arith.constant 0 : i32
      %dma_wait3A_1318 = arith.constant 0 : i32
      %dma_wait3A_1319 = tpu.memref_slice %arg13[%dma_wait3A_1316, %dma_wait3A_1317, %dma_wait3A_1318] : memref<10x32x128xf32, #tpu.memory_space<vmem>> -> memref<1x32x128xf32, #tpu.memory_space<vmem>>
      %dma_wait3A_1320 = tpu.memref_squeeze %dma_wait3A_1319 : memref<1x32x128xf32, #tpu.memory_space<vmem>> -> memref<32x128xf32, #tpu.memory_space<vmem>>
      %dma_wait3A_1321 = arith.constant 0 : i32
      %dma_wait3A_1322 = arith.constant 0 : i32
      %dma_wait3A_1323 = tpu.memref_slice %arg4[%dma_wait3A_1321, %dma_wait3A_1322] : memref<32x1000000xf32, #tpu.memory_space<hbm>> -> memref<32x128xf32, #tpu.memory_space<hbm>>
      %dma_wait3A_1324 = arith.constant 0 : i32
      %dma_wait3A_1325 = arith.constant 0 : i32
      %dma_wait3A_1326 = tpu.memref_slice %arg13[%dma_wait3A_1316, %dma_wait3A_1324, %dma_wait3A_1325] : memref<10x32x128xf32, #tpu.memory_space<vmem>> -> memref<1x32x128xf32, #tpu.memory_space<vmem>>
      %dma_wait3A_1327 = tpu.memref_squeeze %dma_wait3A_1326 : memref<1x32x128xf32, #tpu.memory_space<vmem>> -> memref<32x128xf32, #tpu.memory_space<vmem>>
      %dma_wait3A_1328 = arith.constant 0 : i32
      %dma_wait3A_1329 = arith.constant 0 : i32
      %dma_wait3A_1330 = tpu.memref_slice %arg4[%dma_wait3A_1328, %dma_wait3A_1329] : memref<32x1000000xf32, #tpu.memory_space<hbm>> -> memref<32x128xf32, #tpu.memory_space<hbm>>
      tpu.wait_dma2 semaphore(%arg19 : memref<!tpu.dma_semaphore, #tpu.memory_space<semaphore_mem>>) src(%dma_wait3A_1330 : memref<32x128xf32, #tpu.memory_space<hbm>>) dst(%dma_wait3A_1327 : memref<32x128xf32, #tpu.memory_space<vmem>>)
      %dma_wait3A_1331 = arith.constant 0 : i32
      %dma_wait3A_1332 = arith.constant 0 : i32
      %dma_wait3A_1333 = arith.constant 0 : i32
      %dma_wait3A_1334 = tpu.memref_slice %arg14[%dma_wait3A_1331, %dma_wait3A_1332, %dma_wait3A_1333] : memref<10x32x128xf32, #tpu.memory_space<vmem>> -> memref<1x32x128xf32, #tpu.memory_space<vmem>>
      %dma_wait3A_1335 = tpu.memref_squeeze %dma_wait3A_1334 : memref<1x32x128xf32, #tpu.memory_space<vmem>> -> memref<32x128xf32, #tpu.memory_space<vmem>>
      %dma_wait3A_1336 = arith.constant 0 : i32
      %dma_wait3A_1337 = arith.constant 0 : i32
      %dma_wait3A_1338 = tpu.memref_slice %arg5[%dma_wait3A_1336, %dma_wait3A_1337] : memref<32x1000000xf32, #tpu.memory_space<hbm>> -> memref<32x128xf32, #tpu.memory_space<hbm>>
      %dma_wait3A_1339 = arith.constant 0 : i32
      %dma_wait3A_1340 = arith.constant 0 : i32
      %dma_wait3A_1341 = tpu.memref_slice %arg14[%dma_wait3A_1331, %dma_wait3A_1339, %dma_wait3A_1340] : memref<10x32x128xf32, #tpu.memory_space<vmem>> -> memref<1x32x128xf32, #tpu.memory_space<vmem>>
      %dma_wait3A_1342 = tpu.memref_squeeze %dma_wait3A_1341 : memref<1x32x128xf32, #tpu.memory_space<vmem>> -> memref<32x128xf32, #tpu.memory_space<vmem>>
      %dma_wait3A_1343 = arith.constant 0 : i32
      %dma_wait3A_1344 = arith.constant 0 : i32
      %dma_wait3A_1345 = tpu.memref_slice %arg5[%dma_wait3A_1343, %dma_wait3A_1344] : memref<32x1000000xf32, #tpu.memory_space<hbm>> -> memref<32x128xf32, #tpu.memory_space<hbm>>
      tpu.wait_dma2 semaphore(%arg20 : memref<!tpu.dma_semaphore, #tpu.memory_space<semaphore_mem>>) src(%dma_wait3A_1345 : memref<32x128xf32, #tpu.memory_space<hbm>>) dst(%dma_wait3A_1342 : memref<32x128xf32, #tpu.memory_space<vmem>>)
      %rem3A = arith.constant 10 : i32
      %rem3A_1346 = arith.remsi %scan3A_1309, %rem3A : i32
      %broadcast_in_dim3A = vector.broadcast %rem3A_1346 : i32 to vector<16xi32>
      %broadcast_in_dim3A_1347 = vector.broadcast %scan3A_1309 : i32 to vector<16xi32>
      %get3A_1348 = arith.index_cast %scan3A_1309 : i32 to index
      %get3A_1349 = memref.load %arg9[%get3A_1348] : memref<512xi32, #tpu.memory_space<smem>>
      %and3A = arith.constant 127 : i32
      %and3A_1350 = arith.andi %get3A_1349, %and3A : i32
      %broadcast_in_dim3A_1351 = vector.broadcast %and3A_1350 : i32 to vector<16xi32>
      %gather3A = tpu.vector_load_idx %arg13[%broadcast_in_dim3A, %iota3A, %broadcast_in_dim3A_1351] : memref<10x32x128xf32, #tpu.memory_space<vmem>>[vector<16xi32>, vector<16xi32>, vector<16xi32>], vector<16xf32>,
      %add3A_1352 = arith.constant 16 : i32
      %add3A_1353 = vector.broadcast %add3A_1352 : i32 to vector<16xi32>
      %add3A_1354 = arith.addi %iota3A, %add3A_1353 : vector<16xi32>
      %gather3A_1355 = tpu.vector_load_idx %arg13[%broadcast_in_dim3A, %add3A_1354, %broadcast_in_dim3A_1351] : memref<10x32x128xf32, #tpu.memory_space<vmem>>[vector<16xi32>, vector<16xi32>, vector<16xi32>], vector<16xf32>,
      %add3A_1356 = arith.addi %mul3A_17, %broadcast_in_dim3A_1347 : vector<16xi32>
      tpu.vector_store_idx %arg15[%add3A_1356], %gather3A : memref<16384xf32, #tpu.memory_space<vmem>>[vector<16xi32>], vector<16xf32>,
      %add3A_1357 = arith.addi %mul3A_23, %broadcast_in_dim3A_1347 : vector<16xi32>
      tpu.vector_store_idx %arg15[%add3A_1357], %gather3A_1355 : memref<16384xf32, #tpu.memory_space<vmem>>[vector<16xi32>], vector<16xf32>,
      %get3A_1358 = arith.index_cast %scan3A_1309 : i32 to index
      %get3A_1359 = memref.load %arg10[%get3A_1358] : memref<512xi32, #tpu.memory_space<smem>>
      %and3A_1360 = arith.constant 127 : i32
      %and3A_1361 = arith.andi %get3A_1359, %and3A_1360 : i32
      %broadcast_in_dim3A_1362 = vector.broadcast %and3A_1361 : i32 to vector<16xi32>
      %gather3A_1363 = tpu.vector_load_idx %arg14[%broadcast_in_dim3A, %iota3A, %broadcast_in_dim3A_1362] : memref<10x32x128xf32, #tpu.memory_space<vmem>>[vector<16xi32>, vector<16xi32>, vector<16xi32>], vector<16xf32>,
      %add3A_1364 = arith.constant 16 : i32
      %add3A_1365 = vector.broadcast %add3A_1364 : i32 to vector<16xi32>
      %add3A_1366 = arith.addi %iota3A, %add3A_1365 : vector<16xi32>
      %gather3A_1367 = tpu.vector_load_idx %arg14[%broadcast_in_dim3A, %add3A_1366, %broadcast_in_dim3A_1362] : memref<10x32x128xf32, #tpu.memory_space<vmem>>[vector<16xi32>, vector<16xi32>, vector<16xi32>], vector<16xf32>,
      %add3A_1368 = arith.addi %mul3A_17, %broadcast_in_dim3A_1347 : vector<16xi32>
      tpu.vector_store_idx %arg16[%add3A_1368], %gather3A_1363 : memref<16384xf32, #tpu.memory_space<vmem>>[vector<16xi32>], vector<16xf32>,
      %add3A_1369 = arith.addi %mul3A_23, %broadcast_in_dim3A_1347 : vector<16xi32>
      tpu.vector_store_idx %arg16[%add3A_1369], %gather3A_1367 : memref<16384xf32, #tpu.memory_space<vmem>>[vector<16xi32>], vector<16xf32>,
      %scan3A_1370 = arith.constant 0 : i32
      scf.yield %scan3A_1370 : i32
    }
    %scan3A_405 = arith.constant 512 : i32
    %scan3A_406 = arith.constant 0 : i32
    %scan3A_407 = arith.constant 0 : i32
    %scan3A_408 = arith.constant 32 : i32
    %scan3A_409 = arith.addi %scan3A_407, %scan3A_408 : i32
    %scan3A_410 = arith.constant 1 : i32
    %scan3A_411 = scf.for %scan3A_1309 = %scan3A_407 to %scan3A_409 step %scan3A_410 iter_args(%scan3A_1310 = %scan3A_406) -> (i32)  : i32 {
      %broadcast_in_dim3A = arith.constant 0.000000e+00 : f32
      %broadcast_in_dim3A_1311 = vector.broadcast %broadcast_in_dim3A : f32 to vector<16xf32>
      %mul3A_1312 = arith.constant 16 : i32
      %mul3A_1313 = arith.muli %scan3A_1309, %mul3A_1312 : i32
      %add3A_1314 = arith.constant 0 : i32
      %add3A_1315 = arith.addi %add3A_1314, %mul3A_1313 : i32
      %get3A_1316 = arith.index_cast %add3A_1315 : i32 to index
      %get3A_1317 = tpu.vector_load %arg15[%get3A_1316] {strides = array<i32>} : memref<16384xf32, #tpu.memory_space<vmem>>, vector<16xf32>,
      %get3A_1318 = arith.index_cast %add3A_1315 : i32 to index
      %get3A_1319 = tpu.vector_load %arg16[%get3A_1318] {strides = array<i32>} : memref<16384xf32, #tpu.memory_space<vmem>>, vector<16xf32>,
      %mul3A_1320 = arith.mulf %get3A_1317, %get3A_1319 : vector<16xf32>
      %add3A_1321 = arith.addf %broadcast_in_dim3A_1311, %mul3A_1320 : vector<16xf32>
      %mul3A_1322 = arith.constant 16 : i32
      %mul3A_1323 = arith.muli %scan3A_1309, %mul3A_1322 : i32
      %add3A_1324 = arith.constant 512 : i32
      %add3A_1325 = arith.addi %add3A_1324, %mul3A_1323 : i32
      %get3A_1326 = arith.index_cast %add3A_1325 : i32 to index
      %get3A_1327 = tpu.vector_load %arg15[%get3A_1326] {strides = array<i32>} : memref<16384xf32, #tpu.memory_space<vmem>>, vector<16xf32>,
      %get3A_1328 = arith.index_cast %add3A_1325 : i32 to index
      %get3A_1329 = tpu.vector_load %arg16[%get3A_1328] {strides = array<i32>} : memref<16384xf32, #tpu.memory_space<vmem>>, vector<16xf32>,
      %mul3A_1330 = arith.mulf %get3A_1327, %get3A_1329 : vector<16xf32>
      %add3A_1331 = arith.addf %add3A_1321, %mul3A_1330 : vector<16xf32>
      %mul3A_1332 = arith.constant 16 : i32
      %mul3A_1333 = arith.muli %scan3A_1309, %mul3A_1332 : i32
      %add3A_1334 = arith.constant 1024 : i32
      %add3A_1335 = arith.addi %add3A_1334, %mul3A_1333 : i32
      %get3A_1336 = arith.index_cast %add3A_1335 : i32 to index
      %get3A_1337 = tpu.vector_load %arg15[%get3A_1336] {strides = array<i32>} : memref<16384xf32, #tpu.memory_space<vmem>>, vector<16xf32>,
      %get3A_1338 = arith.index_cast %add3A_1335 : i32 to index
      %get3A_1339 = tpu.vector_load %arg16[%get3A_1338] {strides = array<i32>} : memref<16384xf32, #tpu.memory_space<vmem>>, vector<16xf32>,
      %mul3A_1340 = arith.mulf %get3A_1337, %get3A_1339 : vector<16xf32>
      %add3A_1341 = arith.addf %add3A_1331, %mul3A_1340 : vector<16xf32>
      %mul3A_1342 = arith.constant 16 : i32
      %mul3A_1343 = arith.muli %scan3A_1309, %mul3A_1342 : i32
      %add3A_1344 = arith.constant 1536 : i32
      %add3A_1345 = arith.addi %add3A_1344, %mul3A_1343 : i32
      %get3A_1346 = arith.index_cast %add3A_1345 : i32 to index
      %get3A_1347 = tpu.vector_load %arg15[%get3A_1346] {strides = array<i32>} : memref<16384xf32, #tpu.memory_space<vmem>>, vector<16xf32>,
      %get3A_1348 = arith.index_cast %add3A_1345 : i32 to index
      %get3A_1349 = tpu.vector_load %arg16[%get3A_1348] {strides = array<i32>} : memref<16384xf32, #tpu.memory_space<vmem>>, vector<16xf32>,
      %mul3A_1350 = arith.mulf %get3A_1347, %get3A_1349 : vector<16xf32>
      %add3A_1351 = arith.addf %add3A_1341, %mul3A_1350 : vector<16xf32>
      %mul3A_1352 = arith.constant 16 : i32
      %mul3A_1353 = arith.muli %scan3A_1309, %mul3A_1352 : i32
      %add3A_1354 = arith.constant 2048 : i32
      %add3A_1355 = arith.addi %add3A_1354, %mul3A_1353 : i32
      %get3A_1356 = arith.index_cast %add3A_1355 : i32 to index
      %get3A_1357 = tpu.vector_load %arg15[%get3A_1356] {strides = array<i32>} : memref<16384xf32, #tpu.memory_space<vmem>>, vector<16xf32>,
      %get3A_1358 = arith.index_cast %add3A_1355 : i32 to index
      %get3A_1359 = tpu.vector_load %arg16[%get3A_1358] {strides = array<i32>} : memref<16384xf32, #tpu.memory_space<vmem>>, vector<16xf32>,
      %mul3A_1360 = arith.mulf %get3A_1357, %get3A_1359 : vector<16xf32>
      %add3A_1361 = arith.addf %add3A_1351, %mul3A_1360 : vector<16xf32>
      %mul3A_1362 = arith.constant 16 : i32
      %mul3A_1363 = arith.muli %scan3A_1309, %mul3A_1362 : i32
      %add3A_1364 = arith.constant 2560 : i32
      %add3A_1365 = arith.addi %add3A_1364, %mul3A_1363 : i32
      %get3A_1366 = arith.index_cast %add3A_1365 : i32 to index
      %get3A_1367 = tpu.vector_load %arg15[%get3A_1366] {strides = array<i32>} : memref<16384xf32, #tpu.memory_space<vmem>>, vector<16xf32>,
      %get3A_1368 = arith.index_cast %add3A_1365 : i32 to index
      %get3A_1369 = tpu.vector_load %arg16[%get3A_1368] {strides = array<i32>} : memref<16384xf32, #tpu.memory_space<vmem>>, vector<16xf32>,
      %mul3A_1370 = arith.mulf %get3A_1367, %get3A_1369 : vector<16xf32>
      %add3A_1371 = arith.addf %add3A_1361, %mul3A_1370 : vector<16xf32>
      %mul3A_1372 = arith.constant 16 : i32
      %mul3A_1373 = arith.muli %scan3A_1309, %mul3A_1372 : i32
      %add3A_1374 = arith.constant 3072 : i32
      %add3A_1375 = arith.addi %add3A_1374, %mul3A_1373 : i32
      %get3A_1376 = arith.index_cast %add3A_1375 : i32 to index
      %get3A_1377 = tpu.vector_load %arg15[%get3A_1376] {strides = array<i32>} : memref<16384xf32, #tpu.memory_space<vmem>>, vector<16xf32>,
      %get3A_1378 = arith.index_cast %add3A_1375 : i32 to index
      %get3A_1379 = tpu.vector_load %arg16[%get3A_1378] {strides = array<i32>} : memref<16384xf32, #tpu.memory_space<vmem>>, vector<16xf32>,
      %mul3A_1380 = arith.mulf %get3A_1377, %get3A_1379 : vector<16xf32>
      %add3A_1381 = arith.addf %add3A_1371, %mul3A_1380 : vector<16xf32>
      %mul3A_1382 = arith.constant 16 : i32
      %mul3A_1383 = arith.muli %scan3A_1309, %mul3A_1382 : i32
      %add3A_1384 = arith.constant 3584 : i32
      %add3A_1385 = arith.addi %add3A_1384, %mul3A_1383 : i32
      %get3A_1386 = arith.index_cast %add3A_1385 : i32 to index
      %get3A_1387 = tpu.vector_load %arg15[%get3A_1386] {strides = array<i32>} : memref<16384xf32, #tpu.memory_space<vmem>>, vector<16xf32>,
      %get3A_1388 = arith.index_cast %add3A_1385 : i32 to index
      %get3A_1389 = tpu.vector_load %arg16[%get3A_1388] {strides = array<i32>} : memref<16384xf32, #tpu.memory_space<vmem>>, vector<16xf32>,
      %mul3A_1390 = arith.mulf %get3A_1387, %get3A_1389 : vector<16xf32>
      %add3A_1391 = arith.addf %add3A_1381, %mul3A_1390 : vector<16xf32>
      %mul3A_1392 = arith.constant 16 : i32
      %mul3A_1393 = arith.muli %scan3A_1309, %mul3A_1392 : i32
      %add3A_1394 = arith.constant 4096 : i32
      %add3A_1395 = arith.addi %add3A_1394, %mul3A_1393 : i32
      %get3A_1396 = arith.index_cast %add3A_1395 : i32 to index
      %get3A_1397 = tpu.vector_load %arg15[%get3A_1396] {strides = array<i32>} : memref<16384xf32, #tpu.memory_space<vmem>>, vector<16xf32>,
      %get3A_1398 = arith.index_cast %add3A_1395 : i32 to index
      %get3A_1399 = tpu.vector_load %arg16[%get3A_1398] {strides = array<i32>} : memref<16384xf32, #tpu.memory_space<vmem>>, vector<16xf32>,
      %mul3A_1400 = arith.mulf %get3A_1397, %get3A_1399 : vector<16xf32>
      %add3A_1401 = arith.addf %add3A_1391, %mul3A_1400 : vector<16xf32>
      %mul3A_1402 = arith.constant 16 : i32
      %mul3A_1403 = arith.muli %scan3A_1309, %mul3A_1402 : i32
      %add3A_1404 = arith.constant 4608 : i32
      %add3A_1405 = arith.addi %add3A_1404, %mul3A_1403 : i32
      %get3A_1406 = arith.index_cast %add3A_1405 : i32 to index
      %get3A_1407 = tpu.vector_load %arg15[%get3A_1406] {strides = array<i32>} : memref<16384xf32, #tpu.memory_space<vmem>>, vector<16xf32>,
      %get3A_1408 = arith.index_cast %add3A_1405 : i32 to index
      %get3A_1409 = tpu.vector_load %arg16[%get3A_1408] {strides = array<i32>} : memref<16384xf32, #tpu.memory_space<vmem>>, vector<16xf32>,
      %mul3A_1410 = arith.mulf %get3A_1407, %get3A_1409 : vector<16xf32>
      %add3A_1411 = arith.addf %add3A_1401, %mul3A_1410 : vector<16xf32>
      %mul3A_1412 = arith.constant 16 : i32
      %mul3A_1413 = arith.muli %scan3A_1309, %mul3A_1412 : i32
      %add3A_1414 = arith.constant 5120 : i32
      %add3A_1415 = arith.addi %add3A_1414, %mul3A_1413 : i32
      %get3A_1416 = arith.index_cast %add3A_1415 : i32 to index
      %get3A_1417 = tpu.vector_load %arg15[%get3A_1416] {strides = array<i32>} : memref<16384xf32, #tpu.memory_space<vmem>>, vector<16xf32>,
      %get3A_1418 = arith.index_cast %add3A_1415 : i32 to index
      %get3A_1419 = tpu.vector_load %arg16[%get3A_1418] {strides = array<i32>} : memref<16384xf32, #tpu.memory_space<vmem>>, vector<16xf32>,
      %mul3A_1420 = arith.mulf %get3A_1417, %get3A_1419 : vector<16xf32>
      %add3A_1421 = arith.addf %add3A_1411, %mul3A_1420 : vector<16xf32>
      %mul3A_1422 = arith.constant 16 : i32
      %mul3A_1423 = arith.muli %scan3A_1309, %mul3A_1422 : i32
      %add3A_1424 = arith.constant 5632 : i32
      %add3A_1425 = arith.addi %add3A_1424, %mul3A_1423 : i32
      %get3A_1426 = arith.index_cast %add3A_1425 : i32 to index
      %get3A_1427 = tpu.vector_load %arg15[%get3A_1426] {strides = array<i32>} : memref<16384xf32, #tpu.memory_space<vmem>>, vector<16xf32>,
      %get3A_1428 = arith.index_cast %add3A_1425 : i32 to index
      %get3A_1429 = tpu.vector_load %arg16[%get3A_1428] {strides = array<i32>} : memref<16384xf32, #tpu.memory_space<vmem>>, vector<16xf32>,
      %mul3A_1430 = arith.mulf %get3A_1427, %get3A_1429 : vector<16xf32>
      %add3A_1431 = arith.addf %add3A_1421, %mul3A_1430 : vector<16xf32>
      %mul3A_1432 = arith.constant 16 : i32
      %mul3A_1433 = arith.muli %scan3A_1309, %mul3A_1432 : i32
      %add3A_1434 = arith.constant 6144 : i32
      %add3A_1435 = arith.addi %add3A_1434, %mul3A_1433 : i32
      %get3A_1436 = arith.index_cast %add3A_1435 : i32 to index
      %get3A_1437 = tpu.vector_load %arg15[%get3A_1436] {strides = array<i32>} : memref<16384xf32, #tpu.memory_space<vmem>>, vector<16xf32>,
      %get3A_1438 = arith.index_cast %add3A_1435 : i32 to index
      %get3A_1439 = tpu.vector_load %arg16[%get3A_1438] {strides = array<i32>} : memref<16384xf32, #tpu.memory_space<vmem>>, vector<16xf32>,
      %mul3A_1440 = arith.mulf %get3A_1437, %get3A_1439 : vector<16xf32>
      %add3A_1441 = arith.addf %add3A_1431, %mul3A_1440 : vector<16xf32>
      %mul3A_1442 = arith.constant 16 : i32
      %mul3A_1443 = arith.muli %scan3A_1309, %mul3A_1442 : i32
      %add3A_1444 = arith.constant 6656 : i32
      %add3A_1445 = arith.addi %add3A_1444, %mul3A_1443 : i32
      %get3A_1446 = arith.index_cast %add3A_1445 : i32 to index
      %get3A_1447 = tpu.vector_load %arg15[%get3A_1446] {strides = array<i32>} : memref<16384xf32, #tpu.memory_space<vmem>>, vector<16xf32>,
      %get3A_1448 = arith.index_cast %add3A_1445 : i32 to index
      %get3A_1449 = tpu.vector_load %arg16[%get3A_1448] {strides = array<i32>} : memref<16384xf32, #tpu.memory_space<vmem>>, vector<16xf32>,
      %mul3A_1450 = arith.mulf %get3A_1447, %get3A_1449 : vector<16xf32>
      %add3A_1451 = arith.addf %add3A_1441, %mul3A_1450 : vector<16xf32>
      %mul3A_1452 = arith.constant 16 : i32
      %mul3A_1453 = arith.muli %scan3A_1309, %mul3A_1452 : i32
      %add3A_1454 = arith.constant 7168 : i32
      %add3A_1455 = arith.addi %add3A_1454, %mul3A_1453 : i32
      %get3A_1456 = arith.index_cast %add3A_1455 : i32 to index
      %get3A_1457 = tpu.vector_load %arg15[%get3A_1456] {strides = array<i32>} : memref<16384xf32, #tpu.memory_space<vmem>>, vector<16xf32>,
      %get3A_1458 = arith.index_cast %add3A_1455 : i32 to index
      %get3A_1459 = tpu.vector_load %arg16[%get3A_1458] {strides = array<i32>} : memref<16384xf32, #tpu.memory_space<vmem>>, vector<16xf32>,
      %mul3A_1460 = arith.mulf %get3A_1457, %get3A_1459 : vector<16xf32>
      %add3A_1461 = arith.addf %add3A_1451, %mul3A_1460 : vector<16xf32>
      %mul3A_1462 = arith.constant 16 : i32
      %mul3A_1463 = arith.muli %scan3A_1309, %mul3A_1462 : i32
      %add3A_1464 = arith.constant 7680 : i32
      %add3A_1465 = arith.addi %add3A_1464, %mul3A_1463 : i32
      %get3A_1466 = arith.index_cast %add3A_1465 : i32 to index
      %get3A_1467 = tpu.vector_load %arg15[%get3A_1466] {strides = array<i32>} : memref<16384xf32, #tpu.memory_space<vmem>>, vector<16xf32>,
      %get3A_1468 = arith.index_cast %add3A_1465 : i32 to index
      %get3A_1469 = tpu.vector_load %arg16[%get3A_1468] {strides = array<i32>} : memref<16384xf32, #tpu.memory_space<vmem>>, vector<16xf32>,
      %mul3A_1470 = arith.mulf %get3A_1467, %get3A_1469 : vector<16xf32>
      %add3A_1471 = arith.addf %add3A_1461, %mul3A_1470 : vector<16xf32>
      %mul3A_1472 = arith.constant 16 : i32
      %mul3A_1473 = arith.muli %scan3A_1309, %mul3A_1472 : i32
      %add3A_1474 = arith.constant 8192 : i32
      %add3A_1475 = arith.addi %add3A_1474, %mul3A_1473 : i32
      %get3A_1476 = arith.index_cast %add3A_1475 : i32 to index
      %get3A_1477 = tpu.vector_load %arg15[%get3A_1476] {strides = array<i32>} : memref<16384xf32, #tpu.memory_space<vmem>>, vector<16xf32>,
      %get3A_1478 = arith.index_cast %add3A_1475 : i32 to index
      %get3A_1479 = tpu.vector_load %arg16[%get3A_1478] {strides = array<i32>} : memref<16384xf32, #tpu.memory_space<vmem>>, vector<16xf32>,
      %mul3A_1480 = arith.mulf %get3A_1477, %get3A_1479 : vector<16xf32>
      %add3A_1481 = arith.addf %add3A_1471, %mul3A_1480 : vector<16xf32>
      %mul3A_1482 = arith.constant 16 : i32
      %mul3A_1483 = arith.muli %scan3A_1309, %mul3A_1482 : i32
      %add3A_1484 = arith.constant 8704 : i32
      %add3A_1485 = arith.addi %add3A_1484, %mul3A_1483 : i32
      %get3A_1486 = arith.index_cast %add3A_1485 : i32 to index
      %get3A_1487 = tpu.vector_load %arg15[%get3A_1486] {strides = array<i32>} : memref<16384xf32, #tpu.memory_space<vmem>>, vector<16xf32>,
      %get3A_1488 = arith.index_cast %add3A_1485 : i32 to index
      %get3A_1489 = tpu.vector_load %arg16[%get3A_1488] {strides = array<i32>} : memref<16384xf32, #tpu.memory_space<vmem>>, vector<16xf32>,
      %mul3A_1490 = arith.mulf %get3A_1487, %get3A_1489 : vector<16xf32>
      %add3A_1491 = arith.addf %add3A_1481, %mul3A_1490 : vector<16xf32>
      %mul3A_1492 = arith.constant 16 : i32
      %mul3A_1493 = arith.muli %scan3A_1309, %mul3A_1492 : i32
      %add3A_1494 = arith.constant 9216 : i32
      %add3A_1495 = arith.addi %add3A_1494, %mul3A_1493 : i32
      %get3A_1496 = arith.index_cast %add3A_1495 : i32 to index
      %get3A_1497 = tpu.vector_load %arg15[%get3A_1496] {strides = array<i32>} : memref<16384xf32, #tpu.memory_space<vmem>>, vector<16xf32>,
      %get3A_1498 = arith.index_cast %add3A_1495 : i32 to index
      %get3A_1499 = tpu.vector_load %arg16[%get3A_1498] {strides = array<i32>} : memref<16384xf32, #tpu.memory_space<vmem>>, vector<16xf32>,
      %mul3A_1500 = arith.mulf %get3A_1497, %get3A_1499 : vector<16xf32>
      %add3A_1501 = arith.addf %add3A_1491, %mul3A_1500 : vector<16xf32>
      %mul3A_1502 = arith.constant 16 : i32
      %mul3A_1503 = arith.muli %scan3A_1309, %mul3A_1502 : i32
      %add3A_1504 = arith.constant 9728 : i32
      %add3A_1505 = arith.addi %add3A_1504, %mul3A_1503 : i32
      %get3A_1506 = arith.index_cast %add3A_1505 : i32 to index
      %get3A_1507 = tpu.vector_load %arg15[%get3A_1506] {strides = array<i32>} : memref<16384xf32, #tpu.memory_space<vmem>>, vector<16xf32>,
      %get3A_1508 = arith.index_cast %add3A_1505 : i32 to index
      %get3A_1509 = tpu.vector_load %arg16[%get3A_1508] {strides = array<i32>} : memref<16384xf32, #tpu.memory_space<vmem>>, vector<16xf32>,
      %mul3A_1510 = arith.mulf %get3A_1507, %get3A_1509 : vector<16xf32>
      %add3A_1511 = arith.addf %add3A_1501, %mul3A_1510 : vector<16xf32>
      %mul3A_1512 = arith.constant 16 : i32
      %mul3A_1513 = arith.muli %scan3A_1309, %mul3A_1512 : i32
      %add3A_1514 = arith.constant 10240 : i32
      %add3A_1515 = arith.addi %add3A_1514, %mul3A_1513 : i32
      %get3A_1516 = arith.index_cast %add3A_1515 : i32 to index
      %get3A_1517 = tpu.vector_load %arg15[%get3A_1516] {strides = array<i32>} : memref<16384xf32, #tpu.memory_space<vmem>>, vector<16xf32>,
      %get3A_1518 = arith.index_cast %add3A_1515 : i32 to index
      %get3A_1519 = tpu.vector_load %arg16[%get3A_1518] {strides = array<i32>} : memref<16384xf32, #tpu.memory_space<vmem>>, vector<16xf32>,
      %mul3A_1520 = arith.mulf %get3A_1517, %get3A_1519 : vector<16xf32>
      %add3A_1521 = arith.addf %add3A_1511, %mul3A_1520 : vector<16xf32>
      %mul3A_1522 = arith.constant 16 : i32
      %mul3A_1523 = arith.muli %scan3A_1309, %mul3A_1522 : i32
      %add3A_1524 = arith.constant 10752 : i32
      %add3A_1525 = arith.addi %add3A_1524, %mul3A_1523 : i32
      %get3A_1526 = arith.index_cast %add3A_1525 : i32 to index
      %get3A_1527 = tpu.vector_load %arg15[%get3A_1526] {strides = array<i32>} : memref<16384xf32, #tpu.memory_space<vmem>>, vector<16xf32>,
      %get3A_1528 = arith.index_cast %add3A_1525 : i32 to index
      %get3A_1529 = tpu.vector_load %arg16[%get3A_1528] {strides = array<i32>} : memref<16384xf32, #tpu.memory_space<vmem>>, vector<16xf32>,
      %mul3A_1530 = arith.mulf %get3A_1527, %get3A_1529 : vector<16xf32>
      %add3A_1531 = arith.addf %add3A_1521, %mul3A_1530 : vector<16xf32>
      %mul3A_1532 = arith.constant 16 : i32
      %mul3A_1533 = arith.muli %scan3A_1309, %mul3A_1532 : i32
      %add3A_1534 = arith.constant 11264 : i32
      %add3A_1535 = arith.addi %add3A_1534, %mul3A_1533 : i32
      %get3A_1536 = arith.index_cast %add3A_1535 : i32 to index
      %get3A_1537 = tpu.vector_load %arg15[%get3A_1536] {strides = array<i32>} : memref<16384xf32, #tpu.memory_space<vmem>>, vector<16xf32>,
      %get3A_1538 = arith.index_cast %add3A_1535 : i32 to index
      %get3A_1539 = tpu.vector_load %arg16[%get3A_1538] {strides = array<i32>} : memref<16384xf32, #tpu.memory_space<vmem>>, vector<16xf32>,
      %mul3A_1540 = arith.mulf %get3A_1537, %get3A_1539 : vector<16xf32>
      %add3A_1541 = arith.addf %add3A_1531, %mul3A_1540 : vector<16xf32>
      %mul3A_1542 = arith.constant 16 : i32
      %mul3A_1543 = arith.muli %scan3A_1309, %mul3A_1542 : i32
      %add3A_1544 = arith.constant 11776 : i32
      %add3A_1545 = arith.addi %add3A_1544, %mul3A_1543 : i32
      %get3A_1546 = arith.index_cast %add3A_1545 : i32 to index
      %get3A_1547 = tpu.vector_load %arg15[%get3A_1546] {strides = array<i32>} : memref<16384xf32, #tpu.memory_space<vmem>>, vector<16xf32>,
      %get3A_1548 = arith.index_cast %add3A_1545 : i32 to index
      %get3A_1549 = tpu.vector_load %arg16[%get3A_1548] {strides = array<i32>} : memref<16384xf32, #tpu.memory_space<vmem>>, vector<16xf32>,
      %mul3A_1550 = arith.mulf %get3A_1547, %get3A_1549 : vector<16xf32>
      %add3A_1551 = arith.addf %add3A_1541, %mul3A_1550 : vector<16xf32>
      %mul3A_1552 = arith.constant 16 : i32
      %mul3A_1553 = arith.muli %scan3A_1309, %mul3A_1552 : i32
      %add3A_1554 = arith.constant 12288 : i32
      %add3A_1555 = arith.addi %add3A_1554, %mul3A_1553 : i32
      %get3A_1556 = arith.index_cast %add3A_1555 : i32 to index
      %get3A_1557 = tpu.vector_load %arg15[%get3A_1556] {strides = array<i32>} : memref<16384xf32, #tpu.memory_space<vmem>>, vector<16xf32>,
      %get3A_1558 = arith.index_cast %add3A_1555 : i32 to index
      %get3A_1559 = tpu.vector_load %arg16[%get3A_1558] {strides = array<i32>} : memref<16384xf32, #tpu.memory_space<vmem>>, vector<16xf32>,
      %mul3A_1560 = arith.mulf %get3A_1557, %get3A_1559 : vector<16xf32>
      %add3A_1561 = arith.addf %add3A_1551, %mul3A_1560 : vector<16xf32>
      %mul3A_1562 = arith.constant 16 : i32
      %mul3A_1563 = arith.muli %scan3A_1309, %mul3A_1562 : i32
      %add3A_1564 = arith.constant 12800 : i32
      %add3A_1565 = arith.addi %add3A_1564, %mul3A_1563 : i32
      %get3A_1566 = arith.index_cast %add3A_1565 : i32 to index
      %get3A_1567 = tpu.vector_load %arg15[%get3A_1566] {strides = array<i32>} : memref<16384xf32, #tpu.memory_space<vmem>>, vector<16xf32>,
      %get3A_1568 = arith.index_cast %add3A_1565 : i32 to index
      %get3A_1569 = tpu.vector_load %arg16[%get3A_1568] {strides = array<i32>} : memref<16384xf32, #tpu.memory_space<vmem>>, vector<16xf32>,
      %mul3A_1570 = arith.mulf %get3A_1567, %get3A_1569 : vector<16xf32>
      %add3A_1571 = arith.addf %add3A_1561, %mul3A_1570 : vector<16xf32>
      %mul3A_1572 = arith.constant 16 : i32
      %mul3A_1573 = arith.muli %scan3A_1309, %mul3A_1572 : i32
      %add3A_1574 = arith.constant 13312 : i32
      %add3A_1575 = arith.addi %add3A_1574, %mul3A_1573 : i32
      %get3A_1576 = arith.index_cast %add3A_1575 : i32 to index
      %get3A_1577 = tpu.vector_load %arg15[%get3A_1576] {strides = array<i32>} : memref<16384xf32, #tpu.memory_space<vmem>>, vector<16xf32>,
      %get3A_1578 = arith.index_cast %add3A_1575 : i32 to index
      %get3A_1579 = tpu.vector_load %arg16[%get3A_1578] {strides = array<i32>} : memref<16384xf32, #tpu.memory_space<vmem>>, vector<16xf32>,
      %mul3A_1580 = arith.mulf %get3A_1577, %get3A_1579 : vector<16xf32>
      %add3A_1581 = arith.addf %add3A_1571, %mul3A_1580 : vector<16xf32>
      %mul3A_1582 = arith.constant 16 : i32
      %mul3A_1583 = arith.muli %scan3A_1309, %mul3A_1582 : i32
      %add3A_1584 = arith.constant 13824 : i32
      %add3A_1585 = arith.addi %add3A_1584, %mul3A_1583 : i32
      %get3A_1586 = arith.index_cast %add3A_1585 : i32 to index
      %get3A_1587 = tpu.vector_load %arg15[%get3A_1586] {strides = array<i32>} : memref<16384xf32, #tpu.memory_space<vmem>>, vector<16xf32>,
      %get3A_1588 = arith.index_cast %add3A_1585 : i32 to index
      %get3A_1589 = tpu.vector_load %arg16[%get3A_1588] {strides = array<i32>} : memref<16384xf32, #tpu.memory_space<vmem>>, vector<16xf32>,
      %mul3A_1590 = arith.mulf %get3A_1587, %get3A_1589 : vector<16xf32>
      %add3A_1591 = arith.addf %add3A_1581, %mul3A_1590 : vector<16xf32>
      %mul3A_1592 = arith.constant 16 : i32
      %mul3A_1593 = arith.muli %scan3A_1309, %mul3A_1592 : i32
      %add3A_1594 = arith.constant 14336 : i32
      %add3A_1595 = arith.addi %add3A_1594, %mul3A_1593 : i32
      %get3A_1596 = arith.index_cast %add3A_1595 : i32 to index
      %get3A_1597 = tpu.vector_load %arg15[%get3A_1596] {strides = array<i32>} : memref<16384xf32, #tpu.memory_space<vmem>>, vector<16xf32>,
      %get3A_1598 = arith.index_cast %add3A_1595 : i32 to index
      %get3A_1599 = tpu.vector_load %arg16[%get3A_1598] {strides = array<i32>} : memref<16384xf32, #tpu.memory_space<vmem>>, vector<16xf32>,
      %mul3A_1600 = arith.mulf %get3A_1597, %get3A_1599 : vector<16xf32>
      %add3A_1601 = arith.addf %add3A_1591, %mul3A_1600 : vector<16xf32>
      %mul3A_1602 = arith.constant 16 : i32
      %mul3A_1603 = arith.muli %scan3A_1309, %mul3A_1602 : i32
      %add3A_1604 = arith.constant 14848 : i32
      %add3A_1605 = arith.addi %add3A_1604, %mul3A_1603 : i32
      %get3A_1606 = arith.index_cast %add3A_1605 : i32 to index
      %get3A_1607 = tpu.vector_load %arg15[%get3A_1606] {strides = array<i32>} : memref<16384xf32, #tpu.memory_space<vmem>>, vector<16xf32>,
      %get3A_1608 = arith.index_cast %add3A_1605 : i32 to index
      %get3A_1609 = tpu.vector_load %arg16[%get3A_1608] {strides = array<i32>} : memref<16384xf32, #tpu.memory_space<vmem>>, vector<16xf32>,
      %mul3A_1610 = arith.mulf %get3A_1607, %get3A_1609 : vector<16xf32>
      %add3A_1611 = arith.addf %add3A_1601, %mul3A_1610 : vector<16xf32>
      %mul3A_1612 = arith.constant 16 : i32
      %mul3A_1613 = arith.muli %scan3A_1309, %mul3A_1612 : i32
      %add3A_1614 = arith.constant 15360 : i32
      %add3A_1615 = arith.addi %add3A_1614, %mul3A_1613 : i32
      %get3A_1616 = arith.index_cast %add3A_1615 : i32 to index
      %get3A_1617 = tpu.vector_load %arg15[%get3A_1616] {strides = array<i32>} : memref<16384xf32, #tpu.memory_space<vmem>>, vector<16xf32>,
      %get3A_1618 = arith.index_cast %add3A_1615 : i32 to index
      %get3A_1619 = tpu.vector_load %arg16[%get3A_1618] {strides = array<i32>} : memref<16384xf32, #tpu.memory_space<vmem>>, vector<16xf32>,
      %mul3A_1620 = arith.mulf %get3A_1617, %get3A_1619 : vector<16xf32>
      %add3A_1621 = arith.addf %add3A_1611, %mul3A_1620 : vector<16xf32>
      %mul3A_1622 = arith.constant 16 : i32
      %mul3A_1623 = arith.muli %scan3A_1309, %mul3A_1622 : i32
      %add3A_1624 = arith.constant 15872 : i32
      %add3A_1625 = arith.addi %add3A_1624, %mul3A_1623 : i32
      %get3A_1626 = arith.index_cast %add3A_1625 : i32 to index
      %get3A_1627 = tpu.vector_load %arg15[%get3A_1626] {strides = array<i32>} : memref<16384xf32, #tpu.memory_space<vmem>>, vector<16xf32>,
      %get3A_1628 = arith.index_cast %add3A_1625 : i32 to index
      %get3A_1629 = tpu.vector_load %arg16[%get3A_1628] {strides = array<i32>} : memref<16384xf32, #tpu.memory_space<vmem>>, vector<16xf32>,
      %mul3A_1630 = arith.mulf %get3A_1627, %get3A_1629 : vector<16xf32>
      %add3A_1631 = arith.addf %add3A_1621, %mul3A_1630 : vector<16xf32>
      %mul3A_1632 = arith.constant 16 : i32
      %mul3A_1633 = arith.muli %scan3A_1309, %mul3A_1632 : i32
      %swap3A = arith.index_cast %mul3A_1633 : i32 to index
      %swap3A_1634 = tpu.vector_load %arg17[%swap3A] {strides = array<i32>} : memref<512xf32, #tpu.memory_space<vmem>>, vector<16xf32>,
      tpu.vector_store %arg17[%swap3A], %add3A_1631 {strides = array<i32>} : memref<512xf32, #tpu.memory_space<vmem>>, vector<16xf32>,
      %scan3A_1635 = arith.constant 0 : i32
      scf.yield %scan3A_1635 : i32
    }
    %scan3A_412 = arith.constant 32 : i32
    %add3A_413 = arith.constant 0 : i32
    %add3A_414 = arith.addi %add3A_413, %mul3A_2 : i32
    %dma_start3A_415 = arith.constant 0 : i32
    %dma_start3A_416 = tpu.memref_slice %arg15[%dma_start3A_415] : memref<16384xf32, #tpu.memory_space<vmem>> -> memref<512xf32, #tpu.memory_space<vmem>>
    %dma_start3A_417 = tpu.memref_slice %arg6[%add3A_414] : memref<524288xf32, #tpu.memory_space<hbm>> -> memref<512xf32, #tpu.memory_space<hbm>>
    %dma_start3A_418 = tpu.memref_slice %arg6[%add3A_414] : memref<524288xf32, #tpu.memory_space<hbm>> -> memref<512xf32, #tpu.memory_space<hbm>>
    %dma_start3A_419 = arith.constant 0 : i32
    %dma_start3A_420 = tpu.memref_slice %arg15[%dma_start3A_419] : memref<16384xf32, #tpu.memory_space<vmem>> -> memref<512xf32, #tpu.memory_space<vmem>>
    tpu.enqueue_dma source(%dma_start3A_420 : memref<512xf32, #tpu.memory_space<vmem>>) target(%dma_start3A_418 : memref<512xf32, #tpu.memory_space<hbm>>) target_semaphore(%arg18 : memref<!tpu.dma_semaphore, #tpu.memory_space<semaphore_mem>>)
    %add3A_421 = arith.constant 0 : i32
    %add3A_422 = arith.addi %add3A_421, %mul3A_2 : i32
    %dma_start3A_423 = arith.constant 0 : i32
    %dma_start3A_424 = tpu.memref_slice %arg16[%dma_start3A_423] : memref<16384xf32, #tpu.memory_space<vmem>> -> memref<512xf32, #tpu.memory_space<vmem>>
    %dma_start3A_425 = tpu.memref_slice %arg7[%add3A_422] : memref<524288xf32, #tpu.memory_space<hbm>> -> memref<512xf32, #tpu.memory_space<hbm>>
    %dma_start3A_426 = tpu.memref_slice %arg7[%add3A_422] : memref<524288xf32, #tpu.memory_space<hbm>> -> memref<512xf32, #tpu.memory_space<hbm>>
    %dma_start3A_427 = arith.constant 0 : i32
    %dma_start3A_428 = tpu.memref_slice %arg16[%dma_start3A_427] : memref<16384xf32, #tpu.memory_space<vmem>> -> memref<512xf32, #tpu.memory_space<vmem>>
    tpu.enqueue_dma source(%dma_start3A_428 : memref<512xf32, #tpu.memory_space<vmem>>) target(%dma_start3A_426 : memref<512xf32, #tpu.memory_space<hbm>>) target_semaphore(%arg18 : memref<!tpu.dma_semaphore, #tpu.memory_space<semaphore_mem>>)
    %add3A_429 = arith.constant 16384 : i32
    %add3A_430 = arith.addi %add3A_429, %mul3A_2 : i32
    %dma_start3A_431 = arith.constant 512 : i32
    %dma_start3A_432 = tpu.memref_slice %arg15[%dma_start3A_431] : memref<16384xf32, #tpu.memory_space<vmem>> -> memref<512xf32, #tpu.memory_space<vmem>>
    %dma_start3A_433 = tpu.memref_slice %arg6[%add3A_430] : memref<524288xf32, #tpu.memory_space<hbm>> -> memref<512xf32, #tpu.memory_space<hbm>>
    %dma_start3A_434 = tpu.memref_slice %arg6[%add3A_430] : memref<524288xf32, #tpu.memory_space<hbm>> -> memref<512xf32, #tpu.memory_space<hbm>>
    %dma_start3A_435 = arith.constant 512 : i32
    %dma_start3A_436 = tpu.memref_slice %arg15[%dma_start3A_435] : memref<16384xf32, #tpu.memory_space<vmem>> -> memref<512xf32, #tpu.memory_space<vmem>>
    tpu.enqueue_dma source(%dma_start3A_436 : memref<512xf32, #tpu.memory_space<vmem>>) target(%dma_start3A_434 : memref<512xf32, #tpu.memory_space<hbm>>) target_semaphore(%arg18 : memref<!tpu.dma_semaphore, #tpu.memory_space<semaphore_mem>>)
    %add3A_437 = arith.constant 16384 : i32
    %add3A_438 = arith.addi %add3A_437, %mul3A_2 : i32
    %dma_start3A_439 = arith.constant 512 : i32
    %dma_start3A_440 = tpu.memref_slice %arg16[%dma_start3A_439] : memref<16384xf32, #tpu.memory_space<vmem>> -> memref<512xf32, #tpu.memory_space<vmem>>
    %dma_start3A_441 = tpu.memref_slice %arg7[%add3A_438] : memref<524288xf32, #tpu.memory_space<hbm>> -> memref<512xf32, #tpu.memory_space<hbm>>
    %dma_start3A_442 = tpu.memref_slice %arg7[%add3A_438] : memref<524288xf32, #tpu.memory_space<hbm>> -> memref<512xf32, #tpu.memory_space<hbm>>
    %dma_start3A_443 = arith.constant 512 : i32
    %dma_start3A_444 = tpu.memref_slice %arg16[%dma_start3A_443] : memref<16384xf32, #tpu.memory_space<vmem>> -> memref<512xf32, #tpu.memory_space<vmem>>
    tpu.enqueue_dma source(%dma_start3A_444 : memref<512xf32, #tpu.memory_space<vmem>>) target(%dma_start3A_442 : memref<512xf32, #tpu.memory_space<hbm>>) target_semaphore(%arg18 : memref<!tpu.dma_semaphore, #tpu.memory_space<semaphore_mem>>)
    %add3A_445 = arith.constant 32768 : i32
    %add3A_446 = arith.addi %add3A_445, %mul3A_2 : i32
    %dma_start3A_447 = arith.constant 1024 : i32
    %dma_start3A_448 = tpu.memref_slice %arg15[%dma_start3A_447] : memref<16384xf32, #tpu.memory_space<vmem>> -> memref<512xf32, #tpu.memory_space<vmem>>
    %dma_start3A_449 = tpu.memref_slice %arg6[%add3A_446] : memref<524288xf32, #tpu.memory_space<hbm>> -> memref<512xf32, #tpu.memory_space<hbm>>
    %dma_start3A_450 = tpu.memref_slice %arg6[%add3A_446] : memref<524288xf32, #tpu.memory_space<hbm>> -> memref<512xf32, #tpu.memory_space<hbm>>
    %dma_start3A_451 = arith.constant 1024 : i32
    %dma_start3A_452 = tpu.memref_slice %arg15[%dma_start3A_451] : memref<16384xf32, #tpu.memory_space<vmem>> -> memref<512xf32, #tpu.memory_space<vmem>>
    tpu.enqueue_dma source(%dma_start3A_452 : memref<512xf32, #tpu.memory_space<vmem>>) target(%dma_start3A_450 : memref<512xf32, #tpu.memory_space<hbm>>) target_semaphore(%arg18 : memref<!tpu.dma_semaphore, #tpu.memory_space<semaphore_mem>>)
    %add3A_453 = arith.constant 32768 : i32
    %add3A_454 = arith.addi %add3A_453, %mul3A_2 : i32
    %dma_start3A_455 = arith.constant 1024 : i32
    %dma_start3A_456 = tpu.memref_slice %arg16[%dma_start3A_455] : memref<16384xf32, #tpu.memory_space<vmem>> -> memref<512xf32, #tpu.memory_space<vmem>>
    %dma_start3A_457 = tpu.memref_slice %arg7[%add3A_454] : memref<524288xf32, #tpu.memory_space<hbm>> -> memref<512xf32, #tpu.memory_space<hbm>>
    %dma_start3A_458 = tpu.memref_slice %arg7[%add3A_454] : memref<524288xf32, #tpu.memory_space<hbm>> -> memref<512xf32, #tpu.memory_space<hbm>>
    %dma_start3A_459 = arith.constant 1024 : i32
    %dma_start3A_460 = tpu.memref_slice %arg16[%dma_start3A_459] : memref<16384xf32, #tpu.memory_space<vmem>> -> memref<512xf32, #tpu.memory_space<vmem>>
    tpu.enqueue_dma source(%dma_start3A_460 : memref<512xf32, #tpu.memory_space<vmem>>) target(%dma_start3A_458 : memref<512xf32, #tpu.memory_space<hbm>>) target_semaphore(%arg18 : memref<!tpu.dma_semaphore, #tpu.memory_space<semaphore_mem>>)
    %add3A_461 = arith.constant 49152 : i32
    %add3A_462 = arith.addi %add3A_461, %mul3A_2 : i32
    %dma_start3A_463 = arith.constant 1536 : i32
    %dma_start3A_464 = tpu.memref_slice %arg15[%dma_start3A_463] : memref<16384xf32, #tpu.memory_space<vmem>> -> memref<512xf32, #tpu.memory_space<vmem>>
    %dma_start3A_465 = tpu.memref_slice %arg6[%add3A_462] : memref<524288xf32, #tpu.memory_space<hbm>> -> memref<512xf32, #tpu.memory_space<hbm>>
    %dma_start3A_466 = tpu.memref_slice %arg6[%add3A_462] : memref<524288xf32, #tpu.memory_space<hbm>> -> memref<512xf32, #tpu.memory_space<hbm>>
    %dma_start3A_467 = arith.constant 1536 : i32
    %dma_start3A_468 = tpu.memref_slice %arg15[%dma_start3A_467] : memref<16384xf32, #tpu.memory_space<vmem>> -> memref<512xf32, #tpu.memory_space<vmem>>
    tpu.enqueue_dma source(%dma_start3A_468 : memref<512xf32, #tpu.memory_space<vmem>>) target(%dma_start3A_466 : memref<512xf32, #tpu.memory_space<hbm>>) target_semaphore(%arg18 : memref<!tpu.dma_semaphore, #tpu.memory_space<semaphore_mem>>)
    %add3A_469 = arith.constant 49152 : i32
    %add3A_470 = arith.addi %add3A_469, %mul3A_2 : i32
    %dma_start3A_471 = arith.constant 1536 : i32
    %dma_start3A_472 = tpu.memref_slice %arg16[%dma_start3A_471] : memref<16384xf32, #tpu.memory_space<vmem>> -> memref<512xf32, #tpu.memory_space<vmem>>
    %dma_start3A_473 = tpu.memref_slice %arg7[%add3A_470] : memref<524288xf32, #tpu.memory_space<hbm>> -> memref<512xf32, #tpu.memory_space<hbm>>
    %dma_start3A_474 = tpu.memref_slice %arg7[%add3A_470] : memref<524288xf32, #tpu.memory_space<hbm>> -> memref<512xf32, #tpu.memory_space<hbm>>
    %dma_start3A_475 = arith.constant 1536 : i32
    %dma_start3A_476 = tpu.memref_slice %arg16[%dma_start3A_475] : memref<16384xf32, #tpu.memory_space<vmem>> -> memref<512xf32, #tpu.memory_space<vmem>>
    tpu.enqueue_dma source(%dma_start3A_476 : memref<512xf32, #tpu.memory_space<vmem>>) target(%dma_start3A_474 : memref<512xf32, #tpu.memory_space<hbm>>) target_semaphore(%arg18 : memref<!tpu.dma_semaphore, #tpu.memory_space<semaphore_mem>>)
    %add3A_477 = arith.constant 65536 : i32
    %add3A_478 = arith.addi %add3A_477, %mul3A_2 : i32
    %dma_start3A_479 = arith.constant 2048 : i32
    %dma_start3A_480 = tpu.memref_slice %arg15[%dma_start3A_479] : memref<16384xf32, #tpu.memory_space<vmem>> -> memref<512xf32, #tpu.memory_space<vmem>>
    %dma_start3A_481 = tpu.memref_slice %arg6[%add3A_478] : memref<524288xf32, #tpu.memory_space<hbm>> -> memref<512xf32, #tpu.memory_space<hbm>>
    %dma_start3A_482 = tpu.memref_slice %arg6[%add3A_478] : memref<524288xf32, #tpu.memory_space<hbm>> -> memref<512xf32, #tpu.memory_space<hbm>>
    %dma_start3A_483 = arith.constant 2048 : i32
    %dma_start3A_484 = tpu.memref_slice %arg15[%dma_start3A_483] : memref<16384xf32, #tpu.memory_space<vmem>> -> memref<512xf32, #tpu.memory_space<vmem>>
    tpu.enqueue_dma source(%dma_start3A_484 : memref<512xf32, #tpu.memory_space<vmem>>) target(%dma_start3A_482 : memref<512xf32, #tpu.memory_space<hbm>>) target_semaphore(%arg18 : memref<!tpu.dma_semaphore, #tpu.memory_space<semaphore_mem>>)
    %add3A_485 = arith.constant 65536 : i32
    %add3A_486 = arith.addi %add3A_485, %mul3A_2 : i32
    %dma_start3A_487 = arith.constant 2048 : i32
    %dma_start3A_488 = tpu.memref_slice %arg16[%dma_start3A_487] : memref<16384xf32, #tpu.memory_space<vmem>> -> memref<512xf32, #tpu.memory_space<vmem>>
    %dma_start3A_489 = tpu.memref_slice %arg7[%add3A_486] : memref<524288xf32, #tpu.memory_space<hbm>> -> memref<512xf32, #tpu.memory_space<hbm>>
    %dma_start3A_490 = tpu.memref_slice %arg7[%add3A_486] : memref<524288xf32, #tpu.memory_space<hbm>> -> memref<512xf32, #tpu.memory_space<hbm>>
    %dma_start3A_491 = arith.constant 2048 : i32
    %dma_start3A_492 = tpu.memref_slice %arg16[%dma_start3A_491] : memref<16384xf32, #tpu.memory_space<vmem>> -> memref<512xf32, #tpu.memory_space<vmem>>
    tpu.enqueue_dma source(%dma_start3A_492 : memref<512xf32, #tpu.memory_space<vmem>>) target(%dma_start3A_490 : memref<512xf32, #tpu.memory_space<hbm>>) target_semaphore(%arg18 : memref<!tpu.dma_semaphore, #tpu.memory_space<semaphore_mem>>)
    %add3A_493 = arith.constant 81920 : i32
    %add3A_494 = arith.addi %add3A_493, %mul3A_2 : i32
    %dma_start3A_495 = arith.constant 2560 : i32
    %dma_start3A_496 = tpu.memref_slice %arg15[%dma_start3A_495] : memref<16384xf32, #tpu.memory_space<vmem>> -> memref<512xf32, #tpu.memory_space<vmem>>
    %dma_start3A_497 = tpu.memref_slice %arg6[%add3A_494] : memref<524288xf32, #tpu.memory_space<hbm>> -> memref<512xf32, #tpu.memory_space<hbm>>
    %dma_start3A_498 = tpu.memref_slice %arg6[%add3A_494] : memref<524288xf32, #tpu.memory_space<hbm>> -> memref<512xf32, #tpu.memory_space<hbm>>
    %dma_start3A_499 = arith.constant 2560 : i32
    %dma_start3A_500 = tpu.memref_slice %arg15[%dma_start3A_499] : memref<16384xf32, #tpu.memory_space<vmem>> -> memref<512xf32, #tpu.memory_space<vmem>>
    tpu.enqueue_dma source(%dma_start3A_500 : memref<512xf32, #tpu.memory_space<vmem>>) target(%dma_start3A_498 : memref<512xf32, #tpu.memory_space<hbm>>) target_semaphore(%arg18 : memref<!tpu.dma_semaphore, #tpu.memory_space<semaphore_mem>>)
    %add3A_501 = arith.constant 81920 : i32
    %add3A_502 = arith.addi %add3A_501, %mul3A_2 : i32
    %dma_start3A_503 = arith.constant 2560 : i32
    %dma_start3A_504 = tpu.memref_slice %arg16[%dma_start3A_503] : memref<16384xf32, #tpu.memory_space<vmem>> -> memref<512xf32, #tpu.memory_space<vmem>>
    %dma_start3A_505 = tpu.memref_slice %arg7[%add3A_502] : memref<524288xf32, #tpu.memory_space<hbm>> -> memref<512xf32, #tpu.memory_space<hbm>>
    %dma_start3A_506 = tpu.memref_slice %arg7[%add3A_502] : memref<524288xf32, #tpu.memory_space<hbm>> -> memref<512xf32, #tpu.memory_space<hbm>>
    %dma_start3A_507 = arith.constant 2560 : i32
    %dma_start3A_508 = tpu.memref_slice %arg16[%dma_start3A_507] : memref<16384xf32, #tpu.memory_space<vmem>> -> memref<512xf32, #tpu.memory_space<vmem>>
    tpu.enqueue_dma source(%dma_start3A_508 : memref<512xf32, #tpu.memory_space<vmem>>) target(%dma_start3A_506 : memref<512xf32, #tpu.memory_space<hbm>>) target_semaphore(%arg18 : memref<!tpu.dma_semaphore, #tpu.memory_space<semaphore_mem>>)
    %add3A_509 = arith.constant 98304 : i32
    %add3A_510 = arith.addi %add3A_509, %mul3A_2 : i32
    %dma_start3A_511 = arith.constant 3072 : i32
    %dma_start3A_512 = tpu.memref_slice %arg15[%dma_start3A_511] : memref<16384xf32, #tpu.memory_space<vmem>> -> memref<512xf32, #tpu.memory_space<vmem>>
    %dma_start3A_513 = tpu.memref_slice %arg6[%add3A_510] : memref<524288xf32, #tpu.memory_space<hbm>> -> memref<512xf32, #tpu.memory_space<hbm>>
    %dma_start3A_514 = tpu.memref_slice %arg6[%add3A_510] : memref<524288xf32, #tpu.memory_space<hbm>> -> memref<512xf32, #tpu.memory_space<hbm>>
    %dma_start3A_515 = arith.constant 3072 : i32
    %dma_start3A_516 = tpu.memref_slice %arg15[%dma_start3A_515] : memref<16384xf32, #tpu.memory_space<vmem>> -> memref<512xf32, #tpu.memory_space<vmem>>
    tpu.enqueue_dma source(%dma_start3A_516 : memref<512xf32, #tpu.memory_space<vmem>>) target(%dma_start3A_514 : memref<512xf32, #tpu.memory_space<hbm>>) target_semaphore(%arg18 : memref<!tpu.dma_semaphore, #tpu.memory_space<semaphore_mem>>)
    %add3A_517 = arith.constant 98304 : i32
    %add3A_518 = arith.addi %add3A_517, %mul3A_2 : i32
    %dma_start3A_519 = arith.constant 3072 : i32
    %dma_start3A_520 = tpu.memref_slice %arg16[%dma_start3A_519] : memref<16384xf32, #tpu.memory_space<vmem>> -> memref<512xf32, #tpu.memory_space<vmem>>
    %dma_start3A_521 = tpu.memref_slice %arg7[%add3A_518] : memref<524288xf32, #tpu.memory_space<hbm>> -> memref<512xf32, #tpu.memory_space<hbm>>
    %dma_start3A_522 = tpu.memref_slice %arg7[%add3A_518] : memref<524288xf32, #tpu.memory_space<hbm>> -> memref<512xf32, #tpu.memory_space<hbm>>
    %dma_start3A_523 = arith.constant 3072 : i32
    %dma_start3A_524 = tpu.memref_slice %arg16[%dma_start3A_523] : memref<16384xf32, #tpu.memory_space<vmem>> -> memref<512xf32, #tpu.memory_space<vmem>>
    tpu.enqueue_dma source(%dma_start3A_524 : memref<512xf32, #tpu.memory_space<vmem>>) target(%dma_start3A_522 : memref<512xf32, #tpu.memory_space<hbm>>) target_semaphore(%arg18 : memref<!tpu.dma_semaphore, #tpu.memory_space<semaphore_mem>>)
    %add3A_525 = arith.constant 114688 : i32
    %add3A_526 = arith.addi %add3A_525, %mul3A_2 : i32
    %dma_start3A_527 = arith.constant 3584 : i32
    %dma_start3A_528 = tpu.memref_slice %arg15[%dma_start3A_527] : memref<16384xf32, #tpu.memory_space<vmem>> -> memref<512xf32, #tpu.memory_space<vmem>>
    %dma_start3A_529 = tpu.memref_slice %arg6[%add3A_526] : memref<524288xf32, #tpu.memory_space<hbm>> -> memref<512xf32, #tpu.memory_space<hbm>>
    %dma_start3A_530 = tpu.memref_slice %arg6[%add3A_526] : memref<524288xf32, #tpu.memory_space<hbm>> -> memref<512xf32, #tpu.memory_space<hbm>>
    %dma_start3A_531 = arith.constant 3584 : i32
    %dma_start3A_532 = tpu.memref_slice %arg15[%dma_start3A_531] : memref<16384xf32, #tpu.memory_space<vmem>> -> memref<512xf32, #tpu.memory_space<vmem>>
    tpu.enqueue_dma source(%dma_start3A_532 : memref<512xf32, #tpu.memory_space<vmem>>) target(%dma_start3A_530 : memref<512xf32, #tpu.memory_space<hbm>>) target_semaphore(%arg18 : memref<!tpu.dma_semaphore, #tpu.memory_space<semaphore_mem>>)
    %add3A_533 = arith.constant 114688 : i32
    %add3A_534 = arith.addi %add3A_533, %mul3A_2 : i32
    %dma_start3A_535 = arith.constant 3584 : i32
    %dma_start3A_536 = tpu.memref_slice %arg16[%dma_start3A_535] : memref<16384xf32, #tpu.memory_space<vmem>> -> memref<512xf32, #tpu.memory_space<vmem>>
    %dma_start3A_537 = tpu.memref_slice %arg7[%add3A_534] : memref<524288xf32, #tpu.memory_space<hbm>> -> memref<512xf32, #tpu.memory_space<hbm>>
    %dma_start3A_538 = tpu.memref_slice %arg7[%add3A_534] : memref<524288xf32, #tpu.memory_space<hbm>> -> memref<512xf32, #tpu.memory_space<hbm>>
    %dma_start3A_539 = arith.constant 3584 : i32
    %dma_start3A_540 = tpu.memref_slice %arg16[%dma_start3A_539] : memref<16384xf32, #tpu.memory_space<vmem>> -> memref<512xf32, #tpu.memory_space<vmem>>
    tpu.enqueue_dma source(%dma_start3A_540 : memref<512xf32, #tpu.memory_space<vmem>>) target(%dma_start3A_538 : memref<512xf32, #tpu.memory_space<hbm>>) target_semaphore(%arg18 : memref<!tpu.dma_semaphore, #tpu.memory_space<semaphore_mem>>)
    %add3A_541 = arith.constant 131072 : i32
    %add3A_542 = arith.addi %add3A_541, %mul3A_2 : i32
    %dma_start3A_543 = arith.constant 4096 : i32
    %dma_start3A_544 = tpu.memref_slice %arg15[%dma_start3A_543] : memref<16384xf32, #tpu.memory_space<vmem>> -> memref<512xf32, #tpu.memory_space<vmem>>
    %dma_start3A_545 = tpu.memref_slice %arg6[%add3A_542] : memref<524288xf32, #tpu.memory_space<hbm>> -> memref<512xf32, #tpu.memory_space<hbm>>
    %dma_start3A_546 = tpu.memref_slice %arg6[%add3A_542] : memref<524288xf32, #tpu.memory_space<hbm>> -> memref<512xf32, #tpu.memory_space<hbm>>
    %dma_start3A_547 = arith.constant 4096 : i32
    %dma_start3A_548 = tpu.memref_slice %arg15[%dma_start3A_547] : memref<16384xf32, #tpu.memory_space<vmem>> -> memref<512xf32, #tpu.memory_space<vmem>>
    tpu.enqueue_dma source(%dma_start3A_548 : memref<512xf32, #tpu.memory_space<vmem>>) target(%dma_start3A_546 : memref<512xf32, #tpu.memory_space<hbm>>) target_semaphore(%arg18 : memref<!tpu.dma_semaphore, #tpu.memory_space<semaphore_mem>>)
    %add3A_549 = arith.constant 131072 : i32
    %add3A_550 = arith.addi %add3A_549, %mul3A_2 : i32
    %dma_start3A_551 = arith.constant 4096 : i32
    %dma_start3A_552 = tpu.memref_slice %arg16[%dma_start3A_551] : memref<16384xf32, #tpu.memory_space<vmem>> -> memref<512xf32, #tpu.memory_space<vmem>>
    %dma_start3A_553 = tpu.memref_slice %arg7[%add3A_550] : memref<524288xf32, #tpu.memory_space<hbm>> -> memref<512xf32, #tpu.memory_space<hbm>>
    %dma_start3A_554 = tpu.memref_slice %arg7[%add3A_550] : memref<524288xf32, #tpu.memory_space<hbm>> -> memref<512xf32, #tpu.memory_space<hbm>>
    %dma_start3A_555 = arith.constant 4096 : i32
    %dma_start3A_556 = tpu.memref_slice %arg16[%dma_start3A_555] : memref<16384xf32, #tpu.memory_space<vmem>> -> memref<512xf32, #tpu.memory_space<vmem>>
    tpu.enqueue_dma source(%dma_start3A_556 : memref<512xf32, #tpu.memory_space<vmem>>) target(%dma_start3A_554 : memref<512xf32, #tpu.memory_space<hbm>>) target_semaphore(%arg18 : memref<!tpu.dma_semaphore, #tpu.memory_space<semaphore_mem>>)
    %add3A_557 = arith.constant 147456 : i32
    %add3A_558 = arith.addi %add3A_557, %mul3A_2 : i32
    %dma_start3A_559 = arith.constant 4608 : i32
    %dma_start3A_560 = tpu.memref_slice %arg15[%dma_start3A_559] : memref<16384xf32, #tpu.memory_space<vmem>> -> memref<512xf32, #tpu.memory_space<vmem>>
    %dma_start3A_561 = tpu.memref_slice %arg6[%add3A_558] : memref<524288xf32, #tpu.memory_space<hbm>> -> memref<512xf32, #tpu.memory_space<hbm>>
    %dma_start3A_562 = tpu.memref_slice %arg6[%add3A_558] : memref<524288xf32, #tpu.memory_space<hbm>> -> memref<512xf32, #tpu.memory_space<hbm>>
    %dma_start3A_563 = arith.constant 4608 : i32
    %dma_start3A_564 = tpu.memref_slice %arg15[%dma_start3A_563] : memref<16384xf32, #tpu.memory_space<vmem>> -> memref<512xf32, #tpu.memory_space<vmem>>
    tpu.enqueue_dma source(%dma_start3A_564 : memref<512xf32, #tpu.memory_space<vmem>>) target(%dma_start3A_562 : memref<512xf32, #tpu.memory_space<hbm>>) target_semaphore(%arg18 : memref<!tpu.dma_semaphore, #tpu.memory_space<semaphore_mem>>)
    %add3A_565 = arith.constant 147456 : i32
    %add3A_566 = arith.addi %add3A_565, %mul3A_2 : i32
    %dma_start3A_567 = arith.constant 4608 : i32
    %dma_start3A_568 = tpu.memref_slice %arg16[%dma_start3A_567] : memref<16384xf32, #tpu.memory_space<vmem>> -> memref<512xf32, #tpu.memory_space<vmem>>
    %dma_start3A_569 = tpu.memref_slice %arg7[%add3A_566] : memref<524288xf32, #tpu.memory_space<hbm>> -> memref<512xf32, #tpu.memory_space<hbm>>
    %dma_start3A_570 = tpu.memref_slice %arg7[%add3A_566] : memref<524288xf32, #tpu.memory_space<hbm>> -> memref<512xf32, #tpu.memory_space<hbm>>
    %dma_start3A_571 = arith.constant 4608 : i32
    %dma_start3A_572 = tpu.memref_slice %arg16[%dma_start3A_571] : memref<16384xf32, #tpu.memory_space<vmem>> -> memref<512xf32, #tpu.memory_space<vmem>>
    tpu.enqueue_dma source(%dma_start3A_572 : memref<512xf32, #tpu.memory_space<vmem>>) target(%dma_start3A_570 : memref<512xf32, #tpu.memory_space<hbm>>) target_semaphore(%arg18 : memref<!tpu.dma_semaphore, #tpu.memory_space<semaphore_mem>>)
    %add3A_573 = arith.constant 163840 : i32
    %add3A_574 = arith.addi %add3A_573, %mul3A_2 : i32
    %dma_start3A_575 = arith.constant 5120 : i32
    %dma_start3A_576 = tpu.memref_slice %arg15[%dma_start3A_575] : memref<16384xf32, #tpu.memory_space<vmem>> -> memref<512xf32, #tpu.memory_space<vmem>>
    %dma_start3A_577 = tpu.memref_slice %arg6[%add3A_574] : memref<524288xf32, #tpu.memory_space<hbm>> -> memref<512xf32, #tpu.memory_space<hbm>>
    %dma_start3A_578 = tpu.memref_slice %arg6[%add3A_574] : memref<524288xf32, #tpu.memory_space<hbm>> -> memref<512xf32, #tpu.memory_space<hbm>>
    %dma_start3A_579 = arith.constant 5120 : i32
    %dma_start3A_580 = tpu.memref_slice %arg15[%dma_start3A_579] : memref<16384xf32, #tpu.memory_space<vmem>> -> memref<512xf32, #tpu.memory_space<vmem>>
    tpu.enqueue_dma source(%dma_start3A_580 : memref<512xf32, #tpu.memory_space<vmem>>) target(%dma_start3A_578 : memref<512xf32, #tpu.memory_space<hbm>>) target_semaphore(%arg18 : memref<!tpu.dma_semaphore, #tpu.memory_space<semaphore_mem>>)
    %add3A_581 = arith.constant 163840 : i32
    %add3A_582 = arith.addi %add3A_581, %mul3A_2 : i32
    %dma_start3A_583 = arith.constant 5120 : i32
    %dma_start3A_584 = tpu.memref_slice %arg16[%dma_start3A_583] : memref<16384xf32, #tpu.memory_space<vmem>> -> memref<512xf32, #tpu.memory_space<vmem>>
    %dma_start3A_585 = tpu.memref_slice %arg7[%add3A_582] : memref<524288xf32, #tpu.memory_space<hbm>> -> memref<512xf32, #tpu.memory_space<hbm>>
    %dma_start3A_586 = tpu.memref_slice %arg7[%add3A_582] : memref<524288xf32, #tpu.memory_space<hbm>> -> memref<512xf32, #tpu.memory_space<hbm>>
    %dma_start3A_587 = arith.constant 5120 : i32
    %dma_start3A_588 = tpu.memref_slice %arg16[%dma_start3A_587] : memref<16384xf32, #tpu.memory_space<vmem>> -> memref<512xf32, #tpu.memory_space<vmem>>
    tpu.enqueue_dma source(%dma_start3A_588 : memref<512xf32, #tpu.memory_space<vmem>>) target(%dma_start3A_586 : memref<512xf32, #tpu.memory_space<hbm>>) target_semaphore(%arg18 : memref<!tpu.dma_semaphore, #tpu.memory_space<semaphore_mem>>)
    %add3A_589 = arith.constant 180224 : i32
    %add3A_590 = arith.addi %add3A_589, %mul3A_2 : i32
    %dma_start3A_591 = arith.constant 5632 : i32
    %dma_start3A_592 = tpu.memref_slice %arg15[%dma_start3A_591] : memref<16384xf32, #tpu.memory_space<vmem>> -> memref<512xf32, #tpu.memory_space<vmem>>
    %dma_start3A_593 = tpu.memref_slice %arg6[%add3A_590] : memref<524288xf32, #tpu.memory_space<hbm>> -> memref<512xf32, #tpu.memory_space<hbm>>
    %dma_start3A_594 = tpu.memref_slice %arg6[%add3A_590] : memref<524288xf32, #tpu.memory_space<hbm>> -> memref<512xf32, #tpu.memory_space<hbm>>
    %dma_start3A_595 = arith.constant 5632 : i32
    %dma_start3A_596 = tpu.memref_slice %arg15[%dma_start3A_595] : memref<16384xf32, #tpu.memory_space<vmem>> -> memref<512xf32, #tpu.memory_space<vmem>>
    tpu.enqueue_dma source(%dma_start3A_596 : memref<512xf32, #tpu.memory_space<vmem>>) target(%dma_start3A_594 : memref<512xf32, #tpu.memory_space<hbm>>) target_semaphore(%arg18 : memref<!tpu.dma_semaphore, #tpu.memory_space<semaphore_mem>>)
    %add3A_597 = arith.constant 180224 : i32
    %add3A_598 = arith.addi %add3A_597, %mul3A_2 : i32
    %dma_start3A_599 = arith.constant 5632 : i32
    %dma_start3A_600 = tpu.memref_slice %arg16[%dma_start3A_599] : memref<16384xf32, #tpu.memory_space<vmem>> -> memref<512xf32, #tpu.memory_space<vmem>>
    %dma_start3A_601 = tpu.memref_slice %arg7[%add3A_598] : memref<524288xf32, #tpu.memory_space<hbm>> -> memref<512xf32, #tpu.memory_space<hbm>>
    %dma_start3A_602 = tpu.memref_slice %arg7[%add3A_598] : memref<524288xf32, #tpu.memory_space<hbm>> -> memref<512xf32, #tpu.memory_space<hbm>>
    %dma_start3A_603 = arith.constant 5632 : i32
    %dma_start3A_604 = tpu.memref_slice %arg16[%dma_start3A_603] : memref<16384xf32, #tpu.memory_space<vmem>> -> memref<512xf32, #tpu.memory_space<vmem>>
    tpu.enqueue_dma source(%dma_start3A_604 : memref<512xf32, #tpu.memory_space<vmem>>) target(%dma_start3A_602 : memref<512xf32, #tpu.memory_space<hbm>>) target_semaphore(%arg18 : memref<!tpu.dma_semaphore, #tpu.memory_space<semaphore_mem>>)
    %add3A_605 = arith.constant 196608 : i32
    %add3A_606 = arith.addi %add3A_605, %mul3A_2 : i32
    %dma_start3A_607 = arith.constant 6144 : i32
    %dma_start3A_608 = tpu.memref_slice %arg15[%dma_start3A_607] : memref<16384xf32, #tpu.memory_space<vmem>> -> memref<512xf32, #tpu.memory_space<vmem>>
    %dma_start3A_609 = tpu.memref_slice %arg6[%add3A_606] : memref<524288xf32, #tpu.memory_space<hbm>> -> memref<512xf32, #tpu.memory_space<hbm>>
    %dma_start3A_610 = tpu.memref_slice %arg6[%add3A_606] : memref<524288xf32, #tpu.memory_space<hbm>> -> memref<512xf32, #tpu.memory_space<hbm>>
    %dma_start3A_611 = arith.constant 6144 : i32
    %dma_start3A_612 = tpu.memref_slice %arg15[%dma_start3A_611] : memref<16384xf32, #tpu.memory_space<vmem>> -> memref<512xf32, #tpu.memory_space<vmem>>
    tpu.enqueue_dma source(%dma_start3A_612 : memref<512xf32, #tpu.memory_space<vmem>>) target(%dma_start3A_610 : memref<512xf32, #tpu.memory_space<hbm>>) target_semaphore(%arg18 : memref<!tpu.dma_semaphore, #tpu.memory_space<semaphore_mem>>)
    %add3A_613 = arith.constant 196608 : i32
    %add3A_614 = arith.addi %add3A_613, %mul3A_2 : i32
    %dma_start3A_615 = arith.constant 6144 : i32
    %dma_start3A_616 = tpu.memref_slice %arg16[%dma_start3A_615] : memref<16384xf32, #tpu.memory_space<vmem>> -> memref<512xf32, #tpu.memory_space<vmem>>
    %dma_start3A_617 = tpu.memref_slice %arg7[%add3A_614] : memref<524288xf32, #tpu.memory_space<hbm>> -> memref<512xf32, #tpu.memory_space<hbm>>
    %dma_start3A_618 = tpu.memref_slice %arg7[%add3A_614] : memref<524288xf32, #tpu.memory_space<hbm>> -> memref<512xf32, #tpu.memory_space<hbm>>
    %dma_start3A_619 = arith.constant 6144 : i32
    %dma_start3A_620 = tpu.memref_slice %arg16[%dma_start3A_619] : memref<16384xf32, #tpu.memory_space<vmem>> -> memref<512xf32, #tpu.memory_space<vmem>>
    tpu.enqueue_dma source(%dma_start3A_620 : memref<512xf32, #tpu.memory_space<vmem>>) target(%dma_start3A_618 : memref<512xf32, #tpu.memory_space<hbm>>) target_semaphore(%arg18 : memref<!tpu.dma_semaphore, #tpu.memory_space<semaphore_mem>>)
    %add3A_621 = arith.constant 212992 : i32
    %add3A_622 = arith.addi %add3A_621, %mul3A_2 : i32
    %dma_start3A_623 = arith.constant 6656 : i32
    %dma_start3A_624 = tpu.memref_slice %arg15[%dma_start3A_623] : memref<16384xf32, #tpu.memory_space<vmem>> -> memref<512xf32, #tpu.memory_space<vmem>>
    %dma_start3A_625 = tpu.memref_slice %arg6[%add3A_622] : memref<524288xf32, #tpu.memory_space<hbm>> -> memref<512xf32, #tpu.memory_space<hbm>>
    %dma_start3A_626 = tpu.memref_slice %arg6[%add3A_622] : memref<524288xf32, #tpu.memory_space<hbm>> -> memref<512xf32, #tpu.memory_space<hbm>>
    %dma_start3A_627 = arith.constant 6656 : i32
    %dma_start3A_628 = tpu.memref_slice %arg15[%dma_start3A_627] : memref<16384xf32, #tpu.memory_space<vmem>> -> memref<512xf32, #tpu.memory_space<vmem>>
    tpu.enqueue_dma source(%dma_start3A_628 : memref<512xf32, #tpu.memory_space<vmem>>) target(%dma_start3A_626 : memref<512xf32, #tpu.memory_space<hbm>>) target_semaphore(%arg18 : memref<!tpu.dma_semaphore, #tpu.memory_space<semaphore_mem>>)
    %add3A_629 = arith.constant 212992 : i32
    %add3A_630 = arith.addi %add3A_629, %mul3A_2 : i32
    %dma_start3A_631 = arith.constant 6656 : i32
    %dma_start3A_632 = tpu.memref_slice %arg16[%dma_start3A_631] : memref<16384xf32, #tpu.memory_space<vmem>> -> memref<512xf32, #tpu.memory_space<vmem>>
    %dma_start3A_633 = tpu.memref_slice %arg7[%add3A_630] : memref<524288xf32, #tpu.memory_space<hbm>> -> memref<512xf32, #tpu.memory_space<hbm>>
    %dma_start3A_634 = tpu.memref_slice %arg7[%add3A_630] : memref<524288xf32, #tpu.memory_space<hbm>> -> memref<512xf32, #tpu.memory_space<hbm>>
    %dma_start3A_635 = arith.constant 6656 : i32
    %dma_start3A_636 = tpu.memref_slice %arg16[%dma_start3A_635] : memref<16384xf32, #tpu.memory_space<vmem>> -> memref<512xf32, #tpu.memory_space<vmem>>
    tpu.enqueue_dma source(%dma_start3A_636 : memref<512xf32, #tpu.memory_space<vmem>>) target(%dma_start3A_634 : memref<512xf32, #tpu.memory_space<hbm>>) target_semaphore(%arg18 : memref<!tpu.dma_semaphore, #tpu.memory_space<semaphore_mem>>)
    %add3A_637 = arith.constant 229376 : i32
    %add3A_638 = arith.addi %add3A_637, %mul3A_2 : i32
    %dma_start3A_639 = arith.constant 7168 : i32
    %dma_start3A_640 = tpu.memref_slice %arg15[%dma_start3A_639] : memref<16384xf32, #tpu.memory_space<vmem>> -> memref<512xf32, #tpu.memory_space<vmem>>
    %dma_start3A_641 = tpu.memref_slice %arg6[%add3A_638] : memref<524288xf32, #tpu.memory_space<hbm>> -> memref<512xf32, #tpu.memory_space<hbm>>
    %dma_start3A_642 = tpu.memref_slice %arg6[%add3A_638] : memref<524288xf32, #tpu.memory_space<hbm>> -> memref<512xf32, #tpu.memory_space<hbm>>
    %dma_start3A_643 = arith.constant 7168 : i32
    %dma_start3A_644 = tpu.memref_slice %arg15[%dma_start3A_643] : memref<16384xf32, #tpu.memory_space<vmem>> -> memref<512xf32, #tpu.memory_space<vmem>>
    tpu.enqueue_dma source(%dma_start3A_644 : memref<512xf32, #tpu.memory_space<vmem>>) target(%dma_start3A_642 : memref<512xf32, #tpu.memory_space<hbm>>) target_semaphore(%arg18 : memref<!tpu.dma_semaphore, #tpu.memory_space<semaphore_mem>>)
    %add3A_645 = arith.constant 229376 : i32
    %add3A_646 = arith.addi %add3A_645, %mul3A_2 : i32
    %dma_start3A_647 = arith.constant 7168 : i32
    %dma_start3A_648 = tpu.memref_slice %arg16[%dma_start3A_647] : memref<16384xf32, #tpu.memory_space<vmem>> -> memref<512xf32, #tpu.memory_space<vmem>>
    %dma_start3A_649 = tpu.memref_slice %arg7[%add3A_646] : memref<524288xf32, #tpu.memory_space<hbm>> -> memref<512xf32, #tpu.memory_space<hbm>>
    %dma_start3A_650 = tpu.memref_slice %arg7[%add3A_646] : memref<524288xf32, #tpu.memory_space<hbm>> -> memref<512xf32, #tpu.memory_space<hbm>>
    %dma_start3A_651 = arith.constant 7168 : i32
    %dma_start3A_652 = tpu.memref_slice %arg16[%dma_start3A_651] : memref<16384xf32, #tpu.memory_space<vmem>> -> memref<512xf32, #tpu.memory_space<vmem>>
    tpu.enqueue_dma source(%dma_start3A_652 : memref<512xf32, #tpu.memory_space<vmem>>) target(%dma_start3A_650 : memref<512xf32, #tpu.memory_space<hbm>>) target_semaphore(%arg18 : memref<!tpu.dma_semaphore, #tpu.memory_space<semaphore_mem>>)
    %add3A_653 = arith.constant 245760 : i32
    %add3A_654 = arith.addi %add3A_653, %mul3A_2 : i32
    %dma_start3A_655 = arith.constant 7680 : i32
    %dma_start3A_656 = tpu.memref_slice %arg15[%dma_start3A_655] : memref<16384xf32, #tpu.memory_space<vmem>> -> memref<512xf32, #tpu.memory_space<vmem>>
    %dma_start3A_657 = tpu.memref_slice %arg6[%add3A_654] : memref<524288xf32, #tpu.memory_space<hbm>> -> memref<512xf32, #tpu.memory_space<hbm>>
    %dma_start3A_658 = tpu.memref_slice %arg6[%add3A_654] : memref<524288xf32, #tpu.memory_space<hbm>> -> memref<512xf32, #tpu.memory_space<hbm>>
    %dma_start3A_659 = arith.constant 7680 : i32
    %dma_start3A_660 = tpu.memref_slice %arg15[%dma_start3A_659] : memref<16384xf32, #tpu.memory_space<vmem>> -> memref<512xf32, #tpu.memory_space<vmem>>
    tpu.enqueue_dma source(%dma_start3A_660 : memref<512xf32, #tpu.memory_space<vmem>>) target(%dma_start3A_658 : memref<512xf32, #tpu.memory_space<hbm>>) target_semaphore(%arg18 : memref<!tpu.dma_semaphore, #tpu.memory_space<semaphore_mem>>)
    %add3A_661 = arith.constant 245760 : i32
    %add3A_662 = arith.addi %add3A_661, %mul3A_2 : i32
    %dma_start3A_663 = arith.constant 7680 : i32
    %dma_start3A_664 = tpu.memref_slice %arg16[%dma_start3A_663] : memref<16384xf32, #tpu.memory_space<vmem>> -> memref<512xf32, #tpu.memory_space<vmem>>
    %dma_start3A_665 = tpu.memref_slice %arg7[%add3A_662] : memref<524288xf32, #tpu.memory_space<hbm>> -> memref<512xf32, #tpu.memory_space<hbm>>
    %dma_start3A_666 = tpu.memref_slice %arg7[%add3A_662] : memref<524288xf32, #tpu.memory_space<hbm>> -> memref<512xf32, #tpu.memory_space<hbm>>
    %dma_start3A_667 = arith.constant 7680 : i32
    %dma_start3A_668 = tpu.memref_slice %arg16[%dma_start3A_667] : memref<16384xf32, #tpu.memory_space<vmem>> -> memref<512xf32, #tpu.memory_space<vmem>>
    tpu.enqueue_dma source(%dma_start3A_668 : memref<512xf32, #tpu.memory_space<vmem>>) target(%dma_start3A_666 : memref<512xf32, #tpu.memory_space<hbm>>) target_semaphore(%arg18 : memref<!tpu.dma_semaphore, #tpu.memory_space<semaphore_mem>>)
    %add3A_669 = arith.constant 262144 : i32
    %add3A_670 = arith.addi %add3A_669, %mul3A_2 : i32
    %dma_start3A_671 = arith.constant 8192 : i32
    %dma_start3A_672 = tpu.memref_slice %arg15[%dma_start3A_671] : memref<16384xf32, #tpu.memory_space<vmem>> -> memref<512xf32, #tpu.memory_space<vmem>>
    %dma_start3A_673 = tpu.memref_slice %arg6[%add3A_670] : memref<524288xf32, #tpu.memory_space<hbm>> -> memref<512xf32, #tpu.memory_space<hbm>>
    %dma_start3A_674 = tpu.memref_slice %arg6[%add3A_670] : memref<524288xf32, #tpu.memory_space<hbm>> -> memref<512xf32, #tpu.memory_space<hbm>>
    %dma_start3A_675 = arith.constant 8192 : i32
    %dma_start3A_676 = tpu.memref_slice %arg15[%dma_start3A_675] : memref<16384xf32, #tpu.memory_space<vmem>> -> memref<512xf32, #tpu.memory_space<vmem>>
    tpu.enqueue_dma source(%dma_start3A_676 : memref<512xf32, #tpu.memory_space<vmem>>) target(%dma_start3A_674 : memref<512xf32, #tpu.memory_space<hbm>>) target_semaphore(%arg18 : memref<!tpu.dma_semaphore, #tpu.memory_space<semaphore_mem>>)
    %add3A_677 = arith.constant 262144 : i32
    %add3A_678 = arith.addi %add3A_677, %mul3A_2 : i32
    %dma_start3A_679 = arith.constant 8192 : i32
    %dma_start3A_680 = tpu.memref_slice %arg16[%dma_start3A_679] : memref<16384xf32, #tpu.memory_space<vmem>> -> memref<512xf32, #tpu.memory_space<vmem>>
    %dma_start3A_681 = tpu.memref_slice %arg7[%add3A_678] : memref<524288xf32, #tpu.memory_space<hbm>> -> memref<512xf32, #tpu.memory_space<hbm>>
    %dma_start3A_682 = tpu.memref_slice %arg7[%add3A_678] : memref<524288xf32, #tpu.memory_space<hbm>> -> memref<512xf32, #tpu.memory_space<hbm>>
    %dma_start3A_683 = arith.constant 8192 : i32
    %dma_start3A_684 = tpu.memref_slice %arg16[%dma_start3A_683] : memref<16384xf32, #tpu.memory_space<vmem>> -> memref<512xf32, #tpu.memory_space<vmem>>
    tpu.enqueue_dma source(%dma_start3A_684 : memref<512xf32, #tpu.memory_space<vmem>>) target(%dma_start3A_682 : memref<512xf32, #tpu.memory_space<hbm>>) target_semaphore(%arg18 : memref<!tpu.dma_semaphore, #tpu.memory_space<semaphore_mem>>)
    %add3A_685 = arith.constant 278528 : i32
    %add3A_686 = arith.addi %add3A_685, %mul3A_2 : i32
    %dma_start3A_687 = arith.constant 8704 : i32
    %dma_start3A_688 = tpu.memref_slice %arg15[%dma_start3A_687] : memref<16384xf32, #tpu.memory_space<vmem>> -> memref<512xf32, #tpu.memory_space<vmem>>
    %dma_start3A_689 = tpu.memref_slice %arg6[%add3A_686] : memref<524288xf32, #tpu.memory_space<hbm>> -> memref<512xf32, #tpu.memory_space<hbm>>
    %dma_start3A_690 = tpu.memref_slice %arg6[%add3A_686] : memref<524288xf32, #tpu.memory_space<hbm>> -> memref<512xf32, #tpu.memory_space<hbm>>
    %dma_start3A_691 = arith.constant 8704 : i32
    %dma_start3A_692 = tpu.memref_slice %arg15[%dma_start3A_691] : memref<16384xf32, #tpu.memory_space<vmem>> -> memref<512xf32, #tpu.memory_space<vmem>>
    tpu.enqueue_dma source(%dma_start3A_692 : memref<512xf32, #tpu.memory_space<vmem>>) target(%dma_start3A_690 : memref<512xf32, #tpu.memory_space<hbm>>) target_semaphore(%arg18 : memref<!tpu.dma_semaphore, #tpu.memory_space<semaphore_mem>>)
    %add3A_693 = arith.constant 278528 : i32
    %add3A_694 = arith.addi %add3A_693, %mul3A_2 : i32
    %dma_start3A_695 = arith.constant 8704 : i32
    %dma_start3A_696 = tpu.memref_slice %arg16[%dma_start3A_695] : memref<16384xf32, #tpu.memory_space<vmem>> -> memref<512xf32, #tpu.memory_space<vmem>>
    %dma_start3A_697 = tpu.memref_slice %arg7[%add3A_694] : memref<524288xf32, #tpu.memory_space<hbm>> -> memref<512xf32, #tpu.memory_space<hbm>>
    %dma_start3A_698 = tpu.memref_slice %arg7[%add3A_694] : memref<524288xf32, #tpu.memory_space<hbm>> -> memref<512xf32, #tpu.memory_space<hbm>>
    %dma_start3A_699 = arith.constant 8704 : i32
    %dma_start3A_700 = tpu.memref_slice %arg16[%dma_start3A_699] : memref<16384xf32, #tpu.memory_space<vmem>> -> memref<512xf32, #tpu.memory_space<vmem>>
    tpu.enqueue_dma source(%dma_start3A_700 : memref<512xf32, #tpu.memory_space<vmem>>) target(%dma_start3A_698 : memref<512xf32, #tpu.memory_space<hbm>>) target_semaphore(%arg18 : memref<!tpu.dma_semaphore, #tpu.memory_space<semaphore_mem>>)
    %add3A_701 = arith.constant 294912 : i32
    %add3A_702 = arith.addi %add3A_701, %mul3A_2 : i32
    %dma_start3A_703 = arith.constant 9216 : i32
    %dma_start3A_704 = tpu.memref_slice %arg15[%dma_start3A_703] : memref<16384xf32, #tpu.memory_space<vmem>> -> memref<512xf32, #tpu.memory_space<vmem>>
    %dma_start3A_705 = tpu.memref_slice %arg6[%add3A_702] : memref<524288xf32, #tpu.memory_space<hbm>> -> memref<512xf32, #tpu.memory_space<hbm>>
    %dma_start3A_706 = tpu.memref_slice %arg6[%add3A_702] : memref<524288xf32, #tpu.memory_space<hbm>> -> memref<512xf32, #tpu.memory_space<hbm>>
    %dma_start3A_707 = arith.constant 9216 : i32
    %dma_start3A_708 = tpu.memref_slice %arg15[%dma_start3A_707] : memref<16384xf32, #tpu.memory_space<vmem>> -> memref<512xf32, #tpu.memory_space<vmem>>
    tpu.enqueue_dma source(%dma_start3A_708 : memref<512xf32, #tpu.memory_space<vmem>>) target(%dma_start3A_706 : memref<512xf32, #tpu.memory_space<hbm>>) target_semaphore(%arg18 : memref<!tpu.dma_semaphore, #tpu.memory_space<semaphore_mem>>)
    %add3A_709 = arith.constant 294912 : i32
    %add3A_710 = arith.addi %add3A_709, %mul3A_2 : i32
    %dma_start3A_711 = arith.constant 9216 : i32
    %dma_start3A_712 = tpu.memref_slice %arg16[%dma_start3A_711] : memref<16384xf32, #tpu.memory_space<vmem>> -> memref<512xf32, #tpu.memory_space<vmem>>
    %dma_start3A_713 = tpu.memref_slice %arg7[%add3A_710] : memref<524288xf32, #tpu.memory_space<hbm>> -> memref<512xf32, #tpu.memory_space<hbm>>
    %dma_start3A_714 = tpu.memref_slice %arg7[%add3A_710] : memref<524288xf32, #tpu.memory_space<hbm>> -> memref<512xf32, #tpu.memory_space<hbm>>
    %dma_start3A_715 = arith.constant 9216 : i32
    %dma_start3A_716 = tpu.memref_slice %arg16[%dma_start3A_715] : memref<16384xf32, #tpu.memory_space<vmem>> -> memref<512xf32, #tpu.memory_space<vmem>>
    tpu.enqueue_dma source(%dma_start3A_716 : memref<512xf32, #tpu.memory_space<vmem>>) target(%dma_start3A_714 : memref<512xf32, #tpu.memory_space<hbm>>) target_semaphore(%arg18 : memref<!tpu.dma_semaphore, #tpu.memory_space<semaphore_mem>>)
    %add3A_717 = arith.constant 311296 : i32
    %add3A_718 = arith.addi %add3A_717, %mul3A_2 : i32
    %dma_start3A_719 = arith.constant 9728 : i32
    %dma_start3A_720 = tpu.memref_slice %arg15[%dma_start3A_719] : memref<16384xf32, #tpu.memory_space<vmem>> -> memref<512xf32, #tpu.memory_space<vmem>>
    %dma_start3A_721 = tpu.memref_slice %arg6[%add3A_718] : memref<524288xf32, #tpu.memory_space<hbm>> -> memref<512xf32, #tpu.memory_space<hbm>>
    %dma_start3A_722 = tpu.memref_slice %arg6[%add3A_718] : memref<524288xf32, #tpu.memory_space<hbm>> -> memref<512xf32, #tpu.memory_space<hbm>>
    %dma_start3A_723 = arith.constant 9728 : i32
    %dma_start3A_724 = tpu.memref_slice %arg15[%dma_start3A_723] : memref<16384xf32, #tpu.memory_space<vmem>> -> memref<512xf32, #tpu.memory_space<vmem>>
    tpu.enqueue_dma source(%dma_start3A_724 : memref<512xf32, #tpu.memory_space<vmem>>) target(%dma_start3A_722 : memref<512xf32, #tpu.memory_space<hbm>>) target_semaphore(%arg18 : memref<!tpu.dma_semaphore, #tpu.memory_space<semaphore_mem>>)
    %add3A_725 = arith.constant 311296 : i32
    %add3A_726 = arith.addi %add3A_725, %mul3A_2 : i32
    %dma_start3A_727 = arith.constant 9728 : i32
    %dma_start3A_728 = tpu.memref_slice %arg16[%dma_start3A_727] : memref<16384xf32, #tpu.memory_space<vmem>> -> memref<512xf32, #tpu.memory_space<vmem>>
    %dma_start3A_729 = tpu.memref_slice %arg7[%add3A_726] : memref<524288xf32, #tpu.memory_space<hbm>> -> memref<512xf32, #tpu.memory_space<hbm>>
    %dma_start3A_730 = tpu.memref_slice %arg7[%add3A_726] : memref<524288xf32, #tpu.memory_space<hbm>> -> memref<512xf32, #tpu.memory_space<hbm>>
    %dma_start3A_731 = arith.constant 9728 : i32
    %dma_start3A_732 = tpu.memref_slice %arg16[%dma_start3A_731] : memref<16384xf32, #tpu.memory_space<vmem>> -> memref<512xf32, #tpu.memory_space<vmem>>
    tpu.enqueue_dma source(%dma_start3A_732 : memref<512xf32, #tpu.memory_space<vmem>>) target(%dma_start3A_730 : memref<512xf32, #tpu.memory_space<hbm>>) target_semaphore(%arg18 : memref<!tpu.dma_semaphore, #tpu.memory_space<semaphore_mem>>)
    %add3A_733 = arith.constant 327680 : i32
    %add3A_734 = arith.addi %add3A_733, %mul3A_2 : i32
    %dma_start3A_735 = arith.constant 10240 : i32
    %dma_start3A_736 = tpu.memref_slice %arg15[%dma_start3A_735] : memref<16384xf32, #tpu.memory_space<vmem>> -> memref<512xf32, #tpu.memory_space<vmem>>
    %dma_start3A_737 = tpu.memref_slice %arg6[%add3A_734] : memref<524288xf32, #tpu.memory_space<hbm>> -> memref<512xf32, #tpu.memory_space<hbm>>
    %dma_start3A_738 = tpu.memref_slice %arg6[%add3A_734] : memref<524288xf32, #tpu.memory_space<hbm>> -> memref<512xf32, #tpu.memory_space<hbm>>
    %dma_start3A_739 = arith.constant 10240 : i32
    %dma_start3A_740 = tpu.memref_slice %arg15[%dma_start3A_739] : memref<16384xf32, #tpu.memory_space<vmem>> -> memref<512xf32, #tpu.memory_space<vmem>>
    tpu.enqueue_dma source(%dma_start3A_740 : memref<512xf32, #tpu.memory_space<vmem>>) target(%dma_start3A_738 : memref<512xf32, #tpu.memory_space<hbm>>) target_semaphore(%arg18 : memref<!tpu.dma_semaphore, #tpu.memory_space<semaphore_mem>>)
    %add3A_741 = arith.constant 327680 : i32
    %add3A_742 = arith.addi %add3A_741, %mul3A_2 : i32
    %dma_start3A_743 = arith.constant 10240 : i32
    %dma_start3A_744 = tpu.memref_slice %arg16[%dma_start3A_743] : memref<16384xf32, #tpu.memory_space<vmem>> -> memref<512xf32, #tpu.memory_space<vmem>>
    %dma_start3A_745 = tpu.memref_slice %arg7[%add3A_742] : memref<524288xf32, #tpu.memory_space<hbm>> -> memref<512xf32, #tpu.memory_space<hbm>>
    %dma_start3A_746 = tpu.memref_slice %arg7[%add3A_742] : memref<524288xf32, #tpu.memory_space<hbm>> -> memref<512xf32, #tpu.memory_space<hbm>>
    %dma_start3A_747 = arith.constant 10240 : i32
    %dma_start3A_748 = tpu.memref_slice %arg16[%dma_start3A_747] : memref<16384xf32, #tpu.memory_space<vmem>> -> memref<512xf32, #tpu.memory_space<vmem>>
    tpu.enqueue_dma source(%dma_start3A_748 : memref<512xf32, #tpu.memory_space<vmem>>) target(%dma_start3A_746 : memref<512xf32, #tpu.memory_space<hbm>>) target_semaphore(%arg18 : memref<!tpu.dma_semaphore, #tpu.memory_space<semaphore_mem>>)
    %add3A_749 = arith.constant 344064 : i32
    %add3A_750 = arith.addi %add3A_749, %mul3A_2 : i32
    %dma_start3A_751 = arith.constant 10752 : i32
    %dma_start3A_752 = tpu.memref_slice %arg15[%dma_start3A_751] : memref<16384xf32, #tpu.memory_space<vmem>> -> memref<512xf32, #tpu.memory_space<vmem>>
    %dma_start3A_753 = tpu.memref_slice %arg6[%add3A_750] : memref<524288xf32, #tpu.memory_space<hbm>> -> memref<512xf32, #tpu.memory_space<hbm>>
    %dma_start3A_754 = tpu.memref_slice %arg6[%add3A_750] : memref<524288xf32, #tpu.memory_space<hbm>> -> memref<512xf32, #tpu.memory_space<hbm>>
    %dma_start3A_755 = arith.constant 10752 : i32
    %dma_start3A_756 = tpu.memref_slice %arg15[%dma_start3A_755] : memref<16384xf32, #tpu.memory_space<vmem>> -> memref<512xf32, #tpu.memory_space<vmem>>
    tpu.enqueue_dma source(%dma_start3A_756 : memref<512xf32, #tpu.memory_space<vmem>>) target(%dma_start3A_754 : memref<512xf32, #tpu.memory_space<hbm>>) target_semaphore(%arg18 : memref<!tpu.dma_semaphore, #tpu.memory_space<semaphore_mem>>)
    %add3A_757 = arith.constant 344064 : i32
    %add3A_758 = arith.addi %add3A_757, %mul3A_2 : i32
    %dma_start3A_759 = arith.constant 10752 : i32
    %dma_start3A_760 = tpu.memref_slice %arg16[%dma_start3A_759] : memref<16384xf32, #tpu.memory_space<vmem>> -> memref<512xf32, #tpu.memory_space<vmem>>
    %dma_start3A_761 = tpu.memref_slice %arg7[%add3A_758] : memref<524288xf32, #tpu.memory_space<hbm>> -> memref<512xf32, #tpu.memory_space<hbm>>
    %dma_start3A_762 = tpu.memref_slice %arg7[%add3A_758] : memref<524288xf32, #tpu.memory_space<hbm>> -> memref<512xf32, #tpu.memory_space<hbm>>
    %dma_start3A_763 = arith.constant 10752 : i32
    %dma_start3A_764 = tpu.memref_slice %arg16[%dma_start3A_763] : memref<16384xf32, #tpu.memory_space<vmem>> -> memref<512xf32, #tpu.memory_space<vmem>>
    tpu.enqueue_dma source(%dma_start3A_764 : memref<512xf32, #tpu.memory_space<vmem>>) target(%dma_start3A_762 : memref<512xf32, #tpu.memory_space<hbm>>) target_semaphore(%arg18 : memref<!tpu.dma_semaphore, #tpu.memory_space<semaphore_mem>>)
    %add3A_765 = arith.constant 360448 : i32
    %add3A_766 = arith.addi %add3A_765, %mul3A_2 : i32
    %dma_start3A_767 = arith.constant 11264 : i32
    %dma_start3A_768 = tpu.memref_slice %arg15[%dma_start3A_767] : memref<16384xf32, #tpu.memory_space<vmem>> -> memref<512xf32, #tpu.memory_space<vmem>>
    %dma_start3A_769 = tpu.memref_slice %arg6[%add3A_766] : memref<524288xf32, #tpu.memory_space<hbm>> -> memref<512xf32, #tpu.memory_space<hbm>>
    %dma_start3A_770 = tpu.memref_slice %arg6[%add3A_766] : memref<524288xf32, #tpu.memory_space<hbm>> -> memref<512xf32, #tpu.memory_space<hbm>>
    %dma_start3A_771 = arith.constant 11264 : i32
    %dma_start3A_772 = tpu.memref_slice %arg15[%dma_start3A_771] : memref<16384xf32, #tpu.memory_space<vmem>> -> memref<512xf32, #tpu.memory_space<vmem>>
    tpu.enqueue_dma source(%dma_start3A_772 : memref<512xf32, #tpu.memory_space<vmem>>) target(%dma_start3A_770 : memref<512xf32, #tpu.memory_space<hbm>>) target_semaphore(%arg18 : memref<!tpu.dma_semaphore, #tpu.memory_space<semaphore_mem>>)
    %add3A_773 = arith.constant 360448 : i32
    %add3A_774 = arith.addi %add3A_773, %mul3A_2 : i32
    %dma_start3A_775 = arith.constant 11264 : i32
    %dma_start3A_776 = tpu.memref_slice %arg16[%dma_start3A_775] : memref<16384xf32, #tpu.memory_space<vmem>> -> memref<512xf32, #tpu.memory_space<vmem>>
    %dma_start3A_777 = tpu.memref_slice %arg7[%add3A_774] : memref<524288xf32, #tpu.memory_space<hbm>> -> memref<512xf32, #tpu.memory_space<hbm>>
    %dma_start3A_778 = tpu.memref_slice %arg7[%add3A_774] : memref<524288xf32, #tpu.memory_space<hbm>> -> memref<512xf32, #tpu.memory_space<hbm>>
    %dma_start3A_779 = arith.constant 11264 : i32
    %dma_start3A_780 = tpu.memref_slice %arg16[%dma_start3A_779] : memref<16384xf32, #tpu.memory_space<vmem>> -> memref<512xf32, #tpu.memory_space<vmem>>
    tpu.enqueue_dma source(%dma_start3A_780 : memref<512xf32, #tpu.memory_space<vmem>>) target(%dma_start3A_778 : memref<512xf32, #tpu.memory_space<hbm>>) target_semaphore(%arg18 : memref<!tpu.dma_semaphore, #tpu.memory_space<semaphore_mem>>)
    %add3A_781 = arith.constant 376832 : i32
    %add3A_782 = arith.addi %add3A_781, %mul3A_2 : i32
    %dma_start3A_783 = arith.constant 11776 : i32
    %dma_start3A_784 = tpu.memref_slice %arg15[%dma_start3A_783] : memref<16384xf32, #tpu.memory_space<vmem>> -> memref<512xf32, #tpu.memory_space<vmem>>
    %dma_start3A_785 = tpu.memref_slice %arg6[%add3A_782] : memref<524288xf32, #tpu.memory_space<hbm>> -> memref<512xf32, #tpu.memory_space<hbm>>
    %dma_start3A_786 = tpu.memref_slice %arg6[%add3A_782] : memref<524288xf32, #tpu.memory_space<hbm>> -> memref<512xf32, #tpu.memory_space<hbm>>
    %dma_start3A_787 = arith.constant 11776 : i32
    %dma_start3A_788 = tpu.memref_slice %arg15[%dma_start3A_787] : memref<16384xf32, #tpu.memory_space<vmem>> -> memref<512xf32, #tpu.memory_space<vmem>>
    tpu.enqueue_dma source(%dma_start3A_788 : memref<512xf32, #tpu.memory_space<vmem>>) target(%dma_start3A_786 : memref<512xf32, #tpu.memory_space<hbm>>) target_semaphore(%arg18 : memref<!tpu.dma_semaphore, #tpu.memory_space<semaphore_mem>>)
    %add3A_789 = arith.constant 376832 : i32
    %add3A_790 = arith.addi %add3A_789, %mul3A_2 : i32
    %dma_start3A_791 = arith.constant 11776 : i32
    %dma_start3A_792 = tpu.memref_slice %arg16[%dma_start3A_791] : memref<16384xf32, #tpu.memory_space<vmem>> -> memref<512xf32, #tpu.memory_space<vmem>>
    %dma_start3A_793 = tpu.memref_slice %arg7[%add3A_790] : memref<524288xf32, #tpu.memory_space<hbm>> -> memref<512xf32, #tpu.memory_space<hbm>>
    %dma_start3A_794 = tpu.memref_slice %arg7[%add3A_790] : memref<524288xf32, #tpu.memory_space<hbm>> -> memref<512xf32, #tpu.memory_space<hbm>>
    %dma_start3A_795 = arith.constant 11776 : i32
    %dma_start3A_796 = tpu.memref_slice %arg16[%dma_start3A_795] : memref<16384xf32, #tpu.memory_space<vmem>> -> memref<512xf32, #tpu.memory_space<vmem>>
    tpu.enqueue_dma source(%dma_start3A_796 : memref<512xf32, #tpu.memory_space<vmem>>) target(%dma_start3A_794 : memref<512xf32, #tpu.memory_space<hbm>>) target_semaphore(%arg18 : memref<!tpu.dma_semaphore, #tpu.memory_space<semaphore_mem>>)
    %add3A_797 = arith.constant 393216 : i32
    %add3A_798 = arith.addi %add3A_797, %mul3A_2 : i32
    %dma_start3A_799 = arith.constant 12288 : i32
    %dma_start3A_800 = tpu.memref_slice %arg15[%dma_start3A_799] : memref<16384xf32, #tpu.memory_space<vmem>> -> memref<512xf32, #tpu.memory_space<vmem>>
    %dma_start3A_801 = tpu.memref_slice %arg6[%add3A_798] : memref<524288xf32, #tpu.memory_space<hbm>> -> memref<512xf32, #tpu.memory_space<hbm>>
    %dma_start3A_802 = tpu.memref_slice %arg6[%add3A_798] : memref<524288xf32, #tpu.memory_space<hbm>> -> memref<512xf32, #tpu.memory_space<hbm>>
    %dma_start3A_803 = arith.constant 12288 : i32
    %dma_start3A_804 = tpu.memref_slice %arg15[%dma_start3A_803] : memref<16384xf32, #tpu.memory_space<vmem>> -> memref<512xf32, #tpu.memory_space<vmem>>
    tpu.enqueue_dma source(%dma_start3A_804 : memref<512xf32, #tpu.memory_space<vmem>>) target(%dma_start3A_802 : memref<512xf32, #tpu.memory_space<hbm>>) target_semaphore(%arg18 : memref<!tpu.dma_semaphore, #tpu.memory_space<semaphore_mem>>)
    %add3A_805 = arith.constant 393216 : i32
    %add3A_806 = arith.addi %add3A_805, %mul3A_2 : i32
    %dma_start3A_807 = arith.constant 12288 : i32
    %dma_start3A_808 = tpu.memref_slice %arg16[%dma_start3A_807] : memref<16384xf32, #tpu.memory_space<vmem>> -> memref<512xf32, #tpu.memory_space<vmem>>
    %dma_start3A_809 = tpu.memref_slice %arg7[%add3A_806] : memref<524288xf32, #tpu.memory_space<hbm>> -> memref<512xf32, #tpu.memory_space<hbm>>
    %dma_start3A_810 = tpu.memref_slice %arg7[%add3A_806] : memref<524288xf32, #tpu.memory_space<hbm>> -> memref<512xf32, #tpu.memory_space<hbm>>
    %dma_start3A_811 = arith.constant 12288 : i32
    %dma_start3A_812 = tpu.memref_slice %arg16[%dma_start3A_811] : memref<16384xf32, #tpu.memory_space<vmem>> -> memref<512xf32, #tpu.memory_space<vmem>>
    tpu.enqueue_dma source(%dma_start3A_812 : memref<512xf32, #tpu.memory_space<vmem>>) target(%dma_start3A_810 : memref<512xf32, #tpu.memory_space<hbm>>) target_semaphore(%arg18 : memref<!tpu.dma_semaphore, #tpu.memory_space<semaphore_mem>>)
    %add3A_813 = arith.constant 409600 : i32
    %add3A_814 = arith.addi %add3A_813, %mul3A_2 : i32
    %dma_start3A_815 = arith.constant 12800 : i32
    %dma_start3A_816 = tpu.memref_slice %arg15[%dma_start3A_815] : memref<16384xf32, #tpu.memory_space<vmem>> -> memref<512xf32, #tpu.memory_space<vmem>>
    %dma_start3A_817 = tpu.memref_slice %arg6[%add3A_814] : memref<524288xf32, #tpu.memory_space<hbm>> -> memref<512xf32, #tpu.memory_space<hbm>>
    %dma_start3A_818 = tpu.memref_slice %arg6[%add3A_814] : memref<524288xf32, #tpu.memory_space<hbm>> -> memref<512xf32, #tpu.memory_space<hbm>>
    %dma_start3A_819 = arith.constant 12800 : i32
    %dma_start3A_820 = tpu.memref_slice %arg15[%dma_start3A_819] : memref<16384xf32, #tpu.memory_space<vmem>> -> memref<512xf32, #tpu.memory_space<vmem>>
    tpu.enqueue_dma source(%dma_start3A_820 : memref<512xf32, #tpu.memory_space<vmem>>) target(%dma_start3A_818 : memref<512xf32, #tpu.memory_space<hbm>>) target_semaphore(%arg18 : memref<!tpu.dma_semaphore, #tpu.memory_space<semaphore_mem>>)
    %add3A_821 = arith.constant 409600 : i32
    %add3A_822 = arith.addi %add3A_821, %mul3A_2 : i32
    %dma_start3A_823 = arith.constant 12800 : i32
    %dma_start3A_824 = tpu.memref_slice %arg16[%dma_start3A_823] : memref<16384xf32, #tpu.memory_space<vmem>> -> memref<512xf32, #tpu.memory_space<vmem>>
    %dma_start3A_825 = tpu.memref_slice %arg7[%add3A_822] : memref<524288xf32, #tpu.memory_space<hbm>> -> memref<512xf32, #tpu.memory_space<hbm>>
    %dma_start3A_826 = tpu.memref_slice %arg7[%add3A_822] : memref<524288xf32, #tpu.memory_space<hbm>> -> memref<512xf32, #tpu.memory_space<hbm>>
    %dma_start3A_827 = arith.constant 12800 : i32
    %dma_start3A_828 = tpu.memref_slice %arg16[%dma_start3A_827] : memref<16384xf32, #tpu.memory_space<vmem>> -> memref<512xf32, #tpu.memory_space<vmem>>
    tpu.enqueue_dma source(%dma_start3A_828 : memref<512xf32, #tpu.memory_space<vmem>>) target(%dma_start3A_826 : memref<512xf32, #tpu.memory_space<hbm>>) target_semaphore(%arg18 : memref<!tpu.dma_semaphore, #tpu.memory_space<semaphore_mem>>)
    %add3A_829 = arith.constant 425984 : i32
    %add3A_830 = arith.addi %add3A_829, %mul3A_2 : i32
    %dma_start3A_831 = arith.constant 13312 : i32
    %dma_start3A_832 = tpu.memref_slice %arg15[%dma_start3A_831] : memref<16384xf32, #tpu.memory_space<vmem>> -> memref<512xf32, #tpu.memory_space<vmem>>
    %dma_start3A_833 = tpu.memref_slice %arg6[%add3A_830] : memref<524288xf32, #tpu.memory_space<hbm>> -> memref<512xf32, #tpu.memory_space<hbm>>
    %dma_start3A_834 = tpu.memref_slice %arg6[%add3A_830] : memref<524288xf32, #tpu.memory_space<hbm>> -> memref<512xf32, #tpu.memory_space<hbm>>
    %dma_start3A_835 = arith.constant 13312 : i32
    %dma_start3A_836 = tpu.memref_slice %arg15[%dma_start3A_835] : memref<16384xf32, #tpu.memory_space<vmem>> -> memref<512xf32, #tpu.memory_space<vmem>>
    tpu.enqueue_dma source(%dma_start3A_836 : memref<512xf32, #tpu.memory_space<vmem>>) target(%dma_start3A_834 : memref<512xf32, #tpu.memory_space<hbm>>) target_semaphore(%arg18 : memref<!tpu.dma_semaphore, #tpu.memory_space<semaphore_mem>>)
    %add3A_837 = arith.constant 425984 : i32
    %add3A_838 = arith.addi %add3A_837, %mul3A_2 : i32
    %dma_start3A_839 = arith.constant 13312 : i32
    %dma_start3A_840 = tpu.memref_slice %arg16[%dma_start3A_839] : memref<16384xf32, #tpu.memory_space<vmem>> -> memref<512xf32, #tpu.memory_space<vmem>>
    %dma_start3A_841 = tpu.memref_slice %arg7[%add3A_838] : memref<524288xf32, #tpu.memory_space<hbm>> -> memref<512xf32, #tpu.memory_space<hbm>>
    %dma_start3A_842 = tpu.memref_slice %arg7[%add3A_838] : memref<524288xf32, #tpu.memory_space<hbm>> -> memref<512xf32, #tpu.memory_space<hbm>>
    %dma_start3A_843 = arith.constant 13312 : i32
    %dma_start3A_844 = tpu.memref_slice %arg16[%dma_start3A_843] : memref<16384xf32, #tpu.memory_space<vmem>> -> memref<512xf32, #tpu.memory_space<vmem>>
    tpu.enqueue_dma source(%dma_start3A_844 : memref<512xf32, #tpu.memory_space<vmem>>) target(%dma_start3A_842 : memref<512xf32, #tpu.memory_space<hbm>>) target_semaphore(%arg18 : memref<!tpu.dma_semaphore, #tpu.memory_space<semaphore_mem>>)
    %add3A_845 = arith.constant 442368 : i32
    %add3A_846 = arith.addi %add3A_845, %mul3A_2 : i32
    %dma_start3A_847 = arith.constant 13824 : i32
    %dma_start3A_848 = tpu.memref_slice %arg15[%dma_start3A_847] : memref<16384xf32, #tpu.memory_space<vmem>> -> memref<512xf32, #tpu.memory_space<vmem>>
    %dma_start3A_849 = tpu.memref_slice %arg6[%add3A_846] : memref<524288xf32, #tpu.memory_space<hbm>> -> memref<512xf32, #tpu.memory_space<hbm>>
    %dma_start3A_850 = tpu.memref_slice %arg6[%add3A_846] : memref<524288xf32, #tpu.memory_space<hbm>> -> memref<512xf32, #tpu.memory_space<hbm>>
    %dma_start3A_851 = arith.constant 13824 : i32
    %dma_start3A_852 = tpu.memref_slice %arg15[%dma_start3A_851] : memref<16384xf32, #tpu.memory_space<vmem>> -> memref<512xf32, #tpu.memory_space<vmem>>
    tpu.enqueue_dma source(%dma_start3A_852 : memref<512xf32, #tpu.memory_space<vmem>>) target(%dma_start3A_850 : memref<512xf32, #tpu.memory_space<hbm>>) target_semaphore(%arg18 : memref<!tpu.dma_semaphore, #tpu.memory_space<semaphore_mem>>)
    %add3A_853 = arith.constant 442368 : i32
    %add3A_854 = arith.addi %add3A_853, %mul3A_2 : i32
    %dma_start3A_855 = arith.constant 13824 : i32
    %dma_start3A_856 = tpu.memref_slice %arg16[%dma_start3A_855] : memref<16384xf32, #tpu.memory_space<vmem>> -> memref<512xf32, #tpu.memory_space<vmem>>
    %dma_start3A_857 = tpu.memref_slice %arg7[%add3A_854] : memref<524288xf32, #tpu.memory_space<hbm>> -> memref<512xf32, #tpu.memory_space<hbm>>
    %dma_start3A_858 = tpu.memref_slice %arg7[%add3A_854] : memref<524288xf32, #tpu.memory_space<hbm>> -> memref<512xf32, #tpu.memory_space<hbm>>
    %dma_start3A_859 = arith.constant 13824 : i32
    %dma_start3A_860 = tpu.memref_slice %arg16[%dma_start3A_859] : memref<16384xf32, #tpu.memory_space<vmem>> -> memref<512xf32, #tpu.memory_space<vmem>>
    tpu.enqueue_dma source(%dma_start3A_860 : memref<512xf32, #tpu.memory_space<vmem>>) target(%dma_start3A_858 : memref<512xf32, #tpu.memory_space<hbm>>) target_semaphore(%arg18 : memref<!tpu.dma_semaphore, #tpu.memory_space<semaphore_mem>>)
    %add3A_861 = arith.constant 458752 : i32
    %add3A_862 = arith.addi %add3A_861, %mul3A_2 : i32
    %dma_start3A_863 = arith.constant 14336 : i32
    %dma_start3A_864 = tpu.memref_slice %arg15[%dma_start3A_863] : memref<16384xf32, #tpu.memory_space<vmem>> -> memref<512xf32, #tpu.memory_space<vmem>>
    %dma_start3A_865 = tpu.memref_slice %arg6[%add3A_862] : memref<524288xf32, #tpu.memory_space<hbm>> -> memref<512xf32, #tpu.memory_space<hbm>>
    %dma_start3A_866 = tpu.memref_slice %arg6[%add3A_862] : memref<524288xf32, #tpu.memory_space<hbm>> -> memref<512xf32, #tpu.memory_space<hbm>>
    %dma_start3A_867 = arith.constant 14336 : i32
    %dma_start3A_868 = tpu.memref_slice %arg15[%dma_start3A_867] : memref<16384xf32, #tpu.memory_space<vmem>> -> memref<512xf32, #tpu.memory_space<vmem>>
    tpu.enqueue_dma source(%dma_start3A_868 : memref<512xf32, #tpu.memory_space<vmem>>) target(%dma_start3A_866 : memref<512xf32, #tpu.memory_space<hbm>>) target_semaphore(%arg18 : memref<!tpu.dma_semaphore, #tpu.memory_space<semaphore_mem>>)
    %add3A_869 = arith.constant 458752 : i32
    %add3A_870 = arith.addi %add3A_869, %mul3A_2 : i32
    %dma_start3A_871 = arith.constant 14336 : i32
    %dma_start3A_872 = tpu.memref_slice %arg16[%dma_start3A_871] : memref<16384xf32, #tpu.memory_space<vmem>> -> memref<512xf32, #tpu.memory_space<vmem>>
    %dma_start3A_873 = tpu.memref_slice %arg7[%add3A_870] : memref<524288xf32, #tpu.memory_space<hbm>> -> memref<512xf32, #tpu.memory_space<hbm>>
    %dma_start3A_874 = tpu.memref_slice %arg7[%add3A_870] : memref<524288xf32, #tpu.memory_space<hbm>> -> memref<512xf32, #tpu.memory_space<hbm>>
    %dma_start3A_875 = arith.constant 14336 : i32
    %dma_start3A_876 = tpu.memref_slice %arg16[%dma_start3A_875] : memref<16384xf32, #tpu.memory_space<vmem>> -> memref<512xf32, #tpu.memory_space<vmem>>
    tpu.enqueue_dma source(%dma_start3A_876 : memref<512xf32, #tpu.memory_space<vmem>>) target(%dma_start3A_874 : memref<512xf32, #tpu.memory_space<hbm>>) target_semaphore(%arg18 : memref<!tpu.dma_semaphore, #tpu.memory_space<semaphore_mem>>)
    %add3A_877 = arith.constant 475136 : i32
    %add3A_878 = arith.addi %add3A_877, %mul3A_2 : i32
    %dma_start3A_879 = arith.constant 14848 : i32
    %dma_start3A_880 = tpu.memref_slice %arg15[%dma_start3A_879] : memref<16384xf32, #tpu.memory_space<vmem>> -> memref<512xf32, #tpu.memory_space<vmem>>
    %dma_start3A_881 = tpu.memref_slice %arg6[%add3A_878] : memref<524288xf32, #tpu.memory_space<hbm>> -> memref<512xf32, #tpu.memory_space<hbm>>
    %dma_start3A_882 = tpu.memref_slice %arg6[%add3A_878] : memref<524288xf32, #tpu.memory_space<hbm>> -> memref<512xf32, #tpu.memory_space<hbm>>
    %dma_start3A_883 = arith.constant 14848 : i32
    %dma_start3A_884 = tpu.memref_slice %arg15[%dma_start3A_883] : memref<16384xf32, #tpu.memory_space<vmem>> -> memref<512xf32, #tpu.memory_space<vmem>>
    tpu.enqueue_dma source(%dma_start3A_884 : memref<512xf32, #tpu.memory_space<vmem>>) target(%dma_start3A_882 : memref<512xf32, #tpu.memory_space<hbm>>) target_semaphore(%arg18 : memref<!tpu.dma_semaphore, #tpu.memory_space<semaphore_mem>>)
    %add3A_885 = arith.constant 475136 : i32
    %add3A_886 = arith.addi %add3A_885, %mul3A_2 : i32
    %dma_start3A_887 = arith.constant 14848 : i32
    %dma_start3A_888 = tpu.memref_slice %arg16[%dma_start3A_887] : memref<16384xf32, #tpu.memory_space<vmem>> -> memref<512xf32, #tpu.memory_space<vmem>>
    %dma_start3A_889 = tpu.memref_slice %arg7[%add3A_886] : memref<524288xf32, #tpu.memory_space<hbm>> -> memref<512xf32, #tpu.memory_space<hbm>>
    %dma_start3A_890 = tpu.memref_slice %arg7[%add3A_886] : memref<524288xf32, #tpu.memory_space<hbm>> -> memref<512xf32, #tpu.memory_space<hbm>>
    %dma_start3A_891 = arith.constant 14848 : i32
    %dma_start3A_892 = tpu.memref_slice %arg16[%dma_start3A_891] : memref<16384xf32, #tpu.memory_space<vmem>> -> memref<512xf32, #tpu.memory_space<vmem>>
    tpu.enqueue_dma source(%dma_start3A_892 : memref<512xf32, #tpu.memory_space<vmem>>) target(%dma_start3A_890 : memref<512xf32, #tpu.memory_space<hbm>>) target_semaphore(%arg18 : memref<!tpu.dma_semaphore, #tpu.memory_space<semaphore_mem>>)
    %add3A_893 = arith.constant 491520 : i32
    %add3A_894 = arith.addi %add3A_893, %mul3A_2 : i32
    %dma_start3A_895 = arith.constant 15360 : i32
    %dma_start3A_896 = tpu.memref_slice %arg15[%dma_start3A_895] : memref<16384xf32, #tpu.memory_space<vmem>> -> memref<512xf32, #tpu.memory_space<vmem>>
    %dma_start3A_897 = tpu.memref_slice %arg6[%add3A_894] : memref<524288xf32, #tpu.memory_space<hbm>> -> memref<512xf32, #tpu.memory_space<hbm>>
    %dma_start3A_898 = tpu.memref_slice %arg6[%add3A_894] : memref<524288xf32, #tpu.memory_space<hbm>> -> memref<512xf32, #tpu.memory_space<hbm>>
    %dma_start3A_899 = arith.constant 15360 : i32
    %dma_start3A_900 = tpu.memref_slice %arg15[%dma_start3A_899] : memref<16384xf32, #tpu.memory_space<vmem>> -> memref<512xf32, #tpu.memory_space<vmem>>
    tpu.enqueue_dma source(%dma_start3A_900 : memref<512xf32, #tpu.memory_space<vmem>>) target(%dma_start3A_898 : memref<512xf32, #tpu.memory_space<hbm>>) target_semaphore(%arg18 : memref<!tpu.dma_semaphore, #tpu.memory_space<semaphore_mem>>)
    %add3A_901 = arith.constant 491520 : i32
    %add3A_902 = arith.addi %add3A_901, %mul3A_2 : i32
    %dma_start3A_903 = arith.constant 15360 : i32
    %dma_start3A_904 = tpu.memref_slice %arg16[%dma_start3A_903] : memref<16384xf32, #tpu.memory_space<vmem>> -> memref<512xf32, #tpu.memory_space<vmem>>
    %dma_start3A_905 = tpu.memref_slice %arg7[%add3A_902] : memref<524288xf32, #tpu.memory_space<hbm>> -> memref<512xf32, #tpu.memory_space<hbm>>
    %dma_start3A_906 = tpu.memref_slice %arg7[%add3A_902] : memref<524288xf32, #tpu.memory_space<hbm>> -> memref<512xf32, #tpu.memory_space<hbm>>
    %dma_start3A_907 = arith.constant 15360 : i32
    %dma_start3A_908 = tpu.memref_slice %arg16[%dma_start3A_907] : memref<16384xf32, #tpu.memory_space<vmem>> -> memref<512xf32, #tpu.memory_space<vmem>>
    tpu.enqueue_dma source(%dma_start3A_908 : memref<512xf32, #tpu.memory_space<vmem>>) target(%dma_start3A_906 : memref<512xf32, #tpu.memory_space<hbm>>) target_semaphore(%arg18 : memref<!tpu.dma_semaphore, #tpu.memory_space<semaphore_mem>>)
    %add3A_909 = arith.constant 507904 : i32
    %add3A_910 = arith.addi %add3A_909, %mul3A_2 : i32
    %dma_start3A_911 = arith.constant 15872 : i32
    %dma_start3A_912 = tpu.memref_slice %arg15[%dma_start3A_911] : memref<16384xf32, #tpu.memory_space<vmem>> -> memref<512xf32, #tpu.memory_space<vmem>>
    %dma_start3A_913 = tpu.memref_slice %arg6[%add3A_910] : memref<524288xf32, #tpu.memory_space<hbm>> -> memref<512xf32, #tpu.memory_space<hbm>>
    %dma_start3A_914 = tpu.memref_slice %arg6[%add3A_910] : memref<524288xf32, #tpu.memory_space<hbm>> -> memref<512xf32, #tpu.memory_space<hbm>>
    %dma_start3A_915 = arith.constant 15872 : i32
    %dma_start3A_916 = tpu.memref_slice %arg15[%dma_start3A_915] : memref<16384xf32, #tpu.memory_space<vmem>> -> memref<512xf32, #tpu.memory_space<vmem>>
    tpu.enqueue_dma source(%dma_start3A_916 : memref<512xf32, #tpu.memory_space<vmem>>) target(%dma_start3A_914 : memref<512xf32, #tpu.memory_space<hbm>>) target_semaphore(%arg18 : memref<!tpu.dma_semaphore, #tpu.memory_space<semaphore_mem>>)
    %add3A_917 = arith.constant 507904 : i32
    %add3A_918 = arith.addi %add3A_917, %mul3A_2 : i32
    %dma_start3A_919 = arith.constant 15872 : i32
    %dma_start3A_920 = tpu.memref_slice %arg16[%dma_start3A_919] : memref<16384xf32, #tpu.memory_space<vmem>> -> memref<512xf32, #tpu.memory_space<vmem>>
    %dma_start3A_921 = tpu.memref_slice %arg7[%add3A_918] : memref<524288xf32, #tpu.memory_space<hbm>> -> memref<512xf32, #tpu.memory_space<hbm>>
    %dma_start3A_922 = tpu.memref_slice %arg7[%add3A_918] : memref<524288xf32, #tpu.memory_space<hbm>> -> memref<512xf32, #tpu.memory_space<hbm>>
    %dma_start3A_923 = arith.constant 15872 : i32
    %dma_start3A_924 = tpu.memref_slice %arg16[%dma_start3A_923] : memref<16384xf32, #tpu.memory_space<vmem>> -> memref<512xf32, #tpu.memory_space<vmem>>
    tpu.enqueue_dma source(%dma_start3A_924 : memref<512xf32, #tpu.memory_space<vmem>>) target(%dma_start3A_922 : memref<512xf32, #tpu.memory_space<hbm>>) target_semaphore(%arg18 : memref<!tpu.dma_semaphore, #tpu.memory_space<semaphore_mem>>)
    "tpu.region"() ({
      %run_scoped3A = tpu.sem_alloc : memref<!tpu.dma_semaphore, #tpu.memory_space<semaphore_mem>>
      %dma_start3A_1309 = tpu.memref_slice %arg8[%mul3A_2] : memref<16384xf32, #tpu.memory_space<hbm>> -> memref<512xf32, #tpu.memory_space<hbm>>
      %dma_start3A_1310 = tpu.memref_slice %arg8[%mul3A_2] : memref<16384xf32, #tpu.memory_space<hbm>> -> memref<512xf32, #tpu.memory_space<hbm>>
      tpu.enqueue_dma source(%arg17 : memref<512xf32, #tpu.memory_space<vmem>>) target(%dma_start3A_1310 : memref<512xf32, #tpu.memory_space<hbm>>) target_semaphore(%run_scoped3A : memref<!tpu.dma_semaphore, #tpu.memory_space<semaphore_mem>>)
      %dma_wait3A_1311 = tpu.memref_slice %arg8[%mul3A_2] : memref<16384xf32, #tpu.memory_space<hbm>> -> memref<512xf32, #tpu.memory_space<hbm>>
      %dma_wait3A_1312 = tpu.memref_slice %arg8[%mul3A_2] : memref<16384xf32, #tpu.memory_space<hbm>> -> memref<512xf32, #tpu.memory_space<hbm>>
      tpu.wait_dma2 semaphore(%run_scoped3A : memref<!tpu.dma_semaphore, #tpu.memory_space<semaphore_mem>>) src(%arg17 : memref<512xf32, #tpu.memory_space<vmem>>) dst(%dma_wait3A_1312 : memref<512xf32, #tpu.memory_space<hbm>>)
      tpu.yield
    }) : () -> ()
    %dma_wait3A_925 = arith.constant 0 : i32
    %dma_wait3A_926 = tpu.memref_slice %arg15[%dma_wait3A_925] : memref<16384xf32, #tpu.memory_space<vmem>> -> memref<512xf32, #tpu.memory_space<vmem>>
    %dma_wait3A_927 = tpu.memref_slice %arg6[%add3A_414] : memref<524288xf32, #tpu.memory_space<hbm>> -> memref<512xf32, #tpu.memory_space<hbm>>
    %dma_wait3A_928 = tpu.memref_slice %arg6[%add3A_414] : memref<524288xf32, #tpu.memory_space<hbm>> -> memref<512xf32, #tpu.memory_space<hbm>>
    %dma_wait3A_929 = arith.constant 0 : i32
    %dma_wait3A_930 = tpu.memref_slice %arg15[%dma_wait3A_929] : memref<16384xf32, #tpu.memory_space<vmem>> -> memref<512xf32, #tpu.memory_space<vmem>>
    tpu.wait_dma2 semaphore(%arg18 : memref<!tpu.dma_semaphore, #tpu.memory_space<semaphore_mem>>) src(%dma_wait3A_930 : memref<512xf32, #tpu.memory_space<vmem>>) dst(%dma_wait3A_928 : memref<512xf32, #tpu.memory_space<hbm>>)
    %dma_wait3A_931 = arith.constant 0 : i32
    %dma_wait3A_932 = tpu.memref_slice %arg16[%dma_wait3A_931] : memref<16384xf32, #tpu.memory_space<vmem>> -> memref<512xf32, #tpu.memory_space<vmem>>
    %dma_wait3A_933 = tpu.memref_slice %arg7[%add3A_422] : memref<524288xf32, #tpu.memory_space<hbm>> -> memref<512xf32, #tpu.memory_space<hbm>>
    %dma_wait3A_934 = tpu.memref_slice %arg7[%add3A_422] : memref<524288xf32, #tpu.memory_space<hbm>> -> memref<512xf32, #tpu.memory_space<hbm>>
    %dma_wait3A_935 = arith.constant 0 : i32
    %dma_wait3A_936 = tpu.memref_slice %arg16[%dma_wait3A_935] : memref<16384xf32, #tpu.memory_space<vmem>> -> memref<512xf32, #tpu.memory_space<vmem>>
    tpu.wait_dma2 semaphore(%arg18 : memref<!tpu.dma_semaphore, #tpu.memory_space<semaphore_mem>>) src(%dma_wait3A_936 : memref<512xf32, #tpu.memory_space<vmem>>) dst(%dma_wait3A_934 : memref<512xf32, #tpu.memory_space<hbm>>)
    %dma_wait3A_937 = arith.constant 512 : i32
    %dma_wait3A_938 = tpu.memref_slice %arg15[%dma_wait3A_937] : memref<16384xf32, #tpu.memory_space<vmem>> -> memref<512xf32, #tpu.memory_space<vmem>>
    %dma_wait3A_939 = tpu.memref_slice %arg6[%add3A_430] : memref<524288xf32, #tpu.memory_space<hbm>> -> memref<512xf32, #tpu.memory_space<hbm>>
    %dma_wait3A_940 = tpu.memref_slice %arg6[%add3A_430] : memref<524288xf32, #tpu.memory_space<hbm>> -> memref<512xf32, #tpu.memory_space<hbm>>
    %dma_wait3A_941 = arith.constant 512 : i32
    %dma_wait3A_942 = tpu.memref_slice %arg15[%dma_wait3A_941] : memref<16384xf32, #tpu.memory_space<vmem>> -> memref<512xf32, #tpu.memory_space<vmem>>
    tpu.wait_dma2 semaphore(%arg18 : memref<!tpu.dma_semaphore, #tpu.memory_space<semaphore_mem>>) src(%dma_wait3A_942 : memref<512xf32, #tpu.memory_space<vmem>>) dst(%dma_wait3A_940 : memref<512xf32, #tpu.memory_space<hbm>>)
    %dma_wait3A_943 = arith.constant 512 : i32
    %dma_wait3A_944 = tpu.memref_slice %arg16[%dma_wait3A_943] : memref<16384xf32, #tpu.memory_space<vmem>> -> memref<512xf32, #tpu.memory_space<vmem>>
    %dma_wait3A_945 = tpu.memref_slice %arg7[%add3A_438] : memref<524288xf32, #tpu.memory_space<hbm>> -> memref<512xf32, #tpu.memory_space<hbm>>
    %dma_wait3A_946 = tpu.memref_slice %arg7[%add3A_438] : memref<524288xf32, #tpu.memory_space<hbm>> -> memref<512xf32, #tpu.memory_space<hbm>>
    %dma_wait3A_947 = arith.constant 512 : i32
    %dma_wait3A_948 = tpu.memref_slice %arg16[%dma_wait3A_947] : memref<16384xf32, #tpu.memory_space<vmem>> -> memref<512xf32, #tpu.memory_space<vmem>>
    tpu.wait_dma2 semaphore(%arg18 : memref<!tpu.dma_semaphore, #tpu.memory_space<semaphore_mem>>) src(%dma_wait3A_948 : memref<512xf32, #tpu.memory_space<vmem>>) dst(%dma_wait3A_946 : memref<512xf32, #tpu.memory_space<hbm>>)
    %dma_wait3A_949 = arith.constant 1024 : i32
    %dma_wait3A_950 = tpu.memref_slice %arg15[%dma_wait3A_949] : memref<16384xf32, #tpu.memory_space<vmem>> -> memref<512xf32, #tpu.memory_space<vmem>>
    %dma_wait3A_951 = tpu.memref_slice %arg6[%add3A_446] : memref<524288xf32, #tpu.memory_space<hbm>> -> memref<512xf32, #tpu.memory_space<hbm>>
    %dma_wait3A_952 = tpu.memref_slice %arg6[%add3A_446] : memref<524288xf32, #tpu.memory_space<hbm>> -> memref<512xf32, #tpu.memory_space<hbm>>
    %dma_wait3A_953 = arith.constant 1024 : i32
    %dma_wait3A_954 = tpu.memref_slice %arg15[%dma_wait3A_953] : memref<16384xf32, #tpu.memory_space<vmem>> -> memref<512xf32, #tpu.memory_space<vmem>>
    tpu.wait_dma2 semaphore(%arg18 : memref<!tpu.dma_semaphore, #tpu.memory_space<semaphore_mem>>) src(%dma_wait3A_954 : memref<512xf32, #tpu.memory_space<vmem>>) dst(%dma_wait3A_952 : memref<512xf32, #tpu.memory_space<hbm>>)
    %dma_wait3A_955 = arith.constant 1024 : i32
    %dma_wait3A_956 = tpu.memref_slice %arg16[%dma_wait3A_955] : memref<16384xf32, #tpu.memory_space<vmem>> -> memref<512xf32, #tpu.memory_space<vmem>>
    %dma_wait3A_957 = tpu.memref_slice %arg7[%add3A_454] : memref<524288xf32, #tpu.memory_space<hbm>> -> memref<512xf32, #tpu.memory_space<hbm>>
    %dma_wait3A_958 = tpu.memref_slice %arg7[%add3A_454] : memref<524288xf32, #tpu.memory_space<hbm>> -> memref<512xf32, #tpu.memory_space<hbm>>
    %dma_wait3A_959 = arith.constant 1024 : i32
    %dma_wait3A_960 = tpu.memref_slice %arg16[%dma_wait3A_959] : memref<16384xf32, #tpu.memory_space<vmem>> -> memref<512xf32, #tpu.memory_space<vmem>>
    tpu.wait_dma2 semaphore(%arg18 : memref<!tpu.dma_semaphore, #tpu.memory_space<semaphore_mem>>) src(%dma_wait3A_960 : memref<512xf32, #tpu.memory_space<vmem>>) dst(%dma_wait3A_958 : memref<512xf32, #tpu.memory_space<hbm>>)
    %dma_wait3A_961 = arith.constant 1536 : i32
    %dma_wait3A_962 = tpu.memref_slice %arg15[%dma_wait3A_961] : memref<16384xf32, #tpu.memory_space<vmem>> -> memref<512xf32, #tpu.memory_space<vmem>>
    %dma_wait3A_963 = tpu.memref_slice %arg6[%add3A_462] : memref<524288xf32, #tpu.memory_space<hbm>> -> memref<512xf32, #tpu.memory_space<hbm>>
    %dma_wait3A_964 = tpu.memref_slice %arg6[%add3A_462] : memref<524288xf32, #tpu.memory_space<hbm>> -> memref<512xf32, #tpu.memory_space<hbm>>
    %dma_wait3A_965 = arith.constant 1536 : i32
    %dma_wait3A_966 = tpu.memref_slice %arg15[%dma_wait3A_965] : memref<16384xf32, #tpu.memory_space<vmem>> -> memref<512xf32, #tpu.memory_space<vmem>>
    tpu.wait_dma2 semaphore(%arg18 : memref<!tpu.dma_semaphore, #tpu.memory_space<semaphore_mem>>) src(%dma_wait3A_966 : memref<512xf32, #tpu.memory_space<vmem>>) dst(%dma_wait3A_964 : memref<512xf32, #tpu.memory_space<hbm>>)
    %dma_wait3A_967 = arith.constant 1536 : i32
    %dma_wait3A_968 = tpu.memref_slice %arg16[%dma_wait3A_967] : memref<16384xf32, #tpu.memory_space<vmem>> -> memref<512xf32, #tpu.memory_space<vmem>>
    %dma_wait3A_969 = tpu.memref_slice %arg7[%add3A_470] : memref<524288xf32, #tpu.memory_space<hbm>> -> memref<512xf32, #tpu.memory_space<hbm>>
    %dma_wait3A_970 = tpu.memref_slice %arg7[%add3A_470] : memref<524288xf32, #tpu.memory_space<hbm>> -> memref<512xf32, #tpu.memory_space<hbm>>
    %dma_wait3A_971 = arith.constant 1536 : i32
    %dma_wait3A_972 = tpu.memref_slice %arg16[%dma_wait3A_971] : memref<16384xf32, #tpu.memory_space<vmem>> -> memref<512xf32, #tpu.memory_space<vmem>>
    tpu.wait_dma2 semaphore(%arg18 : memref<!tpu.dma_semaphore, #tpu.memory_space<semaphore_mem>>) src(%dma_wait3A_972 : memref<512xf32, #tpu.memory_space<vmem>>) dst(%dma_wait3A_970 : memref<512xf32, #tpu.memory_space<hbm>>)
    %dma_wait3A_973 = arith.constant 2048 : i32
    %dma_wait3A_974 = tpu.memref_slice %arg15[%dma_wait3A_973] : memref<16384xf32, #tpu.memory_space<vmem>> -> memref<512xf32, #tpu.memory_space<vmem>>
    %dma_wait3A_975 = tpu.memref_slice %arg6[%add3A_478] : memref<524288xf32, #tpu.memory_space<hbm>> -> memref<512xf32, #tpu.memory_space<hbm>>
    %dma_wait3A_976 = tpu.memref_slice %arg6[%add3A_478] : memref<524288xf32, #tpu.memory_space<hbm>> -> memref<512xf32, #tpu.memory_space<hbm>>
    %dma_wait3A_977 = arith.constant 2048 : i32
    %dma_wait3A_978 = tpu.memref_slice %arg15[%dma_wait3A_977] : memref<16384xf32, #tpu.memory_space<vmem>> -> memref<512xf32, #tpu.memory_space<vmem>>
    tpu.wait_dma2 semaphore(%arg18 : memref<!tpu.dma_semaphore, #tpu.memory_space<semaphore_mem>>) src(%dma_wait3A_978 : memref<512xf32, #tpu.memory_space<vmem>>) dst(%dma_wait3A_976 : memref<512xf32, #tpu.memory_space<hbm>>)
    %dma_wait3A_979 = arith.constant 2048 : i32
    %dma_wait3A_980 = tpu.memref_slice %arg16[%dma_wait3A_979] : memref<16384xf32, #tpu.memory_space<vmem>> -> memref<512xf32, #tpu.memory_space<vmem>>
    %dma_wait3A_981 = tpu.memref_slice %arg7[%add3A_486] : memref<524288xf32, #tpu.memory_space<hbm>> -> memref<512xf32, #tpu.memory_space<hbm>>
    %dma_wait3A_982 = tpu.memref_slice %arg7[%add3A_486] : memref<524288xf32, #tpu.memory_space<hbm>> -> memref<512xf32, #tpu.memory_space<hbm>>
    %dma_wait3A_983 = arith.constant 2048 : i32
    %dma_wait3A_984 = tpu.memref_slice %arg16[%dma_wait3A_983] : memref<16384xf32, #tpu.memory_space<vmem>> -> memref<512xf32, #tpu.memory_space<vmem>>
    tpu.wait_dma2 semaphore(%arg18 : memref<!tpu.dma_semaphore, #tpu.memory_space<semaphore_mem>>) src(%dma_wait3A_984 : memref<512xf32, #tpu.memory_space<vmem>>) dst(%dma_wait3A_982 : memref<512xf32, #tpu.memory_space<hbm>>)
    %dma_wait3A_985 = arith.constant 2560 : i32
    %dma_wait3A_986 = tpu.memref_slice %arg15[%dma_wait3A_985] : memref<16384xf32, #tpu.memory_space<vmem>> -> memref<512xf32, #tpu.memory_space<vmem>>
    %dma_wait3A_987 = tpu.memref_slice %arg6[%add3A_494] : memref<524288xf32, #tpu.memory_space<hbm>> -> memref<512xf32, #tpu.memory_space<hbm>>
    %dma_wait3A_988 = tpu.memref_slice %arg6[%add3A_494] : memref<524288xf32, #tpu.memory_space<hbm>> -> memref<512xf32, #tpu.memory_space<hbm>>
    %dma_wait3A_989 = arith.constant 2560 : i32
    %dma_wait3A_990 = tpu.memref_slice %arg15[%dma_wait3A_989] : memref<16384xf32, #tpu.memory_space<vmem>> -> memref<512xf32, #tpu.memory_space<vmem>>
    tpu.wait_dma2 semaphore(%arg18 : memref<!tpu.dma_semaphore, #tpu.memory_space<semaphore_mem>>) src(%dma_wait3A_990 : memref<512xf32, #tpu.memory_space<vmem>>) dst(%dma_wait3A_988 : memref<512xf32, #tpu.memory_space<hbm>>)
    %dma_wait3A_991 = arith.constant 2560 : i32
    %dma_wait3A_992 = tpu.memref_slice %arg16[%dma_wait3A_991] : memref<16384xf32, #tpu.memory_space<vmem>> -> memref<512xf32, #tpu.memory_space<vmem>>
    %dma_wait3A_993 = tpu.memref_slice %arg7[%add3A_502] : memref<524288xf32, #tpu.memory_space<hbm>> -> memref<512xf32, #tpu.memory_space<hbm>>
    %dma_wait3A_994 = tpu.memref_slice %arg7[%add3A_502] : memref<524288xf32, #tpu.memory_space<hbm>> -> memref<512xf32, #tpu.memory_space<hbm>>
    %dma_wait3A_995 = arith.constant 2560 : i32
    %dma_wait3A_996 = tpu.memref_slice %arg16[%dma_wait3A_995] : memref<16384xf32, #tpu.memory_space<vmem>> -> memref<512xf32, #tpu.memory_space<vmem>>
    tpu.wait_dma2 semaphore(%arg18 : memref<!tpu.dma_semaphore, #tpu.memory_space<semaphore_mem>>) src(%dma_wait3A_996 : memref<512xf32, #tpu.memory_space<vmem>>) dst(%dma_wait3A_994 : memref<512xf32, #tpu.memory_space<hbm>>)
    %dma_wait3A_997 = arith.constant 3072 : i32
    %dma_wait3A_998 = tpu.memref_slice %arg15[%dma_wait3A_997] : memref<16384xf32, #tpu.memory_space<vmem>> -> memref<512xf32, #tpu.memory_space<vmem>>
    %dma_wait3A_999 = tpu.memref_slice %arg6[%add3A_510] : memref<524288xf32, #tpu.memory_space<hbm>> -> memref<512xf32, #tpu.memory_space<hbm>>
    %dma_wait3A_1000 = tpu.memref_slice %arg6[%add3A_510] : memref<524288xf32, #tpu.memory_space<hbm>> -> memref<512xf32, #tpu.memory_space<hbm>>
    %dma_wait3A_1001 = arith.constant 3072 : i32
    %dma_wait3A_1002 = tpu.memref_slice %arg15[%dma_wait3A_1001] : memref<16384xf32, #tpu.memory_space<vmem>> -> memref<512xf32, #tpu.memory_space<vmem>>
    tpu.wait_dma2 semaphore(%arg18 : memref<!tpu.dma_semaphore, #tpu.memory_space<semaphore_mem>>) src(%dma_wait3A_1002 : memref<512xf32, #tpu.memory_space<vmem>>) dst(%dma_wait3A_1000 : memref<512xf32, #tpu.memory_space<hbm>>)
    %dma_wait3A_1003 = arith.constant 3072 : i32
    %dma_wait3A_1004 = tpu.memref_slice %arg16[%dma_wait3A_1003] : memref<16384xf32, #tpu.memory_space<vmem>> -> memref<512xf32, #tpu.memory_space<vmem>>
    %dma_wait3A_1005 = tpu.memref_slice %arg7[%add3A_518] : memref<524288xf32, #tpu.memory_space<hbm>> -> memref<512xf32, #tpu.memory_space<hbm>>
    %dma_wait3A_1006 = tpu.memref_slice %arg7[%add3A_518] : memref<524288xf32, #tpu.memory_space<hbm>> -> memref<512xf32, #tpu.memory_space<hbm>>
    %dma_wait3A_1007 = arith.constant 3072 : i32
    %dma_wait3A_1008 = tpu.memref_slice %arg16[%dma_wait3A_1007] : memref<16384xf32, #tpu.memory_space<vmem>> -> memref<512xf32, #tpu.memory_space<vmem>>
    tpu.wait_dma2 semaphore(%arg18 : memref<!tpu.dma_semaphore, #tpu.memory_space<semaphore_mem>>) src(%dma_wait3A_1008 : memref<512xf32, #tpu.memory_space<vmem>>) dst(%dma_wait3A_1006 : memref<512xf32, #tpu.memory_space<hbm>>)
    %dma_wait3A_1009 = arith.constant 3584 : i32
    %dma_wait3A_1010 = tpu.memref_slice %arg15[%dma_wait3A_1009] : memref<16384xf32, #tpu.memory_space<vmem>> -> memref<512xf32, #tpu.memory_space<vmem>>
    %dma_wait3A_1011 = tpu.memref_slice %arg6[%add3A_526] : memref<524288xf32, #tpu.memory_space<hbm>> -> memref<512xf32, #tpu.memory_space<hbm>>
    %dma_wait3A_1012 = tpu.memref_slice %arg6[%add3A_526] : memref<524288xf32, #tpu.memory_space<hbm>> -> memref<512xf32, #tpu.memory_space<hbm>>
    %dma_wait3A_1013 = arith.constant 3584 : i32
    %dma_wait3A_1014 = tpu.memref_slice %arg15[%dma_wait3A_1013] : memref<16384xf32, #tpu.memory_space<vmem>> -> memref<512xf32, #tpu.memory_space<vmem>>
    tpu.wait_dma2 semaphore(%arg18 : memref<!tpu.dma_semaphore, #tpu.memory_space<semaphore_mem>>) src(%dma_wait3A_1014 : memref<512xf32, #tpu.memory_space<vmem>>) dst(%dma_wait3A_1012 : memref<512xf32, #tpu.memory_space<hbm>>)
    %dma_wait3A_1015 = arith.constant 3584 : i32
    %dma_wait3A_1016 = tpu.memref_slice %arg16[%dma_wait3A_1015] : memref<16384xf32, #tpu.memory_space<vmem>> -> memref<512xf32, #tpu.memory_space<vmem>>
    %dma_wait3A_1017 = tpu.memref_slice %arg7[%add3A_534] : memref<524288xf32, #tpu.memory_space<hbm>> -> memref<512xf32, #tpu.memory_space<hbm>>
    %dma_wait3A_1018 = tpu.memref_slice %arg7[%add3A_534] : memref<524288xf32, #tpu.memory_space<hbm>> -> memref<512xf32, #tpu.memory_space<hbm>>
    %dma_wait3A_1019 = arith.constant 3584 : i32
    %dma_wait3A_1020 = tpu.memref_slice %arg16[%dma_wait3A_1019] : memref<16384xf32, #tpu.memory_space<vmem>> -> memref<512xf32, #tpu.memory_space<vmem>>
    tpu.wait_dma2 semaphore(%arg18 : memref<!tpu.dma_semaphore, #tpu.memory_space<semaphore_mem>>) src(%dma_wait3A_1020 : memref<512xf32, #tpu.memory_space<vmem>>) dst(%dma_wait3A_1018 : memref<512xf32, #tpu.memory_space<hbm>>)
    %dma_wait3A_1021 = arith.constant 4096 : i32
    %dma_wait3A_1022 = tpu.memref_slice %arg15[%dma_wait3A_1021] : memref<16384xf32, #tpu.memory_space<vmem>> -> memref<512xf32, #tpu.memory_space<vmem>>
    %dma_wait3A_1023 = tpu.memref_slice %arg6[%add3A_542] : memref<524288xf32, #tpu.memory_space<hbm>> -> memref<512xf32, #tpu.memory_space<hbm>>
    %dma_wait3A_1024 = tpu.memref_slice %arg6[%add3A_542] : memref<524288xf32, #tpu.memory_space<hbm>> -> memref<512xf32, #tpu.memory_space<hbm>>
    %dma_wait3A_1025 = arith.constant 4096 : i32
    %dma_wait3A_1026 = tpu.memref_slice %arg15[%dma_wait3A_1025] : memref<16384xf32, #tpu.memory_space<vmem>> -> memref<512xf32, #tpu.memory_space<vmem>>
    tpu.wait_dma2 semaphore(%arg18 : memref<!tpu.dma_semaphore, #tpu.memory_space<semaphore_mem>>) src(%dma_wait3A_1026 : memref<512xf32, #tpu.memory_space<vmem>>) dst(%dma_wait3A_1024 : memref<512xf32, #tpu.memory_space<hbm>>)
    %dma_wait3A_1027 = arith.constant 4096 : i32
    %dma_wait3A_1028 = tpu.memref_slice %arg16[%dma_wait3A_1027] : memref<16384xf32, #tpu.memory_space<vmem>> -> memref<512xf32, #tpu.memory_space<vmem>>
    %dma_wait3A_1029 = tpu.memref_slice %arg7[%add3A_550] : memref<524288xf32, #tpu.memory_space<hbm>> -> memref<512xf32, #tpu.memory_space<hbm>>
    %dma_wait3A_1030 = tpu.memref_slice %arg7[%add3A_550] : memref<524288xf32, #tpu.memory_space<hbm>> -> memref<512xf32, #tpu.memory_space<hbm>>
    %dma_wait3A_1031 = arith.constant 4096 : i32
    %dma_wait3A_1032 = tpu.memref_slice %arg16[%dma_wait3A_1031] : memref<16384xf32, #tpu.memory_space<vmem>> -> memref<512xf32, #tpu.memory_space<vmem>>
    tpu.wait_dma2 semaphore(%arg18 : memref<!tpu.dma_semaphore, #tpu.memory_space<semaphore_mem>>) src(%dma_wait3A_1032 : memref<512xf32, #tpu.memory_space<vmem>>) dst(%dma_wait3A_1030 : memref<512xf32, #tpu.memory_space<hbm>>)
    %dma_wait3A_1033 = arith.constant 4608 : i32
    %dma_wait3A_1034 = tpu.memref_slice %arg15[%dma_wait3A_1033] : memref<16384xf32, #tpu.memory_space<vmem>> -> memref<512xf32, #tpu.memory_space<vmem>>
    %dma_wait3A_1035 = tpu.memref_slice %arg6[%add3A_558] : memref<524288xf32, #tpu.memory_space<hbm>> -> memref<512xf32, #tpu.memory_space<hbm>>
    %dma_wait3A_1036 = tpu.memref_slice %arg6[%add3A_558] : memref<524288xf32, #tpu.memory_space<hbm>> -> memref<512xf32, #tpu.memory_space<hbm>>
    %dma_wait3A_1037 = arith.constant 4608 : i32
    %dma_wait3A_1038 = tpu.memref_slice %arg15[%dma_wait3A_1037] : memref<16384xf32, #tpu.memory_space<vmem>> -> memref<512xf32, #tpu.memory_space<vmem>>
    tpu.wait_dma2 semaphore(%arg18 : memref<!tpu.dma_semaphore, #tpu.memory_space<semaphore_mem>>) src(%dma_wait3A_1038 : memref<512xf32, #tpu.memory_space<vmem>>) dst(%dma_wait3A_1036 : memref<512xf32, #tpu.memory_space<hbm>>)
    %dma_wait3A_1039 = arith.constant 4608 : i32
    %dma_wait3A_1040 = tpu.memref_slice %arg16[%dma_wait3A_1039] : memref<16384xf32, #tpu.memory_space<vmem>> -> memref<512xf32, #tpu.memory_space<vmem>>
    %dma_wait3A_1041 = tpu.memref_slice %arg7[%add3A_566] : memref<524288xf32, #tpu.memory_space<hbm>> -> memref<512xf32, #tpu.memory_space<hbm>>
    %dma_wait3A_1042 = tpu.memref_slice %arg7[%add3A_566] : memref<524288xf32, #tpu.memory_space<hbm>> -> memref<512xf32, #tpu.memory_space<hbm>>
    %dma_wait3A_1043 = arith.constant 4608 : i32
    %dma_wait3A_1044 = tpu.memref_slice %arg16[%dma_wait3A_1043] : memref<16384xf32, #tpu.memory_space<vmem>> -> memref<512xf32, #tpu.memory_space<vmem>>
    tpu.wait_dma2 semaphore(%arg18 : memref<!tpu.dma_semaphore, #tpu.memory_space<semaphore_mem>>) src(%dma_wait3A_1044 : memref<512xf32, #tpu.memory_space<vmem>>) dst(%dma_wait3A_1042 : memref<512xf32, #tpu.memory_space<hbm>>)
    %dma_wait3A_1045 = arith.constant 5120 : i32
    %dma_wait3A_1046 = tpu.memref_slice %arg15[%dma_wait3A_1045] : memref<16384xf32, #tpu.memory_space<vmem>> -> memref<512xf32, #tpu.memory_space<vmem>>
    %dma_wait3A_1047 = tpu.memref_slice %arg6[%add3A_574] : memref<524288xf32, #tpu.memory_space<hbm>> -> memref<512xf32, #tpu.memory_space<hbm>>
    %dma_wait3A_1048 = tpu.memref_slice %arg6[%add3A_574] : memref<524288xf32, #tpu.memory_space<hbm>> -> memref<512xf32, #tpu.memory_space<hbm>>
    %dma_wait3A_1049 = arith.constant 5120 : i32
    %dma_wait3A_1050 = tpu.memref_slice %arg15[%dma_wait3A_1049] : memref<16384xf32, #tpu.memory_space<vmem>> -> memref<512xf32, #tpu.memory_space<vmem>>
    tpu.wait_dma2 semaphore(%arg18 : memref<!tpu.dma_semaphore, #tpu.memory_space<semaphore_mem>>) src(%dma_wait3A_1050 : memref<512xf32, #tpu.memory_space<vmem>>) dst(%dma_wait3A_1048 : memref<512xf32, #tpu.memory_space<hbm>>)
    %dma_wait3A_1051 = arith.constant 5120 : i32
    %dma_wait3A_1052 = tpu.memref_slice %arg16[%dma_wait3A_1051] : memref<16384xf32, #tpu.memory_space<vmem>> -> memref<512xf32, #tpu.memory_space<vmem>>
    %dma_wait3A_1053 = tpu.memref_slice %arg7[%add3A_582] : memref<524288xf32, #tpu.memory_space<hbm>> -> memref<512xf32, #tpu.memory_space<hbm>>
    %dma_wait3A_1054 = tpu.memref_slice %arg7[%add3A_582] : memref<524288xf32, #tpu.memory_space<hbm>> -> memref<512xf32, #tpu.memory_space<hbm>>
    %dma_wait3A_1055 = arith.constant 5120 : i32
    %dma_wait3A_1056 = tpu.memref_slice %arg16[%dma_wait3A_1055] : memref<16384xf32, #tpu.memory_space<vmem>> -> memref<512xf32, #tpu.memory_space<vmem>>
    tpu.wait_dma2 semaphore(%arg18 : memref<!tpu.dma_semaphore, #tpu.memory_space<semaphore_mem>>) src(%dma_wait3A_1056 : memref<512xf32, #tpu.memory_space<vmem>>) dst(%dma_wait3A_1054 : memref<512xf32, #tpu.memory_space<hbm>>)
    %dma_wait3A_1057 = arith.constant 5632 : i32
    %dma_wait3A_1058 = tpu.memref_slice %arg15[%dma_wait3A_1057] : memref<16384xf32, #tpu.memory_space<vmem>> -> memref<512xf32, #tpu.memory_space<vmem>>
    %dma_wait3A_1059 = tpu.memref_slice %arg6[%add3A_590] : memref<524288xf32, #tpu.memory_space<hbm>> -> memref<512xf32, #tpu.memory_space<hbm>>
    %dma_wait3A_1060 = tpu.memref_slice %arg6[%add3A_590] : memref<524288xf32, #tpu.memory_space<hbm>> -> memref<512xf32, #tpu.memory_space<hbm>>
    %dma_wait3A_1061 = arith.constant 5632 : i32
    %dma_wait3A_1062 = tpu.memref_slice %arg15[%dma_wait3A_1061] : memref<16384xf32, #tpu.memory_space<vmem>> -> memref<512xf32, #tpu.memory_space<vmem>>
    tpu.wait_dma2 semaphore(%arg18 : memref<!tpu.dma_semaphore, #tpu.memory_space<semaphore_mem>>) src(%dma_wait3A_1062 : memref<512xf32, #tpu.memory_space<vmem>>) dst(%dma_wait3A_1060 : memref<512xf32, #tpu.memory_space<hbm>>)
    %dma_wait3A_1063 = arith.constant 5632 : i32
    %dma_wait3A_1064 = tpu.memref_slice %arg16[%dma_wait3A_1063] : memref<16384xf32, #tpu.memory_space<vmem>> -> memref<512xf32, #tpu.memory_space<vmem>>
    %dma_wait3A_1065 = tpu.memref_slice %arg7[%add3A_598] : memref<524288xf32, #tpu.memory_space<hbm>> -> memref<512xf32, #tpu.memory_space<hbm>>
    %dma_wait3A_1066 = tpu.memref_slice %arg7[%add3A_598] : memref<524288xf32, #tpu.memory_space<hbm>> -> memref<512xf32, #tpu.memory_space<hbm>>
    %dma_wait3A_1067 = arith.constant 5632 : i32
    %dma_wait3A_1068 = tpu.memref_slice %arg16[%dma_wait3A_1067] : memref<16384xf32, #tpu.memory_space<vmem>> -> memref<512xf32, #tpu.memory_space<vmem>>
    tpu.wait_dma2 semaphore(%arg18 : memref<!tpu.dma_semaphore, #tpu.memory_space<semaphore_mem>>) src(%dma_wait3A_1068 : memref<512xf32, #tpu.memory_space<vmem>>) dst(%dma_wait3A_1066 : memref<512xf32, #tpu.memory_space<hbm>>)
    %dma_wait3A_1069 = arith.constant 6144 : i32
    %dma_wait3A_1070 = tpu.memref_slice %arg15[%dma_wait3A_1069] : memref<16384xf32, #tpu.memory_space<vmem>> -> memref<512xf32, #tpu.memory_space<vmem>>
    %dma_wait3A_1071 = tpu.memref_slice %arg6[%add3A_606] : memref<524288xf32, #tpu.memory_space<hbm>> -> memref<512xf32, #tpu.memory_space<hbm>>
    %dma_wait3A_1072 = tpu.memref_slice %arg6[%add3A_606] : memref<524288xf32, #tpu.memory_space<hbm>> -> memref<512xf32, #tpu.memory_space<hbm>>
    %dma_wait3A_1073 = arith.constant 6144 : i32
    %dma_wait3A_1074 = tpu.memref_slice %arg15[%dma_wait3A_1073] : memref<16384xf32, #tpu.memory_space<vmem>> -> memref<512xf32, #tpu.memory_space<vmem>>
    tpu.wait_dma2 semaphore(%arg18 : memref<!tpu.dma_semaphore, #tpu.memory_space<semaphore_mem>>) src(%dma_wait3A_1074 : memref<512xf32, #tpu.memory_space<vmem>>) dst(%dma_wait3A_1072 : memref<512xf32, #tpu.memory_space<hbm>>)
    %dma_wait3A_1075 = arith.constant 6144 : i32
    %dma_wait3A_1076 = tpu.memref_slice %arg16[%dma_wait3A_1075] : memref<16384xf32, #tpu.memory_space<vmem>> -> memref<512xf32, #tpu.memory_space<vmem>>
    %dma_wait3A_1077 = tpu.memref_slice %arg7[%add3A_614] : memref<524288xf32, #tpu.memory_space<hbm>> -> memref<512xf32, #tpu.memory_space<hbm>>
    %dma_wait3A_1078 = tpu.memref_slice %arg7[%add3A_614] : memref<524288xf32, #tpu.memory_space<hbm>> -> memref<512xf32, #tpu.memory_space<hbm>>
    %dma_wait3A_1079 = arith.constant 6144 : i32
    %dma_wait3A_1080 = tpu.memref_slice %arg16[%dma_wait3A_1079] : memref<16384xf32, #tpu.memory_space<vmem>> -> memref<512xf32, #tpu.memory_space<vmem>>
    tpu.wait_dma2 semaphore(%arg18 : memref<!tpu.dma_semaphore, #tpu.memory_space<semaphore_mem>>) src(%dma_wait3A_1080 : memref<512xf32, #tpu.memory_space<vmem>>) dst(%dma_wait3A_1078 : memref<512xf32, #tpu.memory_space<hbm>>)
    %dma_wait3A_1081 = arith.constant 6656 : i32
    %dma_wait3A_1082 = tpu.memref_slice %arg15[%dma_wait3A_1081] : memref<16384xf32, #tpu.memory_space<vmem>> -> memref<512xf32, #tpu.memory_space<vmem>>
    %dma_wait3A_1083 = tpu.memref_slice %arg6[%add3A_622] : memref<524288xf32, #tpu.memory_space<hbm>> -> memref<512xf32, #tpu.memory_space<hbm>>
    %dma_wait3A_1084 = tpu.memref_slice %arg6[%add3A_622] : memref<524288xf32, #tpu.memory_space<hbm>> -> memref<512xf32, #tpu.memory_space<hbm>>
    %dma_wait3A_1085 = arith.constant 6656 : i32
    %dma_wait3A_1086 = tpu.memref_slice %arg15[%dma_wait3A_1085] : memref<16384xf32, #tpu.memory_space<vmem>> -> memref<512xf32, #tpu.memory_space<vmem>>
    tpu.wait_dma2 semaphore(%arg18 : memref<!tpu.dma_semaphore, #tpu.memory_space<semaphore_mem>>) src(%dma_wait3A_1086 : memref<512xf32, #tpu.memory_space<vmem>>) dst(%dma_wait3A_1084 : memref<512xf32, #tpu.memory_space<hbm>>)
    %dma_wait3A_1087 = arith.constant 6656 : i32
    %dma_wait3A_1088 = tpu.memref_slice %arg16[%dma_wait3A_1087] : memref<16384xf32, #tpu.memory_space<vmem>> -> memref<512xf32, #tpu.memory_space<vmem>>
    %dma_wait3A_1089 = tpu.memref_slice %arg7[%add3A_630] : memref<524288xf32, #tpu.memory_space<hbm>> -> memref<512xf32, #tpu.memory_space<hbm>>
    %dma_wait3A_1090 = tpu.memref_slice %arg7[%add3A_630] : memref<524288xf32, #tpu.memory_space<hbm>> -> memref<512xf32, #tpu.memory_space<hbm>>
    %dma_wait3A_1091 = arith.constant 6656 : i32
    %dma_wait3A_1092 = tpu.memref_slice %arg16[%dma_wait3A_1091] : memref<16384xf32, #tpu.memory_space<vmem>> -> memref<512xf32, #tpu.memory_space<vmem>>
    tpu.wait_dma2 semaphore(%arg18 : memref<!tpu.dma_semaphore, #tpu.memory_space<semaphore_mem>>) src(%dma_wait3A_1092 : memref<512xf32, #tpu.memory_space<vmem>>) dst(%dma_wait3A_1090 : memref<512xf32, #tpu.memory_space<hbm>>)
    %dma_wait3A_1093 = arith.constant 7168 : i32
    %dma_wait3A_1094 = tpu.memref_slice %arg15[%dma_wait3A_1093] : memref<16384xf32, #tpu.memory_space<vmem>> -> memref<512xf32, #tpu.memory_space<vmem>>
    %dma_wait3A_1095 = tpu.memref_slice %arg6[%add3A_638] : memref<524288xf32, #tpu.memory_space<hbm>> -> memref<512xf32, #tpu.memory_space<hbm>>
    %dma_wait3A_1096 = tpu.memref_slice %arg6[%add3A_638] : memref<524288xf32, #tpu.memory_space<hbm>> -> memref<512xf32, #tpu.memory_space<hbm>>
    %dma_wait3A_1097 = arith.constant 7168 : i32
    %dma_wait3A_1098 = tpu.memref_slice %arg15[%dma_wait3A_1097] : memref<16384xf32, #tpu.memory_space<vmem>> -> memref<512xf32, #tpu.memory_space<vmem>>
    tpu.wait_dma2 semaphore(%arg18 : memref<!tpu.dma_semaphore, #tpu.memory_space<semaphore_mem>>) src(%dma_wait3A_1098 : memref<512xf32, #tpu.memory_space<vmem>>) dst(%dma_wait3A_1096 : memref<512xf32, #tpu.memory_space<hbm>>)
    %dma_wait3A_1099 = arith.constant 7168 : i32
    %dma_wait3A_1100 = tpu.memref_slice %arg16[%dma_wait3A_1099] : memref<16384xf32, #tpu.memory_space<vmem>> -> memref<512xf32, #tpu.memory_space<vmem>>
    %dma_wait3A_1101 = tpu.memref_slice %arg7[%add3A_646] : memref<524288xf32, #tpu.memory_space<hbm>> -> memref<512xf32, #tpu.memory_space<hbm>>
    %dma_wait3A_1102 = tpu.memref_slice %arg7[%add3A_646] : memref<524288xf32, #tpu.memory_space<hbm>> -> memref<512xf32, #tpu.memory_space<hbm>>
    %dma_wait3A_1103 = arith.constant 7168 : i32
    %dma_wait3A_1104 = tpu.memref_slice %arg16[%dma_wait3A_1103] : memref<16384xf32, #tpu.memory_space<vmem>> -> memref<512xf32, #tpu.memory_space<vmem>>
    tpu.wait_dma2 semaphore(%arg18 : memref<!tpu.dma_semaphore, #tpu.memory_space<semaphore_mem>>) src(%dma_wait3A_1104 : memref<512xf32, #tpu.memory_space<vmem>>) dst(%dma_wait3A_1102 : memref<512xf32, #tpu.memory_space<hbm>>)
    %dma_wait3A_1105 = arith.constant 7680 : i32
    %dma_wait3A_1106 = tpu.memref_slice %arg15[%dma_wait3A_1105] : memref<16384xf32, #tpu.memory_space<vmem>> -> memref<512xf32, #tpu.memory_space<vmem>>
    %dma_wait3A_1107 = tpu.memref_slice %arg6[%add3A_654] : memref<524288xf32, #tpu.memory_space<hbm>> -> memref<512xf32, #tpu.memory_space<hbm>>
    %dma_wait3A_1108 = tpu.memref_slice %arg6[%add3A_654] : memref<524288xf32, #tpu.memory_space<hbm>> -> memref<512xf32, #tpu.memory_space<hbm>>
    %dma_wait3A_1109 = arith.constant 7680 : i32
    %dma_wait3A_1110 = tpu.memref_slice %arg15[%dma_wait3A_1109] : memref<16384xf32, #tpu.memory_space<vmem>> -> memref<512xf32, #tpu.memory_space<vmem>>
    tpu.wait_dma2 semaphore(%arg18 : memref<!tpu.dma_semaphore, #tpu.memory_space<semaphore_mem>>) src(%dma_wait3A_1110 : memref<512xf32, #tpu.memory_space<vmem>>) dst(%dma_wait3A_1108 : memref<512xf32, #tpu.memory_space<hbm>>)
    %dma_wait3A_1111 = arith.constant 7680 : i32
    %dma_wait3A_1112 = tpu.memref_slice %arg16[%dma_wait3A_1111] : memref<16384xf32, #tpu.memory_space<vmem>> -> memref<512xf32, #tpu.memory_space<vmem>>
    %dma_wait3A_1113 = tpu.memref_slice %arg7[%add3A_662] : memref<524288xf32, #tpu.memory_space<hbm>> -> memref<512xf32, #tpu.memory_space<hbm>>
    %dma_wait3A_1114 = tpu.memref_slice %arg7[%add3A_662] : memref<524288xf32, #tpu.memory_space<hbm>> -> memref<512xf32, #tpu.memory_space<hbm>>
    %dma_wait3A_1115 = arith.constant 7680 : i32
    %dma_wait3A_1116 = tpu.memref_slice %arg16[%dma_wait3A_1115] : memref<16384xf32, #tpu.memory_space<vmem>> -> memref<512xf32, #tpu.memory_space<vmem>>
    tpu.wait_dma2 semaphore(%arg18 : memref<!tpu.dma_semaphore, #tpu.memory_space<semaphore_mem>>) src(%dma_wait3A_1116 : memref<512xf32, #tpu.memory_space<vmem>>) dst(%dma_wait3A_1114 : memref<512xf32, #tpu.memory_space<hbm>>)
    %dma_wait3A_1117 = arith.constant 8192 : i32
    %dma_wait3A_1118 = tpu.memref_slice %arg15[%dma_wait3A_1117] : memref<16384xf32, #tpu.memory_space<vmem>> -> memref<512xf32, #tpu.memory_space<vmem>>
    %dma_wait3A_1119 = tpu.memref_slice %arg6[%add3A_670] : memref<524288xf32, #tpu.memory_space<hbm>> -> memref<512xf32, #tpu.memory_space<hbm>>
    %dma_wait3A_1120 = tpu.memref_slice %arg6[%add3A_670] : memref<524288xf32, #tpu.memory_space<hbm>> -> memref<512xf32, #tpu.memory_space<hbm>>
    %dma_wait3A_1121 = arith.constant 8192 : i32
    %dma_wait3A_1122 = tpu.memref_slice %arg15[%dma_wait3A_1121] : memref<16384xf32, #tpu.memory_space<vmem>> -> memref<512xf32, #tpu.memory_space<vmem>>
    tpu.wait_dma2 semaphore(%arg18 : memref<!tpu.dma_semaphore, #tpu.memory_space<semaphore_mem>>) src(%dma_wait3A_1122 : memref<512xf32, #tpu.memory_space<vmem>>) dst(%dma_wait3A_1120 : memref<512xf32, #tpu.memory_space<hbm>>)
    %dma_wait3A_1123 = arith.constant 8192 : i32
    %dma_wait3A_1124 = tpu.memref_slice %arg16[%dma_wait3A_1123] : memref<16384xf32, #tpu.memory_space<vmem>> -> memref<512xf32, #tpu.memory_space<vmem>>
    %dma_wait3A_1125 = tpu.memref_slice %arg7[%add3A_678] : memref<524288xf32, #tpu.memory_space<hbm>> -> memref<512xf32, #tpu.memory_space<hbm>>
    %dma_wait3A_1126 = tpu.memref_slice %arg7[%add3A_678] : memref<524288xf32, #tpu.memory_space<hbm>> -> memref<512xf32, #tpu.memory_space<hbm>>
    %dma_wait3A_1127 = arith.constant 8192 : i32
    %dma_wait3A_1128 = tpu.memref_slice %arg16[%dma_wait3A_1127] : memref<16384xf32, #tpu.memory_space<vmem>> -> memref<512xf32, #tpu.memory_space<vmem>>
    tpu.wait_dma2 semaphore(%arg18 : memref<!tpu.dma_semaphore, #tpu.memory_space<semaphore_mem>>) src(%dma_wait3A_1128 : memref<512xf32, #tpu.memory_space<vmem>>) dst(%dma_wait3A_1126 : memref<512xf32, #tpu.memory_space<hbm>>)
    %dma_wait3A_1129 = arith.constant 8704 : i32
    %dma_wait3A_1130 = tpu.memref_slice %arg15[%dma_wait3A_1129] : memref<16384xf32, #tpu.memory_space<vmem>> -> memref<512xf32, #tpu.memory_space<vmem>>
    %dma_wait3A_1131 = tpu.memref_slice %arg6[%add3A_686] : memref<524288xf32, #tpu.memory_space<hbm>> -> memref<512xf32, #tpu.memory_space<hbm>>
    %dma_wait3A_1132 = tpu.memref_slice %arg6[%add3A_686] : memref<524288xf32, #tpu.memory_space<hbm>> -> memref<512xf32, #tpu.memory_space<hbm>>
    %dma_wait3A_1133 = arith.constant 8704 : i32
    %dma_wait3A_1134 = tpu.memref_slice %arg15[%dma_wait3A_1133] : memref<16384xf32, #tpu.memory_space<vmem>> -> memref<512xf32, #tpu.memory_space<vmem>>
    tpu.wait_dma2 semaphore(%arg18 : memref<!tpu.dma_semaphore, #tpu.memory_space<semaphore_mem>>) src(%dma_wait3A_1134 : memref<512xf32, #tpu.memory_space<vmem>>) dst(%dma_wait3A_1132 : memref<512xf32, #tpu.memory_space<hbm>>)
    %dma_wait3A_1135 = arith.constant 8704 : i32
    %dma_wait3A_1136 = tpu.memref_slice %arg16[%dma_wait3A_1135] : memref<16384xf32, #tpu.memory_space<vmem>> -> memref<512xf32, #tpu.memory_space<vmem>>
    %dma_wait3A_1137 = tpu.memref_slice %arg7[%add3A_694] : memref<524288xf32, #tpu.memory_space<hbm>> -> memref<512xf32, #tpu.memory_space<hbm>>
    %dma_wait3A_1138 = tpu.memref_slice %arg7[%add3A_694] : memref<524288xf32, #tpu.memory_space<hbm>> -> memref<512xf32, #tpu.memory_space<hbm>>
    %dma_wait3A_1139 = arith.constant 8704 : i32
    %dma_wait3A_1140 = tpu.memref_slice %arg16[%dma_wait3A_1139] : memref<16384xf32, #tpu.memory_space<vmem>> -> memref<512xf32, #tpu.memory_space<vmem>>
    tpu.wait_dma2 semaphore(%arg18 : memref<!tpu.dma_semaphore, #tpu.memory_space<semaphore_mem>>) src(%dma_wait3A_1140 : memref<512xf32, #tpu.memory_space<vmem>>) dst(%dma_wait3A_1138 : memref<512xf32, #tpu.memory_space<hbm>>)
    %dma_wait3A_1141 = arith.constant 9216 : i32
    %dma_wait3A_1142 = tpu.memref_slice %arg15[%dma_wait3A_1141] : memref<16384xf32, #tpu.memory_space<vmem>> -> memref<512xf32, #tpu.memory_space<vmem>>
    %dma_wait3A_1143 = tpu.memref_slice %arg6[%add3A_702] : memref<524288xf32, #tpu.memory_space<hbm>> -> memref<512xf32, #tpu.memory_space<hbm>>
    %dma_wait3A_1144 = tpu.memref_slice %arg6[%add3A_702] : memref<524288xf32, #tpu.memory_space<hbm>> -> memref<512xf32, #tpu.memory_space<hbm>>
    %dma_wait3A_1145 = arith.constant 9216 : i32
    %dma_wait3A_1146 = tpu.memref_slice %arg15[%dma_wait3A_1145] : memref<16384xf32, #tpu.memory_space<vmem>> -> memref<512xf32, #tpu.memory_space<vmem>>
    tpu.wait_dma2 semaphore(%arg18 : memref<!tpu.dma_semaphore, #tpu.memory_space<semaphore_mem>>) src(%dma_wait3A_1146 : memref<512xf32, #tpu.memory_space<vmem>>) dst(%dma_wait3A_1144 : memref<512xf32, #tpu.memory_space<hbm>>)
    %dma_wait3A_1147 = arith.constant 9216 : i32
    %dma_wait3A_1148 = tpu.memref_slice %arg16[%dma_wait3A_1147] : memref<16384xf32, #tpu.memory_space<vmem>> -> memref<512xf32, #tpu.memory_space<vmem>>
    %dma_wait3A_1149 = tpu.memref_slice %arg7[%add3A_710] : memref<524288xf32, #tpu.memory_space<hbm>> -> memref<512xf32, #tpu.memory_space<hbm>>
    %dma_wait3A_1150 = tpu.memref_slice %arg7[%add3A_710] : memref<524288xf32, #tpu.memory_space<hbm>> -> memref<512xf32, #tpu.memory_space<hbm>>
    %dma_wait3A_1151 = arith.constant 9216 : i32
    %dma_wait3A_1152 = tpu.memref_slice %arg16[%dma_wait3A_1151] : memref<16384xf32, #tpu.memory_space<vmem>> -> memref<512xf32, #tpu.memory_space<vmem>>
    tpu.wait_dma2 semaphore(%arg18 : memref<!tpu.dma_semaphore, #tpu.memory_space<semaphore_mem>>) src(%dma_wait3A_1152 : memref<512xf32, #tpu.memory_space<vmem>>) dst(%dma_wait3A_1150 : memref<512xf32, #tpu.memory_space<hbm>>)
    %dma_wait3A_1153 = arith.constant 9728 : i32
    %dma_wait3A_1154 = tpu.memref_slice %arg15[%dma_wait3A_1153] : memref<16384xf32, #tpu.memory_space<vmem>> -> memref<512xf32, #tpu.memory_space<vmem>>
    %dma_wait3A_1155 = tpu.memref_slice %arg6[%add3A_718] : memref<524288xf32, #tpu.memory_space<hbm>> -> memref<512xf32, #tpu.memory_space<hbm>>
    %dma_wait3A_1156 = tpu.memref_slice %arg6[%add3A_718] : memref<524288xf32, #tpu.memory_space<hbm>> -> memref<512xf32, #tpu.memory_space<hbm>>
    %dma_wait3A_1157 = arith.constant 9728 : i32
    %dma_wait3A_1158 = tpu.memref_slice %arg15[%dma_wait3A_1157] : memref<16384xf32, #tpu.memory_space<vmem>> -> memref<512xf32, #tpu.memory_space<vmem>>
    tpu.wait_dma2 semaphore(%arg18 : memref<!tpu.dma_semaphore, #tpu.memory_space<semaphore_mem>>) src(%dma_wait3A_1158 : memref<512xf32, #tpu.memory_space<vmem>>) dst(%dma_wait3A_1156 : memref<512xf32, #tpu.memory_space<hbm>>)
    %dma_wait3A_1159 = arith.constant 9728 : i32
    %dma_wait3A_1160 = tpu.memref_slice %arg16[%dma_wait3A_1159] : memref<16384xf32, #tpu.memory_space<vmem>> -> memref<512xf32, #tpu.memory_space<vmem>>
    %dma_wait3A_1161 = tpu.memref_slice %arg7[%add3A_726] : memref<524288xf32, #tpu.memory_space<hbm>> -> memref<512xf32, #tpu.memory_space<hbm>>
    %dma_wait3A_1162 = tpu.memref_slice %arg7[%add3A_726] : memref<524288xf32, #tpu.memory_space<hbm>> -> memref<512xf32, #tpu.memory_space<hbm>>
    %dma_wait3A_1163 = arith.constant 9728 : i32
    %dma_wait3A_1164 = tpu.memref_slice %arg16[%dma_wait3A_1163] : memref<16384xf32, #tpu.memory_space<vmem>> -> memref<512xf32, #tpu.memory_space<vmem>>
    tpu.wait_dma2 semaphore(%arg18 : memref<!tpu.dma_semaphore, #tpu.memory_space<semaphore_mem>>) src(%dma_wait3A_1164 : memref<512xf32, #tpu.memory_space<vmem>>) dst(%dma_wait3A_1162 : memref<512xf32, #tpu.memory_space<hbm>>)
    %dma_wait3A_1165 = arith.constant 10240 : i32
    %dma_wait3A_1166 = tpu.memref_slice %arg15[%dma_wait3A_1165] : memref<16384xf32, #tpu.memory_space<vmem>> -> memref<512xf32, #tpu.memory_space<vmem>>
    %dma_wait3A_1167 = tpu.memref_slice %arg6[%add3A_734] : memref<524288xf32, #tpu.memory_space<hbm>> -> memref<512xf32, #tpu.memory_space<hbm>>
    %dma_wait3A_1168 = tpu.memref_slice %arg6[%add3A_734] : memref<524288xf32, #tpu.memory_space<hbm>> -> memref<512xf32, #tpu.memory_space<hbm>>
    %dma_wait3A_1169 = arith.constant 10240 : i32
    %dma_wait3A_1170 = tpu.memref_slice %arg15[%dma_wait3A_1169] : memref<16384xf32, #tpu.memory_space<vmem>> -> memref<512xf32, #tpu.memory_space<vmem>>
    tpu.wait_dma2 semaphore(%arg18 : memref<!tpu.dma_semaphore, #tpu.memory_space<semaphore_mem>>) src(%dma_wait3A_1170 : memref<512xf32, #tpu.memory_space<vmem>>) dst(%dma_wait3A_1168 : memref<512xf32, #tpu.memory_space<hbm>>)
    %dma_wait3A_1171 = arith.constant 10240 : i32
    %dma_wait3A_1172 = tpu.memref_slice %arg16[%dma_wait3A_1171] : memref<16384xf32, #tpu.memory_space<vmem>> -> memref<512xf32, #tpu.memory_space<vmem>>
    %dma_wait3A_1173 = tpu.memref_slice %arg7[%add3A_742] : memref<524288xf32, #tpu.memory_space<hbm>> -> memref<512xf32, #tpu.memory_space<hbm>>
    %dma_wait3A_1174 = tpu.memref_slice %arg7[%add3A_742] : memref<524288xf32, #tpu.memory_space<hbm>> -> memref<512xf32, #tpu.memory_space<hbm>>
    %dma_wait3A_1175 = arith.constant 10240 : i32
    %dma_wait3A_1176 = tpu.memref_slice %arg16[%dma_wait3A_1175] : memref<16384xf32, #tpu.memory_space<vmem>> -> memref<512xf32, #tpu.memory_space<vmem>>
    tpu.wait_dma2 semaphore(%arg18 : memref<!tpu.dma_semaphore, #tpu.memory_space<semaphore_mem>>) src(%dma_wait3A_1176 : memref<512xf32, #tpu.memory_space<vmem>>) dst(%dma_wait3A_1174 : memref<512xf32, #tpu.memory_space<hbm>>)
    %dma_wait3A_1177 = arith.constant 10752 : i32
    %dma_wait3A_1178 = tpu.memref_slice %arg15[%dma_wait3A_1177] : memref<16384xf32, #tpu.memory_space<vmem>> -> memref<512xf32, #tpu.memory_space<vmem>>
    %dma_wait3A_1179 = tpu.memref_slice %arg6[%add3A_750] : memref<524288xf32, #tpu.memory_space<hbm>> -> memref<512xf32, #tpu.memory_space<hbm>>
    %dma_wait3A_1180 = tpu.memref_slice %arg6[%add3A_750] : memref<524288xf32, #tpu.memory_space<hbm>> -> memref<512xf32, #tpu.memory_space<hbm>>
    %dma_wait3A_1181 = arith.constant 10752 : i32
    %dma_wait3A_1182 = tpu.memref_slice %arg15[%dma_wait3A_1181] : memref<16384xf32, #tpu.memory_space<vmem>> -> memref<512xf32, #tpu.memory_space<vmem>>
    tpu.wait_dma2 semaphore(%arg18 : memref<!tpu.dma_semaphore, #tpu.memory_space<semaphore_mem>>) src(%dma_wait3A_1182 : memref<512xf32, #tpu.memory_space<vmem>>) dst(%dma_wait3A_1180 : memref<512xf32, #tpu.memory_space<hbm>>)
    %dma_wait3A_1183 = arith.constant 10752 : i32
    %dma_wait3A_1184 = tpu.memref_slice %arg16[%dma_wait3A_1183] : memref<16384xf32, #tpu.memory_space<vmem>> -> memref<512xf32, #tpu.memory_space<vmem>>
    %dma_wait3A_1185 = tpu.memref_slice %arg7[%add3A_758] : memref<524288xf32, #tpu.memory_space<hbm>> -> memref<512xf32, #tpu.memory_space<hbm>>
    %dma_wait3A_1186 = tpu.memref_slice %arg7[%add3A_758] : memref<524288xf32, #tpu.memory_space<hbm>> -> memref<512xf32, #tpu.memory_space<hbm>>
    %dma_wait3A_1187 = arith.constant 10752 : i32
    %dma_wait3A_1188 = tpu.memref_slice %arg16[%dma_wait3A_1187] : memref<16384xf32, #tpu.memory_space<vmem>> -> memref<512xf32, #tpu.memory_space<vmem>>
    tpu.wait_dma2 semaphore(%arg18 : memref<!tpu.dma_semaphore, #tpu.memory_space<semaphore_mem>>) src(%dma_wait3A_1188 : memref<512xf32, #tpu.memory_space<vmem>>) dst(%dma_wait3A_1186 : memref<512xf32, #tpu.memory_space<hbm>>)
    %dma_wait3A_1189 = arith.constant 11264 : i32
    %dma_wait3A_1190 = tpu.memref_slice %arg15[%dma_wait3A_1189] : memref<16384xf32, #tpu.memory_space<vmem>> -> memref<512xf32, #tpu.memory_space<vmem>>
    %dma_wait3A_1191 = tpu.memref_slice %arg6[%add3A_766] : memref<524288xf32, #tpu.memory_space<hbm>> -> memref<512xf32, #tpu.memory_space<hbm>>
    %dma_wait3A_1192 = tpu.memref_slice %arg6[%add3A_766] : memref<524288xf32, #tpu.memory_space<hbm>> -> memref<512xf32, #tpu.memory_space<hbm>>
    %dma_wait3A_1193 = arith.constant 11264 : i32
    %dma_wait3A_1194 = tpu.memref_slice %arg15[%dma_wait3A_1193] : memref<16384xf32, #tpu.memory_space<vmem>> -> memref<512xf32, #tpu.memory_space<vmem>>
    tpu.wait_dma2 semaphore(%arg18 : memref<!tpu.dma_semaphore, #tpu.memory_space<semaphore_mem>>) src(%dma_wait3A_1194 : memref<512xf32, #tpu.memory_space<vmem>>) dst(%dma_wait3A_1192 : memref<512xf32, #tpu.memory_space<hbm>>)
    %dma_wait3A_1195 = arith.constant 11264 : i32
    %dma_wait3A_1196 = tpu.memref_slice %arg16[%dma_wait3A_1195] : memref<16384xf32, #tpu.memory_space<vmem>> -> memref<512xf32, #tpu.memory_space<vmem>>
    %dma_wait3A_1197 = tpu.memref_slice %arg7[%add3A_774] : memref<524288xf32, #tpu.memory_space<hbm>> -> memref<512xf32, #tpu.memory_space<hbm>>
    %dma_wait3A_1198 = tpu.memref_slice %arg7[%add3A_774] : memref<524288xf32, #tpu.memory_space<hbm>> -> memref<512xf32, #tpu.memory_space<hbm>>
    %dma_wait3A_1199 = arith.constant 11264 : i32
    %dma_wait3A_1200 = tpu.memref_slice %arg16[%dma_wait3A_1199] : memref<16384xf32, #tpu.memory_space<vmem>> -> memref<512xf32, #tpu.memory_space<vmem>>
    tpu.wait_dma2 semaphore(%arg18 : memref<!tpu.dma_semaphore, #tpu.memory_space<semaphore_mem>>) src(%dma_wait3A_1200 : memref<512xf32, #tpu.memory_space<vmem>>) dst(%dma_wait3A_1198 : memref<512xf32, #tpu.memory_space<hbm>>)
    %dma_wait3A_1201 = arith.constant 11776 : i32
    %dma_wait3A_1202 = tpu.memref_slice %arg15[%dma_wait3A_1201] : memref<16384xf32, #tpu.memory_space<vmem>> -> memref<512xf32, #tpu.memory_space<vmem>>
    %dma_wait3A_1203 = tpu.memref_slice %arg6[%add3A_782] : memref<524288xf32, #tpu.memory_space<hbm>> -> memref<512xf32, #tpu.memory_space<hbm>>
    %dma_wait3A_1204 = tpu.memref_slice %arg6[%add3A_782] : memref<524288xf32, #tpu.memory_space<hbm>> -> memref<512xf32, #tpu.memory_space<hbm>>
    %dma_wait3A_1205 = arith.constant 11776 : i32
    %dma_wait3A_1206 = tpu.memref_slice %arg15[%dma_wait3A_1205] : memref<16384xf32, #tpu.memory_space<vmem>> -> memref<512xf32, #tpu.memory_space<vmem>>
    tpu.wait_dma2 semaphore(%arg18 : memref<!tpu.dma_semaphore, #tpu.memory_space<semaphore_mem>>) src(%dma_wait3A_1206 : memref<512xf32, #tpu.memory_space<vmem>>) dst(%dma_wait3A_1204 : memref<512xf32, #tpu.memory_space<hbm>>)
    %dma_wait3A_1207 = arith.constant 11776 : i32
    %dma_wait3A_1208 = tpu.memref_slice %arg16[%dma_wait3A_1207] : memref<16384xf32, #tpu.memory_space<vmem>> -> memref<512xf32, #tpu.memory_space<vmem>>
    %dma_wait3A_1209 = tpu.memref_slice %arg7[%add3A_790] : memref<524288xf32, #tpu.memory_space<hbm>> -> memref<512xf32, #tpu.memory_space<hbm>>
    %dma_wait3A_1210 = tpu.memref_slice %arg7[%add3A_790] : memref<524288xf32, #tpu.memory_space<hbm>> -> memref<512xf32, #tpu.memory_space<hbm>>
    %dma_wait3A_1211 = arith.constant 11776 : i32
    %dma_wait3A_1212 = tpu.memref_slice %arg16[%dma_wait3A_1211] : memref<16384xf32, #tpu.memory_space<vmem>> -> memref<512xf32, #tpu.memory_space<vmem>>
    tpu.wait_dma2 semaphore(%arg18 : memref<!tpu.dma_semaphore, #tpu.memory_space<semaphore_mem>>) src(%dma_wait3A_1212 : memref<512xf32, #tpu.memory_space<vmem>>) dst(%dma_wait3A_1210 : memref<512xf32, #tpu.memory_space<hbm>>)
    %dma_wait3A_1213 = arith.constant 12288 : i32
    %dma_wait3A_1214 = tpu.memref_slice %arg15[%dma_wait3A_1213] : memref<16384xf32, #tpu.memory_space<vmem>> -> memref<512xf32, #tpu.memory_space<vmem>>
    %dma_wait3A_1215 = tpu.memref_slice %arg6[%add3A_798] : memref<524288xf32, #tpu.memory_space<hbm>> -> memref<512xf32, #tpu.memory_space<hbm>>
    %dma_wait3A_1216 = tpu.memref_slice %arg6[%add3A_798] : memref<524288xf32, #tpu.memory_space<hbm>> -> memref<512xf32, #tpu.memory_space<hbm>>
    %dma_wait3A_1217 = arith.constant 12288 : i32
    %dma_wait3A_1218 = tpu.memref_slice %arg15[%dma_wait3A_1217] : memref<16384xf32, #tpu.memory_space<vmem>> -> memref<512xf32, #tpu.memory_space<vmem>>
    tpu.wait_dma2 semaphore(%arg18 : memref<!tpu.dma_semaphore, #tpu.memory_space<semaphore_mem>>) src(%dma_wait3A_1218 : memref<512xf32, #tpu.memory_space<vmem>>) dst(%dma_wait3A_1216 : memref<512xf32, #tpu.memory_space<hbm>>)
    %dma_wait3A_1219 = arith.constant 12288 : i32
    %dma_wait3A_1220 = tpu.memref_slice %arg16[%dma_wait3A_1219] : memref<16384xf32, #tpu.memory_space<vmem>> -> memref<512xf32, #tpu.memory_space<vmem>>
    %dma_wait3A_1221 = tpu.memref_slice %arg7[%add3A_806] : memref<524288xf32, #tpu.memory_space<hbm>> -> memref<512xf32, #tpu.memory_space<hbm>>
    %dma_wait3A_1222 = tpu.memref_slice %arg7[%add3A_806] : memref<524288xf32, #tpu.memory_space<hbm>> -> memref<512xf32, #tpu.memory_space<hbm>>
    %dma_wait3A_1223 = arith.constant 12288 : i32
    %dma_wait3A_1224 = tpu.memref_slice %arg16[%dma_wait3A_1223] : memref<16384xf32, #tpu.memory_space<vmem>> -> memref<512xf32, #tpu.memory_space<vmem>>
    tpu.wait_dma2 semaphore(%arg18 : memref<!tpu.dma_semaphore, #tpu.memory_space<semaphore_mem>>) src(%dma_wait3A_1224 : memref<512xf32, #tpu.memory_space<vmem>>) dst(%dma_wait3A_1222 : memref<512xf32, #tpu.memory_space<hbm>>)
    %dma_wait3A_1225 = arith.constant 12800 : i32
    %dma_wait3A_1226 = tpu.memref_slice %arg15[%dma_wait3A_1225] : memref<16384xf32, #tpu.memory_space<vmem>> -> memref<512xf32, #tpu.memory_space<vmem>>
    %dma_wait3A_1227 = tpu.memref_slice %arg6[%add3A_814] : memref<524288xf32, #tpu.memory_space<hbm>> -> memref<512xf32, #tpu.memory_space<hbm>>
    %dma_wait3A_1228 = tpu.memref_slice %arg6[%add3A_814] : memref<524288xf32, #tpu.memory_space<hbm>> -> memref<512xf32, #tpu.memory_space<hbm>>
    %dma_wait3A_1229 = arith.constant 12800 : i32
    %dma_wait3A_1230 = tpu.memref_slice %arg15[%dma_wait3A_1229] : memref<16384xf32, #tpu.memory_space<vmem>> -> memref<512xf32, #tpu.memory_space<vmem>>
    tpu.wait_dma2 semaphore(%arg18 : memref<!tpu.dma_semaphore, #tpu.memory_space<semaphore_mem>>) src(%dma_wait3A_1230 : memref<512xf32, #tpu.memory_space<vmem>>) dst(%dma_wait3A_1228 : memref<512xf32, #tpu.memory_space<hbm>>)
    %dma_wait3A_1231 = arith.constant 12800 : i32
    %dma_wait3A_1232 = tpu.memref_slice %arg16[%dma_wait3A_1231] : memref<16384xf32, #tpu.memory_space<vmem>> -> memref<512xf32, #tpu.memory_space<vmem>>
    %dma_wait3A_1233 = tpu.memref_slice %arg7[%add3A_822] : memref<524288xf32, #tpu.memory_space<hbm>> -> memref<512xf32, #tpu.memory_space<hbm>>
    %dma_wait3A_1234 = tpu.memref_slice %arg7[%add3A_822] : memref<524288xf32, #tpu.memory_space<hbm>> -> memref<512xf32, #tpu.memory_space<hbm>>
    %dma_wait3A_1235 = arith.constant 12800 : i32
    %dma_wait3A_1236 = tpu.memref_slice %arg16[%dma_wait3A_1235] : memref<16384xf32, #tpu.memory_space<vmem>> -> memref<512xf32, #tpu.memory_space<vmem>>
    tpu.wait_dma2 semaphore(%arg18 : memref<!tpu.dma_semaphore, #tpu.memory_space<semaphore_mem>>) src(%dma_wait3A_1236 : memref<512xf32, #tpu.memory_space<vmem>>) dst(%dma_wait3A_1234 : memref<512xf32, #tpu.memory_space<hbm>>)
    %dma_wait3A_1237 = arith.constant 13312 : i32
    %dma_wait3A_1238 = tpu.memref_slice %arg15[%dma_wait3A_1237] : memref<16384xf32, #tpu.memory_space<vmem>> -> memref<512xf32, #tpu.memory_space<vmem>>
    %dma_wait3A_1239 = tpu.memref_slice %arg6[%add3A_830] : memref<524288xf32, #tpu.memory_space<hbm>> -> memref<512xf32, #tpu.memory_space<hbm>>
    %dma_wait3A_1240 = tpu.memref_slice %arg6[%add3A_830] : memref<524288xf32, #tpu.memory_space<hbm>> -> memref<512xf32, #tpu.memory_space<hbm>>
    %dma_wait3A_1241 = arith.constant 13312 : i32
    %dma_wait3A_1242 = tpu.memref_slice %arg15[%dma_wait3A_1241] : memref<16384xf32, #tpu.memory_space<vmem>> -> memref<512xf32, #tpu.memory_space<vmem>>
    tpu.wait_dma2 semaphore(%arg18 : memref<!tpu.dma_semaphore, #tpu.memory_space<semaphore_mem>>) src(%dma_wait3A_1242 : memref<512xf32, #tpu.memory_space<vmem>>) dst(%dma_wait3A_1240 : memref<512xf32, #tpu.memory_space<hbm>>)
    %dma_wait3A_1243 = arith.constant 13312 : i32
    %dma_wait3A_1244 = tpu.memref_slice %arg16[%dma_wait3A_1243] : memref<16384xf32, #tpu.memory_space<vmem>> -> memref<512xf32, #tpu.memory_space<vmem>>
    %dma_wait3A_1245 = tpu.memref_slice %arg7[%add3A_838] : memref<524288xf32, #tpu.memory_space<hbm>> -> memref<512xf32, #tpu.memory_space<hbm>>
    %dma_wait3A_1246 = tpu.memref_slice %arg7[%add3A_838] : memref<524288xf32, #tpu.memory_space<hbm>> -> memref<512xf32, #tpu.memory_space<hbm>>
    %dma_wait3A_1247 = arith.constant 13312 : i32
    %dma_wait3A_1248 = tpu.memref_slice %arg16[%dma_wait3A_1247] : memref<16384xf32, #tpu.memory_space<vmem>> -> memref<512xf32, #tpu.memory_space<vmem>>
    tpu.wait_dma2 semaphore(%arg18 : memref<!tpu.dma_semaphore, #tpu.memory_space<semaphore_mem>>) src(%dma_wait3A_1248 : memref<512xf32, #tpu.memory_space<vmem>>) dst(%dma_wait3A_1246 : memref<512xf32, #tpu.memory_space<hbm>>)
    %dma_wait3A_1249 = arith.constant 13824 : i32
    %dma_wait3A_1250 = tpu.memref_slice %arg15[%dma_wait3A_1249] : memref<16384xf32, #tpu.memory_space<vmem>> -> memref<512xf32, #tpu.memory_space<vmem>>
    %dma_wait3A_1251 = tpu.memref_slice %arg6[%add3A_846] : memref<524288xf32, #tpu.memory_space<hbm>> -> memref<512xf32, #tpu.memory_space<hbm>>
    %dma_wait3A_1252 = tpu.memref_slice %arg6[%add3A_846] : memref<524288xf32, #tpu.memory_space<hbm>> -> memref<512xf32, #tpu.memory_space<hbm>>
    %dma_wait3A_1253 = arith.constant 13824 : i32
    %dma_wait3A_1254 = tpu.memref_slice %arg15[%dma_wait3A_1253] : memref<16384xf32, #tpu.memory_space<vmem>> -> memref<512xf32, #tpu.memory_space<vmem>>
    tpu.wait_dma2 semaphore(%arg18 : memref<!tpu.dma_semaphore, #tpu.memory_space<semaphore_mem>>) src(%dma_wait3A_1254 : memref<512xf32, #tpu.memory_space<vmem>>) dst(%dma_wait3A_1252 : memref<512xf32, #tpu.memory_space<hbm>>)
    %dma_wait3A_1255 = arith.constant 13824 : i32
    %dma_wait3A_1256 = tpu.memref_slice %arg16[%dma_wait3A_1255] : memref<16384xf32, #tpu.memory_space<vmem>> -> memref<512xf32, #tpu.memory_space<vmem>>
    %dma_wait3A_1257 = tpu.memref_slice %arg7[%add3A_854] : memref<524288xf32, #tpu.memory_space<hbm>> -> memref<512xf32, #tpu.memory_space<hbm>>
    %dma_wait3A_1258 = tpu.memref_slice %arg7[%add3A_854] : memref<524288xf32, #tpu.memory_space<hbm>> -> memref<512xf32, #tpu.memory_space<hbm>>
    %dma_wait3A_1259 = arith.constant 13824 : i32
    %dma_wait3A_1260 = tpu.memref_slice %arg16[%dma_wait3A_1259] : memref<16384xf32, #tpu.memory_space<vmem>> -> memref<512xf32, #tpu.memory_space<vmem>>
    tpu.wait_dma2 semaphore(%arg18 : memref<!tpu.dma_semaphore, #tpu.memory_space<semaphore_mem>>) src(%dma_wait3A_1260 : memref<512xf32, #tpu.memory_space<vmem>>) dst(%dma_wait3A_1258 : memref<512xf32, #tpu.memory_space<hbm>>)
    %dma_wait3A_1261 = arith.constant 14336 : i32
    %dma_wait3A_1262 = tpu.memref_slice %arg15[%dma_wait3A_1261] : memref<16384xf32, #tpu.memory_space<vmem>> -> memref<512xf32, #tpu.memory_space<vmem>>
    %dma_wait3A_1263 = tpu.memref_slice %arg6[%add3A_862] : memref<524288xf32, #tpu.memory_space<hbm>> -> memref<512xf32, #tpu.memory_space<hbm>>
    %dma_wait3A_1264 = tpu.memref_slice %arg6[%add3A_862] : memref<524288xf32, #tpu.memory_space<hbm>> -> memref<512xf32, #tpu.memory_space<hbm>>
    %dma_wait3A_1265 = arith.constant 14336 : i32
    %dma_wait3A_1266 = tpu.memref_slice %arg15[%dma_wait3A_1265] : memref<16384xf32, #tpu.memory_space<vmem>> -> memref<512xf32, #tpu.memory_space<vmem>>
    tpu.wait_dma2 semaphore(%arg18 : memref<!tpu.dma_semaphore, #tpu.memory_space<semaphore_mem>>) src(%dma_wait3A_1266 : memref<512xf32, #tpu.memory_space<vmem>>) dst(%dma_wait3A_1264 : memref<512xf32, #tpu.memory_space<hbm>>)
    %dma_wait3A_1267 = arith.constant 14336 : i32
    %dma_wait3A_1268 = tpu.memref_slice %arg16[%dma_wait3A_1267] : memref<16384xf32, #tpu.memory_space<vmem>> -> memref<512xf32, #tpu.memory_space<vmem>>
    %dma_wait3A_1269 = tpu.memref_slice %arg7[%add3A_870] : memref<524288xf32, #tpu.memory_space<hbm>> -> memref<512xf32, #tpu.memory_space<hbm>>
    %dma_wait3A_1270 = tpu.memref_slice %arg7[%add3A_870] : memref<524288xf32, #tpu.memory_space<hbm>> -> memref<512xf32, #tpu.memory_space<hbm>>
    %dma_wait3A_1271 = arith.constant 14336 : i32
    %dma_wait3A_1272 = tpu.memref_slice %arg16[%dma_wait3A_1271] : memref<16384xf32, #tpu.memory_space<vmem>> -> memref<512xf32, #tpu.memory_space<vmem>>
    tpu.wait_dma2 semaphore(%arg18 : memref<!tpu.dma_semaphore, #tpu.memory_space<semaphore_mem>>) src(%dma_wait3A_1272 : memref<512xf32, #tpu.memory_space<vmem>>) dst(%dma_wait3A_1270 : memref<512xf32, #tpu.memory_space<hbm>>)
    %dma_wait3A_1273 = arith.constant 14848 : i32
    %dma_wait3A_1274 = tpu.memref_slice %arg15[%dma_wait3A_1273] : memref<16384xf32, #tpu.memory_space<vmem>> -> memref<512xf32, #tpu.memory_space<vmem>>
    %dma_wait3A_1275 = tpu.memref_slice %arg6[%add3A_878] : memref<524288xf32, #tpu.memory_space<hbm>> -> memref<512xf32, #tpu.memory_space<hbm>>
    %dma_wait3A_1276 = tpu.memref_slice %arg6[%add3A_878] : memref<524288xf32, #tpu.memory_space<hbm>> -> memref<512xf32, #tpu.memory_space<hbm>>
    %dma_wait3A_1277 = arith.constant 14848 : i32
    %dma_wait3A_1278 = tpu.memref_slice %arg15[%dma_wait3A_1277] : memref<16384xf32, #tpu.memory_space<vmem>> -> memref<512xf32, #tpu.memory_space<vmem>>
    tpu.wait_dma2 semaphore(%arg18 : memref<!tpu.dma_semaphore, #tpu.memory_space<semaphore_mem>>) src(%dma_wait3A_1278 : memref<512xf32, #tpu.memory_space<vmem>>) dst(%dma_wait3A_1276 : memref<512xf32, #tpu.memory_space<hbm>>)
    %dma_wait3A_1279 = arith.constant 14848 : i32
    %dma_wait3A_1280 = tpu.memref_slice %arg16[%dma_wait3A_1279] : memref<16384xf32, #tpu.memory_space<vmem>> -> memref<512xf32, #tpu.memory_space<vmem>>
    %dma_wait3A_1281 = tpu.memref_slice %arg7[%add3A_886] : memref<524288xf32, #tpu.memory_space<hbm>> -> memref<512xf32, #tpu.memory_space<hbm>>
    %dma_wait3A_1282 = tpu.memref_slice %arg7[%add3A_886] : memref<524288xf32, #tpu.memory_space<hbm>> -> memref<512xf32, #tpu.memory_space<hbm>>
    %dma_wait3A_1283 = arith.constant 14848 : i32
    %dma_wait3A_1284 = tpu.memref_slice %arg16[%dma_wait3A_1283] : memref<16384xf32, #tpu.memory_space<vmem>> -> memref<512xf32, #tpu.memory_space<vmem>>
    tpu.wait_dma2 semaphore(%arg18 : memref<!tpu.dma_semaphore, #tpu.memory_space<semaphore_mem>>) src(%dma_wait3A_1284 : memref<512xf32, #tpu.memory_space<vmem>>) dst(%dma_wait3A_1282 : memref<512xf32, #tpu.memory_space<hbm>>)
    %dma_wait3A_1285 = arith.constant 15360 : i32
    %dma_wait3A_1286 = tpu.memref_slice %arg15[%dma_wait3A_1285] : memref<16384xf32, #tpu.memory_space<vmem>> -> memref<512xf32, #tpu.memory_space<vmem>>
    %dma_wait3A_1287 = tpu.memref_slice %arg6[%add3A_894] : memref<524288xf32, #tpu.memory_space<hbm>> -> memref<512xf32, #tpu.memory_space<hbm>>
    %dma_wait3A_1288 = tpu.memref_slice %arg6[%add3A_894] : memref<524288xf32, #tpu.memory_space<hbm>> -> memref<512xf32, #tpu.memory_space<hbm>>
    %dma_wait3A_1289 = arith.constant 15360 : i32
    %dma_wait3A_1290 = tpu.memref_slice %arg15[%dma_wait3A_1289] : memref<16384xf32, #tpu.memory_space<vmem>> -> memref<512xf32, #tpu.memory_space<vmem>>
    tpu.wait_dma2 semaphore(%arg18 : memref<!tpu.dma_semaphore, #tpu.memory_space<semaphore_mem>>) src(%dma_wait3A_1290 : memref<512xf32, #tpu.memory_space<vmem>>) dst(%dma_wait3A_1288 : memref<512xf32, #tpu.memory_space<hbm>>)
    %dma_wait3A_1291 = arith.constant 15360 : i32
    %dma_wait3A_1292 = tpu.memref_slice %arg16[%dma_wait3A_1291] : memref<16384xf32, #tpu.memory_space<vmem>> -> memref<512xf32, #tpu.memory_space<vmem>>
    %dma_wait3A_1293 = tpu.memref_slice %arg7[%add3A_902] : memref<524288xf32, #tpu.memory_space<hbm>> -> memref<512xf32, #tpu.memory_space<hbm>>
    %dma_wait3A_1294 = tpu.memref_slice %arg7[%add3A_902] : memref<524288xf32, #tpu.memory_space<hbm>> -> memref<512xf32, #tpu.memory_space<hbm>>
    %dma_wait3A_1295 = arith.constant 15360 : i32
    %dma_wait3A_1296 = tpu.memref_slice %arg16[%dma_wait3A_1295] : memref<16384xf32, #tpu.memory_space<vmem>> -> memref<512xf32, #tpu.memory_space<vmem>>
    tpu.wait_dma2 semaphore(%arg18 : memref<!tpu.dma_semaphore, #tpu.memory_space<semaphore_mem>>) src(%dma_wait3A_1296 : memref<512xf32, #tpu.memory_space<vmem>>) dst(%dma_wait3A_1294 : memref<512xf32, #tpu.memory_space<hbm>>)
    %dma_wait3A_1297 = arith.constant 15872 : i32
    %dma_wait3A_1298 = tpu.memref_slice %arg15[%dma_wait3A_1297] : memref<16384xf32, #tpu.memory_space<vmem>> -> memref<512xf32, #tpu.memory_space<vmem>>
    %dma_wait3A_1299 = tpu.memref_slice %arg6[%add3A_910] : memref<524288xf32, #tpu.memory_space<hbm>> -> memref<512xf32, #tpu.memory_space<hbm>>
    %dma_wait3A_1300 = tpu.memref_slice %arg6[%add3A_910] : memref<524288xf32, #tpu.memory_space<hbm>> -> memref<512xf32, #tpu.memory_space<hbm>>
    %dma_wait3A_1301 = arith.constant 15872 : i32
    %dma_wait3A_1302 = tpu.memref_slice %arg15[%dma_wait3A_1301] : memref<16384xf32, #tpu.memory_space<vmem>> -> memref<512xf32, #tpu.memory_space<vmem>>
    tpu.wait_dma2 semaphore(%arg18 : memref<!tpu.dma_semaphore, #tpu.memory_space<semaphore_mem>>) src(%dma_wait3A_1302 : memref<512xf32, #tpu.memory_space<vmem>>) dst(%dma_wait3A_1300 : memref<512xf32, #tpu.memory_space<hbm>>)
    %dma_wait3A_1303 = arith.constant 15872 : i32
    %dma_wait3A_1304 = tpu.memref_slice %arg16[%dma_wait3A_1303] : memref<16384xf32, #tpu.memory_space<vmem>> -> memref<512xf32, #tpu.memory_space<vmem>>
    %dma_wait3A_1305 = tpu.memref_slice %arg7[%add3A_918] : memref<524288xf32, #tpu.memory_space<hbm>> -> memref<512xf32, #tpu.memory_space<hbm>>
    %dma_wait3A_1306 = tpu.memref_slice %arg7[%add3A_918] : memref<524288xf32, #tpu.memory_space<hbm>> -> memref<512xf32, #tpu.memory_space<hbm>>
    %dma_wait3A_1307 = arith.constant 15872 : i32
    %dma_wait3A_1308 = tpu.memref_slice %arg16[%dma_wait3A_1307] : memref<16384xf32, #tpu.memory_space<vmem>> -> memref<512xf32, #tpu.memory_space<vmem>>
    tpu.wait_dma2 semaphore(%arg18 : memref<!tpu.dma_semaphore, #tpu.memory_space<semaphore_mem>>) src(%dma_wait3A_1308 : memref<512xf32, #tpu.memory_space<vmem>>) dst(%dma_wait3A_1306 : memref<512xf32, #tpu.memory_space<hbm>>)
    return
  }
}

</mosaic_0001>

<sc_bundles>
// kernel: kernel.3.cloned.1.call-start
scs
__scs_entry_jumppad:
0x0: {  	(pc) =	sbr.rel $0x88, $3  }
0x1: {  	(tag) =	ssettag $0x0;
	lr =	simm.s32 $0x1  }
0x2: {  	[smem:$0x3F9D] =	sst lr;
	_ =	strace $0xD0000000  }
0x3: {  	_ = 	snop  }
0x4: {  	_ = 	snop  }
0x5: {  	_ = 	snop  }
0x6: {  	_ = 	snop  }
0x7: {  	_ = 	snop  }
__scs_overlays_trampoline_lowered:
0x8: {  	[smem:$0x3FAC] =	sst s0  }
0x9: {  	[smem:$0x3FAD] =	sst s1  }
0xa: {  	[smem:$0x3FAE] =	sst s2  }
0xb: {  	[smem:$0x3FAF] =	sst s3  }
0xc: {  	[smem:$0x3FB0] =	sst s4  }
0xd: {  	[smem:$0x3FB1] =	sst s5  }
0xe: {  	[smem:$0x3FB2] =	sst s6  }
0xf: {  	[smem:$0x3FB3] =	sst s7  }
0x10: {  	[smem:$0x3FB4] =	sst s8  }
0x11: {  	[smem:$0x3FB5] =	sst s9;
	s0 =	simm.s32 @!p0 $0x0  }
0x12: {  	s1 =	sld [smem:$0x3F9B];
	s0 =	simm.s32 @p0 $0x1  }
0x13: {  	[smem:$0x3FB6] =	sst s0;
	s0 =	simm.s32 @!p1 $0x0  }
0x14: {  	s2 =	sld [smem:$0x3F9A];
	s0 =	simm.s32 @p1 $0x1  }
0x15: {  	[smem:$0x3FB7] =	sst s0;
	s0 =	simm.s32 @!p2 $0x0  }
0x16: {  	s3 =	sld [smem:$0x3FDB];
	s0 =	simm.s32 @p2 $0x1  }
0x17: {  	s4 =	simm.s32 $0x1BF5;
	[smem:$0x3FB9] =	sst s0  }
0x18: {  	s0 =	sld [smem:$0x3F9C];
	_ =	swait.ge [sflag:s4], $0x0  }
0x19: {  	s7 =	sld [smem:$0x3F9D]  }
0x1a: {  	s8 =	sadd.s32 $0xFFFFE003, lr  }
0x1b: {  	s9 =	sadd.s32 $0xFFFFFEF7, lr;
	s5 =	simm.s32 $0xFFFFFFFF;
	p2 =	slt.u32 s8, $0xFFFFF086  }
0x1c: {  	p1 =	slt.u32 s9, $0xF7A;
	s5 =	simm.s32 @!p2 $0x0  }
0x1d: {  	s5 =	simm.s32 @p1 $0x1;
	p0 =	seq.s32 s7, s2  }
0x1e: {  	s7 =	smul.u32 @!p0 $0xF7A, s2;
	p2 =	seq.s32 @!p0 s5, $0x0  }
0x1f: {  	s9 =	smul.u32 $0xF7A, s1;
	s8 =	simm.s32 @!p0 $0x1BF5;
	p2 =	por !p2, p0  }
0x20: {  	[sflag:s8] =	ssyncset.s32 @!p0 $0xFFFFF086;
	s6 =	sadd.s32 @!p0 s3, s7;
	s7 =	simm.s32 @!p0 $0x108  }
0x21: {  	s3 =	sadd.s32 s3, s9;
	s6 =	sadd.s32 @!p0 $0x88, s6;
	s7 =	simm.s32 @p2 $0x1082  }
0x22: {  	[simem:s7], [sflag:s8] =	dma.local @!p0 [hbm:s6], $0xF7A  }
0x23: {  	s9 =	sor.u32 $0xD0000000, s2;
	s6 =	simm.s32 $0x108;
	_ =	swait.ge @!p0 [sflag:s8], $0x0  }
0x24: {  	s3 =	sadd.s32 $0x88, s3;
	s6 =	simm.s32 @!p1 $0x1082;
	[sflag:s4] =	ssyncset.s32 $0xFFFFF086  }
0x25: {  	[simem:s6], [sflag:s4] =	dma.local [hbm:s3], $0xF7A  }
0x26: {  	[smem:$0x3F9D] =	sst s1;
	(tag) =	ssettag s2;
	_ =	strace s9  }
0x27: {  	s1 =	sld [smem:$0x3FAD]  }
0x28: {  	s2 =	sld [smem:$0x3FAE]  }
0x29: {  	s4 =	sld [smem:$0x3FB0]  }
0x2a: {  	p0 =	seq.s32 s5, $0x0;
	s5 =	sld [smem:$0x3FB1]  }
0x2b: {  	s6 =	sld [smem:$0x3FB2]  }
0x2c: {  	s7 =	sld [smem:$0x3FB3]  }
0x2d: {  	s3 =	simm.s32 $0x108;
	s8 =	sld [smem:$0x3FB4]  }
0x2e: {  	s3 =	simm.s32 @!p0 $0x1082;
	s9 =	sld [smem:$0x3FB5]  }
0x2f: {  	lr =	sadd.s32 s0, s3;
	s0 =	sld [smem:$0x3FAC]  }
0x30: {  	s3 =	sld [smem:$0x3FAF]  }
0x31: {  	[smem:$0x3FB8] =	sst s10  }
0x32: {  	s10 =	sld [smem:$0x3FB6];
	_ =	sdelay $0x3  }
0x33: {  	p0 =	seq.s32 s10, $0x1;
	s10 =	sld [smem:$0x3FB8];
	_ =	sdelay $0x3  }
0x34: {  	[smem:$0x3FB8] =	sst s10  }
0x35: {  	s10 =	sld [smem:$0x3FB7];
	_ =	sdelay $0x3  }
0x36: {  	p1 =	seq.s32 s10, $0x1;
	s10 =	sld [smem:$0x3FB8];
	_ =	sdelay $0x3  }
0x37: {  	[smem:$0x3FB8] =	sst s10  }
0x38: {  	s10 =	sld [smem:$0x3FB9]  }
0x39: {  	_ = 	snop;
	(pc) =	sbr.ind lr, $3  }
0x3a: {  	_ = 	snop  }
0x3b: {  	_ = 	snop  }
0x3c: {  	p2 =	seq.s32 s10, $0x1;
	s10 =	sld [smem:$0x3FB8]  }
0x3d: {  	_ =	shalt  }
0x3e: {  	_ =	shalt  }
0x3f: {  	_ =	shalt  }
0x40: {  	_ =	shalt  }
0x41: {  	_ =	shalt  }
0x42: {  	_ =	shalt  }
0x43: {  	_ =	shalt  }
0x44: {  	_ =	shalt  }
0x45: {  	_ =	shalt  }
0x46: {  	_ =	shalt  }
0x47: {  	_ =	shalt  }
0x48: {  	_ =	shalt  }
0x49: {  	_ =	shalt  }
0x4a: {  	_ =	shalt  }
0x4b: {  	_ =	shalt  }
0x4c: {  	_ =	shalt  }
0x4d: {  	_ =	shalt  }
0x4e: {  	_ =	shalt  }
0x4f: {  	_ =	shalt  }
0x50: {  	_ =	shalt  }
0x51: {  	_ =	shalt  }
0x52: {  	_ =	shalt  }
0x53: {  	_ =	shalt  }
0x54: {  	_ =	shalt  }
0x55: {  	_ =	shalt  }
0x56: {  	_ =	shalt  }
0x57: {  	_ =	shalt  }
0x58: {  	_ =	shalt  }
0x59: {  	_ =	shalt  }
0x5a: {  	_ =	shalt  }
0x5b: {  	_ =	shalt  }
0x5c: {  	_ =	shalt  }
0x5d: {  	_ =	shalt  }
0x5e: {  	_ =	shalt  }
0x5f: {  	_ =	shalt  }
0x60: {  	_ =	shalt  }
0x61: {  	_ =	shalt  }
0x62: {  	_ =	shalt  }
0x63: {  	_ =	shalt  }
0x64: {  	_ =	shalt  }
0x65: {  	_ =	shalt  }
0x66: {  	_ =	shalt  }
0x67: {  	_ =	shalt  }
0x68: {  	_ =	shalt  }
0x69: {  	_ =	shalt  }
0x6a: {  	_ =	shalt  }
0x6b: {  	_ =	shalt  }
0x6c: {  	_ =	shalt  }
0x6d: {  	_ =	shalt  }
0x6e: {  	_ =	shalt  }
0x6f: {  	_ =	shalt  }
0x70: {  	_ =	shalt  }
0x71: {  	_ =	shalt  }
0x72: {  	_ =	shalt  }
0x73: {  	_ =	shalt  }
0x74: {  	_ =	shalt  }
0x75: {  	_ =	shalt  }
0x76: {  	_ =	shalt  }
0x77: {  	_ =	shalt  }
0x78: {  	_ =	shalt  }
0x79: {  	_ =	shalt  }
0x7a: {  	_ =	shalt  }
0x7b: {  	_ =	shalt  }
0x7c: {  	_ =	shalt  }
0x7d: {  	_ =	shalt  }
0x7e: {  	_ =	shalt  }
0x7f: {  	_ =	shalt  }
0x80: {  	_ =	shalt  }
0x81: {  	_ =	shalt  }
0x82: {  	_ =	shalt  }
0x83: {  	_ =	shalt  }
0x84: {  	_ =	shalt  }
0x85: {  	_ =	shalt  }
0x86: {  	_ =	shalt  }
0x87: {  	_ =	shalt  }
.Lfunc_end0:
.L_simem_size_0:
called_computation_lowered:
.L_overlay_start_0:
0x88: {  	s2 =	sld [smem:$0x3FD9]  }
0x89: {  	s3 =	sld [smem:$0x3FFE];
	_ =	sdelay $0x1  }
0x8a: {  	s1 =	srdreg.scid  }
0x8b: {  	s0 =	sand.u32 $0x1, s1  }
0x8c: {  	s14 =	sshll.u32 s0, $0xA;
	s2 =	sadd.s32 s3, s2  }
0x8d: {  	s2 =	sadd.s32 s2, s14  }
0x8e: {  	[smem:$0x3FC4] =	sst s2  }
0x8f: {  	_ = 	snop  }
0x90: {  	s2 =	sld [smem:$0x3FC9]  }
0x91: {  	s15 =	sld [smem:$0x3FD0]  }
0x92: {  	s4 =	sld [smem:$0x3FC8]  }
0x93: {  	s5 =	sld [smem:$0x3FC7]  }
0x94: {  	s7 =	simm.s32 $0xA;
	s8 =	simm.s32 $0x10;
	s6 =	sld [smem:$0x3FC6]  }
0x95: {  	[smem:s8], [sflag:s7] =	dma.local [hbm:s15], $0x1  }
0x96: {  	_ =	swait.eq [sflag:s7], $0x1  }
0x97: {  	[sflag:s7] =	ssyncset.done $0x0  }
0x98: {  	s16 =	sld [smem:$0x11];
	[sflag:s7] =	ssyncadd.s32 $0xFFFFFFFF  }
0x99: {  	s17 =	sld [smem:$0x12];
	(tm) =	ssettm $0x1  }
0x9a: {  	s18 =	sld [smem:$0x3FFB];
	_ =	sdelay $0x3  }
0x9b: {  	_ =	strace s18  }
0x9c: {  	s8 =	sld [smem:$0x3FFC];
	_ =	sdelay $0x3  }
0x9d: {  	_ =	strace s8  }
0x9e: {  	s8 =	sld [smem:$0x3FFD];
	_ =	sdelay $0x3  }
0x9f: {  	_ =	strace s8  }
0xa0: {  	_ =	strace $0x8FFFFFFF  }
0xa1: {  	s19 =	sld [smem:$0x3FDB];
	_ =	sdelay $0x1  }
0xa2: {  	s9 =	simm.s32 $_scs_section_size  }
0xa3: {  	s10 =	simm.s32 $_size__tile_overlayer_lowered;
	s11 =	simm.s32 $_tile_overlayer_lowered  }
0xa4: {  	s22 =	simm.s32 $0x1BFF;
	s21 =	sshll.u32 s11, $0x1;
	s8 =	sadd.s32 s9, s19  }
0xa5: {  	s12 =	simm.s32 $0x0;
	s20 =	sshll.u32 s10, $0x1;
	s10 =	sadd.s32 s21, s8  }
0xa6: {  	[timem:s12], [sflag:s22] =	dma.local [hbm:s10], s20  }
0xa7: {  	_ =	swait.ge [sflag:s22], s20  }
0xa8: {  	s9 =	ssub.s32 $0x0, s20;
	[sflag:s22] =	ssyncset.done $0x0  }
0xa9: {  	[sflag:s22] =	ssyncadd.s32 s9;
	_ =	sdelay $0x1  }
0xaa: {  	s23 =	simm.s32 $0x1B8B  }
0xab: {  	_ =	swait.ge [sflag:s23], $0x1  }
0xac: {  	[sflag:s23] =	ssyncset.done $0x0  }
0xad: {  	s25 =	simm.s32 $0x1B8E;
	s24 =	sld [smem:$0x3FFE];
	[sflag:s23] =	ssyncadd.s32 $0xFFFFFFFF  }
0xae: {  	s26 =	simm.s32 $execute0_lowered;
	[smem:$0x3FD2] =	sst s25  }
0xaf: {  	s10 =	sshll.u32 s26, $0x1;
	_ =	strace $0x80000046;
	[dreg:$0x1] =	wrdreg $0xFFFFFFFF  }
0xb0: {  	s28 =	simm.s32 $_size_execute0_lowered;
	s8 =	sadd.s32 s8, s10;
	[dreg:$0x0] =	wrdreg $0x0  }
0xb1: {  	s10 =	sshll.u32 s28, $0x1;
	[dreg:$0x2] =	wrdreg s8  }
0xb2: {  	[dreg:$0x3] =	wrdreg s10  }
0xb3: {  	[dreg:$0x4] =	wrdreg $0xC0  }
0xb4: {  	_ =	task [dreg:s12], $0x5FFFF  }
0xb5: {  	[dreg:$0x1] =	wrdreg $0xFFFFFFFF  }
0xb6: {  	[dreg:$0x0] =	wrdreg $0x60  }
0xb7: {  	[dreg:$0x2] =	wrdreg s2  }
0xb8: {  	[dreg:$0x3] =	wrdreg s4  }
0xb9: {  	[dreg:$0x4] =	wrdreg s5  }
0xba: {  	[dreg:$0x5] =	wrdreg s6  }
0xbb: {  	[dreg:$0x6] =	wrdreg s16  }
0xbc: {  	[dreg:$0x7] =	wrdreg s24  }
0xbd: {  	[dreg:$0x8] =	wrdreg s17  }
0xbe: {  	[dreg:$0x9] =	wrdreg $0x9  }
0xbf: {  	_ =	task.clear_ibuf [dreg:s12], $0xAFFFF;
	_ =	strace $0x90000046  }
0xc0: {  	s29 =	simm.s32 $0x9;
	_ =	strace $0x80000048  }
0xc1: {  	_ =	swait.ge [sflag:s29], $0x1  }
0xc2: {  	[sflag:s29] =	ssyncadd.s32 $0xFFFFFFFF  }
0xc3: {  	_ =	strace $0x90000048  }
0xc4: {  	_ =	sfence  }
0xc5: {  	s30 =	sld [smem:$0x0];
	_ =	sdelay $0x2  }
0xc6: {  	s31 =	sshll.u32 s1, $0xD;
	s1 =	sshrl.u32 s1, $0x2  }
0xc7: {  	s3 =	sand.u32 $0x4000, s31;
	s1 =	sadd.s32 s1, s30  }
0xc8: {  	s0 =	sor.u32 s3, s0;
	s1 =	sshll.u32 s1, $0x11  }
0xc9: {  	s0 =	sor.u32 s1, s0  }
0xca: {  	s0 =	sadd.s32 $0x8F2B, s0  }
0xcb: {  	[sflag:s0] =	ssyncadd.remote.s32 $0x1  }
0xcc: {  	_ =	sfence.sel $0xFFFF  }
0xcd: {  	[dreg:$0x0] =	wrdreg $0xFFFFFFFF;
	(pc) =	sbr.abs _section_cstart, $3  }
0xce: {  	[dreg:$0x1] =	wrdreg $0xFFFFFFFF  }
0xcf: {  	_ =	task.clear_ibuf [dreg:s12], $0x2FFFF;
	_ =	strace $0x9FFFFFFF  }
0xd0: {  	(tm) =	ssettm $0x7FFFFFFF  }
0xd1: {  	_ =	shalt  }
tec
execute0_lowered:
.L_overlay_start_1:
0x0: {  	(tag) =	ssettag $0x1  }
0x1: {  	s0 =	rddreg [dreg:$0x0]  }
0x2: {  	s2 =	rddreg [dreg:$0x1];
	s4 =	srdreg.scid  }
0x3: {  	s7 =	rddreg [dreg:$0x4];
	s6 =	stileid.u32;
	s4 =	sand.u32 $0x1, s4  }
0x4: {  	s6 =	sshll.u32 s6, $0x7;
	s5 =	ssub.s32 $0x2, s4;
	s4 =	sshll.u32 s4, $0x6  }
0x5: {  	s3 =	rddreg [dreg:$0x5];
	s1 =	simm.s32 $0x0;
	s10 =	sor.u32 s4, s6  }
0x6: {  	[smem:$0x7FF] =	sst s1;
	s9 =	sadd.s32 $0xA00, s3;
	s0 =	sadd.s32 s0, s10  }
0x7: {  	s21 =	sor.u32 $0x800, s10;
	s2 =	sadd.s32 s2, s10;
	[dreg:$0x8] =	wrdreg s0  }
0x8: {  	s20 =	sshrl.u32 s5, $0x1;
	[dreg:$0x9] =	wrdreg s2;
	s22 =	sadd.s32 s7, s21  }
0x9: {  	s23 =	sor.u32 $0x1000, s10;
	s0 =	sadd.s32 s9, s21;
	[dreg:$0xa] =	wrdreg s22  }
0xa: {  	s11 =	ssub.s32 s5, s20;
	s24 =	sadd.s32 s7, s23;
	[dreg:$0xb] =	wrdreg s0  }
0xb: {  	s25 =	sor.u32 $0x1800, s10;
	s2 =	sadd.s32 s9, s23;
	[dreg:$0xc] =	wrdreg s24  }
0xc: {  	s28 =	sor.u32 $0x2000, s10;
	s26 =	sadd.s32 s7, s25;
	[dreg:$0xd] =	wrdreg s2  }
0xd: {  	s30 =	sor.u32 $0x2800, s10;
	s29 =	sadd.s32 s7, s28;
	[dreg:$0xe] =	wrdreg s26  }
0xe: {  	s3 =	sor.u32 $0x3000, s10;
	s31 =	sadd.s32 s7, s30;
	[dreg:$0x10] =	wrdreg s29  }
0xf: {  	s5 =	sor.u32 $0x3800, s10;
	s4 =	sadd.s32 s7, s3;
	[dreg:$0x12] =	wrdreg s31  }
0x10: {  	s8 =	sor.u32 $0x4000, s10;
	s6 =	sadd.s32 s7, s5;
	[dreg:$0x14] =	wrdreg s4  }
0x11: {  	s13 =	sor.u32 $0x4800, s10;
	s12 =	sadd.s32 s7, s8;
	[dreg:$0x16] =	wrdreg s6  }
0x12: {  	s15 =	sor.u32 $0x5000, s10;
	s14 =	sadd.s32 s7, s13;
	[dreg:$0x18] =	wrdreg s12  }
0x13: {  	s17 =	sor.u32 $0x5800, s10;
	s16 =	sadd.s32 s7, s15;
	[dreg:$0x1a] =	wrdreg s14  }
0x14: {  	s19 =	sor.u32 $0x6000, s10;
	s18 =	sadd.s32 s7, s17;
	[dreg:$0x1c] =	wrdreg s16  }
0x15: {  	s20 =	sadd.s32 s7, s19;
	[dreg:$0x1e] =	wrdreg s18  }
0x16: {  	s0 =	sadd.s32 s9, s25;
	[smem:$0x7DA] =	sst s20  }
0x17: {  	s21 =	sor.u32 $0x6800, s10;
	s2 =	sadd.s32 s9, s28;
	[dreg:$0xf] =	wrdreg s0  }
0x18: {  	s23 =	sor.u32 $0x7000, s10;
	s22 =	sadd.s32 s7, s21;
	[dreg:$0x11] =	wrdreg s2  }
0x19: {  	s24 =	sadd.s32 s7, s23;
	[smem:$0x7DC] =	sst s22  }
0x1a: {  	s0 =	sadd.s32 s9, s30;
	[smem:$0x7DE] =	sst s24  }
0x1b: {  	s25 =	sor.u32 $0x7800, s10;
	s2 =	sadd.s32 s9, s3;
	[dreg:$0x13] =	wrdreg s0  }
0x1c: {  	s28 =	sor.u32 $0x8000, s10;
	s26 =	sadd.s32 s7, s25;
	[dreg:$0x15] =	wrdreg s2  }
0x1d: {  	s29 =	sadd.s32 s7, s28;
	[smem:$0x7E0] =	sst s26  }
0x1e: {  	s0 =	sadd.s32 s9, s5;
	[smem:$0x7E2] =	sst s29  }
0x1f: {  	s30 =	sor.u32 $0x8800, s10;
	s2 =	sadd.s32 s9, s8;
	[dreg:$0x17] =	wrdreg s0  }
0x20: {  	s3 =	sor.u32 $0x9000, s10;
	s31 =	sadd.s32 s7, s30;
	[dreg:$0x19] =	wrdreg s2  }
0x21: {  	s4 =	sadd.s32 s7, s3;
	[smem:$0x7E4] =	sst s31  }
0x22: {  	s0 =	sadd.s32 s9, s13;
	[smem:$0x7E6] =	sst s4  }
0x23: {  	s5 =	sor.u32 $0x9800, s10;
	s2 =	sadd.s32 s9, s15;
	[dreg:$0x1b] =	wrdreg s0  }
0x24: {  	s8 =	sor.u32 $0xA000, s10;
	s6 =	sadd.s32 s7, s5;
	[dreg:$0x1d] =	wrdreg s2  }
0x25: {  	s12 =	sadd.s32 s7, s8;
	[smem:$0x7E8] =	sst s6  }
0x26: {  	[smem:$0x7EA] =	sst s12  }
0x27: {  	s0 =	sadd.s32 s9, s17;
	s12 =	rddreg [dreg:$0x6]  }
0x28: {  	s13 =	sor.u32 $0xA800, s10;
	s2 =	sadd.s32 s9, s19;
	[dreg:$0x1f] =	wrdreg s0  }
0x29: {  	s15 =	sor.u32 $0xB000, s10;
	s14 =	sadd.s32 s7, s13;
	[smem:$0x7DB] =	sst s2  }
0x2a: {  	s16 =	sadd.s32 s7, s15;
	[smem:$0x7EC] =	sst s14  }
0x2b: {  	s0 =	sadd.s32 s9, s21;
	[smem:$0x7EE] =	sst s16  }
0x2c: {  	s17 =	sor.u32 $0xB800, s10;
	s2 =	sadd.s32 s9, s23;
	[smem:$0x7DD] =	sst s0  }
0x2d: {  	s19 =	sor.u32 $0xC000, s10;
	s18 =	sadd.s32 s7, s17;
	[smem:$0x7DF] =	sst s2  }
0x2e: {  	s20 =	sadd.s32 s7, s19;
	[smem:$0x7F0] =	sst s18  }
0x2f: {  	s0 =	sadd.s32 s9, s25;
	[smem:$0x7F2] =	sst s20  }
0x30: {  	s21 =	sor.u32 $0xC800, s10;
	s2 =	sadd.s32 s9, s28;
	[smem:$0x7E1] =	sst s0  }
0x31: {  	s23 =	sor.u32 $0xD000, s10;
	s22 =	sadd.s32 s7, s21;
	[smem:$0x7E3] =	sst s2  }
0x32: {  	s24 =	sadd.s32 s7, s23;
	[smem:$0x7F4] =	sst s22  }
0x33: {  	s0 =	sadd.s32 s9, s30;
	[smem:$0x7F6] =	sst s24  }
0x34: {  	s25 =	sor.u32 $0xD800, s10;
	s2 =	sadd.s32 s9, s3;
	[smem:$0x7E5] =	sst s0  }
0x35: {  	s28 =	sor.u32 $0xE000, s10;
	s26 =	sadd.s32 s7, s25;
	[smem:$0x7E7] =	sst s2  }
0x36: {  	s11 =	smax.u32 s11, $0x1;
	s29 =	sadd.s32 s7, s28;
	[smem:$0x7F8] =	sst s26  }
0x37: {  	s4 =	sor.u32 $0xF000, s10;
	s6 =	sadd.s32 s7, s10;
	[smem:$0x7FA] =	sst s29  }
0x38: {  	s14 =	simm.s32 $0x400;
	s0 =	sadd.s32 s9, s5;
	s5 =	rddreg [dreg:$0x3]  }
0x39: {  	s30 =	sor.u32 $0xE800, s10;
	s2 =	sadd.s32 s9, s8;
	[smem:$0x7E9] =	sst s0  }
0x3a: {  	s16 =	simm.s32 $0x2;
	s31 =	sadd.s32 s7, s30;
	[smem:$0x7EB] =	sst s2  }
0x3b: {  	s18 =	simm.s32 $0x14400;
	s0 =	sadd.s32 s9, s13;
	[smem:$0x7FC] =	sst s31  }
0x3c: {  	s20 =	simm.s32 $0x4;
	s2 =	sadd.s32 s9, s15;
	[smem:$0x7ED] =	sst s0  }
0x3d: {  	s3 =	sadd.s32 s7, s4;
	[smem:$0x7EF] =	sst s2;
	s0 =	sadd.s32 s9, s17  }
0x3e: {  	s4 =	sadd.s32 s9, s4;
	s2 =	sadd.s32 s9, s19;
	[smem:$0x7F1] =	sst s0  }
0x3f: {  	s8 =	sor.u32 $0xF800, s10;
	[smem:$0x7F3] =	sst s2;
	s0 =	sadd.s32 s9, s21  }
0x40: {  	s7 =	sadd.s32 s7, s8;
	s2 =	sadd.s32 s9, s23;
	[smem:$0x7F5] =	sst s0  }
0x41: {  	s8 =	sadd.s32 s9, s8;
	[smem:$0x7F7] =	sst s2;
	s0 =	sadd.s32 s9, s25  }
0x42: {  	s13 =	simm.s32 $0x7A1400;
	s2 =	sadd.s32 s9, s28;
	[smem:$0x7F9] =	sst s0  }
0x43: {  	v1 =	vlaneseq.u32;
	s15 =	simm.s32 $0xA400;
	s17 =	simm.s32 $0x3;
	[smem:$0x7FB] =	sst s2  }
0x44: {  	v0 =	vmul.u32 $0x80, v1;
	v1 =	vmul.u32 $0x200, v1;
	s19 =	simm.s32 $0x18400;
	s0 =	sadd.s32 s9, s30;
	s2 =	rddreg [dreg:$0x2]  }
0x45: {  	s21 =	simm.s32 $0x0;
	s9 =	sadd.s32 s9, s10;
	[smem:$0x7FD] =	sst s0  }
0x46: {  	v2 =	vor.u32 $0x800, v0;
	v3 =	vor.u32 $0x2000, v1;
	s10 =	sadd.s32 s12, s10;
	s12 =	simm.s32 $0x1;
	_ =	strace $0x80000047  }
.LBB2_1:
0x47: {  	s0 =	rddreg [dreg:$0x8]  }
0x48: {  	[tilespmem:s1], [sflag:$0x1] =	stream.linear.gather [hbm4b:s0+s1], $0x200, $0x38;
	[tilespmem:$0x1C600] =	vst v63  }
0x49: {  	s30 =	rddreg [dreg:$0x9];
	s22 =	simm.s32 $0x200  }
0x4a: {  	[tilespmem:s22], [sflag:$0x1] =	stream.linear.gather [hbm4b:s30+s1], $0x200, $0x38;
	[tilespmem:$0x1C600] =	vst v63  }
0x4b: {  	_ =	swait.ge [sflag:s12], $0x200  }
0x4c: {  	[sflag:s12] =	ssyncset.done $0x0  }
0x4d: {  	[sflag:s12] =	ssyncadd.s32 $0xFFFFFE00  }
0x4e: {  	_ =	swait.ge [sflag:s12], $0x200  }
0x4f: {  	[sflag:s12] =	ssyncset.done $0x0  }
0x50: {  	s22 =	simm.s32 $0x0;
	[sflag:s12] =	ssyncadd.s32 $0xFFFFFE00  }
0x51: {  	v6 =	vld [tilespmem:s22+$0x0]  }
0x52: {  	v7 =	vld [tilespmem:s22+$0x200];
	_ =	sdelay $0x3  }
0x53: {  	(v2sf) =	vpush v6, $0x0  }
0x54: {  	(v2sf) =	vpush v7, $0x0;
	_ =	sdelay $0x1  }
0x55: {  	(v2sf) =	vpush v6, $0x1  }
0x56: {  	(v2sf) =	vpush v7, $0x1  }
0x57: {  	(v2sf) =	vpush v6, $0x2  }
0x58: {  	(v2sf) =	vpush v7, $0x2  }
0x59: {  	(v2sf) =	vpush v6, $0x3  }
0x5a: {  	(v2sf) =	vpush v7, $0x3  }
0x5b: {  	(v2sf) =	vpush v6, $0x4  }
0x5c: {  	(v2sf) =	vpush v7, $0x4  }
0x5d: {  	(v2sf) =	vpush v6, $0x5  }
0x5e: {  	(v2sf) =	vpush v7, $0x5  }
0x5f: {  	(v2sf) =	vpush v6, $0x6  }
0x60: {  	(v2sf) =	vpush v7, $0x6  }
0x61: {  	(v2sf) =	vpush v6, $0x7;
	s23 =	spop (v2sf)  }
0x62: {  	(v2sf) =	vpush v7, $0x7;
	[smem:s22] =	sst s23;
	s31 =	spop (v2sf)  }
0x63: {  	(v2sf) =	vpush v6, $0x8;
	[smem:$0x200] =	sst s31  }
0x64: {  	s23 =	spop (v2sf)  }
0x65: {  	(v2sf) =	vpush v7, $0x8;
	[smem:$0x1] =	sst s23  }
0x66: {  	s23 =	spop (v2sf)  }
0x67: {  	(v2sf) =	vpush v6, $0x9;
	[smem:$0x201] =	sst s23  }
0x68: {  	s23 =	spop (v2sf)  }
0x69: {  	(v2sf) =	vpush v7, $0x9;
	[smem:$0x2] =	sst s23  }
0x6a: {  	s23 =	spop (v2sf)  }
0x6b: {  	(v2sf) =	vpush v6, $0xA;
	[smem:$0x202] =	sst s23  }
0x6c: {  	s23 =	spop (v2sf)  }
0x6d: {  	(v2sf) =	vpush v7, $0xA;
	[smem:$0x3] =	sst s23  }
0x6e: {  	s23 =	spop (v2sf)  }
0x6f: {  	(v2sf) =	vpush v6, $0xB;
	[smem:$0x203] =	sst s23  }
0x70: {  	s23 =	spop (v2sf)  }
0x71: {  	(v2sf) =	vpush v7, $0xB;
	[smem:$0x4] =	sst s23  }
0x72: {  	s23 =	spop (v2sf)  }
0x73: {  	(v2sf) =	vpush v6, $0xC;
	[smem:$0x204] =	sst s23  }
0x74: {  	s23 =	spop (v2sf)  }
0x75: {  	(v2sf) =	vpush v7, $0xC;
	[smem:$0x5] =	sst s23  }
0x76: {  	s24 =	spop (v2sf)  }
0x77: {  	(v2sf) =	vpush v6, $0xD;
	[smem:$0x205] =	sst s24  }
0x78: {  	s23 =	simm.s32 $0x10;
	s24 =	spop (v2sf)  }
0x79: {  	(v2sf) =	vpush v7, $0xD;
	v4 =	vld [tilespmem:s23+$0x0];
	[smem:$0x6] =	sst s24  }
0x7a: {  	s24 =	spop (v2sf)  }
0x7b: {  	(v2sf) =	vpush v6, $0xE;
	v5 =	vld [tilespmem:s23+$0x200];
	[smem:$0x206] =	sst s24  }
0x7c: {  	s24 =	spop (v2sf)  }
0x7d: {  	(v2sf) =	vpush v7, $0xE;
	[smem:$0x7] =	sst s24  }
0x7e: {  	s24 =	spop (v2sf)  }
0x7f: {  	(v2sf) =	vpush v6, $0xF;
	[smem:$0x207] =	sst s24  }
0x80: {  	s24 =	spop (v2sf)  }
0x81: {  	(v2sf) =	vpush v7, $0xF;
	[smem:$0x8] =	sst s24  }
0x82: {  	s24 =	spop (v2sf)  }
0x83: {  	(v2sf) =	vpush v4, $0x0;
	[smem:$0x208] =	sst s24  }
0x84: {  	s24 =	spop (v2sf)  }
0x85: {  	(v2sf) =	vpush v5, $0x0;
	[smem:$0x9] =	sst s24  }
0x86: {  	s24 =	spop (v2sf)  }
0x87: {  	(v2sf) =	vpush v4, $0x1;
	[smem:$0x209] =	sst s24  }
0x88: {  	s24 =	spop (v2sf)  }
0x89: {  	(v2sf) =	vpush v5, $0x1;
	[smem:$0xA] =	sst s24  }
0x8a: {  	s24 =	spop (v2sf)  }
0x8b: {  	(v2sf) =	vpush v4, $0x2;
	[smem:$0x20A] =	sst s24  }
0x8c: {  	s24 =	spop (v2sf)  }
0x8d: {  	(v2sf) =	vpush v5, $0x2;
	[smem:$0xB] =	sst s24  }
0x8e: {  	s24 =	spop (v2sf)  }
0x8f: {  	(v2sf) =	vpush v4, $0x3;
	[smem:$0x20B] =	sst s24  }
0x90: {  	s24 =	spop (v2sf)  }
0x91: {  	(v2sf) =	vpush v5, $0x3;
	[smem:$0xC] =	sst s24  }
0x92: {  	s24 =	spop (v2sf)  }
0x93: {  	(v2sf) =	vpush v4, $0x4;
	[smem:$0x20C] =	sst s24  }
0x94: {  	s24 =	spop (v2sf)  }
0x95: {  	(v2sf) =	vpush v5, $0x4;
	[smem:$0xD] =	sst s24  }
0x96: {  	s24 =	spop (v2sf)  }
0x97: {  	(v2sf) =	vpush v4, $0x5;
	[smem:$0x20D] =	sst s24  }
0x98: {  	s24 =	spop (v2sf)  }
0x99: {  	(v2sf) =	vpush v5, $0x5;
	[smem:$0xE] =	sst s24  }
0x9a: {  	s24 =	spop (v2sf)  }
0x9b: {  	(v2sf) =	vpush v4, $0x6;
	[smem:$0x20E] =	sst s24  }
0x9c: {  	s24 =	spop (v2sf)  }
0x9d: {  	(v2sf) =	vpush v5, $0x6;
	[smem:$0xF] =	sst s24  }
0x9e: {  	s24 =	simm.s32 $0x80;
	s25 =	spop (v2sf)  }
.LBB2_2:
0x9f: {  	p0 =	sne.s32 s24, $0x7C0;
	[smem:s22+$0x20F] =	sst s25  }
0xa0: {  	(v2sf) =	vpush v4, $0x7;
	s25 =	smov.u32 s24;
	s24 =	sadd.s32 $0x40, s24;
	s22 =	smov.u32 s23  }
0xa1: {  	s23 =	spop (v2sf);
	(v2sf) =	vpush v5, $0x7  }
0xa2: {  	[smem:s22] =	sst s23;
	s23 =	spop (v2sf);
	(v2sf) =	vpush v4, $0x8  }
0xa3: {  	[smem:s22+$0x200] =	sst s23;
	s23 =	spop (v2sf);
	(v2sf) =	vpush v5, $0x8  }
0xa4: {  	[smem:s22+$0x1] =	sst s23;
	s23 =	spop (v2sf);
	(v2sf) =	vpush v4, $0x9  }
0xa5: {  	[smem:s22+$0x201] =	sst s23;
	s23 =	spop (v2sf);
	(v2sf) =	vpush v5, $0x9  }
0xa6: {  	[smem:s22+$0x2] =	sst s23;
	s23 =	spop (v2sf);
	(v2sf) =	vpush v4, $0xA  }
0xa7: {  	[smem:s22+$0x202] =	sst s23;
	s23 =	spop (v2sf);
	(v2sf) =	vpush v5, $0xA  }
0xa8: {  	[smem:s22+$0x3] =	sst s23;
	s23 =	spop (v2sf);
	(v2sf) =	vpush v4, $0xB  }
0xa9: {  	[smem:s22+$0x203] =	sst s23;
	s23 =	spop (v2sf);
	(v2sf) =	vpush v5, $0xB  }
0xaa: {  	[smem:s22+$0x4] =	sst s23;
	s23 =	spop (v2sf);
	(v2sf) =	vpush v4, $0xC  }
0xab: {  	[smem:s22+$0x204] =	sst s23;
	s23 =	spop (v2sf);
	(v2sf) =	vpush v5, $0xC  }
0xac: {  	[smem:s22+$0x5] =	sst s23;
	s26 =	spop (v2sf);
	(v2sf) =	vpush v4, $0xD  }
0xad: {  	s23 =	sshra.s32 s25, $0x2;
	[smem:s22+$0x205] =	sst s26;
	s25 =	spop (v2sf);
	(v2sf) =	vpush v5, $0xD  }
0xae: {  	v6 =	vld [tilespmem:s23+$0x0];
	[smem:s22+$0x6] =	sst s25;
	s25 =	spop (v2sf);
	(v2sf) =	vpush v4, $0xE  }
0xaf: {  	v7 =	vld [tilespmem:s23+$0x200];
	[smem:s22+$0x206] =	sst s25;
	s25 =	spop (v2sf);
	(v2sf) =	vpush v5, $0xE  }
0xb0: {  	[smem:s22+$0x7] =	sst s25;
	s25 =	spop (v2sf);
	(v2sf) =	vpush v4, $0xF  }
0xb1: {  	[smem:s22+$0x207] =	sst s25;
	s25 =	spop (v2sf);
	(v2sf) =	vpush v5, $0xF  }
0xb2: {  	[smem:s22+$0x8] =	sst s25;
	s25 =	spop (v2sf)  }
0xb3: {  	(v2sf) =	vpush v6, $0x0;
	[smem:s22+$0x208] =	sst s25;
	s25 =	spop (v2sf);
	v4 =	vmov v6  }
0xb4: {  	(v2sf) =	vpush v7, $0x0;
	[smem:s22+$0x9] =	sst s25;
	s25 =	spop (v2sf);
	v5 =	vmov v7  }
0xb5: {  	(v2sf) =	vpush v4, $0x1;
	[smem:s22+$0x209] =	sst s25;
	s25 =	spop (v2sf)  }
0xb6: {  	(v2sf) =	vpush v5, $0x1;
	[smem:s22+$0xA] =	sst s25;
	s25 =	spop (v2sf)  }
0xb7: {  	(v2sf) =	vpush v4, $0x2;
	[smem:s22+$0x20A] =	sst s25;
	s25 =	spop (v2sf)  }
0xb8: {  	(v2sf) =	vpush v5, $0x2;
	[smem:s22+$0xB] =	sst s25;
	s25 =	spop (v2sf)  }
0xb9: {  	(v2sf) =	vpush v4, $0x3;
	[smem:s22+$0x20B] =	sst s25;
	s25 =	spop (v2sf)  }
0xba: {  	(v2sf) =	vpush v5, $0x3;
	[smem:s22+$0xC] =	sst s25;
	s25 =	spop (v2sf)  }
0xbb: {  	(v2sf) =	vpush v4, $0x4;
	[smem:s22+$0x20C] =	sst s25;
	s25 =	spop (v2sf)  }
0xbc: {  	[smem:s22+$0xD] =	sst s25  }
.Ltmp0:
0xbd: {  	(v2sf) =	vpush v5, $0x4;
	s25 =	spop (v2sf);
	(pc) =	sbr.rel @p0 .LBB2_2-.Ltmp0, $4  }
0xbe: {  	(v2sf) =	vpush v4, $0x5;
	[smem:s22+$0x20D] =	sst s25;
	s25 =	spop (v2sf)  }
0xbf: {  	(v2sf) =	vpush v5, $0x5;
	[smem:s22+$0xE] =	sst s25;
	s25 =	spop (v2sf)  }
0xc0: {  	(v2sf) =	vpush v4, $0x6;
	[smem:s22+$0x20E] =	sst s25;
	s25 =	spop (v2sf)  }
0xc1: {  	(v2sf) =	vpush v5, $0x6;
	[smem:s22+$0xF] =	sst s25;
	s25 =	spop (v2sf)  }
0xc2: {  	(v2sf) =	vpush v4, $0x7  }
0xc3: {  	[smem:s22+$0x20F] =	sst s25;
	s25 =	spop (v2sf);
	(v2sf) =	vpush v5, $0x7  }
0xc4: {  	[smem:s23] =	sst s25;
	s26 =	spop (v2sf);
	(v2sf) =	vpush v4, $0x8  }
0xc5: {  	[smem:s23+$0x200] =	sst s26;
	s31 =	spop (v2sf);
	(v2sf) =	vpush v5, $0x8  }
0xc6: {  	[smem:s23+$0x1] =	sst s31;
	s0 =	spop (v2sf);
	(v2sf) =	vpush v4, $0x9  }
0xc7: {  	[smem:s23+$0x201] =	sst s0;
	s24 =	spop (v2sf);
	(v2sf) =	vpush v5, $0x9  }
0xc8: {  	[smem:s23+$0x2] =	sst s24;
	s25 =	spop (v2sf);
	(v2sf) =	vpush v4, $0xA  }
0xc9: {  	[smem:s23+$0x202] =	sst s25;
	s26 =	spop (v2sf);
	(v2sf) =	vpush v5, $0xA  }
0xca: {  	[smem:s23+$0x3] =	sst s26;
	s31 =	spop (v2sf);
	(v2sf) =	vpush v4, $0xB  }
0xcb: {  	[smem:s23+$0x203] =	sst s31;
	s0 =	spop (v2sf);
	(v2sf) =	vpush v5, $0xB  }
0xcc: {  	[smem:s23+$0x4] =	sst s0;
	s24 =	spop (v2sf);
	(v2sf) =	vpush v4, $0xC  }
0xcd: {  	[smem:s23+$0x204] =	sst s24;
	s25 =	spop (v2sf);
	(v2sf) =	vpush v5, $0xC  }
0xce: {  	[smem:s23+$0x5] =	sst s25;
	s26 =	spop (v2sf);
	(v2sf) =	vpush v4, $0xD  }
0xcf: {  	[smem:s23+$0x205] =	sst s26;
	s31 =	spop (v2sf);
	(v2sf) =	vpush v5, $0xD  }
0xd0: {  	[smem:s23+$0x6] =	sst s31;
	s0 =	spop (v2sf);
	(v2sf) =	vpush v4, $0xE  }
0xd1: {  	[smem:s23+$0x206] =	sst s0;
	s24 =	spop (v2sf);
	(v2sf) =	vpush v5, $0xE  }
0xd2: {  	[smem:s23+$0x7] =	sst s24;
	s25 =	spop (v2sf);
	(v2sf) =	vpush v4, $0xF  }
0xd3: {  	[smem:s23+$0x207] =	sst s25;
	s26 =	spop (v2sf);
	(v2sf) =	vpush v5, $0xF  }
0xd4: {  	[smem:s23+$0x8] =	sst s26;
	s31 =	spop (v2sf)  }
0xd5: {  	[smem:s23+$0x208] =	sst s31;
	s0 =	spop (v2sf)  }
0xd6: {  	[smem:s23+$0x9] =	sst s0;
	s24 =	spop (v2sf)  }
0xd7: {  	[smem:s23+$0x209] =	sst s24;
	s25 =	spop (v2sf)  }
0xd8: {  	[smem:s23+$0xA] =	sst s25;
	s26 =	spop (v2sf)  }
0xd9: {  	[smem:s23+$0x20A] =	sst s26;
	s31 =	spop (v2sf)  }
0xda: {  	[smem:s23+$0xB] =	sst s31;
	s0 =	spop (v2sf)  }
0xdb: {  	[smem:s23+$0x20B] =	sst s0;
	s24 =	spop (v2sf)  }
0xdc: {  	[smem:s23+$0xC] =	sst s24;
	s25 =	spop (v2sf)  }
0xdd: {  	[smem:s23+$0x20C] =	sst s25;
	s26 =	spop (v2sf)  }
0xde: {  	[smem:s23+$0xD] =	sst s26;
	s31 =	spop (v2sf)  }
0xdf: {  	[smem:s23+$0x20D] =	sst s31;
	s0 =	spop (v2sf)  }
0xe0: {  	[smem:s23+$0xE] =	sst s0;
	s24 =	spop (v2sf)  }
0xe1: {  	[smem:s23+$0x20E] =	sst s24;
	s25 =	spop (v2sf)  }
0xe2: {  	[smem:s23+$0xF] =	sst s25;
	s26 =	spop (v2sf)  }
0xe3: {  	[smem:s23+$0x20F] =	sst s26  }
0xe4: {  	s22 =	sld [smem:$0x0]  }
0xe5: {  	s23 =	sld [smem:$0x200]  }
0xe6: {  	s0 =	sld [smem:$0x1]  }
0xe7: {  	s24 =	sld [smem:$0x201]  }
0xe8: {  	p0 =	por $0x0, $0x0;
	s26 =	sld [smem:$0x2];
	s22 =	sand.u32 $0xFFFFF80, s22  }
0xe9: {  	s31 =	sand.u32 $0xFFFFF80, s23;
	s23 =	sand.u32 $0xFFFFF80, s0;
	s22 =	sadd.s32 s2, s22  }
0xea: {  	[tilespmem:s14], [sflag:$0x2] =	stream.strided.gather [hbm4b:s22+s14], $0x1000, s13, s14, $0x38;
	[tilespmem:$0x1C600] =	vst v63  }
0xeb: {  	s25 =	sand.u32 $0xFFFFF80, s24;
	s24 =	sld [smem:$0x202];
	s22 =	sadd.s32 s5, s31  }
0xec: {  	[tilespmem:s15], [sflag:$0x3] =	stream.strided.gather [hbm4b:s22+s14], $0x1000, s13, s14, $0x38;
	[tilespmem:$0x1C600] =	vst v63  }
0xed: {  	s0 =	simm.s32 $0x1400;
	s31 =	simm.s32 $0xB400;
	s22 =	sadd.s32 s2, s23  }
0xee: {  	[tilespmem:s0], [sflag:$0x2] =	stream.strided.gather [hbm4b:s22+s14], $0x1000, s13, s14, $0x38;
	[tilespmem:$0x1C600] =	vst v63  }
0xef: {  	s23 =	sand.u32 $0xFFFFF80, s26;
	s26 =	sand.u32 $0xFFFFF80, s24;
	s22 =	sadd.s32 s5, s25  }
0xf0: {  	[tilespmem:s31], [sflag:$0x3] =	stream.strided.gather [hbm4b:s22+s14], $0x1000, s13, s14, $0x38;
	[tilespmem:$0x1C600] =	vst v63  }
0xf1: {  	s25 =	simm.s32 $0x2400;
	s22 =	sadd.s32 s2, s23;
	s31 =	sld [smem:$0x3]  }
0xf2: {  	[tilespmem:s25], [sflag:$0x2] =	stream.strided.gather [hbm4b:s22+s14], $0x1000, s13, s14, $0x38;
	[tilespmem:$0x1C600] =	vst v63  }
0xf3: {  	s24 =	simm.s32 $0xC400;
	s22 =	sadd.s32 s5, s26;
	s26 =	sld [smem:$0x203]  }
0xf4: {  	[tilespmem:s24], [sflag:$0x3] =	stream.strided.gather [hbm4b:s22+s14], $0x1000, s13, s14, $0x38;
	[tilespmem:$0x1C600] =	vst v63  }
0xf5: {  	s25 =	sand.u32 $0xFFFFF80, s31;
	s31 =	simm.s32 $0x3400;
	s24 =	sld [smem:$0x4]  }
0xf6: {  	s22 =	sadd.s32 s2, s25;
	s25 =	simm.s32 $0xD400;
	s23 =	sand.u32 $0xFFFFF80, s26  }
0xf7: {  	[tilespmem:s31], [sflag:$0x2] =	stream.strided.gather [hbm4b:s22+s14], $0x1000, s13, s14, $0x38;
	[tilespmem:$0x1C600] =	vst v63  }
0xf8: {  	s22 =	sadd.s32 s5, s23;
	s31 =	sld [smem:$0x204];
	s26 =	sand.u32 $0xFFFFF80, s24  }
0xf9: {  	[tilespmem:s25], [sflag:$0x3] =	stream.strided.gather [hbm4b:s22+s14], $0x1000, s13, s14, $0x38;
	[tilespmem:$0x1C600] =	vst v63  }
0xfa: {  	s24 =	simm.s32 $0x4400;
	s22 =	sadd.s32 s2, s26;
	s26 =	sld [smem:$0x5]  }
0xfb: {  	[tilespmem:s24], [sflag:$0x2] =	stream.strided.gather [hbm4b:s22+s14], $0x1000, s13, s14, $0x38;
	[tilespmem:$0x1C600] =	vst v63  }
0xfc: {  	s25 =	sand.u32 $0xFFFFF80, s31;
	s31 =	simm.s32 $0xE400;
	s24 =	sld [smem:$0x205]  }
0xfd: {  	s22 =	sadd.s32 s5, s25;
	s25 =	simm.s32 $0x5400;
	s23 =	sand.u32 $0xFFFFF80, s26  }
0xfe: {  	[tilespmem:s31], [sflag:$0x3] =	stream.strided.gather [hbm4b:s22+s14], $0x1000, s13, s14, $0x38;
	[tilespmem:$0x1C600] =	vst v63  }
0xff: {  	s22 =	sadd.s32 s2, s23;
	s31 =	sld [smem:$0x6];
	s26 =	sand.u32 $0xFFFFF80, s24  }
0x100: {  	[tilespmem:s25], [sflag:$0x2] =	stream.strided.gather [hbm4b:s22+s14], $0x1000, s13, s14, $0x38;
	[tilespmem:$0x1C600] =	vst v63  }
0x101: {  	s24 =	simm.s32 $0xF400;
	s22 =	sadd.s32 s5, s26;
	s26 =	sld [smem:$0x206]  }
0x102: {  	[tilespmem:s24], [sflag:$0x3] =	stream.strided.gather [hbm4b:s22+s14], $0x1000, s13, s14, $0x38;
	[tilespmem:$0x1C600] =	vst v63  }
0x103: {  	s25 =	sand.u32 $0xFFFFF80, s31;
	s31 =	simm.s32 $0x6400;
	s24 =	sld [smem:$0x7]  }
0x104: {  	s22 =	sadd.s32 s2, s25;
	s25 =	simm.s32 $0x10400;
	s23 =	sand.u32 $0xFFFFF80, s26  }
0x105: {  	[tilespmem:s31], [sflag:$0x2] =	stream.strided.gather [hbm4b:s22+s14], $0x1000, s13, s14, $0x38;
	[tilespmem:$0x1C600] =	vst v63  }
0x106: {  	s22 =	sadd.s32 s5, s23;
	s31 =	sld [smem:$0x207];
	s26 =	sand.u32 $0xFFFFF80, s24  }
0x107: {  	[tilespmem:s25], [sflag:$0x3] =	stream.strided.gather [hbm4b:s22+s14], $0x1000, s13, s14, $0x38;
	[tilespmem:$0x1C600] =	vst v63  }
0x108: {  	s24 =	simm.s32 $0x7400;
	s22 =	sadd.s32 s2, s26;
	s26 =	sld [smem:$0x8]  }
0x109: {  	[tilespmem:s24], [sflag:$0x2] =	stream.strided.gather [hbm4b:s22+s14], $0x1000, s13, s14, $0x38;
	[tilespmem:$0x1C600] =	vst v63  }
0x10a: {  	s25 =	sand.u32 $0xFFFFF80, s31;
	s31 =	simm.s32 $0x11400;
	s24 =	sld [smem:$0x208]  }
0x10b: {  	s22 =	sadd.s32 s5, s25;
	s25 =	simm.s32 $0x8400;
	s23 =	sand.u32 $0xFFFFF80, s26  }
0x10c: {  	[tilespmem:s31], [sflag:$0x3] =	stream.strided.gather [hbm4b:s22+s14], $0x1000, s13, s14, $0x38;
	[tilespmem:$0x1C600] =	vst v63  }
0x10d: {  	s22 =	sadd.s32 s2, s23;
	s23 =	simm.s32 @!p0 $0x9;
	s26 =	sand.u32 $0xFFFFF80, s24  }
0x10e: {  	[tilespmem:s25], [sflag:$0x2] =	stream.strided.gather [hbm4b:s22+s14], $0x1000, s13, s14, $0x38;
	[tilespmem:$0x1C600] =	vst v63  }
0x10f: {  	s31 =	simm.s32 $0x12400;
	s23 =	smul.u32 @!p0 $0xCCCD, s23;
	s22 =	sadd.s32 s5, s26  }
0x110: {  	[tilespmem:s31], [sflag:$0x3] =	stream.strided.gather [hbm4b:s22+s14], $0x1000, s13, s14, $0x38;
	[tilespmem:$0x1C600] =	vst v63  }
0x111: {  	s22 =	sshrl.u32 @!p0 s23, $0x13  }
0x112: {  	s22 =	smul.u32 @!p0 $0xA, s22  }
0x113: {  	s23 =	sld @!p0 [smem:$0x9]  }
0x114: {  	s22 =	ssub.s32 @!p0 $0x9, s22  }
0x115: {  	s24 =	simm.s32 @!p0 $0x7A1400;
	s22 =	sshll.u32 @!p0 s22, $0xC  }
0x116: {  	s25 =	sld @!p0 [smem:$0x209];
	s23 =	sand.u32 @!p0 $0xFFFFF80, s23;
	s22 =	sand.u32 @!p0 $0xF000, s22  }
0x117: {  	s26 =	simm.s32 @!p0 $0x400;
	s23 =	sadd.s32 @!p0 s2, s23;
	s28 =	sor.u32 @!p0 $0x400, s22  }
0x118: {  	[tilespmem:s28], [sflag:$0x2] =	stream.strided.gather @!p0 [hbm4b:s23+s26], $0x1000, s24, s26, $0x38;
	[tilespmem:$0x1C600] =	vst v63  }
0x119: {  	s23 =	sand.u32 @!p0 $0xFFFFF80, s25  }
0x11a: {  	s22 =	sadd.s32 @!p0 $0xA400, s22;
	s23 =	sadd.s32 @!p0 s5, s23  }
0x11b: {  	[tilespmem:s22], [sflag:$0x3] =	stream.strided.gather @!p0 [hbm4b:s23+s26], $0x1000, s24, s26, $0x38;
	[tilespmem:$0x1C600] =	vst v63  }
0x11c: {  	s0 =	simm.s32 $0x0;
	_ =	swait.ge [sflag:s16], $0x1000  }
0x11d: {  	s25 =	smul.u32 $0xCCCD, s0;
	[sflag:s16] =	ssyncset.done $0x0  }
0x11e: {  	[sflag:s16] =	ssyncadd.s32 $0xFFFFF000  }
0x11f: {  	s23 =	sshrl.u32 s25, $0x13;
	_ =	swait.ge [sflag:s17], $0x1000  }
0x120: {  	s23 =	smul.u32 $0xA, s23;
	[sflag:s17] =	ssyncset.done $0x0  }
0x121: {  	[sflag:s17] =	ssyncadd.s32 $0xFFFFF000  }
0x122: {  	s23 =	ssub.s32 $0x0, s23;
	s26 =	sld [smem:$0x0]  }
0x123: {  	s23 =	sand.u32 $0xFFFF, s23  }
0x124: {  	s23 =	sshll.u32 s23, $0xC  }
0x125: {  	v6 =	vor.u32 s23, v0;
	s24 =	sand.u32 $0x7F, s26  }
0x126: {  	v7 =	vor.u32 s23, v2;
	v4 =	vor.u32 s24, v6  }
0x127: {  	v8 =	vor.u32 s24, v7;
	_ =	sdelay $0x1  }
0x128: {  	s31 =	sld [smem:$0x200];
	_ =	sdelay $0x1  }
0x129: {  	v5 =	vor.u32 s0, v1;
	v9 =	vld.idx.msk [tilespmem:v4+s14+$0x0], $0xffff  }
0x12a: {  	s23 =	sand.u32 $0x7F, s31;
	v8 =	vld.idx.msk [tilespmem:v8+s14+$0x0], $0xffff;
	v4 =	vor.u32 s0, v3  }
0x12b: {  	v6 =	vor.u32 s23, v6  }
0x12c: {  	p0 =	por $0x0, $0x0;
	v10 =	vor.u32 s23, v7  }
0x12d: {  	s22 =	simm.s32 @!p0 $0xA  }
0x12e: {  	s22 =	smul.u32 @!p0 $0xCCCD, s22;
	[tilespmem:v5+s18+$0x0] =	vst.idx.msk $0xffff, v9  }
0x12f: {  	[tilespmem:v4+s18+$0x0] =	vst.idx.msk $0xffff, v8  }
0x130: {  	s22 =	sshrl.u32 @!p0 s22, $0x13;
	v7 =	vld.idx.msk [tilespmem:v6+s15+$0x0], $0xffff  }
0x131: {  	s23 =	smul.u32 @!p0 $0xA, s22;
	v6 =	vld.idx.msk [tilespmem:v10+s15+$0x0], $0xffff  }
0x132: {  	s25 =	simm.s32 $0x2;
	s24 =	simm.s32 $0xA;
	s29 =	sld @!p0 [smem:$0xA]  }
0x133: {  	s22 =	simm.s32 $0x1;
	s26 =	ssub.s32 @!p0 $0xA, s23;
	s23 =	simm.s32 $0x20A  }
0x134: {  	s30 =	sshll.u32 @!p0 s26, $0xC;
	s26 =	simm.s32 @!p0 $0x7A1400;
	s28 =	sld @!p0 [smem:$0x20A]  }
.LBB2_4:
0x135: {  	s29 =	sand.u32 @!p0 $0xFFFFF80, s29;
	s30 =	sand.u32 @!p0 $0xF000, s30;
	s31 =	simm.s32 @!p0 $0x400;
	[tilespmem:v5+s19+$0x0] =	vst.idx.msk $0xffff, v7  }
0x136: {  	s0 =	sor.u32 @!p0 $0x400, s30;
	s29 =	sadd.s32 @!p0 s2, s29;
	s30 =	sadd.s32 @!p0 $0xA400, s30;
	[tilespmem:v4+s19+$0x0] =	vst.idx.msk $0xffff, v6  }
0x137: {  	[tilespmem:s0], [sflag:$0x2] =	stream.strided.gather @!p0 [hbm4b:s29+s31], $0x1000, s26, s31, $0x38;
	[tilespmem:$0x1C600] =	vst v63  }
0x138: {  	s0 =	sand.u32 @!p0 $0xFFFFF80, s28;
	s28 =	smov.u32 s25;
	s25 =	sadd.s32 $0x1, s25  }
0x139: {  	p1 =	sne.s32 s25, $0x200;
	s0 =	sadd.s32 @!p0 s5, s0  }
0x13a: {  	[tilespmem:s30], [sflag:$0x3] =	stream.strided.gather @!p0 [hbm4b:s0+s31], $0x1000, s26, s31, $0x38;
	[tilespmem:$0x1C600] =	vst v63  }
0x13b: {  	_ =	swait.ge [sflag:s16], $0x1000  }
0x13c: {  	s0 =	smul.u32 $0xCCCD, s22;
	[sflag:s16] =	ssyncset.done $0x0  }
0x13d: {  	[sflag:s16] =	ssyncadd.s32 $0xFFFFF000  }
0x13e: {  	s0 =	sshrl.u32 s0, $0x13;
	_ =	swait.ge [sflag:s17], $0x1000  }
0x13f: {  	s0 =	smul.u32 $0xA, s0;
	[sflag:s17] =	ssyncset.done $0x0  }
0x140: {  	[sflag:s17] =	ssyncadd.s32 $0xFFFFF000  }
0x141: {  	s0 =	ssub.s32 s22, s0;
	s26 =	sld [smem:s24+$0xFFFFFFF7]  }
0x142: {  	s0 =	sand.u32 $0xFFFF, s0;
	s29 =	sld [smem:s23+$0xFFFFFFF7]  }
0x143: {  	s0 =	sshll.u32 s0, $0xC  }
0x144: {  	v6 =	vor.u32 s0, v0;
	v7 =	vor.u32 s0, v2;
	s26 =	sand.u32 $0x7F, s26  }
0x145: {  	v4 =	vor.u32 s26, v6;
	v8 =	vor.u32 s26, v7;
	s0 =	sand.u32 $0x7F, s29;
	_ =	sdelay $0x4  }
0x146: {  	v5 =	vor.u32 s22, v1;
	v9 =	vld.idx.msk [tilespmem:v4+s14+$0x0], $0xffff  }
0x147: {  	v4 =	vor.u32 s22, v3;
	s22 =	smov.u32 s28;
	v8 =	vld.idx.msk [tilespmem:v8+s14+$0x0], $0xffff;
	_ =	sdelay $0x1  }
0x148: {  	v6 =	vor.u32 s0, v6  }
0x149: {  	v10 =	vor.u32 s0, v7  }
0x14a: {  	p0 =	sgt.u32 s22, $0x1F6  }
0x14b: {  	s0 =	sadd.s32 @!p0 $0x9, s22;
	[tilespmem:v5+s18+$0x0] =	vst.idx.msk $0xffff, v9  }
0x14c: {  	s26 =	smul.u32 @!p0 $0xCCCD, s0;
	[tilespmem:v4+s18+$0x0] =	vst.idx.msk $0xffff, v8  }
0x14d: {  	v7 =	vld.idx.msk [tilespmem:v6+s15+$0x0], $0xffff  }
.Ltmp1:
0x14e: {  	s26 =	sshrl.u32 @!p0 s26, $0x13;
	v6 =	vld.idx.msk [tilespmem:v10+s15+$0x0], $0xffff;
	(pc) =	sbr.rel @p1 .LBB2_4-.Ltmp1, $4  }
0x14f: {  	s24 =	sadd.s32 $0x1, s24;
	s26 =	smul.u32 @!p0 $0xA, s26  }
0x150: {  	s29 =	sld @!p0 [smem:s24+$0x0]  }
0x151: {  	s23 =	sadd.s32 $0x1, s23;
	s0 =	ssub.s32 @!p0 s0, s26  }
0x152: {  	s26 =	simm.s32 @!p0 $0x7A1400;
	s30 =	sshll.u32 @!p0 s0, $0xC;
	s28 =	sld @!p0 [smem:s23+$0x0]  }
0x153: {  	_ =	sdelay $0x3  }
0x154: {  	s0 =	sand.u32 @!p0 $0xFFFFF80, s29;
	s25 =	sand.u32 @!p0 $0xF000, s30;
	[tilespmem:v5+s19+$0x0] =	vst.idx.msk $0xffff, v7  }
0x155: {  	s29 =	simm.s32 @!p0 $0x400;
	s30 =	sor.u32 @!p0 $0x400, s25;
	s0 =	sadd.s32 @!p0 s2, s0;
	[tilespmem:v4+s19+$0x0] =	vst.idx.msk $0xffff, v6  }
0x156: {  	[tilespmem:s30], [sflag:$0x2] =	stream.strided.gather @!p0 [hbm4b:s0+s29], $0x1000, s26, s29, $0x38;
	[tilespmem:$0x1C600] =	vst v63  }
0x157: {  	s0 =	sand.u32 @!p0 $0xFFFFF80, s28  }
0x158: {  	s25 =	sadd.s32 @!p0 $0xA400, s25;
	s0 =	sadd.s32 @!p0 s5, s0  }
0x159: {  	[tilespmem:s25], [sflag:$0x3] =	stream.strided.gather @!p0 [hbm4b:s0+s29], $0x1000, s26, s29, $0x38;
	[tilespmem:$0x1C600] =	vst v63  }
0x15a: {  	_ =	swait.ge [sflag:s16], $0x1000  }
0x15b: {  	s30 =	smul.u32 $0xCCCD, s22;
	[sflag:s16] =	ssyncset.done $0x0  }
0x15c: {  	[sflag:s16] =	ssyncadd.s32 $0xFFFFF000  }
0x15d: {  	s0 =	sshrl.u32 s30, $0x13;
	_ =	swait.ge [sflag:s17], $0x1000  }
0x15e: {  	s0 =	smul.u32 $0xA, s0;
	[sflag:s17] =	ssyncset.done $0x0  }
0x15f: {  	[sflag:s17] =	ssyncadd.s32 $0xFFFFF000  }
0x160: {  	s0 =	ssub.s32 s22, s0;
	s24 =	sld [smem:s24+$0xFFFFFFF7]  }
0x161: {  	s0 =	sand.u32 $0xFFFF, s0  }
0x162: {  	s0 =	sshll.u32 s0, $0xC  }
0x163: {  	v4 =	vor.u32 s0, v0;
	s24 =	sand.u32 $0x7F, s24  }
0x164: {  	v5 =	vor.u32 s0, v2;
	v6 =	vor.u32 s24, v4  }
0x165: {  	v7 =	vor.u32 s24, v5;
	_ =	sdelay $0x1  }
0x166: {  	s31 =	sld [smem:s23+$0xFFFFFFF7];
	_ =	sdelay $0x1  }
0x167: {  	v8 =	vor.u32 s22, v1;
	v6 =	vld.idx.msk [tilespmem:v6+s14+$0x0], $0xffff  }
0x168: {  	v9 =	vor.u32 s22, v3;
	s0 =	sand.u32 $0x7F, s31;
	v7 =	vld.idx.msk [tilespmem:v7+s14+$0x0], $0xffff  }
0x169: {  	v4 =	vor.u32 s0, v4  }
0x16a: {  	v5 =	vor.u32 s0, v5;
	_ =	sdelay $0x1  }
0x16b: {  	[tilespmem:v8+s18+$0x0] =	vst.idx.msk $0xffff, v6  }
0x16c: {  	[tilespmem:v9+s18+$0x0] =	vst.idx.msk $0xffff, v7  }
0x16d: {  	v4 =	vld.idx.msk [tilespmem:v4+s15+$0x0], $0xffff  }
0x16e: {  	v5 =	vld.idx.msk [tilespmem:v5+s15+$0x0], $0xffff;
	_ =	sdelay $0x3  }
0x16f: {  	[tilespmem:v8+s19+$0x0] =	vst.idx.msk $0xffff, v4  }
0x170: {  	s22 =	simm.s32 $0x0;
	[tilespmem:v9+s19+$0x0] =	vst.idx.msk $0xffff, v5  }
0x171: {  	v4 =	vld [tilespmem:s22+$0x14400]  }
0x172: {  	v5 =	vld [tilespmem:s22+$0x18400]  }
0x173: {  	v6 =	vld [tilespmem:s22+$0x14600]  }
0x174: {  	v7 =	vld [tilespmem:s22+$0x18600]  }
0x175: {  	v8 =	vld [tilespmem:s22+$0x14800]  }
0x176: {  	v9 =	vld [tilespmem:s22+$0x18800]  }
0x177: {  	v10 =	vld [tilespmem:s22+$0x18A00];
	v4 =	vmul.f32 v5, v4  }
0x178: {  	v5 =	vld [tilespmem:s22+$0x14A00]  }
0x179: {  	v11 =	vld [tilespmem:s22+$0x18C00];
	v6 =	vmul.f32 v7, v6;
	v4 =	vadd.f32 $0.0e+00, v4  }
0x17a: {  	v7 =	vld [tilespmem:s22+$0x14C00]  }
0x17b: {  	v4 =	vadd.f32 v6, v4;
	v6 =	vmul.f32 v9, v8;
	v8 =	vld [tilespmem:s22+$0x14E00]  }
0x17c: {  	v9 =	vld [tilespmem:s22+$0x18E00]  }
0x17d: {  	v5 =	vmul.f32 v10, v5;
	v10 =	vld [tilespmem:s22+$0x19000];
	v4 =	vadd.f32 v6, v4  }
0x17e: {  	v6 =	vld [tilespmem:s22+$0x15000]  }
0x17f: {  	v4 =	vadd.f32 v5, v4;
	v5 =	vmul.f32 v11, v7;
	v7 =	vld [tilespmem:s22+$0x15200]  }
0x180: {  	v11 =	vld [tilespmem:s22+$0x19200]  }
0x181: {  	v4 =	vadd.f32 v5, v4;
	v5 =	vmul.f32 v9, v8;
	v8 =	vld [tilespmem:s22+$0x15400]  }
0x182: {  	v9 =	vld [tilespmem:s22+$0x19400]  }
0x183: {  	v4 =	vadd.f32 v5, v4;
	v5 =	vmul.f32 v10, v6;
	v6 =	vld [tilespmem:s22+$0x15600]  }
0x184: {  	v10 =	vld [tilespmem:s22+$0x19600]  }
0x185: {  	v4 =	vadd.f32 v5, v4;
	v5 =	vmul.f32 v11, v7;
	v7 =	vld [tilespmem:s22+$0x15800]  }
0x186: {  	v11 =	vld [tilespmem:s22+$0x19800]  }
0x187: {  	v4 =	vadd.f32 v5, v4;
	v5 =	vmul.f32 v9, v8;
	v8 =	vld [tilespmem:s22+$0x15A00]  }
0x188: {  	v9 =	vld [tilespmem:s22+$0x19A00]  }
0x189: {  	v4 =	vadd.f32 v5, v4;
	v5 =	vmul.f32 v10, v6;
	v6 =	vld [tilespmem:s22+$0x15C00]  }
0x18a: {  	v10 =	vld [tilespmem:s22+$0x19C00]  }
0x18b: {  	v4 =	vadd.f32 v5, v4;
	v5 =	vmul.f32 v11, v7;
	v7 =	vld [tilespmem:s22+$0x15E00]  }
0x18c: {  	v11 =	vld [tilespmem:s22+$0x19E00]  }
0x18d: {  	v4 =	vadd.f32 v5, v4;
	v5 =	vmul.f32 v9, v8;
	v8 =	vld [tilespmem:s22+$0x16000]  }
0x18e: {  	v9 =	vld [tilespmem:s22+$0x1A000]  }
0x18f: {  	v4 =	vadd.f32 v5, v4;
	v5 =	vmul.f32 v10, v6;
	v6 =	vld [tilespmem:s22+$0x16200]  }
0x190: {  	v10 =	vld [tilespmem:s22+$0x1A200]  }
0x191: {  	v4 =	vadd.f32 v5, v4;
	v5 =	vmul.f32 v11, v7;
	v7 =	vld [tilespmem:s22+$0x16400]  }
0x192: {  	v11 =	vld [tilespmem:s22+$0x1A400]  }
0x193: {  	v4 =	vadd.f32 v5, v4;
	v5 =	vmul.f32 v9, v8;
	v8 =	vld [tilespmem:s22+$0x16600]  }
0x194: {  	v9 =	vld [tilespmem:s22+$0x1A600]  }
0x195: {  	v4 =	vadd.f32 v5, v4;
	v5 =	vmul.f32 v10, v6;
	v6 =	vld [tilespmem:s22+$0x16800]  }
0x196: {  	v10 =	vld [tilespmem:s22+$0x1A800]  }
0x197: {  	v4 =	vadd.f32 v5, v4;
	v5 =	vmul.f32 v11, v7;
	v7 =	vld [tilespmem:s22+$0x16A00]  }
0x198: {  	v11 =	vld [tilespmem:s22+$0x1AA00]  }
0x199: {  	v4 =	vadd.f32 v5, v4;
	v5 =	vmul.f32 v9, v8;
	v8 =	vld [tilespmem:s22+$0x16C00]  }
0x19a: {  	v9 =	vld [tilespmem:s22+$0x1AC00]  }
0x19b: {  	v4 =	vadd.f32 v5, v4;
	v5 =	vmul.f32 v10, v6;
	v6 =	vld [tilespmem:s22+$0x16E00]  }
0x19c: {  	v10 =	vld [tilespmem:s22+$0x1AE00]  }
0x19d: {  	v4 =	vadd.f32 v5, v4;
	v5 =	vmul.f32 v11, v7;
	v7 =	vld [tilespmem:s22+$0x17000]  }
0x19e: {  	v11 =	vld [tilespmem:s22+$0x1B000]  }
0x19f: {  	v4 =	vadd.f32 v5, v4;
	v5 =	vmul.f32 v9, v8;
	v8 =	vld [tilespmem:s22+$0x17200]  }
0x1a0: {  	v9 =	vld [tilespmem:s22+$0x1B200]  }
0x1a1: {  	v4 =	vadd.f32 v5, v4;
	v5 =	vmul.f32 v10, v6;
	v6 =	vld [tilespmem:s22+$0x17400]  }
0x1a2: {  	v10 =	vld [tilespmem:s22+$0x1B400]  }
0x1a3: {  	v4 =	vadd.f32 v5, v4;
	v5 =	vmul.f32 v11, v7;
	v7 =	vld [tilespmem:s22+$0x17600]  }
0x1a4: {  	v11 =	vld [tilespmem:s22+$0x1B600]  }
0x1a5: {  	v4 =	vadd.f32 v5, v4;
	v5 =	vmul.f32 v9, v8;
	v8 =	vld [tilespmem:s22+$0x17800]  }
0x1a6: {  	v9 =	vld [tilespmem:s22+$0x1B800]  }
0x1a7: {  	v4 =	vadd.f32 v5, v4;
	v5 =	vmul.f32 v10, v6;
	v6 =	vld [tilespmem:s22+$0x17A00]  }
0x1a8: {  	v10 =	vld [tilespmem:s22+$0x1BA00]  }
0x1a9: {  	v12 =	vld [tilespmem:s22+$0x1BC00];
	v4 =	vadd.f32 v5, v4;
	v5 =	vmul.f32 v11, v7  }
0x1aa: {  	v11 =	vld [tilespmem:s22+$0x17C00]  }
0x1ab: {  	v13 =	vld [tilespmem:s22+$0x17E00];
	v4 =	vadd.f32 v5, v4;
	v5 =	vmul.f32 v9, v8  }
0x1ac: {  	v14 =	vld [tilespmem:s22+$0x1BE00]  }
0x1ad: {  	v7 =	vld [tilespmem:s22+$0x1C000];
	v6 =	vmul.f32 v10, v6;
	v5 =	vadd.f32 v5, v4  }
0x1ae: {  	v4 =	vld [tilespmem:s22+$0x18000]  }
0x1af: {  	v8 =	vld [tilespmem:s22+$0x1C200];
	v10 =	vmul.f32 v12, v11;
	v9 =	vadd.f32 v6, v5  }
0x1b0: {  	s24 =	simm.s32 $0x10;
	v5 =	vld [tilespmem:s22+$0x18200]  }
0x1b1: {  	s23 =	simm.s32 $0x80;
	v6 =	vld [tilespmem:s24+$0x14400];
	v9 =	vadd.f32 v10, v9;
	v10 =	vmul.f32 v14, v13  }
.LBB2_6:
0x1b2: {  	p0 =	sne.s32 s23, $0x7C0;
	v11 =	vld [tilespmem:s24+$0x18400]  }
0x1b3: {  	v12 =	vld [tilespmem:s24+$0x14600];
	v9 =	vadd.f32 v10, v9;
	v4 =	vmul.f32 v7, v4  }
0x1b4: {  	v7 =	vld [tilespmem:s24+$0x18600]  }
0x1b5: {  	v10 =	vld [tilespmem:s24+$0x14800];
	v4 =	vadd.f32 v4, v9;
	v5 =	vmul.f32 v8, v5  }
0x1b6: {  	v8 =	vld [tilespmem:s24+$0x18800]  }
0x1b7: {  	v6 =	vmul.f32 v11, v6;
	v9 =	vld [tilespmem:s24+$0x14A00];
	v4 =	vadd.f32 v5, v4  }
0x1b8: {  	v5 =	vld [tilespmem:s24+$0x18A00]  }
0x1b9: {  	v6 =	vadd.f32 $0.0e+00, v6;
	v7 =	vmul.f32 v7, v12;
	v11 =	vld [tilespmem:s24+$0x14C00];
	[tilespmem:s22+$0x1C400] =	vst v4;
	s22 =	smov.u32 s24  }
0x1ba: {  	v4 =	vld [tilespmem:s22+$0x18C00]  }
0x1bb: {  	v6 =	vadd.f32 v7, v6;
	v7 =	vmul.f32 v8, v10;
	v8 =	vld [tilespmem:s22+$0x14E00]  }
0x1bc: {  	v10 =	vld [tilespmem:s22+$0x18E00]  }
0x1bd: {  	v6 =	vadd.f32 v7, v6;
	v5 =	vmul.f32 v5, v9;
	v7 =	vld [tilespmem:s22+$0x15000]  }
0x1be: {  	v9 =	vld [tilespmem:s22+$0x19000]  }
0x1bf: {  	v5 =	vadd.f32 v5, v6;
	v4 =	vmul.f32 v4, v11;
	v6 =	vld [tilespmem:s22+$0x15200]  }
0x1c0: {  	v11 =	vld [tilespmem:s22+$0x19200]  }
0x1c1: {  	v4 =	vadd.f32 v4, v5;
	v5 =	vmul.f32 v10, v8;
	v8 =	vld [tilespmem:s22+$0x15400]  }
0x1c2: {  	v10 =	vld [tilespmem:s22+$0x19400]  }
0x1c3: {  	v4 =	vadd.f32 v5, v4;
	v5 =	vmul.f32 v9, v7;
	v7 =	vld [tilespmem:s22+$0x15600]  }
0x1c4: {  	v9 =	vld [tilespmem:s22+$0x19600]  }
0x1c5: {  	v4 =	vadd.f32 v5, v4;
	v5 =	vmul.f32 v11, v6;
	v6 =	vld [tilespmem:s22+$0x15800]  }
0x1c6: {  	v11 =	vld [tilespmem:s22+$0x19800]  }
0x1c7: {  	v4 =	vadd.f32 v5, v4;
	v5 =	vmul.f32 v10, v8;
	v8 =	vld [tilespmem:s22+$0x15A00]  }
0x1c8: {  	v10 =	vld [tilespmem:s22+$0x19A00]  }
0x1c9: {  	v4 =	vadd.f32 v5, v4;
	v5 =	vmul.f32 v9, v7;
	v7 =	vld [tilespmem:s22+$0x15C00]  }
0x1ca: {  	v9 =	vld [tilespmem:s22+$0x19C00]  }
0x1cb: {  	v4 =	vadd.f32 v5, v4;
	v5 =	vmul.f32 v11, v6;
	v6 =	vld [tilespmem:s22+$0x15E00]  }
0x1cc: {  	v11 =	vld [tilespmem:s22+$0x19E00]  }
0x1cd: {  	v4 =	vadd.f32 v5, v4;
	v5 =	vmul.f32 v10, v8;
	v8 =	vld [tilespmem:s22+$0x16000]  }
0x1ce: {  	v10 =	vld [tilespmem:s22+$0x1A000]  }
0x1cf: {  	v4 =	vadd.f32 v5, v4;
	v5 =	vmul.f32 v9, v7;
	v7 =	vld [tilespmem:s22+$0x16200]  }
0x1d0: {  	v9 =	vld [tilespmem:s22+$0x1A200]  }
0x1d1: {  	v4 =	vadd.f32 v5, v4;
	v5 =	vmul.f32 v11, v6;
	v6 =	vld [tilespmem:s22+$0x16400]  }
0x1d2: {  	v11 =	vld [tilespmem:s22+$0x1A400]  }
0x1d3: {  	v4 =	vadd.f32 v5, v4;
	v5 =	vmul.f32 v10, v8;
	v8 =	vld [tilespmem:s22+$0x16600]  }
0x1d4: {  	v10 =	vld [tilespmem:s22+$0x1A600]  }
0x1d5: {  	v4 =	vadd.f32 v5, v4;
	v5 =	vmul.f32 v9, v7;
	v7 =	vld [tilespmem:s22+$0x16800]  }
0x1d6: {  	v9 =	vld [tilespmem:s22+$0x1A800]  }
0x1d7: {  	v4 =	vadd.f32 v5, v4;
	v5 =	vmul.f32 v11, v6;
	v6 =	vld [tilespmem:s22+$0x16A00]  }
0x1d8: {  	v11 =	vld [tilespmem:s22+$0x1AA00]  }
0x1d9: {  	v4 =	vadd.f32 v5, v4;
	v5 =	vmul.f32 v10, v8;
	v8 =	vld [tilespmem:s22+$0x16C00]  }
0x1da: {  	v10 =	vld [tilespmem:s22+$0x1AC00]  }
0x1db: {  	v4 =	vadd.f32 v5, v4;
	v5 =	vmul.f32 v9, v7;
	v7 =	vld [tilespmem:s22+$0x16E00]  }
0x1dc: {  	v9 =	vld [tilespmem:s22+$0x1AE00]  }
0x1dd: {  	v4 =	vadd.f32 v5, v4;
	v5 =	vmul.f32 v11, v6;
	v6 =	vld [tilespmem:s22+$0x17000]  }
0x1de: {  	v11 =	vld [tilespmem:s22+$0x1B000]  }
0x1df: {  	v4 =	vadd.f32 v5, v4;
	v5 =	vmul.f32 v10, v8;
	v8 =	vld [tilespmem:s22+$0x17200]  }
0x1e0: {  	v10 =	vld [tilespmem:s22+$0x1B200]  }
0x1e1: {  	v4 =	vadd.f32 v5, v4;
	v5 =	vmul.f32 v9, v7;
	v7 =	vld [tilespmem:s22+$0x17400]  }
0x1e2: {  	v9 =	vld [tilespmem:s22+$0x1B400]  }
0x1e3: {  	v4 =	vadd.f32 v5, v4;
	v5 =	vmul.f32 v11, v6;
	v6 =	vld [tilespmem:s22+$0x17600]  }
0x1e4: {  	v11 =	vld [tilespmem:s22+$0x1B600]  }
0x1e5: {  	v4 =	vadd.f32 v5, v4;
	v5 =	vmul.f32 v10, v8;
	v8 =	vld [tilespmem:s22+$0x17800]  }
0x1e6: {  	v10 =	vld [tilespmem:s22+$0x1B800]  }
0x1e7: {  	v4 =	vadd.f32 v5, v4;
	v5 =	vmul.f32 v9, v7;
	v7 =	vld [tilespmem:s22+$0x17A00]  }
0x1e8: {  	v9 =	vld [tilespmem:s22+$0x1BA00]  }
0x1e9: {  	v4 =	vadd.f32 v5, v4;
	v5 =	vmul.f32 v11, v6;
	v6 =	vld [tilespmem:s22+$0x17C00]  }
0x1ea: {  	v11 =	vld [tilespmem:s22+$0x1BC00]  }
0x1eb: {  	v4 =	vadd.f32 v5, v4;
	v5 =	vmul.f32 v10, v8;
	v10 =	vld [tilespmem:s22+$0x17E00]  }
0x1ec: {  	v12 =	vld [tilespmem:s22+$0x1BE00]  }
.Ltmp2:
0x1ed: {  	v5 =	vadd.f32 v5, v4;
	v8 =	vmul.f32 v9, v7;
	v4 =	vld [tilespmem:s22+$0x18000];
	(pc) =	sbr.rel @p0 .LBB2_6-.Ltmp2, $4  }
0x1ee: {  	v7 =	vld [tilespmem:s22+$0x1C000]  }
0x1ef: {  	v9 =	vadd.f32 v8, v5;
	v11 =	vmul.f32 v11, v6;
	v5 =	vld [tilespmem:s22+$0x18200]  }
0x1f0: {  	s24 =	sshra.s32 s23, $0x2;
	v8 =	vld [tilespmem:s22+$0x1C200]  }
0x1f1: {  	s23 =	sadd.s32 $0x40, s23;
	v6 =	vld [tilespmem:s24+$0x14400];
	v9 =	vadd.f32 v11, v9;
	v10 =	vmul.f32 v12, v10  }
0x1f2: {  	v11 =	vld [tilespmem:s24+$0x18400]  }
0x1f3: {  	v12 =	vld [tilespmem:s24+$0x14600];
	v9 =	vadd.f32 v10, v9;
	v4 =	vmul.f32 v7, v4  }
0x1f4: {  	v54 =	vld [tilespmem:s24+$0x18600]  }
0x1f5: {  	v55 =	vld [tilespmem:s24+$0x14800];
	v4 =	vadd.f32 v4, v9;
	v5 =	vmul.f32 v8, v5  }
0x1f6: {  	v56 =	vld [tilespmem:s24+$0x18800]  }
0x1f7: {  	v57 =	vld [tilespmem:s24+$0x14A00];
	v6 =	vmul.f32 v11, v6;
	v4 =	vadd.f32 v5, v4  }
0x1f8: {  	v5 =	vld [tilespmem:s24+$0x18A00]  }
0x1f9: {  	v58 =	vld [tilespmem:s24+$0x14C00];
	v59 =	vmul.f32 v54, v12;
	[tilespmem:s22+$0x1C400] =	vst v4;
	v4 =	vadd.f32 $0.0e+00, v6  }
0x1fa: {  	v60 =	vld [tilespmem:s24+$0x18C00]  }
0x1fb: {  	v61 =	vmul.f32 v56, v55;
	v62 =	vld [tilespmem:s24+$0x14E00];
	v4 =	vadd.f32 v59, v4  }
0x1fc: {  	v63 =	vld [tilespmem:s24+$0x18E00]  }
0x1fd: {  	v12 =	vld [tilespmem:s24+$0x15000];
	v5 =	vmul.f32 v5, v57;
	v4 =	vadd.f32 v61, v4  }
0x1fe: {  	v13 =	vld [tilespmem:s24+$0x19000]  }
0x1ff: {  	v14 =	vld [tilespmem:s24+$0x15200];
	v4 =	vadd.f32 v5, v4;
	v5 =	vmul.f32 v60, v58  }
0x200: {  	v15 =	vld [tilespmem:s24+$0x19200]  }
0x201: {  	v16 =	vld [tilespmem:s24+$0x15400];
	v4 =	vadd.f32 v5, v4;
	v5 =	vmul.f32 v63, v62  }
0x202: {  	v17 =	vld [tilespmem:s24+$0x19400]  }
0x203: {  	v18 =	vld [tilespmem:s24+$0x15600];
	v4 =	vadd.f32 v5, v4;
	v5 =	vmul.f32 v13, v12  }
0x204: {  	v19 =	vld [tilespmem:s24+$0x19600]  }
0x205: {  	v20 =	vld [tilespmem:s24+$0x15800];
	v4 =	vadd.f32 v5, v4;
	v5 =	vmul.f32 v15, v14  }
0x206: {  	v21 =	vld [tilespmem:s24+$0x19800]  }
0x207: {  	v22 =	vld [tilespmem:s24+$0x15A00];
	v4 =	vadd.f32 v5, v4;
	v5 =	vmul.f32 v17, v16  }
0x208: {  	v23 =	vld [tilespmem:s24+$0x19A00]  }
0x209: {  	v24 =	vld [tilespmem:s24+$0x15C00];
	v4 =	vadd.f32 v5, v4;
	v5 =	vmul.f32 v19, v18  }
0x20a: {  	v25 =	vld [tilespmem:s24+$0x19C00]  }
0x20b: {  	v26 =	vld [tilespmem:s24+$0x15E00];
	v4 =	vadd.f32 v5, v4;
	v5 =	vmul.f32 v21, v20  }
0x20c: {  	v27 =	vld [tilespmem:s24+$0x19E00]  }
0x20d: {  	v28 =	vld [tilespmem:s24+$0x16000];
	v4 =	vadd.f32 v5, v4;
	v5 =	vmul.f32 v23, v22  }
0x20e: {  	v29 =	vld [tilespmem:s24+$0x1A000]  }
0x20f: {  	v30 =	vld [tilespmem:s24+$0x16200];
	v4 =	vadd.f32 v5, v4;
	v5 =	vmul.f32 v25, v24  }
0x210: {  	v31 =	vld [tilespmem:s24+$0x1A200]  }
0x211: {  	v32 =	vld [tilespmem:s24+$0x16400];
	v4 =	vadd.f32 v5, v4;
	v5 =	vmul.f32 v27, v26  }
0x212: {  	v33 =	vld [tilespmem:s24+$0x1A400]  }
0x213: {  	v34 =	vld [tilespmem:s24+$0x16600];
	v4 =	vadd.f32 v5, v4;
	v5 =	vmul.f32 v29, v28  }
0x214: {  	v35 =	vld [tilespmem:s24+$0x1A600]  }
0x215: {  	v36 =	vld [tilespmem:s24+$0x16800];
	v4 =	vadd.f32 v5, v4;
	v5 =	vmul.f32 v31, v30  }
0x216: {  	v37 =	vld [tilespmem:s24+$0x1A800]  }
0x217: {  	v38 =	vld [tilespmem:s24+$0x16A00];
	v4 =	vadd.f32 v5, v4;
	v5 =	vmul.f32 v33, v32  }
0x218: {  	v39 =	vld [tilespmem:s24+$0x1AA00]  }
0x219: {  	v40 =	vld [tilespmem:s24+$0x16C00];
	v4 =	vadd.f32 v5, v4;
	v5 =	vmul.f32 v35, v34  }
0x21a: {  	v41 =	vld [tilespmem:s24+$0x1AC00]  }
0x21b: {  	v42 =	vld [tilespmem:s24+$0x16E00];
	v4 =	vadd.f32 v5, v4;
	v5 =	vmul.f32 v37, v36  }
0x21c: {  	v43 =	vld [tilespmem:s24+$0x1AE00]  }
0x21d: {  	v44 =	vld [tilespmem:s24+$0x17000];
	v4 =	vadd.f32 v5, v4;
	v5 =	vmul.f32 v39, v38  }
0x21e: {  	v45 =	vld [tilespmem:s24+$0x1B000]  }
0x21f: {  	v46 =	vld [tilespmem:s24+$0x17200];
	v4 =	vadd.f32 v5, v4;
	v5 =	vmul.f32 v41, v40  }
0x220: {  	v47 =	vld [tilespmem:s24+$0x1B200]  }
0x221: {  	v48 =	vld [tilespmem:s24+$0x17400];
	v4 =	vadd.f32 v5, v4;
	v5 =	vmul.f32 v43, v42  }
0x222: {  	v49 =	vld [tilespmem:s24+$0x1B400]  }
0x223: {  	v50 =	vld [tilespmem:s24+$0x17600];
	v4 =	vadd.f32 v5, v4;
	v5 =	vmul.f32 v45, v44  }
0x224: {  	v51 =	vld [tilespmem:s24+$0x1B600]  }
0x225: {  	v52 =	vld [tilespmem:s24+$0x17800];
	v4 =	vadd.f32 v5, v4;
	v5 =	vmul.f32 v47, v46  }
0x226: {  	v53 =	vld [tilespmem:s24+$0x1B800]  }
0x227: {  	v54 =	vld [tilespmem:s24+$0x17A00];
	v4 =	vadd.f32 v5, v4;
	v5 =	vmul.f32 v49, v48  }
0x228: {  	v55 =	vld [tilespmem:s24+$0x1BA00]  }
0x229: {  	v56 =	vld [tilespmem:s24+$0x17C00];
	v4 =	vadd.f32 v5, v4;
	v5 =	vmul.f32 v51, v50  }
0x22a: {  	v57 =	vld [tilespmem:s24+$0x1BC00]  }
0x22b: {  	v59 =	vld [tilespmem:s24+$0x1BE00];
	v4 =	vadd.f32 v5, v4;
	v5 =	vmul.f32 v53, v52  }
0x22c: {  	v58 =	vld [tilespmem:s24+$0x17E00]  }
0x22d: {  	v61 =	vld [tilespmem:s24+$0x1C000];
	v4 =	vadd.f32 v5, v4;
	v5 =	vmul.f32 v55, v54  }
0x22e: {  	v60 =	vld [tilespmem:s24+$0x18000]  }
0x22f: {  	v62 =	vld [tilespmem:s24+$0x18200];
	v4 =	vadd.f32 v5, v4;
	v5 =	vmul.f32 v57, v56  }
0x230: {  	v63 =	vld [tilespmem:s24+$0x1C200]  }
0x231: {  	v4 =	vadd.f32 v5, v4;
	v5 =	vmul.f32 v59, v58;
	_ =	sdelay $0x1  }
0x232: {  	v4 =	vadd.f32 v5, v4;
	v5 =	vmul.f32 v61, v60;
	_ =	sdelay $0x1  }
0x233: {  	v4 =	vadd.f32 v5, v4;
	v5 =	vmul.f32 v63, v62;
	_ =	sdelay $0x1  }
0x234: {  	v4 =	vadd.f32 v5, v4;
	_ =	sdelay $0x1  }
0x235: {  	[tilespmem:s24+$0x1C400] =	vst v4  }
0x236: {  	[hbm4b:s6+s1] =	stream.linear.scatter [tilespmem:s18], [sflag:$0x1], $0x200, $0x38;
	[tilespmem:$0x1C600] =	vst v63  }
0x237: {  	s0 =	rddreg [dreg:$0xa]  }
0x238: {  	[hbm4b:s9+s1] =	stream.linear.scatter [tilespmem:s19], [sflag:$0x1], $0x200, $0x38;
	[tilespmem:$0x1C600] =	vst v63  }
0x239: {  	s25 =	rddreg [dreg:$0xb];
	s24 =	simm.s32 $0x14600  }
0x23a: {  	[hbm4b:s0+s1] =	stream.linear.scatter [tilespmem:s24], [sflag:$0x1], $0x200, $0x38;
	[tilespmem:$0x1C600] =	vst v63  }
0x23b: {  	s26 =	simm.s32 $0x18600;
	s28 =	rddreg [dreg:$0xc]  }
0x23c: {  	[hbm4b:s25+s1] =	stream.linear.scatter [tilespmem:s26], [sflag:$0x1], $0x200, $0x38;
	[tilespmem:$0x1C600] =	vst v63  }
0x23d: {  	s29 =	simm.s32 $0x14800;
	s30 =	rddreg [dreg:$0xd]  }
0x23e: {  	[hbm4b:s28+s1] =	stream.linear.scatter [tilespmem:s29], [sflag:$0x1], $0x200, $0x38;
	[tilespmem:$0x1C600] =	vst v63  }
0x23f: {  	s31 =	simm.s32 $0x18800;
	s23 =	rddreg [dreg:$0xe]  }
0x240: {  	[hbm4b:s30+s1] =	stream.linear.scatter [tilespmem:s31], [sflag:$0x1], $0x200, $0x38;
	[tilespmem:$0x1C600] =	vst v63  }
0x241: {  	s24 =	simm.s32 $0x14A00;
	s25 =	rddreg [dreg:$0xf]  }
0x242: {  	[hbm4b:s23+s1] =	stream.linear.scatter [tilespmem:s24], [sflag:$0x1], $0x200, $0x38;
	[tilespmem:$0x1C600] =	vst v63  }
0x243: {  	s26 =	simm.s32 $0x18A00;
	s28 =	rddreg [dreg:$0x10]  }
0x244: {  	[hbm4b:s25+s1] =	stream.linear.scatter [tilespmem:s26], [sflag:$0x1], $0x200, $0x38;
	[tilespmem:$0x1C600] =	vst v63  }
0x245: {  	s29 =	simm.s32 $0x14C00;
	s30 =	rddreg [dreg:$0x11]  }
0x246: {  	[hbm4b:s28+s1] =	stream.linear.scatter [tilespmem:s29], [sflag:$0x1], $0x200, $0x38;
	[tilespmem:$0x1C600] =	vst v63  }
0x247: {  	s31 =	simm.s32 $0x18C00;
	s23 =	rddreg [dreg:$0x12]  }
0x248: {  	[hbm4b:s30+s1] =	stream.linear.scatter [tilespmem:s31], [sflag:$0x1], $0x200, $0x38;
	[tilespmem:$0x1C600] =	vst v63  }
0x249: {  	s24 =	simm.s32 $0x14E00;
	s25 =	rddreg [dreg:$0x13]  }
0x24a: {  	[hbm4b:s23+s1] =	stream.linear.scatter [tilespmem:s24], [sflag:$0x1], $0x200, $0x38;
	[tilespmem:$0x1C600] =	vst v63  }
0x24b: {  	s26 =	simm.s32 $0x18E00;
	s28 =	rddreg [dreg:$0x14]  }
0x24c: {  	[hbm4b:s25+s1] =	stream.linear.scatter [tilespmem:s26], [sflag:$0x1], $0x200, $0x38;
	[tilespmem:$0x1C600] =	vst v63  }
0x24d: {  	s29 =	simm.s32 $0x15000;
	s30 =	rddreg [dreg:$0x15]  }
0x24e: {  	[hbm4b:s28+s1] =	stream.linear.scatter [tilespmem:s29], [sflag:$0x1], $0x200, $0x38;
	[tilespmem:$0x1C600] =	vst v63  }
0x24f: {  	s31 =	simm.s32 $0x19000;
	s23 =	rddreg [dreg:$0x16]  }
0x250: {  	[hbm4b:s30+s1] =	stream.linear.scatter [tilespmem:s31], [sflag:$0x1], $0x200, $0x38;
	[tilespmem:$0x1C600] =	vst v63  }
0x251: {  	s24 =	simm.s32 $0x15200;
	s25 =	rddreg [dreg:$0x17]  }
0x252: {  	[hbm4b:s23+s1] =	stream.linear.scatter [tilespmem:s24], [sflag:$0x1], $0x200, $0x38;
	[tilespmem:$0x1C600] =	vst v63  }
0x253: {  	s26 =	simm.s32 $0x19200;
	s28 =	rddreg [dreg:$0x18]  }
0x254: {  	[hbm4b:s25+s1] =	stream.linear.scatter [tilespmem:s26], [sflag:$0x1], $0x200, $0x38;
	[tilespmem:$0x1C600] =	vst v63  }
0x255: {  	s29 =	simm.s32 $0x15400;
	s30 =	rddreg [dreg:$0x19]  }
0x256: {  	[hbm4b:s28+s1] =	stream.linear.scatter [tilespmem:s29], [sflag:$0x1], $0x200, $0x38;
	[tilespmem:$0x1C600] =	vst v63  }
0x257: {  	s31 =	simm.s32 $0x19400;
	s23 =	rddreg [dreg:$0x1a]  }
0x258: {  	[hbm4b:s30+s1] =	stream.linear.scatter [tilespmem:s31], [sflag:$0x1], $0x200, $0x38;
	[tilespmem:$0x1C600] =	vst v63  }
0x259: {  	s24 =	simm.s32 $0x15600;
	s25 =	rddreg [dreg:$0x1b]  }
0x25a: {  	[hbm4b:s23+s1] =	stream.linear.scatter [tilespmem:s24], [sflag:$0x1], $0x200, $0x38;
	[tilespmem:$0x1C600] =	vst v63  }
0x25b: {  	s26 =	simm.s32 $0x19600;
	s28 =	rddreg [dreg:$0x1c]  }
0x25c: {  	[hbm4b:s25+s1] =	stream.linear.scatter [tilespmem:s26], [sflag:$0x1], $0x200, $0x38;
	[tilespmem:$0x1C600] =	vst v63  }
0x25d: {  	s29 =	simm.s32 $0x15800;
	s30 =	rddreg [dreg:$0x1d]  }
0x25e: {  	[hbm4b:s28+s1] =	stream.linear.scatter [tilespmem:s29], [sflag:$0x1], $0x200, $0x38;
	[tilespmem:$0x1C600] =	vst v63  }
0x25f: {  	s31 =	simm.s32 $0x19800;
	s23 =	rddreg [dreg:$0x1e]  }
0x260: {  	[hbm4b:s30+s1] =	stream.linear.scatter [tilespmem:s31], [sflag:$0x1], $0x200, $0x38;
	[tilespmem:$0x1C600] =	vst v63  }
0x261: {  	s24 =	simm.s32 $0x15A00;
	s25 =	rddreg [dreg:$0x1f]  }
0x262: {  	[hbm4b:s23+s1] =	stream.linear.scatter [tilespmem:s24], [sflag:$0x1], $0x200, $0x38;
	[tilespmem:$0x1C600] =	vst v63  }
0x263: {  	s26 =	simm.s32 $0x19A00;
	s28 =	sld [smem:$0x7DA]  }
0x264: {  	[hbm4b:s25+s1] =	stream.linear.scatter [tilespmem:s26], [sflag:$0x1], $0x200, $0x38;
	[tilespmem:$0x1C600] =	vst v63  }
0x265: {  	s29 =	simm.s32 $0x15C00;
	s30 =	sld [smem:$0x7DB]  }
0x266: {  	[hbm4b:s28+s1] =	stream.linear.scatter [tilespmem:s29], [sflag:$0x1], $0x200, $0x38;
	[tilespmem:$0x1C600] =	vst v63  }
0x267: {  	s31 =	simm.s32 $0x19C00;
	s23 =	sld [smem:$0x7DC]  }
0x268: {  	[hbm4b:s30+s1] =	stream.linear.scatter [tilespmem:s31], [sflag:$0x1], $0x200, $0x38;
	[tilespmem:$0x1C600] =	vst v63  }
0x269: {  	s24 =	simm.s32 $0x15E00;
	s25 =	sld [smem:$0x7DD]  }
0x26a: {  	[hbm4b:s23+s1] =	stream.linear.scatter [tilespmem:s24], [sflag:$0x1], $0x200, $0x38;
	[tilespmem:$0x1C600] =	vst v63  }
0x26b: {  	s26 =	simm.s32 $0x19E00;
	s28 =	sld [smem:$0x7DE]  }
0x26c: {  	[hbm4b:s25+s1] =	stream.linear.scatter [tilespmem:s26], [sflag:$0x1], $0x200, $0x38;
	[tilespmem:$0x1C600] =	vst v63  }
0x26d: {  	s29 =	simm.s32 $0x16000;
	s30 =	sld [smem:$0x7DF]  }
0x26e: {  	[hbm4b:s28+s1] =	stream.linear.scatter [tilespmem:s29], [sflag:$0x1], $0x200, $0x38;
	[tilespmem:$0x1C600] =	vst v63  }
0x26f: {  	s31 =	simm.s32 $0x1A000;
	s23 =	sld [smem:$0x7E0]  }
0x270: {  	[hbm4b:s30+s1] =	stream.linear.scatter [tilespmem:s31], [sflag:$0x1], $0x200, $0x38;
	[tilespmem:$0x1C600] =	vst v63  }
0x271: {  	s24 =	simm.s32 $0x16200;
	s25 =	sld [smem:$0x7E1]  }
0x272: {  	[hbm4b:s23+s1] =	stream.linear.scatter [tilespmem:s24], [sflag:$0x1], $0x200, $0x38;
	[tilespmem:$0x1C600] =	vst v63  }
0x273: {  	s26 =	simm.s32 $0x1A200;
	s28 =	sld [smem:$0x7E2]  }
0x274: {  	[hbm4b:s25+s1] =	stream.linear.scatter [tilespmem:s26], [sflag:$0x1], $0x200, $0x38;
	[tilespmem:$0x1C600] =	vst v63  }
0x275: {  	s29 =	simm.s32 $0x16400;
	s30 =	sld [smem:$0x7E3]  }
0x276: {  	[hbm4b:s28+s1] =	stream.linear.scatter [tilespmem:s29], [sflag:$0x1], $0x200, $0x38;
	[tilespmem:$0x1C600] =	vst v63  }
0x277: {  	s31 =	simm.s32 $0x1A400;
	s23 =	sld [smem:$0x7E4]  }
0x278: {  	[hbm4b:s30+s1] =	stream.linear.scatter [tilespmem:s31], [sflag:$0x1], $0x200, $0x38;
	[tilespmem:$0x1C600] =	vst v63  }
0x279: {  	s24 =	simm.s32 $0x16600;
	s25 =	sld [smem:$0x7E5]  }
0x27a: {  	[hbm4b:s23+s1] =	stream.linear.scatter [tilespmem:s24], [sflag:$0x1], $0x200, $0x38;
	[tilespmem:$0x1C600] =	vst v63  }
0x27b: {  	s26 =	simm.s32 $0x1A600;
	s28 =	sld [smem:$0x7E6]  }
0x27c: {  	[hbm4b:s25+s1] =	stream.linear.scatter [tilespmem:s26], [sflag:$0x1], $0x200, $0x38;
	[tilespmem:$0x1C600] =	vst v63  }
0x27d: {  	s29 =	simm.s32 $0x16800;
	s30 =	sld [smem:$0x7E7]  }
0x27e: {  	[hbm4b:s28+s1] =	stream.linear.scatter [tilespmem:s29], [sflag:$0x1], $0x200, $0x38;
	[tilespmem:$0x1C600] =	vst v63  }
0x27f: {  	s31 =	simm.s32 $0x1A800;
	s23 =	sld [smem:$0x7E8]  }
0x280: {  	[hbm4b:s30+s1] =	stream.linear.scatter [tilespmem:s31], [sflag:$0x1], $0x200, $0x38;
	[tilespmem:$0x1C600] =	vst v63  }
0x281: {  	s24 =	simm.s32 $0x16A00;
	s25 =	sld [smem:$0x7E9]  }
0x282: {  	[hbm4b:s23+s1] =	stream.linear.scatter [tilespmem:s24], [sflag:$0x1], $0x200, $0x38;
	[tilespmem:$0x1C600] =	vst v63  }
0x283: {  	s26 =	simm.s32 $0x1AA00;
	s28 =	sld [smem:$0x7EA]  }
0x284: {  	[hbm4b:s25+s1] =	stream.linear.scatter [tilespmem:s26], [sflag:$0x1], $0x200, $0x38;
	[tilespmem:$0x1C600] =	vst v63  }
0x285: {  	s29 =	simm.s32 $0x16C00;
	s30 =	sld [smem:$0x7EB]  }
0x286: {  	[hbm4b:s28+s1] =	stream.linear.scatter [tilespmem:s29], [sflag:$0x1], $0x200, $0x38;
	[tilespmem:$0x1C600] =	vst v63  }
0x287: {  	s31 =	simm.s32 $0x1AC00;
	s23 =	sld [smem:$0x7EC]  }
0x288: {  	[hbm4b:s30+s1] =	stream.linear.scatter [tilespmem:s31], [sflag:$0x1], $0x200, $0x38;
	[tilespmem:$0x1C600] =	vst v63  }
0x289: {  	s24 =	simm.s32 $0x16E00;
	s25 =	sld [smem:$0x7ED]  }
0x28a: {  	[hbm4b:s23+s1] =	stream.linear.scatter [tilespmem:s24], [sflag:$0x1], $0x200, $0x38;
	[tilespmem:$0x1C600] =	vst v63  }
0x28b: {  	s26 =	simm.s32 $0x1AE00;
	s28 =	sld [smem:$0x7EE]  }
0x28c: {  	[hbm4b:s25+s1] =	stream.linear.scatter [tilespmem:s26], [sflag:$0x1], $0x200, $0x38;
	[tilespmem:$0x1C600] =	vst v63  }
0x28d: {  	s29 =	simm.s32 $0x17000;
	s30 =	sld [smem:$0x7EF]  }
0x28e: {  	[hbm4b:s28+s1] =	stream.linear.scatter [tilespmem:s29], [sflag:$0x1], $0x200, $0x38;
	[tilespmem:$0x1C600] =	vst v63  }
0x28f: {  	s31 =	simm.s32 $0x1B000;
	s23 =	sld [smem:$0x7F0]  }
0x290: {  	[hbm4b:s30+s1] =	stream.linear.scatter [tilespmem:s31], [sflag:$0x1], $0x200, $0x38;
	[tilespmem:$0x1C600] =	vst v63  }
0x291: {  	s24 =	simm.s32 $0x17200;
	s25 =	sld [smem:$0x7F1]  }
0x292: {  	[hbm4b:s23+s1] =	stream.linear.scatter [tilespmem:s24], [sflag:$0x1], $0x200, $0x38;
	[tilespmem:$0x1C600] =	vst v63  }
0x293: {  	s26 =	simm.s32 $0x1B200;
	s28 =	sld [smem:$0x7F2]  }
0x294: {  	[hbm4b:s25+s1] =	stream.linear.scatter [tilespmem:s26], [sflag:$0x1], $0x200, $0x38;
	[tilespmem:$0x1C600] =	vst v63  }
0x295: {  	s29 =	simm.s32 $0x17400;
	s30 =	sld [smem:$0x7F3]  }
0x296: {  	[hbm4b:s28+s1] =	stream.linear.scatter [tilespmem:s29], [sflag:$0x1], $0x200, $0x38;
	[tilespmem:$0x1C600] =	vst v63  }
0x297: {  	s31 =	simm.s32 $0x1B400;
	s23 =	sld [smem:$0x7F4]  }
0x298: {  	[hbm4b:s30+s1] =	stream.linear.scatter [tilespmem:s31], [sflag:$0x1], $0x200, $0x38;
	[tilespmem:$0x1C600] =	vst v63  }
0x299: {  	s24 =	simm.s32 $0x17600;
	s25 =	sld [smem:$0x7F5]  }
0x29a: {  	[hbm4b:s23+s1] =	stream.linear.scatter [tilespmem:s24], [sflag:$0x1], $0x200, $0x38;
	[tilespmem:$0x1C600] =	vst v63  }
0x29b: {  	s26 =	simm.s32 $0x1B600;
	s28 =	sld [smem:$0x7F6]  }
0x29c: {  	[hbm4b:s25+s1] =	stream.linear.scatter [tilespmem:s26], [sflag:$0x1], $0x200, $0x38;
	[tilespmem:$0x1C600] =	vst v63  }
0x29d: {  	s29 =	simm.s32 $0x17800;
	s30 =	sld [smem:$0x7F7]  }
0x29e: {  	[hbm4b:s28+s1] =	stream.linear.scatter [tilespmem:s29], [sflag:$0x1], $0x200, $0x38;
	[tilespmem:$0x1C600] =	vst v63  }
0x29f: {  	s31 =	simm.s32 $0x1B800;
	s23 =	sld [smem:$0x7F8]  }
0x2a0: {  	[hbm4b:s30+s1] =	stream.linear.scatter [tilespmem:s31], [sflag:$0x1], $0x200, $0x38;
	[tilespmem:$0x1C600] =	vst v63  }
0x2a1: {  	s24 =	simm.s32 $0x17A00;
	s25 =	sld [smem:$0x7F9]  }
0x2a2: {  	[hbm4b:s23+s1] =	stream.linear.scatter [tilespmem:s24], [sflag:$0x1], $0x200, $0x38;
	[tilespmem:$0x1C600] =	vst v63  }
0x2a3: {  	s26 =	simm.s32 $0x1BA00;
	s28 =	sld [smem:$0x7FA]  }
0x2a4: {  	[hbm4b:s25+s1] =	stream.linear.scatter [tilespmem:s26], [sflag:$0x1], $0x200, $0x38;
	[tilespmem:$0x1C600] =	vst v63  }
0x2a5: {  	s29 =	simm.s32 $0x17C00;
	s30 =	sld [smem:$0x7FB]  }
0x2a6: {  	[hbm4b:s28+s1] =	stream.linear.scatter [tilespmem:s29], [sflag:$0x1], $0x200, $0x38;
	[tilespmem:$0x1C600] =	vst v63  }
0x2a7: {  	s22 =	sld [smem:$0x7FC];
	s31 =	simm.s32 $0x1BC00  }
0x2a8: {  	[hbm4b:s30+s1] =	stream.linear.scatter [tilespmem:s31], [sflag:$0x1], $0x200, $0x38;
	[tilespmem:$0x1C600] =	vst v63  }
0x2a9: {  	s23 =	simm.s32 $0x17E00;
	s24 =	sld [smem:$0x7FD]  }
0x2aa: {  	[hbm4b:s22+s1] =	stream.linear.scatter [tilespmem:s23], [sflag:$0x1], $0x200, $0x38;
	[tilespmem:$0x1C600] =	vst v63  }
0x2ab: {  	s25 =	simm.s32 $0x1BE00  }
0x2ac: {  	[hbm4b:s24+s1] =	stream.linear.scatter [tilespmem:s25], [sflag:$0x1], $0x200, $0x38;
	[tilespmem:$0x1C600] =	vst v63  }
0x2ad: {  	s26 =	simm.s32 $0x18000  }
0x2ae: {  	[hbm4b:s3+s1] =	stream.linear.scatter [tilespmem:s26], [sflag:$0x1], $0x200, $0x38;
	[tilespmem:$0x1C600] =	vst v63  }
0x2af: {  	s28 =	simm.s32 $0x1C000  }
0x2b0: {  	[hbm4b:s4+s1] =	stream.linear.scatter [tilespmem:s28], [sflag:$0x1], $0x200, $0x38;
	[tilespmem:$0x1C600] =	vst v63  }
0x2b1: {  	s29 =	simm.s32 $0x18200  }
0x2b2: {  	[hbm4b:s7+s1] =	stream.linear.scatter [tilespmem:s29], [sflag:$0x1], $0x200, $0x38;
	[tilespmem:$0x1C600] =	vst v63  }
0x2b3: {  	s30 =	simm.s32 $0x1C200  }
0x2b4: {  	[hbm4b:s8+s1] =	stream.linear.scatter [tilespmem:s30], [sflag:$0x1], $0x200, $0x38;
	[tilespmem:$0x1C600] =	vst v63  }
0x2b5: {  	s31 =	simm.s32 $0x1C400  }
0x2b6: {  	[hbm4b:s10+s1] =	stream.linear.scatter [tilespmem:s31], [sflag:$0x4], $0x200, $0x38;
	[tilespmem:$0x1C600] =	vst v63  }
0x2b7: {  	_ =	swait.ge [sflag:s20], $0x200  }
0x2b8: {  	[sflag:s20] =	ssyncset.done $0x0  }
0x2b9: {  	[sflag:s20] =	ssyncadd.s32 $0xFFFFFE00  }
0x2ba: {  	_ =	swait.ge [sflag:s12], $0x200  }
0x2bb: {  	[sflag:s12] =	ssyncset.done $0x0  }
0x2bc: {  	[sflag:s12] =	ssyncadd.s32 $0xFFFFFE00  }
0x2bd: {  	_ =	swait.ge [sflag:s12], $0x200  }
0x2be: {  	[sflag:s12] =	ssyncset.done $0x0  }
0x2bf: {  	[sflag:s12] =	ssyncadd.s32 $0xFFFFFE00  }
0x2c0: {  	_ =	swait.ge [sflag:s12], $0x200  }
0x2c1: {  	[sflag:s12] =	ssyncset.done $0x0  }
0x2c2: {  	[sflag:s12] =	ssyncadd.s32 $0xFFFFFE00  }
0x2c3: {  	_ =	swait.ge [sflag:s12], $0x200  }
0x2c4: {  	[sflag:s12] =	ssyncset.done $0x0  }
0x2c5: {  	[sflag:s12] =	ssyncadd.s32 $0xFFFFFE00  }
0x2c6: {  	_ =	swait.ge [sflag:s12], $0x200  }
0x2c7: {  	[sflag:s12] =	ssyncset.done $0x0  }
0x2c8: {  	[sflag:s12] =	ssyncadd.s32 $0xFFFFFE00  }
0x2c9: {  	_ =	swait.ge [sflag:s12], $0x200  }
0x2ca: {  	[sflag:s12] =	ssyncset.done $0x0  }
0x2cb: {  	[sflag:s12] =	ssyncadd.s32 $0xFFFFFE00  }
0x2cc: {  	_ =	swait.ge [sflag:s12], $0x200  }
0x2cd: {  	[sflag:s12] =	ssyncset.done $0x0  }
0x2ce: {  	[sflag:s12] =	ssyncadd.s32 $0xFFFFFE00  }
0x2cf: {  	_ =	swait.ge [sflag:s12], $0x200  }
0x2d0: {  	[sflag:s12] =	ssyncset.done $0x0  }
0x2d1: {  	[sflag:s12] =	ssyncadd.s32 $0xFFFFFE00  }
0x2d2: {  	_ =	swait.ge [sflag:s12], $0x200  }
0x2d3: {  	[sflag:s12] =	ssyncset.done $0x0  }
0x2d4: {  	[sflag:s12] =	ssyncadd.s32 $0xFFFFFE00  }
0x2d5: {  	_ =	swait.ge [sflag:s12], $0x200  }
0x2d6: {  	[sflag:s12] =	ssyncset.done $0x0  }
0x2d7: {  	[sflag:s12] =	ssyncadd.s32 $0xFFFFFE00  }
0x2d8: {  	_ =	swait.ge [sflag:s12], $0x200  }
0x2d9: {  	[sflag:s12] =	ssyncset.done $0x0  }
0x2da: {  	[sflag:s12] =	ssyncadd.s32 $0xFFFFFE00  }
0x2db: {  	_ =	swait.ge [sflag:s12], $0x200  }
0x2dc: {  	[sflag:s12] =	ssyncset.done $0x0  }
0x2dd: {  	[sflag:s12] =	ssyncadd.s32 $0xFFFFFE00  }
0x2de: {  	_ =	swait.ge [sflag:s12], $0x200  }
0x2df: {  	[sflag:s12] =	ssyncset.done $0x0  }
0x2e0: {  	[sflag:s12] =	ssyncadd.s32 $0xFFFFFE00  }
0x2e1: {  	_ =	swait.ge [sflag:s12], $0x200  }
0x2e2: {  	[sflag:s12] =	ssyncset.done $0x0  }
0x2e3: {  	[sflag:s12] =	ssyncadd.s32 $0xFFFFFE00  }
0x2e4: {  	_ =	swait.ge [sflag:s12], $0x200  }
0x2e5: {  	[sflag:s12] =	ssyncset.done $0x0  }
0x2e6: {  	[sflag:s12] =	ssyncadd.s32 $0xFFFFFE00  }
0x2e7: {  	_ =	swait.ge [sflag:s12], $0x200  }
0x2e8: {  	[sflag:s12] =	ssyncset.done $0x0  }
0x2e9: {  	[sflag:s12] =	ssyncadd.s32 $0xFFFFFE00  }
0x2ea: {  	_ =	swait.ge [sflag:s12], $0x200  }
0x2eb: {  	[sflag:s12] =	ssyncset.done $0x0  }
0x2ec: {  	[sflag:s12] =	ssyncadd.s32 $0xFFFFFE00  }
0x2ed: {  	_ =	swait.ge [sflag:s12], $0x200  }
0x2ee: {  	[sflag:s12] =	ssyncset.done $0x0  }
0x2ef: {  	[sflag:s12] =	ssyncadd.s32 $0xFFFFFE00  }
0x2f0: {  	_ =	swait.ge [sflag:s12], $0x200  }
0x2f1: {  	[sflag:s12] =	ssyncset.done $0x0  }
0x2f2: {  	[sflag:s12] =	ssyncadd.s32 $0xFFFFFE00  }
0x2f3: {  	_ =	swait.ge [sflag:s12], $0x200  }
0x2f4: {  	[sflag:s12] =	ssyncset.done $0x0  }
0x2f5: {  	[sflag:s12] =	ssyncadd.s32 $0xFFFFFE00  }
0x2f6: {  	_ =	swait.ge [sflag:s12], $0x200  }
0x2f7: {  	[sflag:s12] =	ssyncset.done $0x0  }
0x2f8: {  	[sflag:s12] =	ssyncadd.s32 $0xFFFFFE00  }
0x2f9: {  	_ =	swait.ge [sflag:s12], $0x200  }
0x2fa: {  	[sflag:s12] =	ssyncset.done $0x0  }
0x2fb: {  	[sflag:s12] =	ssyncadd.s32 $0xFFFFFE00  }
0x2fc: {  	_ =	swait.ge [sflag:s12], $0x200  }
0x2fd: {  	[sflag:s12] =	ssyncset.done $0x0  }
0x2fe: {  	[sflag:s12] =	ssyncadd.s32 $0xFFFFFE00  }
0x2ff: {  	_ =	swait.ge [sflag:s12], $0x200  }
0x300: {  	[sflag:s12] =	ssyncset.done $0x0  }
0x301: {  	[sflag:s12] =	ssyncadd.s32 $0xFFFFFE00  }
0x302: {  	_ =	swait.ge [sflag:s12], $0x200  }
0x303: {  	[sflag:s12] =	ssyncset.done $0x0  }
0x304: {  	[sflag:s12] =	ssyncadd.s32 $0xFFFFFE00  }
0x305: {  	_ =	swait.ge [sflag:s12], $0x200  }
0x306: {  	[sflag:s12] =	ssyncset.done $0x0  }
0x307: {  	[sflag:s12] =	ssyncadd.s32 $0xFFFFFE00  }
0x308: {  	_ =	swait.ge [sflag:s12], $0x200  }
0x309: {  	[sflag:s12] =	ssyncset.done $0x0  }
0x30a: {  	[sflag:s12] =	ssyncadd.s32 $0xFFFFFE00  }
0x30b: {  	_ =	swait.ge [sflag:s12], $0x200  }
0x30c: {  	[sflag:s12] =	ssyncset.done $0x0  }
0x30d: {  	[sflag:s12] =	ssyncadd.s32 $0xFFFFFE00  }
0x30e: {  	_ =	swait.ge [sflag:s12], $0x200  }
0x30f: {  	[sflag:s12] =	ssyncset.done $0x0  }
0x310: {  	[sflag:s12] =	ssyncadd.s32 $0xFFFFFE00  }
0x311: {  	_ =	swait.ge [sflag:s12], $0x200  }
0x312: {  	[sflag:s12] =	ssyncset.done $0x0  }
0x313: {  	[sflag:s12] =	ssyncadd.s32 $0xFFFFFE00  }
0x314: {  	_ =	swait.ge [sflag:s12], $0x200  }
0x315: {  	[sflag:s12] =	ssyncset.done $0x0  }
0x316: {  	[sflag:s12] =	ssyncadd.s32 $0xFFFFFE00  }
0x317: {  	_ =	swait.ge [sflag:s12], $0x200  }
0x318: {  	[sflag:s12] =	ssyncset.done $0x0  }
0x319: {  	[sflag:s12] =	ssyncadd.s32 $0xFFFFFE00  }
0x31a: {  	_ =	swait.ge [sflag:s12], $0x200  }
0x31b: {  	[sflag:s12] =	ssyncset.done $0x0  }
0x31c: {  	[sflag:s12] =	ssyncadd.s32 $0xFFFFFE00  }
0x31d: {  	_ =	swait.ge [sflag:s12], $0x200  }
0x31e: {  	[sflag:s12] =	ssyncset.done $0x0  }
0x31f: {  	[sflag:s12] =	ssyncadd.s32 $0xFFFFFE00  }
0x320: {  	_ =	swait.ge [sflag:s12], $0x200  }
0x321: {  	[sflag:s12] =	ssyncset.done $0x0  }
0x322: {  	[sflag:s12] =	ssyncadd.s32 $0xFFFFFE00  }
0x323: {  	_ =	swait.ge [sflag:s12], $0x200  }
0x324: {  	[sflag:s12] =	ssyncset.done $0x0  }
0x325: {  	[sflag:s12] =	ssyncadd.s32 $0xFFFFFE00  }
0x326: {  	_ =	swait.ge [sflag:s12], $0x200  }
0x327: {  	[sflag:s12] =	ssyncset.done $0x0  }
0x328: {  	[sflag:s12] =	ssyncadd.s32 $0xFFFFFE00  }
0x329: {  	_ =	swait.ge [sflag:s12], $0x200  }
0x32a: {  	[sflag:s12] =	ssyncset.done $0x0  }
0x32b: {  	[sflag:s12] =	ssyncadd.s32 $0xFFFFFE00  }
0x32c: {  	_ =	swait.ge [sflag:s12], $0x200  }
0x32d: {  	[sflag:s12] =	ssyncset.done $0x0  }
0x32e: {  	[sflag:s12] =	ssyncadd.s32 $0xFFFFFE00  }
0x32f: {  	_ =	swait.ge [sflag:s12], $0x200  }
0x330: {  	[sflag:s12] =	ssyncset.done $0x0  }
0x331: {  	[sflag:s12] =	ssyncadd.s32 $0xFFFFFE00  }
0x332: {  	_ =	swait.ge [sflag:s12], $0x200  }
0x333: {  	[sflag:s12] =	ssyncset.done $0x0  }
0x334: {  	[sflag:s12] =	ssyncadd.s32 $0xFFFFFE00  }
0x335: {  	_ =	swait.ge [sflag:s12], $0x200  }
0x336: {  	[sflag:s12] =	ssyncset.done $0x0  }
0x337: {  	[sflag:s12] =	ssyncadd.s32 $0xFFFFFE00  }
0x338: {  	_ =	swait.ge [sflag:s12], $0x200  }
0x339: {  	[sflag:s12] =	ssyncset.done $0x0  }
0x33a: {  	[sflag:s12] =	ssyncadd.s32 $0xFFFFFE00  }
0x33b: {  	_ =	swait.ge [sflag:s12], $0x200  }
0x33c: {  	[sflag:s12] =	ssyncset.done $0x0  }
0x33d: {  	[sflag:s12] =	ssyncadd.s32 $0xFFFFFE00  }
0x33e: {  	_ =	swait.ge [sflag:s12], $0x200  }
0x33f: {  	[sflag:s12] =	ssyncset.done $0x0  }
0x340: {  	[sflag:s12] =	ssyncadd.s32 $0xFFFFFE00  }
0x341: {  	_ =	swait.ge [sflag:s12], $0x200  }
0x342: {  	[sflag:s12] =	ssyncset.done $0x0  }
0x343: {  	[sflag:s12] =	ssyncadd.s32 $0xFFFFFE00  }
0x344: {  	_ =	swait.ge [sflag:s12], $0x200  }
0x345: {  	[sflag:s12] =	ssyncset.done $0x0  }
0x346: {  	[sflag:s12] =	ssyncadd.s32 $0xFFFFFE00  }
0x347: {  	_ =	swait.ge [sflag:s12], $0x200  }
0x348: {  	[sflag:s12] =	ssyncset.done $0x0  }
0x349: {  	[sflag:s12] =	ssyncadd.s32 $0xFFFFFE00  }
0x34a: {  	_ =	swait.ge [sflag:s12], $0x200  }
0x34b: {  	[sflag:s12] =	ssyncset.done $0x0  }
0x34c: {  	[sflag:s12] =	ssyncadd.s32 $0xFFFFFE00  }
0x34d: {  	_ =	swait.ge [sflag:s12], $0x200  }
0x34e: {  	[sflag:s12] =	ssyncset.done $0x0  }
0x34f: {  	[sflag:s12] =	ssyncadd.s32 $0xFFFFFE00  }
0x350: {  	_ =	swait.ge [sflag:s12], $0x200  }
0x351: {  	[sflag:s12] =	ssyncset.done $0x0  }
0x352: {  	[sflag:s12] =	ssyncadd.s32 $0xFFFFFE00  }
0x353: {  	_ =	swait.ge [sflag:s12], $0x200  }
0x354: {  	[sflag:s12] =	ssyncset.done $0x0  }
0x355: {  	[sflag:s12] =	ssyncadd.s32 $0xFFFFFE00  }
0x356: {  	_ =	swait.ge [sflag:s12], $0x200  }
0x357: {  	[sflag:s12] =	ssyncset.done $0x0  }
0x358: {  	[sflag:s12] =	ssyncadd.s32 $0xFFFFFE00  }
0x359: {  	_ =	swait.ge [sflag:s12], $0x200  }
0x35a: {  	[sflag:s12] =	ssyncset.done $0x0  }
0x35b: {  	[sflag:s12] =	ssyncadd.s32 $0xFFFFFE00  }
0x35c: {  	_ =	swait.ge [sflag:s12], $0x200  }
0x35d: {  	[sflag:s12] =	ssyncset.done $0x0  }
0x35e: {  	[sflag:s12] =	ssyncadd.s32 $0xFFFFFE00  }
0x35f: {  	_ =	swait.ge [sflag:s12], $0x200  }
0x360: {  	[sflag:s12] =	ssyncset.done $0x0  }
0x361: {  	[sflag:s12] =	ssyncadd.s32 $0xFFFFFE00  }
0x362: {  	_ =	swait.ge [sflag:s12], $0x200  }
0x363: {  	[sflag:s12] =	ssyncset.done $0x0  }
0x364: {  	[sflag:s12] =	ssyncadd.s32 $0xFFFFFE00  }
0x365: {  	_ =	swait.ge [sflag:s12], $0x200  }
0x366: {  	[sflag:s12] =	ssyncset.done $0x0  }
0x367: {  	[sflag:s12] =	ssyncadd.s32 $0xFFFFFE00  }
0x368: {  	_ =	swait.ge [sflag:s12], $0x200  }
0x369: {  	[sflag:s12] =	ssyncset.done $0x0  }
0x36a: {  	[sflag:s12] =	ssyncadd.s32 $0xFFFFFE00  }
0x36b: {  	_ =	swait.ge [sflag:s12], $0x200  }
0x36c: {  	[sflag:s12] =	ssyncset.done $0x0  }
0x36d: {  	[sflag:s12] =	ssyncadd.s32 $0xFFFFFE00  }
0x36e: {  	_ =	swait.ge [sflag:s12], $0x200  }
0x36f: {  	[sflag:s12] =	ssyncset.done $0x0  }
0x370: {  	[sflag:s12] =	ssyncadd.s32 $0xFFFFFE00  }
0x371: {  	_ =	swait.ge [sflag:s12], $0x200  }
0x372: {  	[sflag:s12] =	ssyncset.done $0x0  }
0x373: {  	s21 =	sadd.s32 $0x1, s21;
	[sflag:s12] =	ssyncadd.s32 $0xFFFFFE00  }
0x374: {  	p0 =	sne.s32 s21, s11;
	_ =	swait.ge [sflag:s12], $0x200  }
.Ltmp3:
0x375: {  	[sflag:s12] =	ssyncset.done $0x0;
	(pc) =	sbr.rel @p0 .LBB2_1-.Ltmp3, $4  }
0x376: {  	[sflag:s12] =	ssyncadd.s32 $0xFFFFFE00  }
0x377: {  	_ =	swait.ge [sflag:s12], $0x200  }
0x378: {  	[sflag:s12] =	ssyncset.done $0x0  }
0x379: {  	[sflag:s12] =	ssyncadd.s32 $0xFFFFFE00  }
0x37a: {  	_ =	sfence.sel $0x180000  }
0x37b: {  	[bflag:$0x0] =	sbarrier.arrive $0xFFFF  }
0x37c: {  	_ =	strace $0x90000047  }
0x37d: {  	s0 =	stileid.u32;
	[bflag:$0x2] =	sbarrier.arrive $0xFFFF  }
0x37e: {  	p0 =	sne.s32 s0, $0x0;
	s0 =	rddreg [dreg:$0x7]  }
0x37f: {  	s0 =	sadd.s32 @!p0 $0x100000, s0  }
0x380: {  	[sflag:s0] =	ssyncadd.tile.s32 @!p0 $0x1;
	_ =	shalt  }
.Lfunc_end2:
_tile_overlayer_lowered:
.L_overlay_start_2:
0x381: {  	(tag) =	ssettag $0x2  }
0x382: {  	s0 =	rddreg [dreg:$0x0];
	s2 =	stileid.u32  }
0x383: {  	s1 =	rddreg [dreg:$0x1];
	p0 =	sne.s32 s2, $0x0  }
0x384: {  	s3 =	rddreg [dreg:$0x2];
	[bflag:$0x3] =	sbarrier.arrive $0xFFFF;
	s2 =	simm.s32 @!p0 $0x1C04  }
0x385: {  	[timem:s3], [sflag:s2] =	dma.local @!p0 [hbm:s0], s1  }
0x386: {  	s0 =	simm.s32 @!p0 $0x4  }
0x387: {  	_ =	swait.ge @!p0 [sflag:s0], s1  }
0x388: {  	s1 =	ssub.s32 @!p0 $0x0, s1;
	[sflag:s0] =	ssyncset.done @!p0 $0x0  }
0x389: {  	[sflag:s0] =	ssyncadd.s32 @!p0 s1  }
0x38a: {  	[bflag:$0x3] =	sbarrier.arrive $0xFFFF  }
0x38b: {  	_ =	shalt  }

</sc_bundles>
